<compile_context>
chip_gen: v7x
topology: tpu7x:2x2x1
jax: 0.10.2.dev20260603
libtpu: 0.0.44.dev20260713+nightly
codegen_flags: <defaults>
</compile_context>

<pallas_src>
import functools

import jax
import jax.numpy as jnp
from jax import lax
from jax.experimental import pallas as pl
from jax.experimental.pallas import tpu as pltpu
from jax.experimental.pallas import tpu_sc as plsc

V = 1000000
D = 64
S = 16384
W = 50
NW = 32
SB = S // 128
SB_W = SB // NW
NB = SB_W * W

_mesh = plsc.VectorSubcoreMesh(core_axis_name="c", subcore_axis_name="s")


@functools.partial(
    pl.kernel,
    out_type=jax.ShapeDtypeStruct((W, D, S), jnp.float32),
    mesh=_mesh,
    scratch_types=[
        pltpu.VMEM((4, 128), jnp.int32),
        pltpu.VMEM((4, 128), jnp.int32),
        pltpu.VMEM((4, 128), jnp.int32),
        pltpu.VMEM((4, 128, 128), jnp.float32),
        pltpu.VMEM((2, D, 128), jnp.float32),
        pltpu.SemaphoreType.DMA((4,)),
        pltpu.SemaphoreType.DMA((4,)),
        pltpu.SemaphoreType.DMA((2,)),
    ],
    compiler_params=pltpu.CompilerParams(
        use_tc_tiling_on_sc=True, needs_layout_passes=False
    ),
)
def _emb(idx_hbm, table_hbm, out_hbm, idxb, jdx, pcol, gbuf, tbuf,
         sem_g, sem_i, sem_w):
    wid = lax.axis_index("s") * 2 + lax.axis_index("c")
    sblock0 = wid * SB_W

    def idx_off(b):
        sb = b // W
        w = b - sb * W
        return pl.multiple_of(w * S + (sblock0 + sb) * 128, 128), w

    def fire_idx(b, s):
        off, _ = idx_off(b)
        pltpu.async_copy(idx_hbm.at[pl.ds(off, 128)], idxb.at[s], sem_i.at[s])

    def wait_idx(b, s):
        off, _ = idx_off(b)
        pltpu.make_async_copy(
            idx_hbm.at[pl.ds(off, 128)], idxb.at[s], sem_i.at[s]
        ).wait()

    def compute_jdx(s):
        for l0 in range(0, 128, 16):
            ids = idxb[s, pl.ds(l0, 16)]
            jdx[s, pl.ds(l0, 16)] = lax.shift_right_logical(ids, 1)
            pcol[s, pl.ds(l0, 16)] = (ids & jnp.int32(1)) * jnp.int32(D)

    def fire_gather(s):
        pltpu.async_copy(table_hbm.at[jdx.at[s]], gbuf.at[s], sem_g.at[s])

    def wait_gather(s):
        pltpu.make_async_copy(
            table_hbm.at[jdx.at[s]], gbuf.at[s], sem_g.at[s]
        ).wait()

    def transpose(s4, s2):
        lanes = lax.iota(jnp.int32, 16)

        def jstep(j, carry):
            rot = (lanes + j) & jnp.int32(15)
            rds = [rot + jnp.int32(d0) for d0 in range(0, D, 16)]
            for l0 in range(0, 128, 16):
                pcolv = pcol[s4, pl.ds(l0, 16)]
                rowsrc = lanes + jnp.int32(l0)
                for di in range(D // 16):
                    x = plsc.load_gather(
                        gbuf.at[s4], [rowsrc, pcolv + rds[di]]
                    )
                    plsc.store_scatter(tbuf.at[s2], [rds[di], rowsrc], x)
            return carry

        lax.fori_loop(0, 16, jstep, 0)

    def fire_wb(b, s):
        off, w = idx_off(b)
        s0 = pl.multiple_of(off - w * S, 128)
        pltpu.async_copy(
            tbuf.at[s], out_hbm.at[w, :, pl.ds(s0, 128)], sem_w.at[s]
        )

    def wait_wb(b, s):
        off, w = idx_off(b)
        s0 = pl.multiple_of(off - w * S, 128)
        pltpu.make_async_copy(
            tbuf.at[s], out_hbm.at[w, :, pl.ds(s0, 128)], sem_w.at[s]
        ).wait()

    fire_idx(0, 0)
    fire_idx(1, 1)
    fire_idx(2, 2)
    for b0 in range(3):
        wait_idx(b0, b0)
        compute_jdx(b0)
        fire_gather(b0)
    fire_idx(3, 3)

    def step(b, carry):
        s4 = lax.rem(b, 4)
        s2 = lax.rem(b, 2)
        wait_gather(s4)

        @pl.when(b + 3 < NB)
        def _():
            ns = lax.rem(b + 3, 4)
            wait_idx(b + 3, ns)
            compute_jdx(ns)
            fire_gather(ns)

        @pl.when(b + 4 < NB)
        def _():
            fire_idx(b + 4, s4)

        @pl.when(b >= 2)
        def _():
            wait_wb(b - 2, s2)

        transpose(s4, s2)
        fire_wb(b, s2)
        return carry

    lax.fori_loop(0, NB, step, 0)
    wait_wb(NB - 2, (NB - 2) % 2)
    wait_wb(NB - 1, (NB - 1) % 2)


NFB = V // 128


@functools.partial(
    pl.kernel,
    out_type=jax.ShapeDtypeStruct((V // 2, 2 * D), jnp.float32),
    mesh=_mesh,
    scratch_types=[
        pltpu.VMEM((3, D, 128), jnp.float32),
        pltpu.VMEM((2, D, 128), jnp.float32),
        pltpu.VMEM((D, D), jnp.float32),
        pltpu.VMEM((32, 2 * D), jnp.float32),
        pltpu.SemaphoreType.DMA((3,)),
        pltpu.SemaphoreType.DMA((2,)),
    ],
    compiler_params=pltpu.CompilerParams(
        use_tc_tiling_on_sc=True, needs_layout_passes=False
    ),
)
def _pairs(wt_hbm, tail_hbm, out_hbm, xb, tb, xt, tt, sem_i, sem_o):
    wid = lax.axis_index("s") * 2 + lax.axis_index("c")
    lanes = lax.iota(jnp.int32, 16)

    def blk(i):
        return i * NW + wid

    def fire_in(i, s):
        g = pl.multiple_of(blk(i) * 128, 128)
        pltpu.async_copy(wt_hbm.at[:, pl.ds(g, 128)], xb.at[s], sem_i.at[s])

    def wait_in(i, s):
        g = pl.multiple_of(blk(i) * 128, 128)
        pltpu.make_async_copy(
            wt_hbm.at[:, pl.ds(g, 128)], xb.at[s], sem_i.at[s]
        ).wait()

    def fire_out(i, s):
        r = pl.multiple_of(blk(i) * 64, 64)
        pltpu.async_copy(tb.at[s], out_hbm.at[pl.ds(r, 64)], sem_o.at[s])

    def wait_out(i, s):
        r = pl.multiple_of(blk(i) * 64, 64)
        pltpu.make_async_copy(
            tb.at[s], out_hbm.at[pl.ds(r, 64)], sem_o.at[s]
        ).wait()

    def tblock(src, dst, nt):
        half = (lanes & jnp.int32(1)) * jnp.int32(D)
        kh = lax.shift_right_logical(lanes, 1)

        def jstep(j, carry):
            rot = (lanes + j) & jnp.int32(15)
            srows = [rot + jnp.int32(d0) for d0 in range(0, D, 16)]
            dcols = [half + sr for sr in srows]
            for t0 in range(0, nt, 16):
                scols = lanes + jnp.int32(t0)
                drows = kh + jnp.int32(t0 // 2)
                for di in range(D // 16):
                    x = plsc.load_gather(src, [srows[di], scols])
                    plsc.store_scatter(dst, [drows, dcols[di]], x)
            return carry

        lax.fori_loop(0, 16, jstep, 0)

    NI = (NFB + NW - 1) // NW

    fire_in(0, 0)
    fire_in(1, 1)

    def step(i, carry):
        s3 = lax.rem(i, 3)
        s = lax.rem(i, 2)

        @pl.when(blk(i) < NFB)
        def _():
            wait_in(i, s3)

            @pl.when(blk(i + 2) < NFB)
            def _():
                fire_in(i + 2, lax.rem(i + 2, 3))

            @pl.when(i >= 2)
            def _():
                wait_out(i - 2, s)

            tblock(xb.at[s3], tb.at[s], 128)
            fire_out(i, s)

        return carry

    lax.fori_loop(0, NI, step, 0)

    @pl.when(blk(NI - 2) < NFB)
    def _():
        wait_out(NI - 2, (NI - 2) % 2)

    @pl.when(blk(NI - 1) < NFB)
    def _():
        wait_out(NI - 1, (NI - 1) % 2)

    @pl.when(wid == 0)
    def _():
        pltpu.sync_copy(tail_hbm, xt)
        tblock(xt, tt, D)
        pltpu.sync_copy(tt, out_hbm.at[pl.ds(V // 2 - 32, 32)])



def kernel(input_, weight):
    idx_flat = jnp.reshape(jnp.transpose(input_), (S * W,))
    wt = jnp.transpose(weight)
    wtail = jnp.transpose(lax.slice(weight, (V - D, 0), (V, D)))
    table2 = _pairs(wt, wtail)
    y = _emb(idx_flat, table2)
    return jnp.transpose(y, (2, 0, 1))

# --- scband reference (transcript-rebuilt; emitter-appended) ---
"""Pipeline reference for scband-shard-embedding-13606456394197 (READ-ONLY COPY).

The authoritative reference and input builder live on the scoring server;
editing this copy changes nothing except your own understanding.
"""

import jax, jax.numpy as jnp
import numpy as np

NUM_EMBEDDINGS = 1000000
EMBEDDING_DIM = 64


def setup_inputs(seed: int = 0) -> dict:
    key = jax.random.key(seed)
    k1, k2 = jax.random.split(key)
    input_ = jax.random.randint(k1, (16384, 50), 0, NUM_EMBEDDINGS, dtype=jnp.int64 if jax.config.jax_enable_x64 else jnp.int32)
    weight = jax.random.normal(k2, (NUM_EMBEDDINGS, EMBEDDING_DIM), dtype=jnp.float32) * 0.02
    return {"input_": input_, "weight": weight}


def reference(input_, weight):
    # Single-shard simulation (world_size=1): vocab_start_index=0, vocab_end_index=NUM_EMBEDDINGS
    vocab_start_index = 0
    vocab_end_index = NUM_EMBEDDINGS
    input_mask = (input_ < vocab_start_index) | (input_ >= vocab_end_index)
    masked_input = input_ - vocab_start_index
    masked_input = jnp.where(input_mask, 0, masked_input)
    # F.embedding -> row gather from weight table
    output_parallel = jnp.take(weight, masked_input, axis=0)
    # RowOutputAdapter / _reduce: all-reduce across TP group; identity for world_size=1
    output = output_parallel
    return output

if __name__ == "__main__":
    import jax
    _d = setup_inputs()
    print(jax.jit(kernel)(*tuple(_d.values())))

</pallas_src>

<mosaic_0001>
#map = affine_map<(d0, d1) -> (0, 0)>
module attributes {stable_mosaic.version = 14 : i64} {
  func.func @_pairs(%arg0: i32, %arg1: i32, %arg2: memref<64x1000000xf32, #tpu.memory_space<hbm>>, %arg3: memref<64x64xf32, #tpu.memory_space<hbm>>, %arg4: memref<500000x128xf32, #tpu.memory_space<hbm>>, %arg5: memref<3x64x128xf32, #tpu.memory_space<vmem>>, %arg6: memref<2x64x128xf32, #tpu.memory_space<vmem>>, %arg7: memref<64x64xf32, #tpu.memory_space<vmem>>, %arg8: memref<32x128xf32, #tpu.memory_space<vmem>>, %arg9: memref<3x!tpu.dma_semaphore, #tpu.memory_space<semaphore_mem>>, %arg10: memref<2x!tpu.dma_semaphore, #tpu.memory_space<semaphore_mem>>) attributes {dimension_semantics = [#tpu.dimension_semantics<core_parallel>, #tpu.dimension_semantics<subcore_parallel>], iteration_bounds = array<i64: 2, 16>, scalar_prefetch = 0 : i64, scratch_operands = 6 : i64, tpu.core_type = #tpu.core_type<sc_vector_subcore>, window_params = [{transform_indices = #map}, {transform_indices = #map}, {transform_indices = #map}]} {
    %mul3A = arith.constant 2 : i32
    %mul3A_0 = arith.muli %arg1, %mul3A : i32
    %add3A = arith.addi %mul3A_0, %arg0 : i32
    %iota3A = tpu.iota {dimensions = array<i32: 0>} : vector<16xi32>
    %add3A_1 = arith.constant 0 : i32
    %add3A_2 = arith.addi %add3A_1, %add3A : i32
    %mul3A_3 = arith.constant 128 : i32
    %mul3A_4 = arith.muli %add3A_2, %mul3A_3 : i32
    %multiple_of3A = tpu.assume_multiple %mul3A_4, 128 : i32
    %dma_start3A = arith.constant 0 : i32
    %dma_start3A_5 = arith.constant 0 : i32
    %dma_start3A_6 = arith.constant 0 : i32
    %dma_start3A_7 = arith.constant 0 : i32
    %dma_start3A_8 = tpu.memref_slice %arg5[%dma_start3A, %dma_start3A_6, %dma_start3A_7] : memref<3x64x128xf32, #tpu.memory_space<vmem>> -> memref<1x64x128xf32, #tpu.memory_space<vmem>>
    %dma_start3A_9 = tpu.memref_squeeze %dma_start3A_8 : memref<1x64x128xf32, #tpu.memory_space<vmem>> -> memref<64x128xf32, #tpu.memory_space<vmem>>
    %dma_start3A_10 = arith.constant 0 : i32
    %dma_start3A_11 = tpu.memref_slice %arg2[%dma_start3A_10, %multiple_of3A] : memref<64x1000000xf32, #tpu.memory_space<hbm>> -> memref<64x128xf32, #tpu.memory_space<hbm>>
    %dma_start3A_12 = tpu.memref_slice %arg9[%dma_start3A_5] : memref<3x!tpu.dma_semaphore, #tpu.memory_space<semaphore_mem>> -> memref<1x!tpu.dma_semaphore, #tpu.memory_space<semaphore_mem>>
    %dma_start3A_13 = tpu.memref_squeeze %dma_start3A_12 : memref<1x!tpu.dma_semaphore, #tpu.memory_space<semaphore_mem>> -> memref<!tpu.dma_semaphore, #tpu.memory_space<semaphore_mem>>
    %dma_start3A_14 = arith.constant 0 : i32
    %dma_start3A_15 = arith.constant 0 : i32
    %dma_start3A_16 = tpu.memref_slice %arg5[%dma_start3A, %dma_start3A_14, %dma_start3A_15] : memref<3x64x128xf32, #tpu.memory_space<vmem>> -> memref<1x64x128xf32, #tpu.memory_space<vmem>>
    %dma_start3A_17 = tpu.memref_squeeze %dma_start3A_16 : memref<1x64x128xf32, #tpu.memory_space<vmem>> -> memref<64x128xf32, #tpu.memory_space<vmem>>
    %dma_start3A_18 = arith.constant 0 : i32
    %dma_start3A_19 = tpu.memref_slice %arg2[%dma_start3A_18, %multiple_of3A] : memref<64x1000000xf32, #tpu.memory_space<hbm>> -> memref<64x128xf32, #tpu.memory_space<hbm>>
    tpu.enqueue_dma source(%dma_start3A_19 : memref<64x128xf32, #tpu.memory_space<hbm>>) target(%dma_start3A_17 : memref<64x128xf32, #tpu.memory_space<vmem>>) target_semaphore(%dma_start3A_13 : memref<!tpu.dma_semaphore, #tpu.memory_space<semaphore_mem>>)
    %add3A_20 = arith.constant 32 : i32
    %add3A_21 = arith.addi %add3A_20, %add3A : i32
    %mul3A_22 = arith.constant 128 : i32
    %mul3A_23 = arith.muli %add3A_21, %mul3A_22 : i32
    %multiple_of3A_24 = tpu.assume_multiple %mul3A_23, 128 : i32
    %dma_start3A_25 = arith.constant 1 : i32
    %dma_start3A_26 = arith.constant 1 : i32
    %dma_start3A_27 = arith.constant 0 : i32
    %dma_start3A_28 = arith.constant 0 : i32
    %dma_start3A_29 = tpu.memref_slice %arg5[%dma_start3A_25, %dma_start3A_27, %dma_start3A_28] : memref<3x64x128xf32, #tpu.memory_space<vmem>> -> memref<1x64x128xf32, #tpu.memory_space<vmem>>
    %dma_start3A_30 = tpu.memref_squeeze %dma_start3A_29 : memref<1x64x128xf32, #tpu.memory_space<vmem>> -> memref<64x128xf32, #tpu.memory_space<vmem>>
    %dma_start3A_31 = arith.constant 0 : i32
    %dma_start3A_32 = tpu.memref_slice %arg2[%dma_start3A_31, %multiple_of3A_24] : memref<64x1000000xf32, #tpu.memory_space<hbm>> -> memref<64x128xf32, #tpu.memory_space<hbm>>
    %dma_start3A_33 = tpu.memref_slice %arg9[%dma_start3A_26] : memref<3x!tpu.dma_semaphore, #tpu.memory_space<semaphore_mem>> -> memref<1x!tpu.dma_semaphore, #tpu.memory_space<semaphore_mem>>
    %dma_start3A_34 = tpu.memref_squeeze %dma_start3A_33 : memref<1x!tpu.dma_semaphore, #tpu.memory_space<semaphore_mem>> -> memref<!tpu.dma_semaphore, #tpu.memory_space<semaphore_mem>>
    %dma_start3A_35 = arith.constant 0 : i32
    %dma_start3A_36 = arith.constant 0 : i32
    %dma_start3A_37 = tpu.memref_slice %arg5[%dma_start3A_25, %dma_start3A_35, %dma_start3A_36] : memref<3x64x128xf32, #tpu.memory_space<vmem>> -> memref<1x64x128xf32, #tpu.memory_space<vmem>>
    %dma_start3A_38 = tpu.memref_squeeze %dma_start3A_37 : memref<1x64x128xf32, #tpu.memory_space<vmem>> -> memref<64x128xf32, #tpu.memory_space<vmem>>
    %dma_start3A_39 = arith.constant 0 : i32
    %dma_start3A_40 = tpu.memref_slice %arg2[%dma_start3A_39, %multiple_of3A_24] : memref<64x1000000xf32, #tpu.memory_space<hbm>> -> memref<64x128xf32, #tpu.memory_space<hbm>>
    tpu.enqueue_dma source(%dma_start3A_40 : memref<64x128xf32, #tpu.memory_space<hbm>>) target(%dma_start3A_38 : memref<64x128xf32, #tpu.memory_space<vmem>>) target_semaphore(%dma_start3A_34 : memref<!tpu.dma_semaphore, #tpu.memory_space<semaphore_mem>>)
    %scan3A = arith.constant 0 : i32
    %scan3A_41 = arith.constant 0 : i32
    %scan3A_42 = arith.constant 245 : i32
    %scan3A_43 = arith.addi %scan3A_41, %scan3A_42 : i32
    %scan3A_44 = arith.constant 1 : i32
    scf.for %scan3A_61 = %scan3A_41 to %scan3A_43 step %scan3A_44  : i32 {
      %rem3A = arith.constant 3 : i32
      %rem3A_62 = arith.remsi %scan3A_61, %rem3A : i32
      %rem3A_63 = arith.constant 2 : i32
      %rem3A_64 = arith.remsi %scan3A_61, %rem3A_63 : i32
      %mul3A_65 = arith.constant 32 : i32
      %mul3A_66 = arith.muli %scan3A_61, %mul3A_65 : i32
      %add3A_67 = arith.addi %mul3A_66, %add3A : i32
      %lt3A_68 = arith.constant 7812 : i32
      %lt3A_69 = arith.cmpi slt, %add3A_67, %lt3A_68 : i32
      %convert_element_type3A_70 = arith.extui %lt3A_69 : i1 to i32
      %cond3A_71 = arith.constant 0 : i32
      %cond3A_72 = arith.cmpi ne, %convert_element_type3A_70, %cond3A_71 : i32
      scf.if %cond3A_72 {
        %mul3A_73 = arith.constant 32 : i32
        %mul3A_74 = arith.muli %scan3A_61, %mul3A_73 : i32
        %add3A_75 = arith.addi %mul3A_74, %add3A : i32
        %mul3A_76 = arith.constant 128 : i32
        %mul3A_77 = arith.muli %add3A_75, %mul3A_76 : i32
        %multiple_of3A_78 = tpu.assume_multiple %mul3A_77, 128 : i32
        %dma_wait3A = arith.constant 0 : i32
        %dma_wait3A_79 = arith.constant 0 : i32
        %dma_wait3A_80 = tpu.memref_slice %arg5[%rem3A_62, %dma_wait3A, %dma_wait3A_79] : memref<3x64x128xf32, #tpu.memory_space<vmem>> -> memref<1x64x128xf32, #tpu.memory_space<vmem>>
        %dma_wait3A_81 = tpu.memref_squeeze %dma_wait3A_80 : memref<1x64x128xf32, #tpu.memory_space<vmem>> -> memref<64x128xf32, #tpu.memory_space<vmem>>
        %dma_wait3A_82 = arith.constant 0 : i32
        %dma_wait3A_83 = tpu.memref_slice %arg2[%dma_wait3A_82, %multiple_of3A_78] : memref<64x1000000xf32, #tpu.memory_space<hbm>> -> memref<64x128xf32, #tpu.memory_space<hbm>>
        %dma_wait3A_84 = tpu.memref_slice %arg9[%rem3A_62] : memref<3x!tpu.dma_semaphore, #tpu.memory_space<semaphore_mem>> -> memref<1x!tpu.dma_semaphore, #tpu.memory_space<semaphore_mem>>
        %dma_wait3A_85 = tpu.memref_squeeze %dma_wait3A_84 : memref<1x!tpu.dma_semaphore, #tpu.memory_space<semaphore_mem>> -> memref<!tpu.dma_semaphore, #tpu.memory_space<semaphore_mem>>
        %dma_wait3A_86 = arith.constant 0 : i32
        %dma_wait3A_87 = arith.constant 0 : i32
        %dma_wait3A_88 = tpu.memref_slice %arg5[%rem3A_62, %dma_wait3A_86, %dma_wait3A_87] : memref<3x64x128xf32, #tpu.memory_space<vmem>> -> memref<1x64x128xf32, #tpu.memory_space<vmem>>
        %dma_wait3A_89 = tpu.memref_squeeze %dma_wait3A_88 : memref<1x64x128xf32, #tpu.memory_space<vmem>> -> memref<64x128xf32, #tpu.memory_space<vmem>>
        %dma_wait3A_90 = arith.constant 0 : i32
        %dma_wait3A_91 = tpu.memref_slice %arg2[%dma_wait3A_90, %multiple_of3A_78] : memref<64x1000000xf32, #tpu.memory_space<hbm>> -> memref<64x128xf32, #tpu.memory_space<hbm>>
        tpu.wait_dma2 semaphore(%dma_wait3A_85 : memref<!tpu.dma_semaphore, #tpu.memory_space<semaphore_mem>>) src(%dma_wait3A_91 : memref<64x128xf32, #tpu.memory_space<hbm>>) dst(%dma_wait3A_89 : memref<64x128xf32, #tpu.memory_space<vmem>>)
        %add3A_92 = arith.constant 2 : i32
        %add3A_93 = arith.addi %scan3A_61, %add3A_92 : i32
        %mul3A_94 = arith.constant 32 : i32
        %mul3A_95 = arith.muli %add3A_93, %mul3A_94 : i32
        %add3A_96 = arith.addi %mul3A_95, %add3A : i32
        %lt3A_97 = arith.constant 7812 : i32
        %lt3A_98 = arith.cmpi slt, %add3A_96, %lt3A_97 : i32
        %convert_element_type3A_99 = arith.extui %lt3A_98 : i1 to i32
        %cond3A_100 = arith.constant 0 : i32
        %cond3A_101 = arith.cmpi ne, %convert_element_type3A_99, %cond3A_100 : i32
        scf.if %cond3A_101 {
          %add3A_139 = arith.constant 2 : i32
          %add3A_140 = arith.addi %scan3A_61, %add3A_139 : i32
          %add3A_141 = arith.constant 2 : i32
          %add3A_142 = arith.addi %scan3A_61, %add3A_141 : i32
          %rem3A_143 = arith.constant 3 : i32
          %rem3A_144 = arith.remsi %add3A_142, %rem3A_143 : i32
          %mul3A_145 = arith.constant 32 : i32
          %mul3A_146 = arith.muli %add3A_140, %mul3A_145 : i32
          %add3A_147 = arith.addi %mul3A_146, %add3A : i32
          %mul3A_148 = arith.constant 128 : i32
          %mul3A_149 = arith.muli %add3A_147, %mul3A_148 : i32
          %multiple_of3A_150 = tpu.assume_multiple %mul3A_149, 128 : i32
          %dma_start3A_151 = arith.constant 0 : i32
          %dma_start3A_152 = arith.constant 0 : i32
          %dma_start3A_153 = tpu.memref_slice %arg5[%rem3A_144, %dma_start3A_151, %dma_start3A_152] : memref<3x64x128xf32, #tpu.memory_space<vmem>> -> memref<1x64x128xf32, #tpu.memory_space<vmem>>
          %dma_start3A_154 = tpu.memref_squeeze %dma_start3A_153 : memref<1x64x128xf32, #tpu.memory_space<vmem>> -> memref<64x128xf32, #tpu.memory_space<vmem>>
          %dma_start3A_155 = arith.constant 0 : i32
          %dma_start3A_156 = tpu.memref_slice %arg2[%dma_start3A_155, %multiple_of3A_150] : memref<64x1000000xf32, #tpu.memory_space<hbm>> -> memref<64x128xf32, #tpu.memory_space<hbm>>
          %dma_start3A_157 = tpu.memref_slice %arg9[%rem3A_144] : memref<3x!tpu.dma_semaphore, #tpu.memory_space<semaphore_mem>> -> memref<1x!tpu.dma_semaphore, #tpu.memory_space<semaphore_mem>>
          %dma_start3A_158 = tpu.memref_squeeze %dma_start3A_157 : memref<1x!tpu.dma_semaphore, #tpu.memory_space<semaphore_mem>> -> memref<!tpu.dma_semaphore, #tpu.memory_space<semaphore_mem>>
          %dma_start3A_159 = arith.constant 0 : i32
          %dma_start3A_160 = arith.constant 0 : i32
          %dma_start3A_161 = tpu.memref_slice %arg5[%rem3A_144, %dma_start3A_159, %dma_start3A_160] : memref<3x64x128xf32, #tpu.memory_space<vmem>> -> memref<1x64x128xf32, #tpu.memory_space<vmem>>
          %dma_start3A_162 = tpu.memref_squeeze %dma_start3A_161 : memref<1x64x128xf32, #tpu.memory_space<vmem>> -> memref<64x128xf32, #tpu.memory_space<vmem>>
          %dma_start3A_163 = arith.constant 0 : i32
          %dma_start3A_164 = tpu.memref_slice %arg2[%dma_start3A_163, %multiple_of3A_150] : memref<64x1000000xf32, #tpu.memory_space<hbm>> -> memref<64x128xf32, #tpu.memory_space<hbm>>
          tpu.enqueue_dma source(%dma_start3A_164 : memref<64x128xf32, #tpu.memory_space<hbm>>) target(%dma_start3A_162 : memref<64x128xf32, #tpu.memory_space<vmem>>) target_semaphore(%dma_start3A_158 : memref<!tpu.dma_semaphore, #tpu.memory_space<semaphore_mem>>)
        } else {
        }
        %ge3A = arith.constant 2 : i32
        %ge3A_102 = arith.cmpi sge, %scan3A_61, %ge3A : i32
        %convert_element_type3A_103 = arith.extui %ge3A_102 : i1 to i32
        %cond3A_104 = arith.constant 0 : i32
        %cond3A_105 = arith.cmpi ne, %convert_element_type3A_103, %cond3A_104 : i32
        scf.if %cond3A_105 {
          %sub3A = arith.constant 2 : i32
          %sub3A_139 = arith.subi %scan3A_61, %sub3A : i32
          %mul3A_140 = arith.constant 32 : i32
          %mul3A_141 = arith.muli %sub3A_139, %mul3A_140 : i32
          %add3A_142 = arith.addi %mul3A_141, %add3A : i32
          %mul3A_143 = arith.constant 64 : i32
          %mul3A_144 = arith.muli %add3A_142, %mul3A_143 : i32
          %multiple_of3A_145 = tpu.assume_multiple %mul3A_144, 64 : i32
          %dma_wait3A_146 = arith.constant 0 : i32
          %dma_wait3A_147 = arith.constant 0 : i32
          %dma_wait3A_148 = tpu.memref_slice %arg6[%rem3A_64, %dma_wait3A_146, %dma_wait3A_147] : memref<2x64x128xf32, #tpu.memory_space<vmem>> -> memref<1x64x128xf32, #tpu.memory_space<vmem>>
          %dma_wait3A_149 = tpu.memref_squeeze %dma_wait3A_148 : memref<1x64x128xf32, #tpu.memory_space<vmem>> -> memref<64x128xf32, #tpu.memory_space<vmem>>
          %dma_wait3A_150 = arith.constant 0 : i32
          %dma_wait3A_151 = tpu.memref_slice %arg4[%multiple_of3A_145, %dma_wait3A_150] : memref<500000x128xf32, #tpu.memory_space<hbm>> -> memref<64x128xf32, #tpu.memory_space<hbm>>
          %dma_wait3A_152 = tpu.memref_slice %arg10[%rem3A_64] : memref<2x!tpu.dma_semaphore, #tpu.memory_space<semaphore_mem>> -> memref<1x!tpu.dma_semaphore, #tpu.memory_space<semaphore_mem>>
          %dma_wait3A_153 = tpu.memref_squeeze %dma_wait3A_152 : memref<1x!tpu.dma_semaphore, #tpu.memory_space<semaphore_mem>> -> memref<!tpu.dma_semaphore, #tpu.memory_space<semaphore_mem>>
          %dma_wait3A_154 = arith.constant 0 : i32
          %dma_wait3A_155 = tpu.memref_slice %arg4[%multiple_of3A_145, %dma_wait3A_154] : memref<500000x128xf32, #tpu.memory_space<hbm>> -> memref<64x128xf32, #tpu.memory_space<hbm>>
          %dma_wait3A_156 = arith.constant 0 : i32
          %dma_wait3A_157 = arith.constant 0 : i32
          %dma_wait3A_158 = tpu.memref_slice %arg6[%rem3A_64, %dma_wait3A_156, %dma_wait3A_157] : memref<2x64x128xf32, #tpu.memory_space<vmem>> -> memref<1x64x128xf32, #tpu.memory_space<vmem>>
          %dma_wait3A_159 = tpu.memref_squeeze %dma_wait3A_158 : memref<1x64x128xf32, #tpu.memory_space<vmem>> -> memref<64x128xf32, #tpu.memory_space<vmem>>
          tpu.wait_dma2 semaphore(%dma_wait3A_153 : memref<!tpu.dma_semaphore, #tpu.memory_space<semaphore_mem>>) src(%dma_wait3A_159 : memref<64x128xf32, #tpu.memory_space<vmem>>) dst(%dma_wait3A_155 : memref<64x128xf32, #tpu.memory_space<hbm>>)
        } else {
        }
        %and3A = arith.constant 1 : i32
        %and3A_106 = vector.broadcast %and3A : i32 to vector<16xi32>
        %and3A_107 = arith.andi %iota3A, %and3A_106 : vector<16xi32>
        %mul3A_108 = arith.constant 64 : i32
        %mul3A_109 = vector.broadcast %mul3A_108 : i32 to vector<16xi32>
        %mul3A_110 = arith.muli %and3A_107, %mul3A_109 : vector<16xi32>
        %shift_right_logical3A = arith.constant 1 : i32
        %shift_right_logical3A_111 = vector.broadcast %shift_right_logical3A : i32 to vector<16xi32>
        %shift_right_logical3A_112 = arith.shrui %iota3A, %shift_right_logical3A_111 : vector<16xi32>
        %scan3A_113 = arith.constant 0 : i32
        %scan3A_114 = arith.constant 0 : i32
        %scan3A_115 = arith.constant 16 : i32
        %scan3A_116 = arith.addi %scan3A_114, %scan3A_115 : i32
        %scan3A_117 = arith.constant 1 : i32
        scf.for %scan3A_139 = %scan3A_114 to %scan3A_116 step %scan3A_117  : i32 {
          %add3A_140 = vector.broadcast %scan3A_139 : i32 to vector<16xi32>
          %add3A_141 = arith.addi %iota3A, %add3A_140 : vector<16xi32>
          %and3A_142 = arith.constant 15 : i32
          %and3A_143 = vector.broadcast %and3A_142 : i32 to vector<16xi32>
          %and3A_144 = arith.andi %add3A_141, %and3A_143 : vector<16xi32>
          %add3A_145 = arith.constant 0 : i32
          %add3A_146 = vector.broadcast %add3A_145 : i32 to vector<16xi32>
          %add3A_147 = arith.addi %and3A_144, %add3A_146 : vector<16xi32>
          %add3A_148 = arith.constant 16 : i32
          %add3A_149 = vector.broadcast %add3A_148 : i32 to vector<16xi32>
          %add3A_150 = arith.addi %and3A_144, %add3A_149 : vector<16xi32>
          %add3A_151 = arith.constant 32 : i32
          %add3A_152 = vector.broadcast %add3A_151 : i32 to vector<16xi32>
          %add3A_153 = arith.addi %and3A_144, %add3A_152 : vector<16xi32>
          %add3A_154 = arith.constant 48 : i32
          %add3A_155 = vector.broadcast %add3A_154 : i32 to vector<16xi32>
          %add3A_156 = arith.addi %and3A_144, %add3A_155 : vector<16xi32>
          %add3A_157 = arith.addi %mul3A_110, %add3A_147 : vector<16xi32>
          %add3A_158 = arith.addi %mul3A_110, %add3A_150 : vector<16xi32>
          %add3A_159 = arith.addi %mul3A_110, %add3A_153 : vector<16xi32>
          %add3A_160 = arith.addi %mul3A_110, %add3A_156 : vector<16xi32>
          %add3A_161 = arith.constant 0 : i32
          %add3A_162 = vector.broadcast %add3A_161 : i32 to vector<16xi32>
          %add3A_163 = arith.addi %iota3A, %add3A_162 : vector<16xi32>
          %add3A_164 = arith.constant 0 : i32
          %add3A_165 = vector.broadcast %add3A_164 : i32 to vector<16xi32>
          %add3A_166 = arith.addi %shift_right_logical3A_112, %add3A_165 : vector<16xi32>
          %gather3A = arith.constant 0 : i32
          %gather3A_167 = arith.constant 0 : i32
          %gather3A_168 = tpu.memref_slice %arg5[%rem3A_62, %gather3A, %gather3A_167] : memref<3x64x128xf32, #tpu.memory_space<vmem>> -> memref<1x64x128xf32, #tpu.memory_space<vmem>>
          %gather3A_169 = tpu.memref_squeeze %gather3A_168 : memref<1x64x128xf32, #tpu.memory_space<vmem>> -> memref<64x128xf32, #tpu.memory_space<vmem>>
          %gather3A_170 = tpu.vector_load_idx %gather3A_169[%add3A_147, %add3A_163] : memref<64x128xf32, #tpu.memory_space<vmem>>[vector<16xi32>, vector<16xi32>], vector<16xf32>,
          %scatter3A = arith.constant 0 : i32
          %scatter3A_171 = arith.constant 0 : i32
          %scatter3A_172 = tpu.memref_slice %arg6[%rem3A_64, %scatter3A, %scatter3A_171] : memref<2x64x128xf32, #tpu.memory_space<vmem>> -> memref<1x64x128xf32, #tpu.memory_space<vmem>>
          %scatter3A_173 = tpu.memref_squeeze %scatter3A_172 : memref<1x64x128xf32, #tpu.memory_space<vmem>> -> memref<64x128xf32, #tpu.memory_space<vmem>>
          tpu.vector_store_idx %scatter3A_173[%add3A_166, %add3A_157], %gather3A_170 : memref<64x128xf32, #tpu.memory_space<vmem>>[vector<16xi32>, vector<16xi32>], vector<16xf32>,
          %gather3A_174 = arith.constant 0 : i32
          %gather3A_175 = arith.constant 0 : i32
          %gather3A_176 = tpu.memref_slice %arg5[%rem3A_62, %gather3A_174, %gather3A_175] : memref<3x64x128xf32, #tpu.memory_space<vmem>> -> memref<1x64x128xf32, #tpu.memory_space<vmem>>
          %gather3A_177 = tpu.memref_squeeze %gather3A_176 : memref<1x64x128xf32, #tpu.memory_space<vmem>> -> memref<64x128xf32, #tpu.memory_space<vmem>>
          %gather3A_178 = tpu.vector_load_idx %gather3A_177[%add3A_150, %add3A_163] : memref<64x128xf32, #tpu.memory_space<vmem>>[vector<16xi32>, vector<16xi32>], vector<16xf32>,
          %scatter3A_179 = arith.constant 0 : i32
          %scatter3A_180 = arith.constant 0 : i32
          %scatter3A_181 = tpu.memref_slice %arg6[%rem3A_64, %scatter3A_179, %scatter3A_180] : memref<2x64x128xf32, #tpu.memory_space<vmem>> -> memref<1x64x128xf32, #tpu.memory_space<vmem>>
          %scatter3A_182 = tpu.memref_squeeze %scatter3A_181 : memref<1x64x128xf32, #tpu.memory_space<vmem>> -> memref<64x128xf32, #tpu.memory_space<vmem>>
          tpu.vector_store_idx %scatter3A_182[%add3A_166, %add3A_158], %gather3A_178 : memref<64x128xf32, #tpu.memory_space<vmem>>[vector<16xi32>, vector<16xi32>], vector<16xf32>,
          %gather3A_183 = arith.constant 0 : i32
          %gather3A_184 = arith.constant 0 : i32
          %gather3A_185 = tpu.memref_slice %arg5[%rem3A_62, %gather3A_183, %gather3A_184] : memref<3x64x128xf32, #tpu.memory_space<vmem>> -> memref<1x64x128xf32, #tpu.memory_space<vmem>>
          %gather3A_186 = tpu.memref_squeeze %gather3A_185 : memref<1x64x128xf32, #tpu.memory_space<vmem>> -> memref<64x128xf32, #tpu.memory_space<vmem>>
          %gather3A_187 = tpu.vector_load_idx %gather3A_186[%add3A_153, %add3A_163] : memref<64x128xf32, #tpu.memory_space<vmem>>[vector<16xi32>, vector<16xi32>], vector<16xf32>,
          %scatter3A_188 = arith.constant 0 : i32
          %scatter3A_189 = arith.constant 0 : i32
          %scatter3A_190 = tpu.memref_slice %arg6[%rem3A_64, %scatter3A_188, %scatter3A_189] : memref<2x64x128xf32, #tpu.memory_space<vmem>> -> memref<1x64x128xf32, #tpu.memory_space<vmem>>
          %scatter3A_191 = tpu.memref_squeeze %scatter3A_190 : memref<1x64x128xf32, #tpu.memory_space<vmem>> -> memref<64x128xf32, #tpu.memory_space<vmem>>
          tpu.vector_store_idx %scatter3A_191[%add3A_166, %add3A_159], %gather3A_187 : memref<64x128xf32, #tpu.memory_space<vmem>>[vector<16xi32>, vector<16xi32>], vector<16xf32>,
          %gather3A_192 = arith.constant 0 : i32
          %gather3A_193 = arith.constant 0 : i32
          %gather3A_194 = tpu.memref_slice %arg5[%rem3A_62, %gather3A_192, %gather3A_193] : memref<3x64x128xf32, #tpu.memory_space<vmem>> -> memref<1x64x128xf32, #tpu.memory_space<vmem>>
          %gather3A_195 = tpu.memref_squeeze %gather3A_194 : memref<1x64x128xf32, #tpu.memory_space<vmem>> -> memref<64x128xf32, #tpu.memory_space<vmem>>
          %gather3A_196 = tpu.vector_load_idx %gather3A_195[%add3A_156, %add3A_163] : memref<64x128xf32, #tpu.memory_space<vmem>>[vector<16xi32>, vector<16xi32>], vector<16xf32>,
          %scatter3A_197 = arith.constant 0 : i32
          %scatter3A_198 = arith.constant 0 : i32
          %scatter3A_199 = tpu.memref_slice %arg6[%rem3A_64, %scatter3A_197, %scatter3A_198] : memref<2x64x128xf32, #tpu.memory_space<vmem>> -> memref<1x64x128xf32, #tpu.memory_space<vmem>>
          %scatter3A_200 = tpu.memref_squeeze %scatter3A_199 : memref<1x64x128xf32, #tpu.memory_space<vmem>> -> memref<64x128xf32, #tpu.memory_space<vmem>>
          tpu.vector_store_idx %scatter3A_200[%add3A_166, %add3A_160], %gather3A_196 : memref<64x128xf32, #tpu.memory_space<vmem>>[vector<16xi32>, vector<16xi32>], vector<16xf32>,
          %add3A_201 = arith.constant 16 : i32
          %add3A_202 = vector.broadcast %add3A_201 : i32 to vector<16xi32>
          %add3A_203 = arith.addi %iota3A, %add3A_202 : vector<16xi32>
          %add3A_204 = arith.constant 8 : i32
          %add3A_205 = vector.broadcast %add3A_204 : i32 to vector<16xi32>
          %add3A_206 = arith.addi %shift_right_logical3A_112, %add3A_205 : vector<16xi32>
          %gather3A_207 = arith.constant 0 : i32
          %gather3A_208 = arith.constant 0 : i32
          %gather3A_209 = tpu.memref_slice %arg5[%rem3A_62, %gather3A_207, %gather3A_208] : memref<3x64x128xf32, #tpu.memory_space<vmem>> -> memref<1x64x128xf32, #tpu.memory_space<vmem>>
          %gather3A_210 = tpu.memref_squeeze %gather3A_209 : memref<1x64x128xf32, #tpu.memory_space<vmem>> -> memref<64x128xf32, #tpu.memory_space<vmem>>
          %gather3A_211 = tpu.vector_load_idx %gather3A_210[%add3A_147, %add3A_203] : memref<64x128xf32, #tpu.memory_space<vmem>>[vector<16xi32>, vector<16xi32>], vector<16xf32>,
          %scatter3A_212 = arith.constant 0 : i32
          %scatter3A_213 = arith.constant 0 : i32
          %scatter3A_214 = tpu.memref_slice %arg6[%rem3A_64, %scatter3A_212, %scatter3A_213] : memref<2x64x128xf32, #tpu.memory_space<vmem>> -> memref<1x64x128xf32, #tpu.memory_space<vmem>>
          %scatter3A_215 = tpu.memref_squeeze %scatter3A_214 : memref<1x64x128xf32, #tpu.memory_space<vmem>> -> memref<64x128xf32, #tpu.memory_space<vmem>>
          tpu.vector_store_idx %scatter3A_215[%add3A_206, %add3A_157], %gather3A_211 : memref<64x128xf32, #tpu.memory_space<vmem>>[vector<16xi32>, vector<16xi32>], vector<16xf32>,
          %gather3A_216 = arith.constant 0 : i32
          %gather3A_217 = arith.constant 0 : i32
          %gather3A_218 = tpu.memref_slice %arg5[%rem3A_62, %gather3A_216, %gather3A_217] : memref<3x64x128xf32, #tpu.memory_space<vmem>> -> memref<1x64x128xf32, #tpu.memory_space<vmem>>
          %gather3A_219 = tpu.memref_squeeze %gather3A_218 : memref<1x64x128xf32, #tpu.memory_space<vmem>> -> memref<64x128xf32, #tpu.memory_space<vmem>>
          %gather3A_220 = tpu.vector_load_idx %gather3A_219[%add3A_150, %add3A_203] : memref<64x128xf32, #tpu.memory_space<vmem>>[vector<16xi32>, vector<16xi32>], vector<16xf32>,
          %scatter3A_221 = arith.constant 0 : i32
          %scatter3A_222 = arith.constant 0 : i32
          %scatter3A_223 = tpu.memref_slice %arg6[%rem3A_64, %scatter3A_221, %scatter3A_222] : memref<2x64x128xf32, #tpu.memory_space<vmem>> -> memref<1x64x128xf32, #tpu.memory_space<vmem>>
          %scatter3A_224 = tpu.memref_squeeze %scatter3A_223 : memref<1x64x128xf32, #tpu.memory_space<vmem>> -> memref<64x128xf32, #tpu.memory_space<vmem>>
          tpu.vector_store_idx %scatter3A_224[%add3A_206, %add3A_158], %gather3A_220 : memref<64x128xf32, #tpu.memory_space<vmem>>[vector<16xi32>, vector<16xi32>], vector<16xf32>,
          %gather3A_225 = arith.constant 0 : i32
          %gather3A_226 = arith.constant 0 : i32
          %gather3A_227 = tpu.memref_slice %arg5[%rem3A_62, %gather3A_225, %gather3A_226] : memref<3x64x128xf32, #tpu.memory_space<vmem>> -> memref<1x64x128xf32, #tpu.memory_space<vmem>>
          %gather3A_228 = tpu.memref_squeeze %gather3A_227 : memref<1x64x128xf32, #tpu.memory_space<vmem>> -> memref<64x128xf32, #tpu.memory_space<vmem>>
          %gather3A_229 = tpu.vector_load_idx %gather3A_228[%add3A_153, %add3A_203] : memref<64x128xf32, #tpu.memory_space<vmem>>[vector<16xi32>, vector<16xi32>], vector<16xf32>,
          %scatter3A_230 = arith.constant 0 : i32
          %scatter3A_231 = arith.constant 0 : i32
          %scatter3A_232 = tpu.memref_slice %arg6[%rem3A_64, %scatter3A_230, %scatter3A_231] : memref<2x64x128xf32, #tpu.memory_space<vmem>> -> memref<1x64x128xf32, #tpu.memory_space<vmem>>
          %scatter3A_233 = tpu.memref_squeeze %scatter3A_232 : memref<1x64x128xf32, #tpu.memory_space<vmem>> -> memref<64x128xf32, #tpu.memory_space<vmem>>
          tpu.vector_store_idx %scatter3A_233[%add3A_206, %add3A_159], %gather3A_229 : memref<64x128xf32, #tpu.memory_space<vmem>>[vector<16xi32>, vector<16xi32>], vector<16xf32>,
          %gather3A_234 = arith.constant 0 : i32
          %gather3A_235 = arith.constant 0 : i32
          %gather3A_236 = tpu.memref_slice %arg5[%rem3A_62, %gather3A_234, %gather3A_235] : memref<3x64x128xf32, #tpu.memory_space<vmem>> -> memref<1x64x128xf32, #tpu.memory_space<vmem>>
          %gather3A_237 = tpu.memref_squeeze %gather3A_236 : memref<1x64x128xf32, #tpu.memory_space<vmem>> -> memref<64x128xf32, #tpu.memory_space<vmem>>
          %gather3A_238 = tpu.vector_load_idx %gather3A_237[%add3A_156, %add3A_203] : memref<64x128xf32, #tpu.memory_space<vmem>>[vector<16xi32>, vector<16xi32>], vector<16xf32>,
          %scatter3A_239 = arith.constant 0 : i32
          %scatter3A_240 = arith.constant 0 : i32
          %scatter3A_241 = tpu.memref_slice %arg6[%rem3A_64, %scatter3A_239, %scatter3A_240] : memref<2x64x128xf32, #tpu.memory_space<vmem>> -> memref<1x64x128xf32, #tpu.memory_space<vmem>>
          %scatter3A_242 = tpu.memref_squeeze %scatter3A_241 : memref<1x64x128xf32, #tpu.memory_space<vmem>> -> memref<64x128xf32, #tpu.memory_space<vmem>>
          tpu.vector_store_idx %scatter3A_242[%add3A_206, %add3A_160], %gather3A_238 : memref<64x128xf32, #tpu.memory_space<vmem>>[vector<16xi32>, vector<16xi32>], vector<16xf32>,
          %add3A_243 = arith.constant 32 : i32
          %add3A_244 = vector.broadcast %add3A_243 : i32 to vector<16xi32>
          %add3A_245 = arith.addi %iota3A, %add3A_244 : vector<16xi32>
          %add3A_246 = arith.constant 16 : i32
          %add3A_247 = vector.broadcast %add3A_246 : i32 to vector<16xi32>
          %add3A_248 = arith.addi %shift_right_logical3A_112, %add3A_247 : vector<16xi32>
          %gather3A_249 = arith.constant 0 : i32
          %gather3A_250 = arith.constant 0 : i32
          %gather3A_251 = tpu.memref_slice %arg5[%rem3A_62, %gather3A_249, %gather3A_250] : memref<3x64x128xf32, #tpu.memory_space<vmem>> -> memref<1x64x128xf32, #tpu.memory_space<vmem>>
          %gather3A_252 = tpu.memref_squeeze %gather3A_251 : memref<1x64x128xf32, #tpu.memory_space<vmem>> -> memref<64x128xf32, #tpu.memory_space<vmem>>
          %gather3A_253 = tpu.vector_load_idx %gather3A_252[%add3A_147, %add3A_245] : memref<64x128xf32, #tpu.memory_space<vmem>>[vector<16xi32>, vector<16xi32>], vector<16xf32>,
          %scatter3A_254 = arith.constant 0 : i32
          %scatter3A_255 = arith.constant 0 : i32
          %scatter3A_256 = tpu.memref_slice %arg6[%rem3A_64, %scatter3A_254, %scatter3A_255] : memref<2x64x128xf32, #tpu.memory_space<vmem>> -> memref<1x64x128xf32, #tpu.memory_space<vmem>>
          %scatter3A_257 = tpu.memref_squeeze %scatter3A_256 : memref<1x64x128xf32, #tpu.memory_space<vmem>> -> memref<64x128xf32, #tpu.memory_space<vmem>>
          tpu.vector_store_idx %scatter3A_257[%add3A_248, %add3A_157], %gather3A_253 : memref<64x128xf32, #tpu.memory_space<vmem>>[vector<16xi32>, vector<16xi32>], vector<16xf32>,
          %gather3A_258 = arith.constant 0 : i32
          %gather3A_259 = arith.constant 0 : i32
          %gather3A_260 = tpu.memref_slice %arg5[%rem3A_62, %gather3A_258, %gather3A_259] : memref<3x64x128xf32, #tpu.memory_space<vmem>> -> memref<1x64x128xf32, #tpu.memory_space<vmem>>
          %gather3A_261 = tpu.memref_squeeze %gather3A_260 : memref<1x64x128xf32, #tpu.memory_space<vmem>> -> memref<64x128xf32, #tpu.memory_space<vmem>>
          %gather3A_262 = tpu.vector_load_idx %gather3A_261[%add3A_150, %add3A_245] : memref<64x128xf32, #tpu.memory_space<vmem>>[vector<16xi32>, vector<16xi32>], vector<16xf32>,
          %scatter3A_263 = arith.constant 0 : i32
          %scatter3A_264 = arith.constant 0 : i32
          %scatter3A_265 = tpu.memref_slice %arg6[%rem3A_64, %scatter3A_263, %scatter3A_264] : memref<2x64x128xf32, #tpu.memory_space<vmem>> -> memref<1x64x128xf32, #tpu.memory_space<vmem>>
          %scatter3A_266 = tpu.memref_squeeze %scatter3A_265 : memref<1x64x128xf32, #tpu.memory_space<vmem>> -> memref<64x128xf32, #tpu.memory_space<vmem>>
          tpu.vector_store_idx %scatter3A_266[%add3A_248, %add3A_158], %gather3A_262 : memref<64x128xf32, #tpu.memory_space<vmem>>[vector<16xi32>, vector<16xi32>], vector<16xf32>,
          %gather3A_267 = arith.constant 0 : i32
          %gather3A_268 = arith.constant 0 : i32
          %gather3A_269 = tpu.memref_slice %arg5[%rem3A_62, %gather3A_267, %gather3A_268] : memref<3x64x128xf32, #tpu.memory_space<vmem>> -> memref<1x64x128xf32, #tpu.memory_space<vmem>>
          %gather3A_270 = tpu.memref_squeeze %gather3A_269 : memref<1x64x128xf32, #tpu.memory_space<vmem>> -> memref<64x128xf32, #tpu.memory_space<vmem>>
          %gather3A_271 = tpu.vector_load_idx %gather3A_270[%add3A_153, %add3A_245] : memref<64x128xf32, #tpu.memory_space<vmem>>[vector<16xi32>, vector<16xi32>], vector<16xf32>,
          %scatter3A_272 = arith.constant 0 : i32
          %scatter3A_273 = arith.constant 0 : i32
          %scatter3A_274 = tpu.memref_slice %arg6[%rem3A_64, %scatter3A_272, %scatter3A_273] : memref<2x64x128xf32, #tpu.memory_space<vmem>> -> memref<1x64x128xf32, #tpu.memory_space<vmem>>
          %scatter3A_275 = tpu.memref_squeeze %scatter3A_274 : memref<1x64x128xf32, #tpu.memory_space<vmem>> -> memref<64x128xf32, #tpu.memory_space<vmem>>
          tpu.vector_store_idx %scatter3A_275[%add3A_248, %add3A_159], %gather3A_271 : memref<64x128xf32, #tpu.memory_space<vmem>>[vector<16xi32>, vector<16xi32>], vector<16xf32>,
          %gather3A_276 = arith.constant 0 : i32
          %gather3A_277 = arith.constant 0 : i32
          %gather3A_278 = tpu.memref_slice %arg5[%rem3A_62, %gather3A_276, %gather3A_277] : memref<3x64x128xf32, #tpu.memory_space<vmem>> -> memref<1x64x128xf32, #tpu.memory_space<vmem>>
          %gather3A_279 = tpu.memref_squeeze %gather3A_278 : memref<1x64x128xf32, #tpu.memory_space<vmem>> -> memref<64x128xf32, #tpu.memory_space<vmem>>
          %gather3A_280 = tpu.vector_load_idx %gather3A_279[%add3A_156, %add3A_245] : memref<64x128xf32, #tpu.memory_space<vmem>>[vector<16xi32>, vector<16xi32>], vector<16xf32>,
          %scatter3A_281 = arith.constant 0 : i32
          %scatter3A_282 = arith.constant 0 : i32
          %scatter3A_283 = tpu.memref_slice %arg6[%rem3A_64, %scatter3A_281, %scatter3A_282] : memref<2x64x128xf32, #tpu.memory_space<vmem>> -> memref<1x64x128xf32, #tpu.memory_space<vmem>>
          %scatter3A_284 = tpu.memref_squeeze %scatter3A_283 : memref<1x64x128xf32, #tpu.memory_space<vmem>> -> memref<64x128xf32, #tpu.memory_space<vmem>>
          tpu.vector_store_idx %scatter3A_284[%add3A_248, %add3A_160], %gather3A_280 : memref<64x128xf32, #tpu.memory_space<vmem>>[vector<16xi32>, vector<16xi32>], vector<16xf32>,
          %add3A_285 = arith.constant 48 : i32
          %add3A_286 = vector.broadcast %add3A_285 : i32 to vector<16xi32>
          %add3A_287 = arith.addi %iota3A, %add3A_286 : vector<16xi32>
          %add3A_288 = arith.constant 24 : i32
          %add3A_289 = vector.broadcast %add3A_288 : i32 to vector<16xi32>
          %add3A_290 = arith.addi %shift_right_logical3A_112, %add3A_289 : vector<16xi32>
          %gather3A_291 = arith.constant 0 : i32
          %gather3A_292 = arith.constant 0 : i32
          %gather3A_293 = tpu.memref_slice %arg5[%rem3A_62, %gather3A_291, %gather3A_292] : memref<3x64x128xf32, #tpu.memory_space<vmem>> -> memref<1x64x128xf32, #tpu.memory_space<vmem>>
          %gather3A_294 = tpu.memref_squeeze %gather3A_293 : memref<1x64x128xf32, #tpu.memory_space<vmem>> -> memref<64x128xf32, #tpu.memory_space<vmem>>
          %gather3A_295 = tpu.vector_load_idx %gather3A_294[%add3A_147, %add3A_287] : memref<64x128xf32, #tpu.memory_space<vmem>>[vector<16xi32>, vector<16xi32>], vector<16xf32>,
          %scatter3A_296 = arith.constant 0 : i32
          %scatter3A_297 = arith.constant 0 : i32
          %scatter3A_298 = tpu.memref_slice %arg6[%rem3A_64, %scatter3A_296, %scatter3A_297] : memref<2x64x128xf32, #tpu.memory_space<vmem>> -> memref<1x64x128xf32, #tpu.memory_space<vmem>>
          %scatter3A_299 = tpu.memref_squeeze %scatter3A_298 : memref<1x64x128xf32, #tpu.memory_space<vmem>> -> memref<64x128xf32, #tpu.memory_space<vmem>>
          tpu.vector_store_idx %scatter3A_299[%add3A_290, %add3A_157], %gather3A_295 : memref<64x128xf32, #tpu.memory_space<vmem>>[vector<16xi32>, vector<16xi32>], vector<16xf32>,
          %gather3A_300 = arith.constant 0 : i32
          %gather3A_301 = arith.constant 0 : i32
          %gather3A_302 = tpu.memref_slice %arg5[%rem3A_62, %gather3A_300, %gather3A_301] : memref<3x64x128xf32, #tpu.memory_space<vmem>> -> memref<1x64x128xf32, #tpu.memory_space<vmem>>
          %gather3A_303 = tpu.memref_squeeze %gather3A_302 : memref<1x64x128xf32, #tpu.memory_space<vmem>> -> memref<64x128xf32, #tpu.memory_space<vmem>>
          %gather3A_304 = tpu.vector_load_idx %gather3A_303[%add3A_150, %add3A_287] : memref<64x128xf32, #tpu.memory_space<vmem>>[vector<16xi32>, vector<16xi32>], vector<16xf32>,
          %scatter3A_305 = arith.constant 0 : i32
          %scatter3A_306 = arith.constant 0 : i32
          %scatter3A_307 = tpu.memref_slice %arg6[%rem3A_64, %scatter3A_305, %scatter3A_306] : memref<2x64x128xf32, #tpu.memory_space<vmem>> -> memref<1x64x128xf32, #tpu.memory_space<vmem>>
          %scatter3A_308 = tpu.memref_squeeze %scatter3A_307 : memref<1x64x128xf32, #tpu.memory_space<vmem>> -> memref<64x128xf32, #tpu.memory_space<vmem>>
          tpu.vector_store_idx %scatter3A_308[%add3A_290, %add3A_158], %gather3A_304 : memref<64x128xf32, #tpu.memory_space<vmem>>[vector<16xi32>, vector<16xi32>], vector<16xf32>,
          %gather3A_309 = arith.constant 0 : i32
          %gather3A_310 = arith.constant 0 : i32
          %gather3A_311 = tpu.memref_slice %arg5[%rem3A_62, %gather3A_309, %gather3A_310] : memref<3x64x128xf32, #tpu.memory_space<vmem>> -> memref<1x64x128xf32, #tpu.memory_space<vmem>>
          %gather3A_312 = tpu.memref_squeeze %gather3A_311 : memref<1x64x128xf32, #tpu.memory_space<vmem>> -> memref<64x128xf32, #tpu.memory_space<vmem>>
          %gather3A_313 = tpu.vector_load_idx %gather3A_312[%add3A_153, %add3A_287] : memref<64x128xf32, #tpu.memory_space<vmem>>[vector<16xi32>, vector<16xi32>], vector<16xf32>,
          %scatter3A_314 = arith.constant 0 : i32
          %scatter3A_315 = arith.constant 0 : i32
          %scatter3A_316 = tpu.memref_slice %arg6[%rem3A_64, %scatter3A_314, %scatter3A_315] : memref<2x64x128xf32, #tpu.memory_space<vmem>> -> memref<1x64x128xf32, #tpu.memory_space<vmem>>
          %scatter3A_317 = tpu.memref_squeeze %scatter3A_316 : memref<1x64x128xf32, #tpu.memory_space<vmem>> -> memref<64x128xf32, #tpu.memory_space<vmem>>
          tpu.vector_store_idx %scatter3A_317[%add3A_290, %add3A_159], %gather3A_313 : memref<64x128xf32, #tpu.memory_space<vmem>>[vector<16xi32>, vector<16xi32>], vector<16xf32>,
          %gather3A_318 = arith.constant 0 : i32
          %gather3A_319 = arith.constant 0 : i32
          %gather3A_320 = tpu.memref_slice %arg5[%rem3A_62, %gather3A_318, %gather3A_319] : memref<3x64x128xf32, #tpu.memory_space<vmem>> -> memref<1x64x128xf32, #tpu.memory_space<vmem>>
          %gather3A_321 = tpu.memref_squeeze %gather3A_320 : memref<1x64x128xf32, #tpu.memory_space<vmem>> -> memref<64x128xf32, #tpu.memory_space<vmem>>
          %gather3A_322 = tpu.vector_load_idx %gather3A_321[%add3A_156, %add3A_287] : memref<64x128xf32, #tpu.memory_space<vmem>>[vector<16xi32>, vector<16xi32>], vector<16xf32>,
          %scatter3A_323 = arith.constant 0 : i32
          %scatter3A_324 = arith.constant 0 : i32
          %scatter3A_325 = tpu.memref_slice %arg6[%rem3A_64, %scatter3A_323, %scatter3A_324] : memref<2x64x128xf32, #tpu.memory_space<vmem>> -> memref<1x64x128xf32, #tpu.memory_space<vmem>>
          %scatter3A_326 = tpu.memref_squeeze %scatter3A_325 : memref<1x64x128xf32, #tpu.memory_space<vmem>> -> memref<64x128xf32, #tpu.memory_space<vmem>>
          tpu.vector_store_idx %scatter3A_326[%add3A_290, %add3A_160], %gather3A_322 : memref<64x128xf32, #tpu.memory_space<vmem>>[vector<16xi32>, vector<16xi32>], vector<16xf32>,
          %add3A_327 = arith.constant 64 : i32
          %add3A_328 = vector.broadcast %add3A_327 : i32 to vector<16xi32>
          %add3A_329 = arith.addi %iota3A, %add3A_328 : vector<16xi32>
          %add3A_330 = arith.constant 32 : i32
          %add3A_331 = vector.broadcast %add3A_330 : i32 to vector<16xi32>
          %add3A_332 = arith.addi %shift_right_logical3A_112, %add3A_331 : vector<16xi32>
          %gather3A_333 = arith.constant 0 : i32
          %gather3A_334 = arith.constant 0 : i32
          %gather3A_335 = tpu.memref_slice %arg5[%rem3A_62, %gather3A_333, %gather3A_334] : memref<3x64x128xf32, #tpu.memory_space<vmem>> -> memref<1x64x128xf32, #tpu.memory_space<vmem>>
          %gather3A_336 = tpu.memref_squeeze %gather3A_335 : memref<1x64x128xf32, #tpu.memory_space<vmem>> -> memref<64x128xf32, #tpu.memory_space<vmem>>
          %gather3A_337 = tpu.vector_load_idx %gather3A_336[%add3A_147, %add3A_329] : memref<64x128xf32, #tpu.memory_space<vmem>>[vector<16xi32>, vector<16xi32>], vector<16xf32>,
          %scatter3A_338 = arith.constant 0 : i32
          %scatter3A_339 = arith.constant 0 : i32
          %scatter3A_340 = tpu.memref_slice %arg6[%rem3A_64, %scatter3A_338, %scatter3A_339] : memref<2x64x128xf32, #tpu.memory_space<vmem>> -> memref<1x64x128xf32, #tpu.memory_space<vmem>>
          %scatter3A_341 = tpu.memref_squeeze %scatter3A_340 : memref<1x64x128xf32, #tpu.memory_space<vmem>> -> memref<64x128xf32, #tpu.memory_space<vmem>>
          tpu.vector_store_idx %scatter3A_341[%add3A_332, %add3A_157], %gather3A_337 : memref<64x128xf32, #tpu.memory_space<vmem>>[vector<16xi32>, vector<16xi32>], vector<16xf32>,
          %gather3A_342 = arith.constant 0 : i32
          %gather3A_343 = arith.constant 0 : i32
          %gather3A_344 = tpu.memref_slice %arg5[%rem3A_62, %gather3A_342, %gather3A_343] : memref<3x64x128xf32, #tpu.memory_space<vmem>> -> memref<1x64x128xf32, #tpu.memory_space<vmem>>
          %gather3A_345 = tpu.memref_squeeze %gather3A_344 : memref<1x64x128xf32, #tpu.memory_space<vmem>> -> memref<64x128xf32, #tpu.memory_space<vmem>>
          %gather3A_346 = tpu.vector_load_idx %gather3A_345[%add3A_150, %add3A_329] : memref<64x128xf32, #tpu.memory_space<vmem>>[vector<16xi32>, vector<16xi32>], vector<16xf32>,
          %scatter3A_347 = arith.constant 0 : i32
          %scatter3A_348 = arith.constant 0 : i32
          %scatter3A_349 = tpu.memref_slice %arg6[%rem3A_64, %scatter3A_347, %scatter3A_348] : memref<2x64x128xf32, #tpu.memory_space<vmem>> -> memref<1x64x128xf32, #tpu.memory_space<vmem>>
          %scatter3A_350 = tpu.memref_squeeze %scatter3A_349 : memref<1x64x128xf32, #tpu.memory_space<vmem>> -> memref<64x128xf32, #tpu.memory_space<vmem>>
          tpu.vector_store_idx %scatter3A_350[%add3A_332, %add3A_158], %gather3A_346 : memref<64x128xf32, #tpu.memory_space<vmem>>[vector<16xi32>, vector<16xi32>], vector<16xf32>,
          %gather3A_351 = arith.constant 0 : i32
          %gather3A_352 = arith.constant 0 : i32
          %gather3A_353 = tpu.memref_slice %arg5[%rem3A_62, %gather3A_351, %gather3A_352] : memref<3x64x128xf32, #tpu.memory_space<vmem>> -> memref<1x64x128xf32, #tpu.memory_space<vmem>>
          %gather3A_354 = tpu.memref_squeeze %gather3A_353 : memref<1x64x128xf32, #tpu.memory_space<vmem>> -> memref<64x128xf32, #tpu.memory_space<vmem>>
          %gather3A_355 = tpu.vector_load_idx %gather3A_354[%add3A_153, %add3A_329] : memref<64x128xf32, #tpu.memory_space<vmem>>[vector<16xi32>, vector<16xi32>], vector<16xf32>,
          %scatter3A_356 = arith.constant 0 : i32
          %scatter3A_357 = arith.constant 0 : i32
          %scatter3A_358 = tpu.memref_slice %arg6[%rem3A_64, %scatter3A_356, %scatter3A_357] : memref<2x64x128xf32, #tpu.memory_space<vmem>> -> memref<1x64x128xf32, #tpu.memory_space<vmem>>
          %scatter3A_359 = tpu.memref_squeeze %scatter3A_358 : memref<1x64x128xf32, #tpu.memory_space<vmem>> -> memref<64x128xf32, #tpu.memory_space<vmem>>
          tpu.vector_store_idx %scatter3A_359[%add3A_332, %add3A_159], %gather3A_355 : memref<64x128xf32, #tpu.memory_space<vmem>>[vector<16xi32>, vector<16xi32>], vector<16xf32>,
          %gather3A_360 = arith.constant 0 : i32
          %gather3A_361 = arith.constant 0 : i32
          %gather3A_362 = tpu.memref_slice %arg5[%rem3A_62, %gather3A_360, %gather3A_361] : memref<3x64x128xf32, #tpu.memory_space<vmem>> -> memref<1x64x128xf32, #tpu.memory_space<vmem>>
          %gather3A_363 = tpu.memref_squeeze %gather3A_362 : memref<1x64x128xf32, #tpu.memory_space<vmem>> -> memref<64x128xf32, #tpu.memory_space<vmem>>
          %gather3A_364 = tpu.vector_load_idx %gather3A_363[%add3A_156, %add3A_329] : memref<64x128xf32, #tpu.memory_space<vmem>>[vector<16xi32>, vector<16xi32>], vector<16xf32>,
          %scatter3A_365 = arith.constant 0 : i32
          %scatter3A_366 = arith.constant 0 : i32
          %scatter3A_367 = tpu.memref_slice %arg6[%rem3A_64, %scatter3A_365, %scatter3A_366] : memref<2x64x128xf32, #tpu.memory_space<vmem>> -> memref<1x64x128xf32, #tpu.memory_space<vmem>>
          %scatter3A_368 = tpu.memref_squeeze %scatter3A_367 : memref<1x64x128xf32, #tpu.memory_space<vmem>> -> memref<64x128xf32, #tpu.memory_space<vmem>>
          tpu.vector_store_idx %scatter3A_368[%add3A_332, %add3A_160], %gather3A_364 : memref<64x128xf32, #tpu.memory_space<vmem>>[vector<16xi32>, vector<16xi32>], vector<16xf32>,
          %add3A_369 = arith.constant 80 : i32
          %add3A_370 = vector.broadcast %add3A_369 : i32 to vector<16xi32>
          %add3A_371 = arith.addi %iota3A, %add3A_370 : vector<16xi32>
          %add3A_372 = arith.constant 40 : i32
          %add3A_373 = vector.broadcast %add3A_372 : i32 to vector<16xi32>
          %add3A_374 = arith.addi %shift_right_logical3A_112, %add3A_373 : vector<16xi32>
          %gather3A_375 = arith.constant 0 : i32
          %gather3A_376 = arith.constant 0 : i32
          %gather3A_377 = tpu.memref_slice %arg5[%rem3A_62, %gather3A_375, %gather3A_376] : memref<3x64x128xf32, #tpu.memory_space<vmem>> -> memref<1x64x128xf32, #tpu.memory_space<vmem>>
          %gather3A_378 = tpu.memref_squeeze %gather3A_377 : memref<1x64x128xf32, #tpu.memory_space<vmem>> -> memref<64x128xf32, #tpu.memory_space<vmem>>
          %gather3A_379 = tpu.vector_load_idx %gather3A_378[%add3A_147, %add3A_371] : memref<64x128xf32, #tpu.memory_space<vmem>>[vector<16xi32>, vector<16xi32>], vector<16xf32>,
          %scatter3A_380 = arith.constant 0 : i32
          %scatter3A_381 = arith.constant 0 : i32
          %scatter3A_382 = tpu.memref_slice %arg6[%rem3A_64, %scatter3A_380, %scatter3A_381] : memref<2x64x128xf32, #tpu.memory_space<vmem>> -> memref<1x64x128xf32, #tpu.memory_space<vmem>>
          %scatter3A_383 = tpu.memref_squeeze %scatter3A_382 : memref<1x64x128xf32, #tpu.memory_space<vmem>> -> memref<64x128xf32, #tpu.memory_space<vmem>>
          tpu.vector_store_idx %scatter3A_383[%add3A_374, %add3A_157], %gather3A_379 : memref<64x128xf32, #tpu.memory_space<vmem>>[vector<16xi32>, vector<16xi32>], vector<16xf32>,
          %gather3A_384 = arith.constant 0 : i32
          %gather3A_385 = arith.constant 0 : i32
          %gather3A_386 = tpu.memref_slice %arg5[%rem3A_62, %gather3A_384, %gather3A_385] : memref<3x64x128xf32, #tpu.memory_space<vmem>> -> memref<1x64x128xf32, #tpu.memory_space<vmem>>
          %gather3A_387 = tpu.memref_squeeze %gather3A_386 : memref<1x64x128xf32, #tpu.memory_space<vmem>> -> memref<64x128xf32, #tpu.memory_space<vmem>>
          %gather3A_388 = tpu.vector_load_idx %gather3A_387[%add3A_150, %add3A_371] : memref<64x128xf32, #tpu.memory_space<vmem>>[vector<16xi32>, vector<16xi32>], vector<16xf32>,
          %scatter3A_389 = arith.constant 0 : i32
          %scatter3A_390 = arith.constant 0 : i32
          %scatter3A_391 = tpu.memref_slice %arg6[%rem3A_64, %scatter3A_389, %scatter3A_390] : memref<2x64x128xf32, #tpu.memory_space<vmem>> -> memref<1x64x128xf32, #tpu.memory_space<vmem>>
          %scatter3A_392 = tpu.memref_squeeze %scatter3A_391 : memref<1x64x128xf32, #tpu.memory_space<vmem>> -> memref<64x128xf32, #tpu.memory_space<vmem>>
          tpu.vector_store_idx %scatter3A_392[%add3A_374, %add3A_158], %gather3A_388 : memref<64x128xf32, #tpu.memory_space<vmem>>[vector<16xi32>, vector<16xi32>], vector<16xf32>,
          %gather3A_393 = arith.constant 0 : i32
          %gather3A_394 = arith.constant 0 : i32
          %gather3A_395 = tpu.memref_slice %arg5[%rem3A_62, %gather3A_393, %gather3A_394] : memref<3x64x128xf32, #tpu.memory_space<vmem>> -> memref<1x64x128xf32, #tpu.memory_space<vmem>>
          %gather3A_396 = tpu.memref_squeeze %gather3A_395 : memref<1x64x128xf32, #tpu.memory_space<vmem>> -> memref<64x128xf32, #tpu.memory_space<vmem>>
          %gather3A_397 = tpu.vector_load_idx %gather3A_396[%add3A_153, %add3A_371] : memref<64x128xf32, #tpu.memory_space<vmem>>[vector<16xi32>, vector<16xi32>], vector<16xf32>,
          %scatter3A_398 = arith.constant 0 : i32
          %scatter3A_399 = arith.constant 0 : i32
          %scatter3A_400 = tpu.memref_slice %arg6[%rem3A_64, %scatter3A_398, %scatter3A_399] : memref<2x64x128xf32, #tpu.memory_space<vmem>> -> memref<1x64x128xf32, #tpu.memory_space<vmem>>
          %scatter3A_401 = tpu.memref_squeeze %scatter3A_400 : memref<1x64x128xf32, #tpu.memory_space<vmem>> -> memref<64x128xf32, #tpu.memory_space<vmem>>
          tpu.vector_store_idx %scatter3A_401[%add3A_374, %add3A_159], %gather3A_397 : memref<64x128xf32, #tpu.memory_space<vmem>>[vector<16xi32>, vector<16xi32>], vector<16xf32>,
          %gather3A_402 = arith.constant 0 : i32
          %gather3A_403 = arith.constant 0 : i32
          %gather3A_404 = tpu.memref_slice %arg5[%rem3A_62, %gather3A_402, %gather3A_403] : memref<3x64x128xf32, #tpu.memory_space<vmem>> -> memref<1x64x128xf32, #tpu.memory_space<vmem>>
          %gather3A_405 = tpu.memref_squeeze %gather3A_404 : memref<1x64x128xf32, #tpu.memory_space<vmem>> -> memref<64x128xf32, #tpu.memory_space<vmem>>
          %gather3A_406 = tpu.vector_load_idx %gather3A_405[%add3A_156, %add3A_371] : memref<64x128xf32, #tpu.memory_space<vmem>>[vector<16xi32>, vector<16xi32>], vector<16xf32>,
          %scatter3A_407 = arith.constant 0 : i32
          %scatter3A_408 = arith.constant 0 : i32
          %scatter3A_409 = tpu.memref_slice %arg6[%rem3A_64, %scatter3A_407, %scatter3A_408] : memref<2x64x128xf32, #tpu.memory_space<vmem>> -> memref<1x64x128xf32, #tpu.memory_space<vmem>>
          %scatter3A_410 = tpu.memref_squeeze %scatter3A_409 : memref<1x64x128xf32, #tpu.memory_space<vmem>> -> memref<64x128xf32, #tpu.memory_space<vmem>>
          tpu.vector_store_idx %scatter3A_410[%add3A_374, %add3A_160], %gather3A_406 : memref<64x128xf32, #tpu.memory_space<vmem>>[vector<16xi32>, vector<16xi32>], vector<16xf32>,
          %add3A_411 = arith.constant 96 : i32
          %add3A_412 = vector.broadcast %add3A_411 : i32 to vector<16xi32>
          %add3A_413 = arith.addi %iota3A, %add3A_412 : vector<16xi32>
          %add3A_414 = arith.constant 48 : i32
          %add3A_415 = vector.broadcast %add3A_414 : i32 to vector<16xi32>
          %add3A_416 = arith.addi %shift_right_logical3A_112, %add3A_415 : vector<16xi32>
          %gather3A_417 = arith.constant 0 : i32
          %gather3A_418 = arith.constant 0 : i32
          %gather3A_419 = tpu.memref_slice %arg5[%rem3A_62, %gather3A_417, %gather3A_418] : memref<3x64x128xf32, #tpu.memory_space<vmem>> -> memref<1x64x128xf32, #tpu.memory_space<vmem>>
          %gather3A_420 = tpu.memref_squeeze %gather3A_419 : memref<1x64x128xf32, #tpu.memory_space<vmem>> -> memref<64x128xf32, #tpu.memory_space<vmem>>
          %gather3A_421 = tpu.vector_load_idx %gather3A_420[%add3A_147, %add3A_413] : memref<64x128xf32, #tpu.memory_space<vmem>>[vector<16xi32>, vector<16xi32>], vector<16xf32>,
          %scatter3A_422 = arith.constant 0 : i32
          %scatter3A_423 = arith.constant 0 : i32
          %scatter3A_424 = tpu.memref_slice %arg6[%rem3A_64, %scatter3A_422, %scatter3A_423] : memref<2x64x128xf32, #tpu.memory_space<vmem>> -> memref<1x64x128xf32, #tpu.memory_space<vmem>>
          %scatter3A_425 = tpu.memref_squeeze %scatter3A_424 : memref<1x64x128xf32, #tpu.memory_space<vmem>> -> memref<64x128xf32, #tpu.memory_space<vmem>>
          tpu.vector_store_idx %scatter3A_425[%add3A_416, %add3A_157], %gather3A_421 : memref<64x128xf32, #tpu.memory_space<vmem>>[vector<16xi32>, vector<16xi32>], vector<16xf32>,
          %gather3A_426 = arith.constant 0 : i32
          %gather3A_427 = arith.constant 0 : i32
          %gather3A_428 = tpu.memref_slice %arg5[%rem3A_62, %gather3A_426, %gather3A_427] : memref<3x64x128xf32, #tpu.memory_space<vmem>> -> memref<1x64x128xf32, #tpu.memory_space<vmem>>
          %gather3A_429 = tpu.memref_squeeze %gather3A_428 : memref<1x64x128xf32, #tpu.memory_space<vmem>> -> memref<64x128xf32, #tpu.memory_space<vmem>>
          %gather3A_430 = tpu.vector_load_idx %gather3A_429[%add3A_150, %add3A_413] : memref<64x128xf32, #tpu.memory_space<vmem>>[vector<16xi32>, vector<16xi32>], vector<16xf32>,
          %scatter3A_431 = arith.constant 0 : i32
          %scatter3A_432 = arith.constant 0 : i32
          %scatter3A_433 = tpu.memref_slice %arg6[%rem3A_64, %scatter3A_431, %scatter3A_432] : memref<2x64x128xf32, #tpu.memory_space<vmem>> -> memref<1x64x128xf32, #tpu.memory_space<vmem>>
          %scatter3A_434 = tpu.memref_squeeze %scatter3A_433 : memref<1x64x128xf32, #tpu.memory_space<vmem>> -> memref<64x128xf32, #tpu.memory_space<vmem>>
          tpu.vector_store_idx %scatter3A_434[%add3A_416, %add3A_158], %gather3A_430 : memref<64x128xf32, #tpu.memory_space<vmem>>[vector<16xi32>, vector<16xi32>], vector<16xf32>,
          %gather3A_435 = arith.constant 0 : i32
          %gather3A_436 = arith.constant 0 : i32
          %gather3A_437 = tpu.memref_slice %arg5[%rem3A_62, %gather3A_435, %gather3A_436] : memref<3x64x128xf32, #tpu.memory_space<vmem>> -> memref<1x64x128xf32, #tpu.memory_space<vmem>>
          %gather3A_438 = tpu.memref_squeeze %gather3A_437 : memref<1x64x128xf32, #tpu.memory_space<vmem>> -> memref<64x128xf32, #tpu.memory_space<vmem>>
          %gather3A_439 = tpu.vector_load_idx %gather3A_438[%add3A_153, %add3A_413] : memref<64x128xf32, #tpu.memory_space<vmem>>[vector<16xi32>, vector<16xi32>], vector<16xf32>,
          %scatter3A_440 = arith.constant 0 : i32
          %scatter3A_441 = arith.constant 0 : i32
          %scatter3A_442 = tpu.memref_slice %arg6[%rem3A_64, %scatter3A_440, %scatter3A_441] : memref<2x64x128xf32, #tpu.memory_space<vmem>> -> memref<1x64x128xf32, #tpu.memory_space<vmem>>
          %scatter3A_443 = tpu.memref_squeeze %scatter3A_442 : memref<1x64x128xf32, #tpu.memory_space<vmem>> -> memref<64x128xf32, #tpu.memory_space<vmem>>
          tpu.vector_store_idx %scatter3A_443[%add3A_416, %add3A_159], %gather3A_439 : memref<64x128xf32, #tpu.memory_space<vmem>>[vector<16xi32>, vector<16xi32>], vector<16xf32>,
          %gather3A_444 = arith.constant 0 : i32
          %gather3A_445 = arith.constant 0 : i32
          %gather3A_446 = tpu.memref_slice %arg5[%rem3A_62, %gather3A_444, %gather3A_445] : memref<3x64x128xf32, #tpu.memory_space<vmem>> -> memref<1x64x128xf32, #tpu.memory_space<vmem>>
          %gather3A_447 = tpu.memref_squeeze %gather3A_446 : memref<1x64x128xf32, #tpu.memory_space<vmem>> -> memref<64x128xf32, #tpu.memory_space<vmem>>
          %gather3A_448 = tpu.vector_load_idx %gather3A_447[%add3A_156, %add3A_413] : memref<64x128xf32, #tpu.memory_space<vmem>>[vector<16xi32>, vector<16xi32>], vector<16xf32>,
          %scatter3A_449 = arith.constant 0 : i32
          %scatter3A_450 = arith.constant 0 : i32
          %scatter3A_451 = tpu.memref_slice %arg6[%rem3A_64, %scatter3A_449, %scatter3A_450] : memref<2x64x128xf32, #tpu.memory_space<vmem>> -> memref<1x64x128xf32, #tpu.memory_space<vmem>>
          %scatter3A_452 = tpu.memref_squeeze %scatter3A_451 : memref<1x64x128xf32, #tpu.memory_space<vmem>> -> memref<64x128xf32, #tpu.memory_space<vmem>>
          tpu.vector_store_idx %scatter3A_452[%add3A_416, %add3A_160], %gather3A_448 : memref<64x128xf32, #tpu.memory_space<vmem>>[vector<16xi32>, vector<16xi32>], vector<16xf32>,
          %add3A_453 = arith.constant 112 : i32
          %add3A_454 = vector.broadcast %add3A_453 : i32 to vector<16xi32>
          %add3A_455 = arith.addi %iota3A, %add3A_454 : vector<16xi32>
          %add3A_456 = arith.constant 56 : i32
          %add3A_457 = vector.broadcast %add3A_456 : i32 to vector<16xi32>
          %add3A_458 = arith.addi %shift_right_logical3A_112, %add3A_457 : vector<16xi32>
          %gather3A_459 = arith.constant 0 : i32
          %gather3A_460 = arith.constant 0 : i32
          %gather3A_461 = tpu.memref_slice %arg5[%rem3A_62, %gather3A_459, %gather3A_460] : memref<3x64x128xf32, #tpu.memory_space<vmem>> -> memref<1x64x128xf32, #tpu.memory_space<vmem>>
          %gather3A_462 = tpu.memref_squeeze %gather3A_461 : memref<1x64x128xf32, #tpu.memory_space<vmem>> -> memref<64x128xf32, #tpu.memory_space<vmem>>
          %gather3A_463 = tpu.vector_load_idx %gather3A_462[%add3A_147, %add3A_455] : memref<64x128xf32, #tpu.memory_space<vmem>>[vector<16xi32>, vector<16xi32>], vector<16xf32>,
          %scatter3A_464 = arith.constant 0 : i32
          %scatter3A_465 = arith.constant 0 : i32
          %scatter3A_466 = tpu.memref_slice %arg6[%rem3A_64, %scatter3A_464, %scatter3A_465] : memref<2x64x128xf32, #tpu.memory_space<vmem>> -> memref<1x64x128xf32, #tpu.memory_space<vmem>>
          %scatter3A_467 = tpu.memref_squeeze %scatter3A_466 : memref<1x64x128xf32, #tpu.memory_space<vmem>> -> memref<64x128xf32, #tpu.memory_space<vmem>>
          tpu.vector_store_idx %scatter3A_467[%add3A_458, %add3A_157], %gather3A_463 : memref<64x128xf32, #tpu.memory_space<vmem>>[vector<16xi32>, vector<16xi32>], vector<16xf32>,
          %gather3A_468 = arith.constant 0 : i32
          %gather3A_469 = arith.constant 0 : i32
          %gather3A_470 = tpu.memref_slice %arg5[%rem3A_62, %gather3A_468, %gather3A_469] : memref<3x64x128xf32, #tpu.memory_space<vmem>> -> memref<1x64x128xf32, #tpu.memory_space<vmem>>
          %gather3A_471 = tpu.memref_squeeze %gather3A_470 : memref<1x64x128xf32, #tpu.memory_space<vmem>> -> memref<64x128xf32, #tpu.memory_space<vmem>>
          %gather3A_472 = tpu.vector_load_idx %gather3A_471[%add3A_150, %add3A_455] : memref<64x128xf32, #tpu.memory_space<vmem>>[vector<16xi32>, vector<16xi32>], vector<16xf32>,
          %scatter3A_473 = arith.constant 0 : i32
          %scatter3A_474 = arith.constant 0 : i32
          %scatter3A_475 = tpu.memref_slice %arg6[%rem3A_64, %scatter3A_473, %scatter3A_474] : memref<2x64x128xf32, #tpu.memory_space<vmem>> -> memref<1x64x128xf32, #tpu.memory_space<vmem>>
          %scatter3A_476 = tpu.memref_squeeze %scatter3A_475 : memref<1x64x128xf32, #tpu.memory_space<vmem>> -> memref<64x128xf32, #tpu.memory_space<vmem>>
          tpu.vector_store_idx %scatter3A_476[%add3A_458, %add3A_158], %gather3A_472 : memref<64x128xf32, #tpu.memory_space<vmem>>[vector<16xi32>, vector<16xi32>], vector<16xf32>,
          %gather3A_477 = arith.constant 0 : i32
          %gather3A_478 = arith.constant 0 : i32
          %gather3A_479 = tpu.memref_slice %arg5[%rem3A_62, %gather3A_477, %gather3A_478] : memref<3x64x128xf32, #tpu.memory_space<vmem>> -> memref<1x64x128xf32, #tpu.memory_space<vmem>>
          %gather3A_480 = tpu.memref_squeeze %gather3A_479 : memref<1x64x128xf32, #tpu.memory_space<vmem>> -> memref<64x128xf32, #tpu.memory_space<vmem>>
          %gather3A_481 = tpu.vector_load_idx %gather3A_480[%add3A_153, %add3A_455] : memref<64x128xf32, #tpu.memory_space<vmem>>[vector<16xi32>, vector<16xi32>], vector<16xf32>,
          %scatter3A_482 = arith.constant 0 : i32
          %scatter3A_483 = arith.constant 0 : i32
          %scatter3A_484 = tpu.memref_slice %arg6[%rem3A_64, %scatter3A_482, %scatter3A_483] : memref<2x64x128xf32, #tpu.memory_space<vmem>> -> memref<1x64x128xf32, #tpu.memory_space<vmem>>
          %scatter3A_485 = tpu.memref_squeeze %scatter3A_484 : memref<1x64x128xf32, #tpu.memory_space<vmem>> -> memref<64x128xf32, #tpu.memory_space<vmem>>
          tpu.vector_store_idx %scatter3A_485[%add3A_458, %add3A_159], %gather3A_481 : memref<64x128xf32, #tpu.memory_space<vmem>>[vector<16xi32>, vector<16xi32>], vector<16xf32>,
          %gather3A_486 = arith.constant 0 : i32
          %gather3A_487 = arith.constant 0 : i32
          %gather3A_488 = tpu.memref_slice %arg5[%rem3A_62, %gather3A_486, %gather3A_487] : memref<3x64x128xf32, #tpu.memory_space<vmem>> -> memref<1x64x128xf32, #tpu.memory_space<vmem>>
          %gather3A_489 = tpu.memref_squeeze %gather3A_488 : memref<1x64x128xf32, #tpu.memory_space<vmem>> -> memref<64x128xf32, #tpu.memory_space<vmem>>
          %gather3A_490 = tpu.vector_load_idx %gather3A_489[%add3A_156, %add3A_455] : memref<64x128xf32, #tpu.memory_space<vmem>>[vector<16xi32>, vector<16xi32>], vector<16xf32>,
          %scatter3A_491 = arith.constant 0 : i32
          %scatter3A_492 = arith.constant 0 : i32
          %scatter3A_493 = tpu.memref_slice %arg6[%rem3A_64, %scatter3A_491, %scatter3A_492] : memref<2x64x128xf32, #tpu.memory_space<vmem>> -> memref<1x64x128xf32, #tpu.memory_space<vmem>>
          %scatter3A_494 = tpu.memref_squeeze %scatter3A_493 : memref<1x64x128xf32, #tpu.memory_space<vmem>> -> memref<64x128xf32, #tpu.memory_space<vmem>>
          tpu.vector_store_idx %scatter3A_494[%add3A_458, %add3A_160], %gather3A_490 : memref<64x128xf32, #tpu.memory_space<vmem>>[vector<16xi32>, vector<16xi32>], vector<16xf32>,
        }
        %scan3A_118 = arith.constant 16 : i32
        %mul3A_119 = arith.constant 32 : i32
        %mul3A_120 = arith.muli %scan3A_61, %mul3A_119 : i32
        %add3A_121 = arith.addi %mul3A_120, %add3A : i32
        %mul3A_122 = arith.constant 64 : i32
        %mul3A_123 = arith.muli %add3A_121, %mul3A_122 : i32
        %multiple_of3A_124 = tpu.assume_multiple %mul3A_123, 64 : i32
        %dma_start3A_125 = arith.constant 0 : i32
        %dma_start3A_126 = arith.constant 0 : i32
        %dma_start3A_127 = tpu.memref_slice %arg6[%rem3A_64, %dma_start3A_125, %dma_start3A_126] : memref<2x64x128xf32, #tpu.memory_space<vmem>> -> memref<1x64x128xf32, #tpu.memory_space<vmem>>
        %dma_start3A_128 = tpu.memref_squeeze %dma_start3A_127 : memref<1x64x128xf32, #tpu.memory_space<vmem>> -> memref<64x128xf32, #tpu.memory_space<vmem>>
        %dma_start3A_129 = arith.constant 0 : i32
        %dma_start3A_130 = tpu.memref_slice %arg4[%multiple_of3A_124, %dma_start3A_129] : memref<500000x128xf32, #tpu.memory_space<hbm>> -> memref<64x128xf32, #tpu.memory_space<hbm>>
        %dma_start3A_131 = tpu.memref_slice %arg10[%rem3A_64] : memref<2x!tpu.dma_semaphore, #tpu.memory_space<semaphore_mem>> -> memref<1x!tpu.dma_semaphore, #tpu.memory_space<semaphore_mem>>
        %dma_start3A_132 = tpu.memref_squeeze %dma_start3A_131 : memref<1x!tpu.dma_semaphore, #tpu.memory_space<semaphore_mem>> -> memref<!tpu.dma_semaphore, #tpu.memory_space<semaphore_mem>>
        %dma_start3A_133 = arith.constant 0 : i32
        %dma_start3A_134 = tpu.memref_slice %arg4[%multiple_of3A_124, %dma_start3A_133] : memref<500000x128xf32, #tpu.memory_space<hbm>> -> memref<64x128xf32, #tpu.memory_space<hbm>>
        %dma_start3A_135 = arith.constant 0 : i32
        %dma_start3A_136 = arith.constant 0 : i32
        %dma_start3A_137 = tpu.memref_slice %arg6[%rem3A_64, %dma_start3A_135, %dma_start3A_136] : memref<2x64x128xf32, #tpu.memory_space<vmem>> -> memref<1x64x128xf32, #tpu.memory_space<vmem>>
        %dma_start3A_138 = tpu.memref_squeeze %dma_start3A_137 : memref<1x64x128xf32, #tpu.memory_space<vmem>> -> memref<64x128xf32, #tpu.memory_space<vmem>>
        tpu.enqueue_dma source(%dma_start3A_138 : memref<64x128xf32, #tpu.memory_space<vmem>>) target(%dma_start3A_134 : memref<64x128xf32, #tpu.memory_space<hbm>>) target_semaphore(%dma_start3A_132 : memref<!tpu.dma_semaphore, #tpu.memory_space<semaphore_mem>>)
      } else {
      }
    }
    %scan3A_45 = arith.constant 245 : i32
    %add3A_46 = arith.constant 7776 : i32
    %add3A_47 = arith.addi %add3A_46, %add3A : i32
    %lt3A = arith.constant 7812 : i32
    %lt3A_48 = arith.cmpi slt, %add3A_47, %lt3A : i32
    %convert_element_type3A = arith.extui %lt3A_48 : i1 to i32
    %cond3A = arith.constant 0 : i32
    %cond3A_49 = arith.cmpi ne, %convert_element_type3A, %cond3A : i32
    scf.if %cond3A_49 {
      %add3A_61 = arith.constant 7776 : i32
      %add3A_62 = arith.addi %add3A_61, %add3A : i32
      %mul3A_63 = arith.constant 64 : i32
      %mul3A_64 = arith.muli %add3A_62, %mul3A_63 : i32
      %multiple_of3A_65 = tpu.assume_multiple %mul3A_64, 64 : i32
      %dma_wait3A = arith.constant 1 : i32
      %dma_wait3A_66 = arith.constant 1 : i32
      %dma_wait3A_67 = arith.constant 0 : i32
      %dma_wait3A_68 = arith.constant 0 : i32
      %dma_wait3A_69 = tpu.memref_slice %arg6[%dma_wait3A, %dma_wait3A_67, %dma_wait3A_68] : memref<2x64x128xf32, #tpu.memory_space<vmem>> -> memref<1x64x128xf32, #tpu.memory_space<vmem>>
      %dma_wait3A_70 = tpu.memref_squeeze %dma_wait3A_69 : memref<1x64x128xf32, #tpu.memory_space<vmem>> -> memref<64x128xf32, #tpu.memory_space<vmem>>
      %dma_wait3A_71 = arith.constant 0 : i32
      %dma_wait3A_72 = tpu.memref_slice %arg4[%multiple_of3A_65, %dma_wait3A_71] : memref<500000x128xf32, #tpu.memory_space<hbm>> -> memref<64x128xf32, #tpu.memory_space<hbm>>
      %dma_wait3A_73 = tpu.memref_slice %arg10[%dma_wait3A_66] : memref<2x!tpu.dma_semaphore, #tpu.memory_space<semaphore_mem>> -> memref<1x!tpu.dma_semaphore, #tpu.memory_space<semaphore_mem>>
      %dma_wait3A_74 = tpu.memref_squeeze %dma_wait3A_73 : memref<1x!tpu.dma_semaphore, #tpu.memory_space<semaphore_mem>> -> memref<!tpu.dma_semaphore, #tpu.memory_space<semaphore_mem>>
      %dma_wait3A_75 = arith.constant 0 : i32
      %dma_wait3A_76 = tpu.memref_slice %arg4[%multiple_of3A_65, %dma_wait3A_75] : memref<500000x128xf32, #tpu.memory_space<hbm>> -> memref<64x128xf32, #tpu.memory_space<hbm>>
      %dma_wait3A_77 = arith.constant 0 : i32
      %dma_wait3A_78 = arith.constant 0 : i32
      %dma_wait3A_79 = tpu.memref_slice %arg6[%dma_wait3A, %dma_wait3A_77, %dma_wait3A_78] : memref<2x64x128xf32, #tpu.memory_space<vmem>> -> memref<1x64x128xf32, #tpu.memory_space<vmem>>
      %dma_wait3A_80 = tpu.memref_squeeze %dma_wait3A_79 : memref<1x64x128xf32, #tpu.memory_space<vmem>> -> memref<64x128xf32, #tpu.memory_space<vmem>>
      tpu.wait_dma2 semaphore(%dma_wait3A_74 : memref<!tpu.dma_semaphore, #tpu.memory_space<semaphore_mem>>) src(%dma_wait3A_80 : memref<64x128xf32, #tpu.memory_space<vmem>>) dst(%dma_wait3A_76 : memref<64x128xf32, #tpu.memory_space<hbm>>)
    } else {
    }
    %add3A_50 = arith.constant 7808 : i32
    %add3A_51 = arith.addi %add3A_50, %add3A : i32
    %lt3A_52 = arith.constant 7812 : i32
    %lt3A_53 = arith.cmpi slt, %add3A_51, %lt3A_52 : i32
    %convert_element_type3A_54 = arith.extui %lt3A_53 : i1 to i32
    %cond3A_55 = arith.constant 0 : i32
    %cond3A_56 = arith.cmpi ne, %convert_element_type3A_54, %cond3A_55 : i32
    scf.if %cond3A_56 {
      %add3A_61 = arith.constant 7808 : i32
      %add3A_62 = arith.addi %add3A_61, %add3A : i32
      %mul3A_63 = arith.constant 64 : i32
      %mul3A_64 = arith.muli %add3A_62, %mul3A_63 : i32
      %multiple_of3A_65 = tpu.assume_multiple %mul3A_64, 64 : i32
      %dma_wait3A = arith.constant 0 : i32
      %dma_wait3A_66 = arith.constant 0 : i32
      %dma_wait3A_67 = arith.constant 0 : i32
      %dma_wait3A_68 = arith.constant 0 : i32
      %dma_wait3A_69 = tpu.memref_slice %arg6[%dma_wait3A, %dma_wait3A_67, %dma_wait3A_68] : memref<2x64x128xf32, #tpu.memory_space<vmem>> -> memref<1x64x128xf32, #tpu.memory_space<vmem>>
      %dma_wait3A_70 = tpu.memref_squeeze %dma_wait3A_69 : memref<1x64x128xf32, #tpu.memory_space<vmem>> -> memref<64x128xf32, #tpu.memory_space<vmem>>
      %dma_wait3A_71 = arith.constant 0 : i32
      %dma_wait3A_72 = tpu.memref_slice %arg4[%multiple_of3A_65, %dma_wait3A_71] : memref<500000x128xf32, #tpu.memory_space<hbm>> -> memref<64x128xf32, #tpu.memory_space<hbm>>
      %dma_wait3A_73 = tpu.memref_slice %arg10[%dma_wait3A_66] : memref<2x!tpu.dma_semaphore, #tpu.memory_space<semaphore_mem>> -> memref<1x!tpu.dma_semaphore, #tpu.memory_space<semaphore_mem>>
      %dma_wait3A_74 = tpu.memref_squeeze %dma_wait3A_73 : memref<1x!tpu.dma_semaphore, #tpu.memory_space<semaphore_mem>> -> memref<!tpu.dma_semaphore, #tpu.memory_space<semaphore_mem>>
      %dma_wait3A_75 = arith.constant 0 : i32
      %dma_wait3A_76 = tpu.memref_slice %arg4[%multiple_of3A_65, %dma_wait3A_75] : memref<500000x128xf32, #tpu.memory_space<hbm>> -> memref<64x128xf32, #tpu.memory_space<hbm>>
      %dma_wait3A_77 = arith.constant 0 : i32
      %dma_wait3A_78 = arith.constant 0 : i32
      %dma_wait3A_79 = tpu.memref_slice %arg6[%dma_wait3A, %dma_wait3A_77, %dma_wait3A_78] : memref<2x64x128xf32, #tpu.memory_space<vmem>> -> memref<1x64x128xf32, #tpu.memory_space<vmem>>
      %dma_wait3A_80 = tpu.memref_squeeze %dma_wait3A_79 : memref<1x64x128xf32, #tpu.memory_space<vmem>> -> memref<64x128xf32, #tpu.memory_space<vmem>>
      tpu.wait_dma2 semaphore(%dma_wait3A_74 : memref<!tpu.dma_semaphore, #tpu.memory_space<semaphore_mem>>) src(%dma_wait3A_80 : memref<64x128xf32, #tpu.memory_space<vmem>>) dst(%dma_wait3A_76 : memref<64x128xf32, #tpu.memory_space<hbm>>)
    } else {
    }
    %eq3A = arith.constant 0 : i32
    %eq3A_57 = arith.cmpi eq, %add3A, %eq3A : i32
    %convert_element_type3A_58 = arith.extui %eq3A_57 : i1 to i32
    %cond3A_59 = arith.constant 0 : i32
    %cond3A_60 = arith.cmpi ne, %convert_element_type3A_58, %cond3A_59 : i32
    scf.if %cond3A_60 {
      "tpu.region"() ({
        %run_scoped3A = tpu.sem_alloc : memref<!tpu.dma_semaphore, #tpu.memory_space<semaphore_mem>>
        tpu.enqueue_dma source(%arg3 : memref<64x64xf32, #tpu.memory_space<hbm>>) target(%arg7 : memref<64x64xf32, #tpu.memory_space<vmem>>) target_semaphore(%run_scoped3A : memref<!tpu.dma_semaphore, #tpu.memory_space<semaphore_mem>>)
        tpu.wait_dma2 semaphore(%run_scoped3A : memref<!tpu.dma_semaphore, #tpu.memory_space<semaphore_mem>>) src(%arg3 : memref<64x64xf32, #tpu.memory_space<hbm>>) dst(%arg7 : memref<64x64xf32, #tpu.memory_space<vmem>>)
        tpu.yield
      }) : () -> ()
      %and3A = arith.constant 1 : i32
      %and3A_61 = vector.broadcast %and3A : i32 to vector<16xi32>
      %and3A_62 = arith.andi %iota3A, %and3A_61 : vector<16xi32>
      %mul3A_63 = arith.constant 64 : i32
      %mul3A_64 = vector.broadcast %mul3A_63 : i32 to vector<16xi32>
      %mul3A_65 = arith.muli %and3A_62, %mul3A_64 : vector<16xi32>
      %shift_right_logical3A = arith.constant 1 : i32
      %shift_right_logical3A_66 = vector.broadcast %shift_right_logical3A : i32 to vector<16xi32>
      %shift_right_logical3A_67 = arith.shrui %iota3A, %shift_right_logical3A_66 : vector<16xi32>
      %scan3A_68 = arith.constant 0 : i32
      %scan3A_69 = arith.constant 0 : i32
      %scan3A_70 = arith.constant 16 : i32
      %scan3A_71 = arith.addi %scan3A_69, %scan3A_70 : i32
      %scan3A_72 = arith.constant 1 : i32
      scf.for %scan3A_74 = %scan3A_69 to %scan3A_71 step %scan3A_72  : i32 {
        %add3A_75 = vector.broadcast %scan3A_74 : i32 to vector<16xi32>
        %add3A_76 = arith.addi %iota3A, %add3A_75 : vector<16xi32>
        %and3A_77 = arith.constant 15 : i32
        %and3A_78 = vector.broadcast %and3A_77 : i32 to vector<16xi32>
        %and3A_79 = arith.andi %add3A_76, %and3A_78 : vector<16xi32>
        %add3A_80 = arith.constant 0 : i32
        %add3A_81 = vector.broadcast %add3A_80 : i32 to vector<16xi32>
        %add3A_82 = arith.addi %and3A_79, %add3A_81 : vector<16xi32>
        %add3A_83 = arith.constant 16 : i32
        %add3A_84 = vector.broadcast %add3A_83 : i32 to vector<16xi32>
        %add3A_85 = arith.addi %and3A_79, %add3A_84 : vector<16xi32>
        %add3A_86 = arith.constant 32 : i32
        %add3A_87 = vector.broadcast %add3A_86 : i32 to vector<16xi32>
        %add3A_88 = arith.addi %and3A_79, %add3A_87 : vector<16xi32>
        %add3A_89 = arith.constant 48 : i32
        %add3A_90 = vector.broadcast %add3A_89 : i32 to vector<16xi32>
        %add3A_91 = arith.addi %and3A_79, %add3A_90 : vector<16xi32>
        %add3A_92 = arith.addi %mul3A_65, %add3A_82 : vector<16xi32>
        %add3A_93 = arith.addi %mul3A_65, %add3A_85 : vector<16xi32>
        %add3A_94 = arith.addi %mul3A_65, %add3A_88 : vector<16xi32>
        %add3A_95 = arith.addi %mul3A_65, %add3A_91 : vector<16xi32>
        %add3A_96 = arith.constant 0 : i32
        %add3A_97 = vector.broadcast %add3A_96 : i32 to vector<16xi32>
        %add3A_98 = arith.addi %iota3A, %add3A_97 : vector<16xi32>
        %add3A_99 = arith.constant 0 : i32
        %add3A_100 = vector.broadcast %add3A_99 : i32 to vector<16xi32>
        %add3A_101 = arith.addi %shift_right_logical3A_67, %add3A_100 : vector<16xi32>
        %gather3A = tpu.vector_load_idx %arg7[%add3A_82, %add3A_98] : memref<64x64xf32, #tpu.memory_space<vmem>>[vector<16xi32>, vector<16xi32>], vector<16xf32>,
        tpu.vector_store_idx %arg8[%add3A_101, %add3A_92], %gather3A : memref<32x128xf32, #tpu.memory_space<vmem>>[vector<16xi32>, vector<16xi32>], vector<16xf32>,
        %gather3A_102 = tpu.vector_load_idx %arg7[%add3A_85, %add3A_98] : memref<64x64xf32, #tpu.memory_space<vmem>>[vector<16xi32>, vector<16xi32>], vector<16xf32>,
        tpu.vector_store_idx %arg8[%add3A_101, %add3A_93], %gather3A_102 : memref<32x128xf32, #tpu.memory_space<vmem>>[vector<16xi32>, vector<16xi32>], vector<16xf32>,
        %gather3A_103 = tpu.vector_load_idx %arg7[%add3A_88, %add3A_98] : memref<64x64xf32, #tpu.memory_space<vmem>>[vector<16xi32>, vector<16xi32>], vector<16xf32>,
        tpu.vector_store_idx %arg8[%add3A_101, %add3A_94], %gather3A_103 : memref<32x128xf32, #tpu.memory_space<vmem>>[vector<16xi32>, vector<16xi32>], vector<16xf32>,
        %gather3A_104 = tpu.vector_load_idx %arg7[%add3A_91, %add3A_98] : memref<64x64xf32, #tpu.memory_space<vmem>>[vector<16xi32>, vector<16xi32>], vector<16xf32>,
        tpu.vector_store_idx %arg8[%add3A_101, %add3A_95], %gather3A_104 : memref<32x128xf32, #tpu.memory_space<vmem>>[vector<16xi32>, vector<16xi32>], vector<16xf32>,
        %add3A_105 = arith.constant 16 : i32
        %add3A_106 = vector.broadcast %add3A_105 : i32 to vector<16xi32>
        %add3A_107 = arith.addi %iota3A, %add3A_106 : vector<16xi32>
        %add3A_108 = arith.constant 8 : i32
        %add3A_109 = vector.broadcast %add3A_108 : i32 to vector<16xi32>
        %add3A_110 = arith.addi %shift_right_logical3A_67, %add3A_109 : vector<16xi32>
        %gather3A_111 = tpu.vector_load_idx %arg7[%add3A_82, %add3A_107] : memref<64x64xf32, #tpu.memory_space<vmem>>[vector<16xi32>, vector<16xi32>], vector<16xf32>,
        tpu.vector_store_idx %arg8[%add3A_110, %add3A_92], %gather3A_111 : memref<32x128xf32, #tpu.memory_space<vmem>>[vector<16xi32>, vector<16xi32>], vector<16xf32>,
        %gather3A_112 = tpu.vector_load_idx %arg7[%add3A_85, %add3A_107] : memref<64x64xf32, #tpu.memory_space<vmem>>[vector<16xi32>, vector<16xi32>], vector<16xf32>,
        tpu.vector_store_idx %arg8[%add3A_110, %add3A_93], %gather3A_112 : memref<32x128xf32, #tpu.memory_space<vmem>>[vector<16xi32>, vector<16xi32>], vector<16xf32>,
        %gather3A_113 = tpu.vector_load_idx %arg7[%add3A_88, %add3A_107] : memref<64x64xf32, #tpu.memory_space<vmem>>[vector<16xi32>, vector<16xi32>], vector<16xf32>,
        tpu.vector_store_idx %arg8[%add3A_110, %add3A_94], %gather3A_113 : memref<32x128xf32, #tpu.memory_space<vmem>>[vector<16xi32>, vector<16xi32>], vector<16xf32>,
        %gather3A_114 = tpu.vector_load_idx %arg7[%add3A_91, %add3A_107] : memref<64x64xf32, #tpu.memory_space<vmem>>[vector<16xi32>, vector<16xi32>], vector<16xf32>,
        tpu.vector_store_idx %arg8[%add3A_110, %add3A_95], %gather3A_114 : memref<32x128xf32, #tpu.memory_space<vmem>>[vector<16xi32>, vector<16xi32>], vector<16xf32>,
        %add3A_115 = arith.constant 32 : i32
        %add3A_116 = vector.broadcast %add3A_115 : i32 to vector<16xi32>
        %add3A_117 = arith.addi %iota3A, %add3A_116 : vector<16xi32>
        %add3A_118 = arith.constant 16 : i32
        %add3A_119 = vector.broadcast %add3A_118 : i32 to vector<16xi32>
        %add3A_120 = arith.addi %shift_right_logical3A_67, %add3A_119 : vector<16xi32>
        %gather3A_121 = tpu.vector_load_idx %arg7[%add3A_82, %add3A_117] : memref<64x64xf32, #tpu.memory_space<vmem>>[vector<16xi32>, vector<16xi32>], vector<16xf32>,
        tpu.vector_store_idx %arg8[%add3A_120, %add3A_92], %gather3A_121 : memref<32x128xf32, #tpu.memory_space<vmem>>[vector<16xi32>, vector<16xi32>], vector<16xf32>,
        %gather3A_122 = tpu.vector_load_idx %arg7[%add3A_85, %add3A_117] : memref<64x64xf32, #tpu.memory_space<vmem>>[vector<16xi32>, vector<16xi32>], vector<16xf32>,
        tpu.vector_store_idx %arg8[%add3A_120, %add3A_93], %gather3A_122 : memref<32x128xf32, #tpu.memory_space<vmem>>[vector<16xi32>, vector<16xi32>], vector<16xf32>,
        %gather3A_123 = tpu.vector_load_idx %arg7[%add3A_88, %add3A_117] : memref<64x64xf32, #tpu.memory_space<vmem>>[vector<16xi32>, vector<16xi32>], vector<16xf32>,
        tpu.vector_store_idx %arg8[%add3A_120, %add3A_94], %gather3A_123 : memref<32x128xf32, #tpu.memory_space<vmem>>[vector<16xi32>, vector<16xi32>], vector<16xf32>,
        %gather3A_124 = tpu.vector_load_idx %arg7[%add3A_91, %add3A_117] : memref<64x64xf32, #tpu.memory_space<vmem>>[vector<16xi32>, vector<16xi32>], vector<16xf32>,
        tpu.vector_store_idx %arg8[%add3A_120, %add3A_95], %gather3A_124 : memref<32x128xf32, #tpu.memory_space<vmem>>[vector<16xi32>, vector<16xi32>], vector<16xf32>,
        %add3A_125 = arith.constant 48 : i32
        %add3A_126 = vector.broadcast %add3A_125 : i32 to vector<16xi32>
        %add3A_127 = arith.addi %iota3A, %add3A_126 : vector<16xi32>
        %add3A_128 = arith.constant 24 : i32
        %add3A_129 = vector.broadcast %add3A_128 : i32 to vector<16xi32>
        %add3A_130 = arith.addi %shift_right_logical3A_67, %add3A_129 : vector<16xi32>
        %gather3A_131 = tpu.vector_load_idx %arg7[%add3A_82, %add3A_127] : memref<64x64xf32, #tpu.memory_space<vmem>>[vector<16xi32>, vector<16xi32>], vector<16xf32>,
        tpu.vector_store_idx %arg8[%add3A_130, %add3A_92], %gather3A_131 : memref<32x128xf32, #tpu.memory_space<vmem>>[vector<16xi32>, vector<16xi32>], vector<16xf32>,
        %gather3A_132 = tpu.vector_load_idx %arg7[%add3A_85, %add3A_127] : memref<64x64xf32, #tpu.memory_space<vmem>>[vector<16xi32>, vector<16xi32>], vector<16xf32>,
        tpu.vector_store_idx %arg8[%add3A_130, %add3A_93], %gather3A_132 : memref<32x128xf32, #tpu.memory_space<vmem>>[vector<16xi32>, vector<16xi32>], vector<16xf32>,
        %gather3A_133 = tpu.vector_load_idx %arg7[%add3A_88, %add3A_127] : memref<64x64xf32, #tpu.memory_space<vmem>>[vector<16xi32>, vector<16xi32>], vector<16xf32>,
        tpu.vector_store_idx %arg8[%add3A_130, %add3A_94], %gather3A_133 : memref<32x128xf32, #tpu.memory_space<vmem>>[vector<16xi32>, vector<16xi32>], vector<16xf32>,
        %gather3A_134 = tpu.vector_load_idx %arg7[%add3A_91, %add3A_127] : memref<64x64xf32, #tpu.memory_space<vmem>>[vector<16xi32>, vector<16xi32>], vector<16xf32>,
        tpu.vector_store_idx %arg8[%add3A_130, %add3A_95], %gather3A_134 : memref<32x128xf32, #tpu.memory_space<vmem>>[vector<16xi32>, vector<16xi32>], vector<16xf32>,
      }
      %scan3A_73 = arith.constant 16 : i32
      "tpu.region"() ({
        %run_scoped3A = tpu.sem_alloc : memref<!tpu.dma_semaphore, #tpu.memory_space<semaphore_mem>>
        %dma_start3A_74 = arith.constant 499968 : i32
        %dma_start3A_75 = arith.constant 0 : i32
        %dma_start3A_76 = tpu.memref_slice %arg4[%dma_start3A_74, %dma_start3A_75] : memref<500000x128xf32, #tpu.memory_space<hbm>> -> memref<32x128xf32, #tpu.memory_space<hbm>>
        %dma_start3A_77 = arith.constant 499968 : i32
        %dma_start3A_78 = arith.constant 0 : i32
        %dma_start3A_79 = tpu.memref_slice %arg4[%dma_start3A_77, %dma_start3A_78] : memref<500000x128xf32, #tpu.memory_space<hbm>> -> memref<32x128xf32, #tpu.memory_space<hbm>>
        tpu.enqueue_dma source(%arg8 : memref<32x128xf32, #tpu.memory_space<vmem>>) target(%dma_start3A_79 : memref<32x128xf32, #tpu.memory_space<hbm>>) target_semaphore(%run_scoped3A : memref<!tpu.dma_semaphore, #tpu.memory_space<semaphore_mem>>)
        %dma_wait3A = arith.constant 499968 : i32
        %dma_wait3A_80 = arith.constant 0 : i32
        %dma_wait3A_81 = tpu.memref_slice %arg4[%dma_wait3A, %dma_wait3A_80] : memref<500000x128xf32, #tpu.memory_space<hbm>> -> memref<32x128xf32, #tpu.memory_space<hbm>>
        %dma_wait3A_82 = arith.constant 499968 : i32
        %dma_wait3A_83 = arith.constant 0 : i32
        %dma_wait3A_84 = tpu.memref_slice %arg4[%dma_wait3A_82, %dma_wait3A_83] : memref<500000x128xf32, #tpu.memory_space<hbm>> -> memref<32x128xf32, #tpu.memory_space<hbm>>
        tpu.wait_dma2 semaphore(%run_scoped3A : memref<!tpu.dma_semaphore, #tpu.memory_space<semaphore_mem>>) src(%arg8 : memref<32x128xf32, #tpu.memory_space<vmem>>) dst(%dma_wait3A_84 : memref<32x128xf32, #tpu.memory_space<hbm>>)
        tpu.yield
      }) : () -> ()
    } else {
    }
    return
  }
}

#map = affine_map<(d0, d1) -> (0)>
#map1 = affine_map<(d0, d1) -> (0, 0)>
#map2 = affine_map<(d0, d1) -> (0, 0, 0)>
module attributes {stable_mosaic.version = 14 : i64} {
  func.func @_emb(%arg0: i32, %arg1: i32, %arg2: memref<819200xi32, #tpu.memory_space<hbm>>, %arg3: memref<500000x128xf32, #tpu.memory_space<hbm>>, %arg4: memref<50x64x16384xf32, #tpu.memory_space<hbm>>, %arg5: memref<4x128xi32, #tpu.memory_space<vmem>>, %arg6: memref<4x128xi32, #tpu.memory_space<vmem>>, %arg7: memref<4x128xi32, #tpu.memory_space<vmem>>, %arg8: memref<4x128x128xf32, #tpu.memory_space<vmem>>, %arg9: memref<2x64x128xf32, #tpu.memory_space<vmem>>, %arg10: memref<4x!tpu.dma_semaphore, #tpu.memory_space<semaphore_mem>>, %arg11: memref<4x!tpu.dma_semaphore, #tpu.memory_space<semaphore_mem>>, %arg12: memref<2x!tpu.dma_semaphore, #tpu.memory_space<semaphore_mem>>) attributes {dimension_semantics = [#tpu.dimension_semantics<core_parallel>, #tpu.dimension_semantics<subcore_parallel>], iteration_bounds = array<i64: 2, 16>, scalar_prefetch = 0 : i64, scratch_operands = 8 : i64, tpu.core_type = #tpu.core_type<sc_vector_subcore>, window_params = [{transform_indices = #map}, {transform_indices = #map1}, {transform_indices = #map2}]} {
    %mul3A = arith.constant 2 : i32
    %mul3A_0 = arith.muli %arg1, %mul3A : i32
    %add3A = arith.addi %mul3A_0, %arg0 : i32
    %mul3A_1 = arith.constant 4 : i32
    %mul3A_2 = arith.muli %add3A, %mul3A_1 : i32
    %add3A_3 = arith.constant 0 : i32
    %add3A_4 = arith.addi %mul3A_2, %add3A_3 : i32
    %mul3A_5 = arith.constant 128 : i32
    %mul3A_6 = arith.muli %add3A_4, %mul3A_5 : i32
    %add3A_7 = arith.constant 0 : i32
    %add3A_8 = arith.addi %add3A_7, %mul3A_6 : i32
    %multiple_of3A = tpu.assume_multiple %add3A_8, 128 : i32
    %dma_start3A = arith.constant 0 : i32
    %dma_start3A_9 = arith.constant 0 : i32
    %dma_start3A_10 = arith.constant 0 : i32
    %dma_start3A_11 = tpu.memref_slice %arg5[%dma_start3A, %dma_start3A_10] : memref<4x128xi32, #tpu.memory_space<vmem>> -> memref<1x128xi32, #tpu.memory_space<vmem>>
    %dma_start3A_12 = tpu.memref_squeeze %dma_start3A_11 : memref<1x128xi32, #tpu.memory_space<vmem>> -> memref<128xi32, #tpu.memory_space<vmem>>
    %dma_start3A_13 = tpu.memref_slice %arg2[%multiple_of3A] : memref<819200xi32, #tpu.memory_space<hbm>> -> memref<128xi32, #tpu.memory_space<hbm>>
    %dma_start3A_14 = tpu.memref_slice %arg11[%dma_start3A_9] : memref<4x!tpu.dma_semaphore, #tpu.memory_space<semaphore_mem>> -> memref<1x!tpu.dma_semaphore, #tpu.memory_space<semaphore_mem>>
    %dma_start3A_15 = tpu.memref_squeeze %dma_start3A_14 : memref<1x!tpu.dma_semaphore, #tpu.memory_space<semaphore_mem>> -> memref<!tpu.dma_semaphore, #tpu.memory_space<semaphore_mem>>
    %dma_start3A_16 = arith.constant 0 : i32
    %dma_start3A_17 = tpu.memref_slice %arg5[%dma_start3A, %dma_start3A_16] : memref<4x128xi32, #tpu.memory_space<vmem>> -> memref<1x128xi32, #tpu.memory_space<vmem>>
    %dma_start3A_18 = tpu.memref_squeeze %dma_start3A_17 : memref<1x128xi32, #tpu.memory_space<vmem>> -> memref<128xi32, #tpu.memory_space<vmem>>
    %dma_start3A_19 = tpu.memref_slice %arg2[%multiple_of3A] : memref<819200xi32, #tpu.memory_space<hbm>> -> memref<128xi32, #tpu.memory_space<hbm>>
    tpu.enqueue_dma source(%dma_start3A_19 : memref<128xi32, #tpu.memory_space<hbm>>) target(%dma_start3A_18 : memref<128xi32, #tpu.memory_space<vmem>>) target_semaphore(%dma_start3A_15 : memref<!tpu.dma_semaphore, #tpu.memory_space<semaphore_mem>>)
    %add3A_20 = arith.constant 0 : i32
    %add3A_21 = arith.addi %mul3A_2, %add3A_20 : i32
    %mul3A_22 = arith.constant 128 : i32
    %mul3A_23 = arith.muli %add3A_21, %mul3A_22 : i32
    %add3A_24 = arith.constant 16384 : i32
    %add3A_25 = arith.addi %add3A_24, %mul3A_23 : i32
    %multiple_of3A_26 = tpu.assume_multiple %add3A_25, 128 : i32
    %dma_start3A_27 = arith.constant 1 : i32
    %dma_start3A_28 = arith.constant 1 : i32
    %dma_start3A_29 = arith.constant 0 : i32
    %dma_start3A_30 = tpu.memref_slice %arg5[%dma_start3A_27, %dma_start3A_29] : memref<4x128xi32, #tpu.memory_space<vmem>> -> memref<1x128xi32, #tpu.memory_space<vmem>>
    %dma_start3A_31 = tpu.memref_squeeze %dma_start3A_30 : memref<1x128xi32, #tpu.memory_space<vmem>> -> memref<128xi32, #tpu.memory_space<vmem>>
    %dma_start3A_32 = tpu.memref_slice %arg2[%multiple_of3A_26] : memref<819200xi32, #tpu.memory_space<hbm>> -> memref<128xi32, #tpu.memory_space<hbm>>
    %dma_start3A_33 = tpu.memref_slice %arg11[%dma_start3A_28] : memref<4x!tpu.dma_semaphore, #tpu.memory_space<semaphore_mem>> -> memref<1x!tpu.dma_semaphore, #tpu.memory_space<semaphore_mem>>
    %dma_start3A_34 = tpu.memref_squeeze %dma_start3A_33 : memref<1x!tpu.dma_semaphore, #tpu.memory_space<semaphore_mem>> -> memref<!tpu.dma_semaphore, #tpu.memory_space<semaphore_mem>>
    %dma_start3A_35 = arith.constant 0 : i32
    %dma_start3A_36 = tpu.memref_slice %arg5[%dma_start3A_27, %dma_start3A_35] : memref<4x128xi32, #tpu.memory_space<vmem>> -> memref<1x128xi32, #tpu.memory_space<vmem>>
    %dma_start3A_37 = tpu.memref_squeeze %dma_start3A_36 : memref<1x128xi32, #tpu.memory_space<vmem>> -> memref<128xi32, #tpu.memory_space<vmem>>
    %dma_start3A_38 = tpu.memref_slice %arg2[%multiple_of3A_26] : memref<819200xi32, #tpu.memory_space<hbm>> -> memref<128xi32, #tpu.memory_space<hbm>>
    tpu.enqueue_dma source(%dma_start3A_38 : memref<128xi32, #tpu.memory_space<hbm>>) target(%dma_start3A_37 : memref<128xi32, #tpu.memory_space<vmem>>) target_semaphore(%dma_start3A_34 : memref<!tpu.dma_semaphore, #tpu.memory_space<semaphore_mem>>)
    %add3A_39 = arith.constant 0 : i32
    %add3A_40 = arith.addi %mul3A_2, %add3A_39 : i32
    %mul3A_41 = arith.constant 128 : i32
    %mul3A_42 = arith.muli %add3A_40, %mul3A_41 : i32
    %add3A_43 = arith.constant 32768 : i32
    %add3A_44 = arith.addi %add3A_43, %mul3A_42 : i32
    %multiple_of3A_45 = tpu.assume_multiple %add3A_44, 128 : i32
    %dma_start3A_46 = arith.constant 2 : i32
    %dma_start3A_47 = arith.constant 2 : i32
    %dma_start3A_48 = arith.constant 0 : i32
    %dma_start3A_49 = tpu.memref_slice %arg5[%dma_start3A_46, %dma_start3A_48] : memref<4x128xi32, #tpu.memory_space<vmem>> -> memref<1x128xi32, #tpu.memory_space<vmem>>
    %dma_start3A_50 = tpu.memref_squeeze %dma_start3A_49 : memref<1x128xi32, #tpu.memory_space<vmem>> -> memref<128xi32, #tpu.memory_space<vmem>>
    %dma_start3A_51 = tpu.memref_slice %arg2[%multiple_of3A_45] : memref<819200xi32, #tpu.memory_space<hbm>> -> memref<128xi32, #tpu.memory_space<hbm>>
    %dma_start3A_52 = tpu.memref_slice %arg11[%dma_start3A_47] : memref<4x!tpu.dma_semaphore, #tpu.memory_space<semaphore_mem>> -> memref<1x!tpu.dma_semaphore, #tpu.memory_space<semaphore_mem>>
    %dma_start3A_53 = tpu.memref_squeeze %dma_start3A_52 : memref<1x!tpu.dma_semaphore, #tpu.memory_space<semaphore_mem>> -> memref<!tpu.dma_semaphore, #tpu.memory_space<semaphore_mem>>
    %dma_start3A_54 = arith.constant 0 : i32
    %dma_start3A_55 = tpu.memref_slice %arg5[%dma_start3A_46, %dma_start3A_54] : memref<4x128xi32, #tpu.memory_space<vmem>> -> memref<1x128xi32, #tpu.memory_space<vmem>>
    %dma_start3A_56 = tpu.memref_squeeze %dma_start3A_55 : memref<1x128xi32, #tpu.memory_space<vmem>> -> memref<128xi32, #tpu.memory_space<vmem>>
    %dma_start3A_57 = tpu.memref_slice %arg2[%multiple_of3A_45] : memref<819200xi32, #tpu.memory_space<hbm>> -> memref<128xi32, #tpu.memory_space<hbm>>
    tpu.enqueue_dma source(%dma_start3A_57 : memref<128xi32, #tpu.memory_space<hbm>>) target(%dma_start3A_56 : memref<128xi32, #tpu.memory_space<vmem>>) target_semaphore(%dma_start3A_53 : memref<!tpu.dma_semaphore, #tpu.memory_space<semaphore_mem>>)
    %add3A_58 = arith.constant 0 : i32
    %add3A_59 = arith.addi %mul3A_2, %add3A_58 : i32
    %mul3A_60 = arith.constant 128 : i32
    %mul3A_61 = arith.muli %add3A_59, %mul3A_60 : i32
    %add3A_62 = arith.constant 0 : i32
    %add3A_63 = arith.addi %add3A_62, %mul3A_61 : i32
    %multiple_of3A_64 = tpu.assume_multiple %add3A_63, 128 : i32
    %dma_wait3A = arith.constant 0 : i32
    %dma_wait3A_65 = arith.constant 0 : i32
    %dma_wait3A_66 = arith.constant 0 : i32
    %dma_wait3A_67 = tpu.memref_slice %arg5[%dma_wait3A, %dma_wait3A_66] : memref<4x128xi32, #tpu.memory_space<vmem>> -> memref<1x128xi32, #tpu.memory_space<vmem>>
    %dma_wait3A_68 = tpu.memref_squeeze %dma_wait3A_67 : memref<1x128xi32, #tpu.memory_space<vmem>> -> memref<128xi32, #tpu.memory_space<vmem>>
    %dma_wait3A_69 = tpu.memref_slice %arg2[%multiple_of3A_64] : memref<819200xi32, #tpu.memory_space<hbm>> -> memref<128xi32, #tpu.memory_space<hbm>>
    %dma_wait3A_70 = tpu.memref_slice %arg11[%dma_wait3A_65] : memref<4x!tpu.dma_semaphore, #tpu.memory_space<semaphore_mem>> -> memref<1x!tpu.dma_semaphore, #tpu.memory_space<semaphore_mem>>
    %dma_wait3A_71 = tpu.memref_squeeze %dma_wait3A_70 : memref<1x!tpu.dma_semaphore, #tpu.memory_space<semaphore_mem>> -> memref<!tpu.dma_semaphore, #tpu.memory_space<semaphore_mem>>
    %dma_wait3A_72 = arith.constant 0 : i32
    %dma_wait3A_73 = tpu.memref_slice %arg5[%dma_wait3A, %dma_wait3A_72] : memref<4x128xi32, #tpu.memory_space<vmem>> -> memref<1x128xi32, #tpu.memory_space<vmem>>
    %dma_wait3A_74 = tpu.memref_squeeze %dma_wait3A_73 : memref<1x128xi32, #tpu.memory_space<vmem>> -> memref<128xi32, #tpu.memory_space<vmem>>
    %dma_wait3A_75 = tpu.memref_slice %arg2[%multiple_of3A_64] : memref<819200xi32, #tpu.memory_space<hbm>> -> memref<128xi32, #tpu.memory_space<hbm>>
    tpu.wait_dma2 semaphore(%dma_wait3A_71 : memref<!tpu.dma_semaphore, #tpu.memory_space<semaphore_mem>>) src(%dma_wait3A_75 : memref<128xi32, #tpu.memory_space<hbm>>) dst(%dma_wait3A_74 : memref<128xi32, #tpu.memory_space<vmem>>)
    %get3A = arith.constant 0 : i32
    %get3A_76 = arith.index_cast %get3A : i32 to index
    %get3A_77 = arith.constant 0 : index
    %get3A_78 = tpu.vector_load %arg5[%get3A_76, %get3A_77] {strides = array<i32>} : memref<4x128xi32, #tpu.memory_space<vmem>>, vector<16xi32>,
    %shift_right_logical3A = arith.constant 1 : i32
    %shift_right_logical3A_79 = vector.broadcast %shift_right_logical3A : i32 to vector<16xi32>
    %shift_right_logical3A_80 = arith.shrui %get3A_78, %shift_right_logical3A_79 : vector<16xi32>
    %swap3A = arith.constant 0 : i32
    %swap3A_81 = arith.index_cast %swap3A : i32 to index
    %swap3A_82 = arith.constant 0 : index
    %swap3A_83 = tpu.vector_load %arg6[%swap3A_81, %swap3A_82] {strides = array<i32>} : memref<4x128xi32, #tpu.memory_space<vmem>>, vector<16xi32>,
    tpu.vector_store %arg6[%swap3A_81, %swap3A_82], %shift_right_logical3A_80 {strides = array<i32>} : memref<4x128xi32, #tpu.memory_space<vmem>>, vector<16xi32>,
    %and3A = arith.constant 1 : i32
    %and3A_84 = vector.broadcast %and3A : i32 to vector<16xi32>
    %and3A_85 = arith.andi %get3A_78, %and3A_84 : vector<16xi32>
    %mul3A_86 = arith.constant 64 : i32
    %mul3A_87 = vector.broadcast %mul3A_86 : i32 to vector<16xi32>
    %mul3A_88 = arith.muli %and3A_85, %mul3A_87 : vector<16xi32>
    %swap3A_89 = arith.constant 0 : i32
    %swap3A_90 = arith.index_cast %swap3A_89 : i32 to index
    %swap3A_91 = arith.constant 0 : index
    %swap3A_92 = tpu.vector_load %arg7[%swap3A_90, %swap3A_91] {strides = array<i32>} : memref<4x128xi32, #tpu.memory_space<vmem>>, vector<16xi32>,
    tpu.vector_store %arg7[%swap3A_90, %swap3A_91], %mul3A_88 {strides = array<i32>} : memref<4x128xi32, #tpu.memory_space<vmem>>, vector<16xi32>,
    %get3A_93 = arith.constant 0 : i32
    %get3A_94 = arith.index_cast %get3A_93 : i32 to index
    %get3A_95 = arith.constant 16 : index
    %get3A_96 = tpu.vector_load %arg5[%get3A_94, %get3A_95] {strides = array<i32>} : memref<4x128xi32, #tpu.memory_space<vmem>>, vector<16xi32>,
    %shift_right_logical3A_97 = arith.constant 1 : i32
    %shift_right_logical3A_98 = vector.broadcast %shift_right_logical3A_97 : i32 to vector<16xi32>
    %shift_right_logical3A_99 = arith.shrui %get3A_96, %shift_right_logical3A_98 : vector<16xi32>
    %swap3A_100 = arith.constant 0 : i32
    %swap3A_101 = arith.index_cast %swap3A_100 : i32 to index
    %swap3A_102 = arith.constant 16 : index
    %swap3A_103 = tpu.vector_load %arg6[%swap3A_101, %swap3A_102] {strides = array<i32>} : memref<4x128xi32, #tpu.memory_space<vmem>>, vector<16xi32>,
    tpu.vector_store %arg6[%swap3A_101, %swap3A_102], %shift_right_logical3A_99 {strides = array<i32>} : memref<4x128xi32, #tpu.memory_space<vmem>>, vector<16xi32>,
    %and3A_104 = arith.constant 1 : i32
    %and3A_105 = vector.broadcast %and3A_104 : i32 to vector<16xi32>
    %and3A_106 = arith.andi %get3A_96, %and3A_105 : vector<16xi32>
    %mul3A_107 = arith.constant 64 : i32
    %mul3A_108 = vector.broadcast %mul3A_107 : i32 to vector<16xi32>
    %mul3A_109 = arith.muli %and3A_106, %mul3A_108 : vector<16xi32>
    %swap3A_110 = arith.constant 0 : i32
    %swap3A_111 = arith.index_cast %swap3A_110 : i32 to index
    %swap3A_112 = arith.constant 16 : index
    %swap3A_113 = tpu.vector_load %arg7[%swap3A_111, %swap3A_112] {strides = array<i32>} : memref<4x128xi32, #tpu.memory_space<vmem>>, vector<16xi32>,
    tpu.vector_store %arg7[%swap3A_111, %swap3A_112], %mul3A_109 {strides = array<i32>} : memref<4x128xi32, #tpu.memory_space<vmem>>, vector<16xi32>,
    %get3A_114 = arith.constant 0 : i32
    %get3A_115 = arith.index_cast %get3A_114 : i32 to index
    %get3A_116 = arith.constant 32 : index
    %get3A_117 = tpu.vector_load %arg5[%get3A_115, %get3A_116] {strides = array<i32>} : memref<4x128xi32, #tpu.memory_space<vmem>>, vector<16xi32>,
    %shift_right_logical3A_118 = arith.constant 1 : i32
    %shift_right_logical3A_119 = vector.broadcast %shift_right_logical3A_118 : i32 to vector<16xi32>
    %shift_right_logical3A_120 = arith.shrui %get3A_117, %shift_right_logical3A_119 : vector<16xi32>
    %swap3A_121 = arith.constant 0 : i32
    %swap3A_122 = arith.index_cast %swap3A_121 : i32 to index
    %swap3A_123 = arith.constant 32 : index
    %swap3A_124 = tpu.vector_load %arg6[%swap3A_122, %swap3A_123] {strides = array<i32>} : memref<4x128xi32, #tpu.memory_space<vmem>>, vector<16xi32>,
    tpu.vector_store %arg6[%swap3A_122, %swap3A_123], %shift_right_logical3A_120 {strides = array<i32>} : memref<4x128xi32, #tpu.memory_space<vmem>>, vector<16xi32>,
    %and3A_125 = arith.constant 1 : i32
    %and3A_126 = vector.broadcast %and3A_125 : i32 to vector<16xi32>
    %and3A_127 = arith.andi %get3A_117, %and3A_126 : vector<16xi32>
    %mul3A_128 = arith.constant 64 : i32
    %mul3A_129 = vector.broadcast %mul3A_128 : i32 to vector<16xi32>
    %mul3A_130 = arith.muli %and3A_127, %mul3A_129 : vector<16xi32>
    %swap3A_131 = arith.constant 0 : i32
    %swap3A_132 = arith.index_cast %swap3A_131 : i32 to index
    %swap3A_133 = arith.constant 32 : index
    %swap3A_134 = tpu.vector_load %arg7[%swap3A_132, %swap3A_133] {strides = array<i32>} : memref<4x128xi32, #tpu.memory_space<vmem>>, vector<16xi32>,
    tpu.vector_store %arg7[%swap3A_132, %swap3A_133], %mul3A_130 {strides = array<i32>} : memref<4x128xi32, #tpu.memory_space<vmem>>, vector<16xi32>,
    %get3A_135 = arith.constant 0 : i32
    %get3A_136 = arith.index_cast %get3A_135 : i32 to index
    %get3A_137 = arith.constant 48 : index
    %get3A_138 = tpu.vector_load %arg5[%get3A_136, %get3A_137] {strides = array<i32>} : memref<4x128xi32, #tpu.memory_space<vmem>>, vector<16xi32>,
    %shift_right_logical3A_139 = arith.constant 1 : i32
    %shift_right_logical3A_140 = vector.broadcast %shift_right_logical3A_139 : i32 to vector<16xi32>
    %shift_right_logical3A_141 = arith.shrui %get3A_138, %shift_right_logical3A_140 : vector<16xi32>
    %swap3A_142 = arith.constant 0 : i32
    %swap3A_143 = arith.index_cast %swap3A_142 : i32 to index
    %swap3A_144 = arith.constant 48 : index
    %swap3A_145 = tpu.vector_load %arg6[%swap3A_143, %swap3A_144] {strides = array<i32>} : memref<4x128xi32, #tpu.memory_space<vmem>>, vector<16xi32>,
    tpu.vector_store %arg6[%swap3A_143, %swap3A_144], %shift_right_logical3A_141 {strides = array<i32>} : memref<4x128xi32, #tpu.memory_space<vmem>>, vector<16xi32>,
    %and3A_146 = arith.constant 1 : i32
    %and3A_147 = vector.broadcast %and3A_146 : i32 to vector<16xi32>
    %and3A_148 = arith.andi %get3A_138, %and3A_147 : vector<16xi32>
    %mul3A_149 = arith.constant 64 : i32
    %mul3A_150 = vector.broadcast %mul3A_149 : i32 to vector<16xi32>
    %mul3A_151 = arith.muli %and3A_148, %mul3A_150 : vector<16xi32>
    %swap3A_152 = arith.constant 0 : i32
    %swap3A_153 = arith.index_cast %swap3A_152 : i32 to index
    %swap3A_154 = arith.constant 48 : index
    %swap3A_155 = tpu.vector_load %arg7[%swap3A_153, %swap3A_154] {strides = array<i32>} : memref<4x128xi32, #tpu.memory_space<vmem>>, vector<16xi32>,
    tpu.vector_store %arg7[%swap3A_153, %swap3A_154], %mul3A_151 {strides = array<i32>} : memref<4x128xi32, #tpu.memory_space<vmem>>, vector<16xi32>,
    %get3A_156 = arith.constant 0 : i32
    %get3A_157 = arith.index_cast %get3A_156 : i32 to index
    %get3A_158 = arith.constant 64 : index
    %get3A_159 = tpu.vector_load %arg5[%get3A_157, %get3A_158] {strides = array<i32>} : memref<4x128xi32, #tpu.memory_space<vmem>>, vector<16xi32>,
    %shift_right_logical3A_160 = arith.constant 1 : i32
    %shift_right_logical3A_161 = vector.broadcast %shift_right_logical3A_160 : i32 to vector<16xi32>
    %shift_right_logical3A_162 = arith.shrui %get3A_159, %shift_right_logical3A_161 : vector<16xi32>
    %swap3A_163 = arith.constant 0 : i32
    %swap3A_164 = arith.index_cast %swap3A_163 : i32 to index
    %swap3A_165 = arith.constant 64 : index
    %swap3A_166 = tpu.vector_load %arg6[%swap3A_164, %swap3A_165] {strides = array<i32>} : memref<4x128xi32, #tpu.memory_space<vmem>>, vector<16xi32>,
    tpu.vector_store %arg6[%swap3A_164, %swap3A_165], %shift_right_logical3A_162 {strides = array<i32>} : memref<4x128xi32, #tpu.memory_space<vmem>>, vector<16xi32>,
    %and3A_167 = arith.constant 1 : i32
    %and3A_168 = vector.broadcast %and3A_167 : i32 to vector<16xi32>
    %and3A_169 = arith.andi %get3A_159, %and3A_168 : vector<16xi32>
    %mul3A_170 = arith.constant 64 : i32
    %mul3A_171 = vector.broadcast %mul3A_170 : i32 to vector<16xi32>
    %mul3A_172 = arith.muli %and3A_169, %mul3A_171 : vector<16xi32>
    %swap3A_173 = arith.constant 0 : i32
    %swap3A_174 = arith.index_cast %swap3A_173 : i32 to index
    %swap3A_175 = arith.constant 64 : index
    %swap3A_176 = tpu.vector_load %arg7[%swap3A_174, %swap3A_175] {strides = array<i32>} : memref<4x128xi32, #tpu.memory_space<vmem>>, vector<16xi32>,
    tpu.vector_store %arg7[%swap3A_174, %swap3A_175], %mul3A_172 {strides = array<i32>} : memref<4x128xi32, #tpu.memory_space<vmem>>, vector<16xi32>,
    %get3A_177 = arith.constant 0 : i32
    %get3A_178 = arith.index_cast %get3A_177 : i32 to index
    %get3A_179 = arith.constant 80 : index
    %get3A_180 = tpu.vector_load %arg5[%get3A_178, %get3A_179] {strides = array<i32>} : memref<4x128xi32, #tpu.memory_space<vmem>>, vector<16xi32>,
    %shift_right_logical3A_181 = arith.constant 1 : i32
    %shift_right_logical3A_182 = vector.broadcast %shift_right_logical3A_181 : i32 to vector<16xi32>
    %shift_right_logical3A_183 = arith.shrui %get3A_180, %shift_right_logical3A_182 : vector<16xi32>
    %swap3A_184 = arith.constant 0 : i32
    %swap3A_185 = arith.index_cast %swap3A_184 : i32 to index
    %swap3A_186 = arith.constant 80 : index
    %swap3A_187 = tpu.vector_load %arg6[%swap3A_185, %swap3A_186] {strides = array<i32>} : memref<4x128xi32, #tpu.memory_space<vmem>>, vector<16xi32>,
    tpu.vector_store %arg6[%swap3A_185, %swap3A_186], %shift_right_logical3A_183 {strides = array<i32>} : memref<4x128xi32, #tpu.memory_space<vmem>>, vector<16xi32>,
    %and3A_188 = arith.constant 1 : i32
    %and3A_189 = vector.broadcast %and3A_188 : i32 to vector<16xi32>
    %and3A_190 = arith.andi %get3A_180, %and3A_189 : vector<16xi32>
    %mul3A_191 = arith.constant 64 : i32
    %mul3A_192 = vector.broadcast %mul3A_191 : i32 to vector<16xi32>
    %mul3A_193 = arith.muli %and3A_190, %mul3A_192 : vector<16xi32>
    %swap3A_194 = arith.constant 0 : i32
    %swap3A_195 = arith.index_cast %swap3A_194 : i32 to index
    %swap3A_196 = arith.constant 80 : index
    %swap3A_197 = tpu.vector_load %arg7[%swap3A_195, %swap3A_196] {strides = array<i32>} : memref<4x128xi32, #tpu.memory_space<vmem>>, vector<16xi32>,
    tpu.vector_store %arg7[%swap3A_195, %swap3A_196], %mul3A_193 {strides = array<i32>} : memref<4x128xi32, #tpu.memory_space<vmem>>, vector<16xi32>,
    %get3A_198 = arith.constant 0 : i32
    %get3A_199 = arith.index_cast %get3A_198 : i32 to index
    %get3A_200 = arith.constant 96 : index
    %get3A_201 = tpu.vector_load %arg5[%get3A_199, %get3A_200] {strides = array<i32>} : memref<4x128xi32, #tpu.memory_space<vmem>>, vector<16xi32>,
    %shift_right_logical3A_202 = arith.constant 1 : i32
    %shift_right_logical3A_203 = vector.broadcast %shift_right_logical3A_202 : i32 to vector<16xi32>
    %shift_right_logical3A_204 = arith.shrui %get3A_201, %shift_right_logical3A_203 : vector<16xi32>
    %swap3A_205 = arith.constant 0 : i32
    %swap3A_206 = arith.index_cast %swap3A_205 : i32 to index
    %swap3A_207 = arith.constant 96 : index
    %swap3A_208 = tpu.vector_load %arg6[%swap3A_206, %swap3A_207] {strides = array<i32>} : memref<4x128xi32, #tpu.memory_space<vmem>>, vector<16xi32>,
    tpu.vector_store %arg6[%swap3A_206, %swap3A_207], %shift_right_logical3A_204 {strides = array<i32>} : memref<4x128xi32, #tpu.memory_space<vmem>>, vector<16xi32>,
    %and3A_209 = arith.constant 1 : i32
    %and3A_210 = vector.broadcast %and3A_209 : i32 to vector<16xi32>
    %and3A_211 = arith.andi %get3A_201, %and3A_210 : vector<16xi32>
    %mul3A_212 = arith.constant 64 : i32
    %mul3A_213 = vector.broadcast %mul3A_212 : i32 to vector<16xi32>
    %mul3A_214 = arith.muli %and3A_211, %mul3A_213 : vector<16xi32>
    %swap3A_215 = arith.constant 0 : i32
    %swap3A_216 = arith.index_cast %swap3A_215 : i32 to index
    %swap3A_217 = arith.constant 96 : index
    %swap3A_218 = tpu.vector_load %arg7[%swap3A_216, %swap3A_217] {strides = array<i32>} : memref<4x128xi32, #tpu.memory_space<vmem>>, vector<16xi32>,
    tpu.vector_store %arg7[%swap3A_216, %swap3A_217], %mul3A_214 {strides = array<i32>} : memref<4x128xi32, #tpu.memory_space<vmem>>, vector<16xi32>,
    %get3A_219 = arith.constant 0 : i32
    %get3A_220 = arith.index_cast %get3A_219 : i32 to index
    %get3A_221 = arith.constant 112 : index
    %get3A_222 = tpu.vector_load %arg5[%get3A_220, %get3A_221] {strides = array<i32>} : memref<4x128xi32, #tpu.memory_space<vmem>>, vector<16xi32>,
    %shift_right_logical3A_223 = arith.constant 1 : i32
    %shift_right_logical3A_224 = vector.broadcast %shift_right_logical3A_223 : i32 to vector<16xi32>
    %shift_right_logical3A_225 = arith.shrui %get3A_222, %shift_right_logical3A_224 : vector<16xi32>
    %swap3A_226 = arith.constant 0 : i32
    %swap3A_227 = arith.index_cast %swap3A_226 : i32 to index
    %swap3A_228 = arith.constant 112 : index
    %swap3A_229 = tpu.vector_load %arg6[%swap3A_227, %swap3A_228] {strides = array<i32>} : memref<4x128xi32, #tpu.memory_space<vmem>>, vector<16xi32>,
    tpu.vector_store %arg6[%swap3A_227, %swap3A_228], %shift_right_logical3A_225 {strides = array<i32>} : memref<4x128xi32, #tpu.memory_space<vmem>>, vector<16xi32>,
    %and3A_230 = arith.constant 1 : i32
    %and3A_231 = vector.broadcast %and3A_230 : i32 to vector<16xi32>
    %and3A_232 = arith.andi %get3A_222, %and3A_231 : vector<16xi32>
    %mul3A_233 = arith.constant 64 : i32
    %mul3A_234 = vector.broadcast %mul3A_233 : i32 to vector<16xi32>
    %mul3A_235 = arith.muli %and3A_232, %mul3A_234 : vector<16xi32>
    %swap3A_236 = arith.constant 0 : i32
    %swap3A_237 = arith.index_cast %swap3A_236 : i32 to index
    %swap3A_238 = arith.constant 112 : index
    %swap3A_239 = tpu.vector_load %arg7[%swap3A_237, %swap3A_238] {strides = array<i32>} : memref<4x128xi32, #tpu.memory_space<vmem>>, vector<16xi32>,
    tpu.vector_store %arg7[%swap3A_237, %swap3A_238], %mul3A_235 {strides = array<i32>} : memref<4x128xi32, #tpu.memory_space<vmem>>, vector<16xi32>,
    %dma_start3A_240 = arith.constant 0 : i32
    %dma_start3A_241 = arith.constant 0 : i32
    %dma_start3A_242 = arith.constant 0 : i32
    %dma_start3A_243 = arith.constant 0 : i32
    %dma_start3A_244 = arith.constant 0 : i32
    %dma_start3A_245 = tpu.memref_slice %arg8[%dma_start3A_241, %dma_start3A_243, %dma_start3A_244] : memref<4x128x128xf32, #tpu.memory_space<vmem>> -> memref<1x128x128xf32, #tpu.memory_space<vmem>>
    %dma_start3A_246 = tpu.memref_squeeze %dma_start3A_245 : memref<1x128x128xf32, #tpu.memory_space<vmem>> -> memref<128x128xf32, #tpu.memory_space<vmem>>
    %dma_start3A_247 = arith.constant 0 : i32
    %dma_start3A_248 = tpu.memref_slice %arg6[%dma_start3A_240, %dma_start3A_247] : memref<4x128xi32, #tpu.memory_space<vmem>> -> memref<1x128xi32, #tpu.memory_space<vmem>>
    %dma_start3A_249 = tpu.memref_squeeze %dma_start3A_248 : memref<1x128xi32, #tpu.memory_space<vmem>> -> memref<128xi32, #tpu.memory_space<vmem>>
    %dma_start3A_250 = arith.constant 0 : i32
    %dma_start3A_251 = arith.constant 0 : i32
    %dma_start3A_252 = tpu.memref_slice %arg3[%dma_start3A_250, %dma_start3A_251] : memref<500000x128xf32, #tpu.memory_space<hbm>> -> memref<500000x128xf32, #tpu.memory_space<hbm>>
    %dma_start3A_253 = tpu.memref_slice %arg10[%dma_start3A_242] : memref<4x!tpu.dma_semaphore, #tpu.memory_space<semaphore_mem>> -> memref<1x!tpu.dma_semaphore, #tpu.memory_space<semaphore_mem>>
    %dma_start3A_254 = tpu.memref_squeeze %dma_start3A_253 : memref<1x!tpu.dma_semaphore, #tpu.memory_space<semaphore_mem>> -> memref<!tpu.dma_semaphore, #tpu.memory_space<semaphore_mem>>
    tpu.enqueue_indirect_dma source(%dma_start3A_252 : memref<500000x128xf32, #tpu.memory_space<hbm>>) target(%dma_start3A_246 : memref<128x128xf32, #tpu.memory_space<vmem>>) offsets(%dma_start3A_249 : memref<128xi32, #tpu.memory_space<vmem>>) semaphore(%dma_start3A_254 : memref<!tpu.dma_semaphore, #tpu.memory_space<semaphore_mem>>)
    %add3A_255 = arith.constant 0 : i32
    %add3A_256 = arith.addi %mul3A_2, %add3A_255 : i32
    %mul3A_257 = arith.constant 128 : i32
    %mul3A_258 = arith.muli %add3A_256, %mul3A_257 : i32
    %add3A_259 = arith.constant 16384 : i32
    %add3A_260 = arith.addi %add3A_259, %mul3A_258 : i32
    %multiple_of3A_261 = tpu.assume_multiple %add3A_260, 128 : i32
    %dma_wait3A_262 = arith.constant 1 : i32
    %dma_wait3A_263 = arith.constant 1 : i32
    %dma_wait3A_264 = arith.constant 0 : i32
    %dma_wait3A_265 = tpu.memref_slice %arg5[%dma_wait3A_262, %dma_wait3A_264] : memref<4x128xi32, #tpu.memory_space<vmem>> -> memref<1x128xi32, #tpu.memory_space<vmem>>
    %dma_wait3A_266 = tpu.memref_squeeze %dma_wait3A_265 : memref<1x128xi32, #tpu.memory_space<vmem>> -> memref<128xi32, #tpu.memory_space<vmem>>
    %dma_wait3A_267 = tpu.memref_slice %arg2[%multiple_of3A_261] : memref<819200xi32, #tpu.memory_space<hbm>> -> memref<128xi32, #tpu.memory_space<hbm>>
    %dma_wait3A_268 = tpu.memref_slice %arg11[%dma_wait3A_263] : memref<4x!tpu.dma_semaphore, #tpu.memory_space<semaphore_mem>> -> memref<1x!tpu.dma_semaphore, #tpu.memory_space<semaphore_mem>>
    %dma_wait3A_269 = tpu.memref_squeeze %dma_wait3A_268 : memref<1x!tpu.dma_semaphore, #tpu.memory_space<semaphore_mem>> -> memref<!tpu.dma_semaphore, #tpu.memory_space<semaphore_mem>>
    %dma_wait3A_270 = arith.constant 0 : i32
    %dma_wait3A_271 = tpu.memref_slice %arg5[%dma_wait3A_262, %dma_wait3A_270] : memref<4x128xi32, #tpu.memory_space<vmem>> -> memref<1x128xi32, #tpu.memory_space<vmem>>
    %dma_wait3A_272 = tpu.memref_squeeze %dma_wait3A_271 : memref<1x128xi32, #tpu.memory_space<vmem>> -> memref<128xi32, #tpu.memory_space<vmem>>
    %dma_wait3A_273 = tpu.memref_slice %arg2[%multiple_of3A_261] : memref<819200xi32, #tpu.memory_space<hbm>> -> memref<128xi32, #tpu.memory_space<hbm>>
    tpu.wait_dma2 semaphore(%dma_wait3A_269 : memref<!tpu.dma_semaphore, #tpu.memory_space<semaphore_mem>>) src(%dma_wait3A_273 : memref<128xi32, #tpu.memory_space<hbm>>) dst(%dma_wait3A_272 : memref<128xi32, #tpu.memory_space<vmem>>)
    %get3A_274 = arith.constant 1 : i32
    %get3A_275 = arith.index_cast %get3A_274 : i32 to index
    %get3A_276 = arith.constant 0 : index
    %get3A_277 = tpu.vector_load %arg5[%get3A_275, %get3A_276] {strides = array<i32>} : memref<4x128xi32, #tpu.memory_space<vmem>>, vector<16xi32>,
    %shift_right_logical3A_278 = arith.constant 1 : i32
    %shift_right_logical3A_279 = vector.broadcast %shift_right_logical3A_278 : i32 to vector<16xi32>
    %shift_right_logical3A_280 = arith.shrui %get3A_277, %shift_right_logical3A_279 : vector<16xi32>
    %swap3A_281 = arith.constant 1 : i32
    %swap3A_282 = arith.index_cast %swap3A_281 : i32 to index
    %swap3A_283 = arith.constant 0 : index
    %swap3A_284 = tpu.vector_load %arg6[%swap3A_282, %swap3A_283] {strides = array<i32>} : memref<4x128xi32, #tpu.memory_space<vmem>>, vector<16xi32>,
    tpu.vector_store %arg6[%swap3A_282, %swap3A_283], %shift_right_logical3A_280 {strides = array<i32>} : memref<4x128xi32, #tpu.memory_space<vmem>>, vector<16xi32>,
    %and3A_285 = arith.constant 1 : i32
    %and3A_286 = vector.broadcast %and3A_285 : i32 to vector<16xi32>
    %and3A_287 = arith.andi %get3A_277, %and3A_286 : vector<16xi32>
    %mul3A_288 = arith.constant 64 : i32
    %mul3A_289 = vector.broadcast %mul3A_288 : i32 to vector<16xi32>
    %mul3A_290 = arith.muli %and3A_287, %mul3A_289 : vector<16xi32>
    %swap3A_291 = arith.constant 1 : i32
    %swap3A_292 = arith.index_cast %swap3A_291 : i32 to index
    %swap3A_293 = arith.constant 0 : index
    %swap3A_294 = tpu.vector_load %arg7[%swap3A_292, %swap3A_293] {strides = array<i32>} : memref<4x128xi32, #tpu.memory_space<vmem>>, vector<16xi32>,
    tpu.vector_store %arg7[%swap3A_292, %swap3A_293], %mul3A_290 {strides = array<i32>} : memref<4x128xi32, #tpu.memory_space<vmem>>, vector<16xi32>,
    %get3A_295 = arith.constant 1 : i32
    %get3A_296 = arith.index_cast %get3A_295 : i32 to index
    %get3A_297 = arith.constant 16 : index
    %get3A_298 = tpu.vector_load %arg5[%get3A_296, %get3A_297] {strides = array<i32>} : memref<4x128xi32, #tpu.memory_space<vmem>>, vector<16xi32>,
    %shift_right_logical3A_299 = arith.constant 1 : i32
    %shift_right_logical3A_300 = vector.broadcast %shift_right_logical3A_299 : i32 to vector<16xi32>
    %shift_right_logical3A_301 = arith.shrui %get3A_298, %shift_right_logical3A_300 : vector<16xi32>
    %swap3A_302 = arith.constant 1 : i32
    %swap3A_303 = arith.index_cast %swap3A_302 : i32 to index
    %swap3A_304 = arith.constant 16 : index
    %swap3A_305 = tpu.vector_load %arg6[%swap3A_303, %swap3A_304] {strides = array<i32>} : memref<4x128xi32, #tpu.memory_space<vmem>>, vector<16xi32>,
    tpu.vector_store %arg6[%swap3A_303, %swap3A_304], %shift_right_logical3A_301 {strides = array<i32>} : memref<4x128xi32, #tpu.memory_space<vmem>>, vector<16xi32>,
    %and3A_306 = arith.constant 1 : i32
    %and3A_307 = vector.broadcast %and3A_306 : i32 to vector<16xi32>
    %and3A_308 = arith.andi %get3A_298, %and3A_307 : vector<16xi32>
    %mul3A_309 = arith.constant 64 : i32
    %mul3A_310 = vector.broadcast %mul3A_309 : i32 to vector<16xi32>
    %mul3A_311 = arith.muli %and3A_308, %mul3A_310 : vector<16xi32>
    %swap3A_312 = arith.constant 1 : i32
    %swap3A_313 = arith.index_cast %swap3A_312 : i32 to index
    %swap3A_314 = arith.constant 16 : index
    %swap3A_315 = tpu.vector_load %arg7[%swap3A_313, %swap3A_314] {strides = array<i32>} : memref<4x128xi32, #tpu.memory_space<vmem>>, vector<16xi32>,
    tpu.vector_store %arg7[%swap3A_313, %swap3A_314], %mul3A_311 {strides = array<i32>} : memref<4x128xi32, #tpu.memory_space<vmem>>, vector<16xi32>,
    %get3A_316 = arith.constant 1 : i32
    %get3A_317 = arith.index_cast %get3A_316 : i32 to index
    %get3A_318 = arith.constant 32 : index
    %get3A_319 = tpu.vector_load %arg5[%get3A_317, %get3A_318] {strides = array<i32>} : memref<4x128xi32, #tpu.memory_space<vmem>>, vector<16xi32>,
    %shift_right_logical3A_320 = arith.constant 1 : i32
    %shift_right_logical3A_321 = vector.broadcast %shift_right_logical3A_320 : i32 to vector<16xi32>
    %shift_right_logical3A_322 = arith.shrui %get3A_319, %shift_right_logical3A_321 : vector<16xi32>
    %swap3A_323 = arith.constant 1 : i32
    %swap3A_324 = arith.index_cast %swap3A_323 : i32 to index
    %swap3A_325 = arith.constant 32 : index
    %swap3A_326 = tpu.vector_load %arg6[%swap3A_324, %swap3A_325] {strides = array<i32>} : memref<4x128xi32, #tpu.memory_space<vmem>>, vector<16xi32>,
    tpu.vector_store %arg6[%swap3A_324, %swap3A_325], %shift_right_logical3A_322 {strides = array<i32>} : memref<4x128xi32, #tpu.memory_space<vmem>>, vector<16xi32>,
    %and3A_327 = arith.constant 1 : i32
    %and3A_328 = vector.broadcast %and3A_327 : i32 to vector<16xi32>
    %and3A_329 = arith.andi %get3A_319, %and3A_328 : vector<16xi32>
    %mul3A_330 = arith.constant 64 : i32
    %mul3A_331 = vector.broadcast %mul3A_330 : i32 to vector<16xi32>
    %mul3A_332 = arith.muli %and3A_329, %mul3A_331 : vector<16xi32>
    %swap3A_333 = arith.constant 1 : i32
    %swap3A_334 = arith.index_cast %swap3A_333 : i32 to index
    %swap3A_335 = arith.constant 32 : index
    %swap3A_336 = tpu.vector_load %arg7[%swap3A_334, %swap3A_335] {strides = array<i32>} : memref<4x128xi32, #tpu.memory_space<vmem>>, vector<16xi32>,
    tpu.vector_store %arg7[%swap3A_334, %swap3A_335], %mul3A_332 {strides = array<i32>} : memref<4x128xi32, #tpu.memory_space<vmem>>, vector<16xi32>,
    %get3A_337 = arith.constant 1 : i32
    %get3A_338 = arith.index_cast %get3A_337 : i32 to index
    %get3A_339 = arith.constant 48 : index
    %get3A_340 = tpu.vector_load %arg5[%get3A_338, %get3A_339] {strides = array<i32>} : memref<4x128xi32, #tpu.memory_space<vmem>>, vector<16xi32>,
    %shift_right_logical3A_341 = arith.constant 1 : i32
    %shift_right_logical3A_342 = vector.broadcast %shift_right_logical3A_341 : i32 to vector<16xi32>
    %shift_right_logical3A_343 = arith.shrui %get3A_340, %shift_right_logical3A_342 : vector<16xi32>
    %swap3A_344 = arith.constant 1 : i32
    %swap3A_345 = arith.index_cast %swap3A_344 : i32 to index
    %swap3A_346 = arith.constant 48 : index
    %swap3A_347 = tpu.vector_load %arg6[%swap3A_345, %swap3A_346] {strides = array<i32>} : memref<4x128xi32, #tpu.memory_space<vmem>>, vector<16xi32>,
    tpu.vector_store %arg6[%swap3A_345, %swap3A_346], %shift_right_logical3A_343 {strides = array<i32>} : memref<4x128xi32, #tpu.memory_space<vmem>>, vector<16xi32>,
    %and3A_348 = arith.constant 1 : i32
    %and3A_349 = vector.broadcast %and3A_348 : i32 to vector<16xi32>
    %and3A_350 = arith.andi %get3A_340, %and3A_349 : vector<16xi32>
    %mul3A_351 = arith.constant 64 : i32
    %mul3A_352 = vector.broadcast %mul3A_351 : i32 to vector<16xi32>
    %mul3A_353 = arith.muli %and3A_350, %mul3A_352 : vector<16xi32>
    %swap3A_354 = arith.constant 1 : i32
    %swap3A_355 = arith.index_cast %swap3A_354 : i32 to index
    %swap3A_356 = arith.constant 48 : index
    %swap3A_357 = tpu.vector_load %arg7[%swap3A_355, %swap3A_356] {strides = array<i32>} : memref<4x128xi32, #tpu.memory_space<vmem>>, vector<16xi32>,
    tpu.vector_store %arg7[%swap3A_355, %swap3A_356], %mul3A_353 {strides = array<i32>} : memref<4x128xi32, #tpu.memory_space<vmem>>, vector<16xi32>,
    %get3A_358 = arith.constant 1 : i32
    %get3A_359 = arith.index_cast %get3A_358 : i32 to index
    %get3A_360 = arith.constant 64 : index
    %get3A_361 = tpu.vector_load %arg5[%get3A_359, %get3A_360] {strides = array<i32>} : memref<4x128xi32, #tpu.memory_space<vmem>>, vector<16xi32>,
    %shift_right_logical3A_362 = arith.constant 1 : i32
    %shift_right_logical3A_363 = vector.broadcast %shift_right_logical3A_362 : i32 to vector<16xi32>
    %shift_right_logical3A_364 = arith.shrui %get3A_361, %shift_right_logical3A_363 : vector<16xi32>
    %swap3A_365 = arith.constant 1 : i32
    %swap3A_366 = arith.index_cast %swap3A_365 : i32 to index
    %swap3A_367 = arith.constant 64 : index
    %swap3A_368 = tpu.vector_load %arg6[%swap3A_366, %swap3A_367] {strides = array<i32>} : memref<4x128xi32, #tpu.memory_space<vmem>>, vector<16xi32>,
    tpu.vector_store %arg6[%swap3A_366, %swap3A_367], %shift_right_logical3A_364 {strides = array<i32>} : memref<4x128xi32, #tpu.memory_space<vmem>>, vector<16xi32>,
    %and3A_369 = arith.constant 1 : i32
    %and3A_370 = vector.broadcast %and3A_369 : i32 to vector<16xi32>
    %and3A_371 = arith.andi %get3A_361, %and3A_370 : vector<16xi32>
    %mul3A_372 = arith.constant 64 : i32
    %mul3A_373 = vector.broadcast %mul3A_372 : i32 to vector<16xi32>
    %mul3A_374 = arith.muli %and3A_371, %mul3A_373 : vector<16xi32>
    %swap3A_375 = arith.constant 1 : i32
    %swap3A_376 = arith.index_cast %swap3A_375 : i32 to index
    %swap3A_377 = arith.constant 64 : index
    %swap3A_378 = tpu.vector_load %arg7[%swap3A_376, %swap3A_377] {strides = array<i32>} : memref<4x128xi32, #tpu.memory_space<vmem>>, vector<16xi32>,
    tpu.vector_store %arg7[%swap3A_376, %swap3A_377], %mul3A_374 {strides = array<i32>} : memref<4x128xi32, #tpu.memory_space<vmem>>, vector<16xi32>,
    %get3A_379 = arith.constant 1 : i32
    %get3A_380 = arith.index_cast %get3A_379 : i32 to index
    %get3A_381 = arith.constant 80 : index
    %get3A_382 = tpu.vector_load %arg5[%get3A_380, %get3A_381] {strides = array<i32>} : memref<4x128xi32, #tpu.memory_space<vmem>>, vector<16xi32>,
    %shift_right_logical3A_383 = arith.constant 1 : i32
    %shift_right_logical3A_384 = vector.broadcast %shift_right_logical3A_383 : i32 to vector<16xi32>
    %shift_right_logical3A_385 = arith.shrui %get3A_382, %shift_right_logical3A_384 : vector<16xi32>
    %swap3A_386 = arith.constant 1 : i32
    %swap3A_387 = arith.index_cast %swap3A_386 : i32 to index
    %swap3A_388 = arith.constant 80 : index
    %swap3A_389 = tpu.vector_load %arg6[%swap3A_387, %swap3A_388] {strides = array<i32>} : memref<4x128xi32, #tpu.memory_space<vmem>>, vector<16xi32>,
    tpu.vector_store %arg6[%swap3A_387, %swap3A_388], %shift_right_logical3A_385 {strides = array<i32>} : memref<4x128xi32, #tpu.memory_space<vmem>>, vector<16xi32>,
    %and3A_390 = arith.constant 1 : i32
    %and3A_391 = vector.broadcast %and3A_390 : i32 to vector<16xi32>
    %and3A_392 = arith.andi %get3A_382, %and3A_391 : vector<16xi32>
    %mul3A_393 = arith.constant 64 : i32
    %mul3A_394 = vector.broadcast %mul3A_393 : i32 to vector<16xi32>
    %mul3A_395 = arith.muli %and3A_392, %mul3A_394 : vector<16xi32>
    %swap3A_396 = arith.constant 1 : i32
    %swap3A_397 = arith.index_cast %swap3A_396 : i32 to index
    %swap3A_398 = arith.constant 80 : index
    %swap3A_399 = tpu.vector_load %arg7[%swap3A_397, %swap3A_398] {strides = array<i32>} : memref<4x128xi32, #tpu.memory_space<vmem>>, vector<16xi32>,
    tpu.vector_store %arg7[%swap3A_397, %swap3A_398], %mul3A_395 {strides = array<i32>} : memref<4x128xi32, #tpu.memory_space<vmem>>, vector<16xi32>,
    %get3A_400 = arith.constant 1 : i32
    %get3A_401 = arith.index_cast %get3A_400 : i32 to index
    %get3A_402 = arith.constant 96 : index
    %get3A_403 = tpu.vector_load %arg5[%get3A_401, %get3A_402] {strides = array<i32>} : memref<4x128xi32, #tpu.memory_space<vmem>>, vector<16xi32>,
    %shift_right_logical3A_404 = arith.constant 1 : i32
    %shift_right_logical3A_405 = vector.broadcast %shift_right_logical3A_404 : i32 to vector<16xi32>
    %shift_right_logical3A_406 = arith.shrui %get3A_403, %shift_right_logical3A_405 : vector<16xi32>
    %swap3A_407 = arith.constant 1 : i32
    %swap3A_408 = arith.index_cast %swap3A_407 : i32 to index
    %swap3A_409 = arith.constant 96 : index
    %swap3A_410 = tpu.vector_load %arg6[%swap3A_408, %swap3A_409] {strides = array<i32>} : memref<4x128xi32, #tpu.memory_space<vmem>>, vector<16xi32>,
    tpu.vector_store %arg6[%swap3A_408, %swap3A_409], %shift_right_logical3A_406 {strides = array<i32>} : memref<4x128xi32, #tpu.memory_space<vmem>>, vector<16xi32>,
    %and3A_411 = arith.constant 1 : i32
    %and3A_412 = vector.broadcast %and3A_411 : i32 to vector<16xi32>
    %and3A_413 = arith.andi %get3A_403, %and3A_412 : vector<16xi32>
    %mul3A_414 = arith.constant 64 : i32
    %mul3A_415 = vector.broadcast %mul3A_414 : i32 to vector<16xi32>
    %mul3A_416 = arith.muli %and3A_413, %mul3A_415 : vector<16xi32>
    %swap3A_417 = arith.constant 1 : i32
    %swap3A_418 = arith.index_cast %swap3A_417 : i32 to index
    %swap3A_419 = arith.constant 96 : index
    %swap3A_420 = tpu.vector_load %arg7[%swap3A_418, %swap3A_419] {strides = array<i32>} : memref<4x128xi32, #tpu.memory_space<vmem>>, vector<16xi32>,
    tpu.vector_store %arg7[%swap3A_418, %swap3A_419], %mul3A_416 {strides = array<i32>} : memref<4x128xi32, #tpu.memory_space<vmem>>, vector<16xi32>,
    %get3A_421 = arith.constant 1 : i32
    %get3A_422 = arith.index_cast %get3A_421 : i32 to index
    %get3A_423 = arith.constant 112 : index
    %get3A_424 = tpu.vector_load %arg5[%get3A_422, %get3A_423] {strides = array<i32>} : memref<4x128xi32, #tpu.memory_space<vmem>>, vector<16xi32>,
    %shift_right_logical3A_425 = arith.constant 1 : i32
    %shift_right_logical3A_426 = vector.broadcast %shift_right_logical3A_425 : i32 to vector<16xi32>
    %shift_right_logical3A_427 = arith.shrui %get3A_424, %shift_right_logical3A_426 : vector<16xi32>
    %swap3A_428 = arith.constant 1 : i32
    %swap3A_429 = arith.index_cast %swap3A_428 : i32 to index
    %swap3A_430 = arith.constant 112 : index
    %swap3A_431 = tpu.vector_load %arg6[%swap3A_429, %swap3A_430] {strides = array<i32>} : memref<4x128xi32, #tpu.memory_space<vmem>>, vector<16xi32>,
    tpu.vector_store %arg6[%swap3A_429, %swap3A_430], %shift_right_logical3A_427 {strides = array<i32>} : memref<4x128xi32, #tpu.memory_space<vmem>>, vector<16xi32>,
    %and3A_432 = arith.constant 1 : i32
    %and3A_433 = vector.broadcast %and3A_432 : i32 to vector<16xi32>
    %and3A_434 = arith.andi %get3A_424, %and3A_433 : vector<16xi32>
    %mul3A_435 = arith.constant 64 : i32
    %mul3A_436 = vector.broadcast %mul3A_435 : i32 to vector<16xi32>
    %mul3A_437 = arith.muli %and3A_434, %mul3A_436 : vector<16xi32>
    %swap3A_438 = arith.constant 1 : i32
    %swap3A_439 = arith.index_cast %swap3A_438 : i32 to index
    %swap3A_440 = arith.constant 112 : index
    %swap3A_441 = tpu.vector_load %arg7[%swap3A_439, %swap3A_440] {strides = array<i32>} : memref<4x128xi32, #tpu.memory_space<vmem>>, vector<16xi32>,
    tpu.vector_store %arg7[%swap3A_439, %swap3A_440], %mul3A_437 {strides = array<i32>} : memref<4x128xi32, #tpu.memory_space<vmem>>, vector<16xi32>,
    %dma_start3A_442 = arith.constant 1 : i32
    %dma_start3A_443 = arith.constant 1 : i32
    %dma_start3A_444 = arith.constant 1 : i32
    %dma_start3A_445 = arith.constant 0 : i32
    %dma_start3A_446 = arith.constant 0 : i32
    %dma_start3A_447 = tpu.memref_slice %arg8[%dma_start3A_443, %dma_start3A_445, %dma_start3A_446] : memref<4x128x128xf32, #tpu.memory_space<vmem>> -> memref<1x128x128xf32, #tpu.memory_space<vmem>>
    %dma_start3A_448 = tpu.memref_squeeze %dma_start3A_447 : memref<1x128x128xf32, #tpu.memory_space<vmem>> -> memref<128x128xf32, #tpu.memory_space<vmem>>
    %dma_start3A_449 = arith.constant 0 : i32
    %dma_start3A_450 = tpu.memref_slice %arg6[%dma_start3A_442, %dma_start3A_449] : memref<4x128xi32, #tpu.memory_space<vmem>> -> memref<1x128xi32, #tpu.memory_space<vmem>>
    %dma_start3A_451 = tpu.memref_squeeze %dma_start3A_450 : memref<1x128xi32, #tpu.memory_space<vmem>> -> memref<128xi32, #tpu.memory_space<vmem>>
    %dma_start3A_452 = arith.constant 0 : i32
    %dma_start3A_453 = arith.constant 0 : i32
    %dma_start3A_454 = tpu.memref_slice %arg3[%dma_start3A_452, %dma_start3A_453] : memref<500000x128xf32, #tpu.memory_space<hbm>> -> memref<500000x128xf32, #tpu.memory_space<hbm>>
    %dma_start3A_455 = tpu.memref_slice %arg10[%dma_start3A_444] : memref<4x!tpu.dma_semaphore, #tpu.memory_space<semaphore_mem>> -> memref<1x!tpu.dma_semaphore, #tpu.memory_space<semaphore_mem>>
    %dma_start3A_456 = tpu.memref_squeeze %dma_start3A_455 : memref<1x!tpu.dma_semaphore, #tpu.memory_space<semaphore_mem>> -> memref<!tpu.dma_semaphore, #tpu.memory_space<semaphore_mem>>
    tpu.enqueue_indirect_dma source(%dma_start3A_454 : memref<500000x128xf32, #tpu.memory_space<hbm>>) target(%dma_start3A_448 : memref<128x128xf32, #tpu.memory_space<vmem>>) offsets(%dma_start3A_451 : memref<128xi32, #tpu.memory_space<vmem>>) semaphore(%dma_start3A_456 : memref<!tpu.dma_semaphore, #tpu.memory_space<semaphore_mem>>)
    %add3A_457 = arith.constant 0 : i32
    %add3A_458 = arith.addi %mul3A_2, %add3A_457 : i32
    %mul3A_459 = arith.constant 128 : i32
    %mul3A_460 = arith.muli %add3A_458, %mul3A_459 : i32
    %add3A_461 = arith.constant 32768 : i32
    %add3A_462 = arith.addi %add3A_461, %mul3A_460 : i32
    %multiple_of3A_463 = tpu.assume_multiple %add3A_462, 128 : i32
    %dma_wait3A_464 = arith.constant 2 : i32
    %dma_wait3A_465 = arith.constant 2 : i32
    %dma_wait3A_466 = arith.constant 0 : i32
    %dma_wait3A_467 = tpu.memref_slice %arg5[%dma_wait3A_464, %dma_wait3A_466] : memref<4x128xi32, #tpu.memory_space<vmem>> -> memref<1x128xi32, #tpu.memory_space<vmem>>
    %dma_wait3A_468 = tpu.memref_squeeze %dma_wait3A_467 : memref<1x128xi32, #tpu.memory_space<vmem>> -> memref<128xi32, #tpu.memory_space<vmem>>
    %dma_wait3A_469 = tpu.memref_slice %arg2[%multiple_of3A_463] : memref<819200xi32, #tpu.memory_space<hbm>> -> memref<128xi32, #tpu.memory_space<hbm>>
    %dma_wait3A_470 = tpu.memref_slice %arg11[%dma_wait3A_465] : memref<4x!tpu.dma_semaphore, #tpu.memory_space<semaphore_mem>> -> memref<1x!tpu.dma_semaphore, #tpu.memory_space<semaphore_mem>>
    %dma_wait3A_471 = tpu.memref_squeeze %dma_wait3A_470 : memref<1x!tpu.dma_semaphore, #tpu.memory_space<semaphore_mem>> -> memref<!tpu.dma_semaphore, #tpu.memory_space<semaphore_mem>>
    %dma_wait3A_472 = arith.constant 0 : i32
    %dma_wait3A_473 = tpu.memref_slice %arg5[%dma_wait3A_464, %dma_wait3A_472] : memref<4x128xi32, #tpu.memory_space<vmem>> -> memref<1x128xi32, #tpu.memory_space<vmem>>
    %dma_wait3A_474 = tpu.memref_squeeze %dma_wait3A_473 : memref<1x128xi32, #tpu.memory_space<vmem>> -> memref<128xi32, #tpu.memory_space<vmem>>
    %dma_wait3A_475 = tpu.memref_slice %arg2[%multiple_of3A_463] : memref<819200xi32, #tpu.memory_space<hbm>> -> memref<128xi32, #tpu.memory_space<hbm>>
    tpu.wait_dma2 semaphore(%dma_wait3A_471 : memref<!tpu.dma_semaphore, #tpu.memory_space<semaphore_mem>>) src(%dma_wait3A_475 : memref<128xi32, #tpu.memory_space<hbm>>) dst(%dma_wait3A_474 : memref<128xi32, #tpu.memory_space<vmem>>)
    %get3A_476 = arith.constant 2 : i32
    %get3A_477 = arith.index_cast %get3A_476 : i32 to index
    %get3A_478 = arith.constant 0 : index
    %get3A_479 = tpu.vector_load %arg5[%get3A_477, %get3A_478] {strides = array<i32>} : memref<4x128xi32, #tpu.memory_space<vmem>>, vector<16xi32>,
    %shift_right_logical3A_480 = arith.constant 1 : i32
    %shift_right_logical3A_481 = vector.broadcast %shift_right_logical3A_480 : i32 to vector<16xi32>
    %shift_right_logical3A_482 = arith.shrui %get3A_479, %shift_right_logical3A_481 : vector<16xi32>
    %swap3A_483 = arith.constant 2 : i32
    %swap3A_484 = arith.index_cast %swap3A_483 : i32 to index
    %swap3A_485 = arith.constant 0 : index
    %swap3A_486 = tpu.vector_load %arg6[%swap3A_484, %swap3A_485] {strides = array<i32>} : memref<4x128xi32, #tpu.memory_space<vmem>>, vector<16xi32>,
    tpu.vector_store %arg6[%swap3A_484, %swap3A_485], %shift_right_logical3A_482 {strides = array<i32>} : memref<4x128xi32, #tpu.memory_space<vmem>>, vector<16xi32>,
    %and3A_487 = arith.constant 1 : i32
    %and3A_488 = vector.broadcast %and3A_487 : i32 to vector<16xi32>
    %and3A_489 = arith.andi %get3A_479, %and3A_488 : vector<16xi32>
    %mul3A_490 = arith.constant 64 : i32
    %mul3A_491 = vector.broadcast %mul3A_490 : i32 to vector<16xi32>
    %mul3A_492 = arith.muli %and3A_489, %mul3A_491 : vector<16xi32>
    %swap3A_493 = arith.constant 2 : i32
    %swap3A_494 = arith.index_cast %swap3A_493 : i32 to index
    %swap3A_495 = arith.constant 0 : index
    %swap3A_496 = tpu.vector_load %arg7[%swap3A_494, %swap3A_495] {strides = array<i32>} : memref<4x128xi32, #tpu.memory_space<vmem>>, vector<16xi32>,
    tpu.vector_store %arg7[%swap3A_494, %swap3A_495], %mul3A_492 {strides = array<i32>} : memref<4x128xi32, #tpu.memory_space<vmem>>, vector<16xi32>,
    %get3A_497 = arith.constant 2 : i32
    %get3A_498 = arith.index_cast %get3A_497 : i32 to index
    %get3A_499 = arith.constant 16 : index
    %get3A_500 = tpu.vector_load %arg5[%get3A_498, %get3A_499] {strides = array<i32>} : memref<4x128xi32, #tpu.memory_space<vmem>>, vector<16xi32>,
    %shift_right_logical3A_501 = arith.constant 1 : i32
    %shift_right_logical3A_502 = vector.broadcast %shift_right_logical3A_501 : i32 to vector<16xi32>
    %shift_right_logical3A_503 = arith.shrui %get3A_500, %shift_right_logical3A_502 : vector<16xi32>
    %swap3A_504 = arith.constant 2 : i32
    %swap3A_505 = arith.index_cast %swap3A_504 : i32 to index
    %swap3A_506 = arith.constant 16 : index
    %swap3A_507 = tpu.vector_load %arg6[%swap3A_505, %swap3A_506] {strides = array<i32>} : memref<4x128xi32, #tpu.memory_space<vmem>>, vector<16xi32>,
    tpu.vector_store %arg6[%swap3A_505, %swap3A_506], %shift_right_logical3A_503 {strides = array<i32>} : memref<4x128xi32, #tpu.memory_space<vmem>>, vector<16xi32>,
    %and3A_508 = arith.constant 1 : i32
    %and3A_509 = vector.broadcast %and3A_508 : i32 to vector<16xi32>
    %and3A_510 = arith.andi %get3A_500, %and3A_509 : vector<16xi32>
    %mul3A_511 = arith.constant 64 : i32
    %mul3A_512 = vector.broadcast %mul3A_511 : i32 to vector<16xi32>
    %mul3A_513 = arith.muli %and3A_510, %mul3A_512 : vector<16xi32>
    %swap3A_514 = arith.constant 2 : i32
    %swap3A_515 = arith.index_cast %swap3A_514 : i32 to index
    %swap3A_516 = arith.constant 16 : index
    %swap3A_517 = tpu.vector_load %arg7[%swap3A_515, %swap3A_516] {strides = array<i32>} : memref<4x128xi32, #tpu.memory_space<vmem>>, vector<16xi32>,
    tpu.vector_store %arg7[%swap3A_515, %swap3A_516], %mul3A_513 {strides = array<i32>} : memref<4x128xi32, #tpu.memory_space<vmem>>, vector<16xi32>,
    %get3A_518 = arith.constant 2 : i32
    %get3A_519 = arith.index_cast %get3A_518 : i32 to index
    %get3A_520 = arith.constant 32 : index
    %get3A_521 = tpu.vector_load %arg5[%get3A_519, %get3A_520] {strides = array<i32>} : memref<4x128xi32, #tpu.memory_space<vmem>>, vector<16xi32>,
    %shift_right_logical3A_522 = arith.constant 1 : i32
    %shift_right_logical3A_523 = vector.broadcast %shift_right_logical3A_522 : i32 to vector<16xi32>
    %shift_right_logical3A_524 = arith.shrui %get3A_521, %shift_right_logical3A_523 : vector<16xi32>
    %swap3A_525 = arith.constant 2 : i32
    %swap3A_526 = arith.index_cast %swap3A_525 : i32 to index
    %swap3A_527 = arith.constant 32 : index
    %swap3A_528 = tpu.vector_load %arg6[%swap3A_526, %swap3A_527] {strides = array<i32>} : memref<4x128xi32, #tpu.memory_space<vmem>>, vector<16xi32>,
    tpu.vector_store %arg6[%swap3A_526, %swap3A_527], %shift_right_logical3A_524 {strides = array<i32>} : memref<4x128xi32, #tpu.memory_space<vmem>>, vector<16xi32>,
    %and3A_529 = arith.constant 1 : i32
    %and3A_530 = vector.broadcast %and3A_529 : i32 to vector<16xi32>
    %and3A_531 = arith.andi %get3A_521, %and3A_530 : vector<16xi32>
    %mul3A_532 = arith.constant 64 : i32
    %mul3A_533 = vector.broadcast %mul3A_532 : i32 to vector<16xi32>
    %mul3A_534 = arith.muli %and3A_531, %mul3A_533 : vector<16xi32>
    %swap3A_535 = arith.constant 2 : i32
    %swap3A_536 = arith.index_cast %swap3A_535 : i32 to index
    %swap3A_537 = arith.constant 32 : index
    %swap3A_538 = tpu.vector_load %arg7[%swap3A_536, %swap3A_537] {strides = array<i32>} : memref<4x128xi32, #tpu.memory_space<vmem>>, vector<16xi32>,
    tpu.vector_store %arg7[%swap3A_536, %swap3A_537], %mul3A_534 {strides = array<i32>} : memref<4x128xi32, #tpu.memory_space<vmem>>, vector<16xi32>,
    %get3A_539 = arith.constant 2 : i32
    %get3A_540 = arith.index_cast %get3A_539 : i32 to index
    %get3A_541 = arith.constant 48 : index
    %get3A_542 = tpu.vector_load %arg5[%get3A_540, %get3A_541] {strides = array<i32>} : memref<4x128xi32, #tpu.memory_space<vmem>>, vector<16xi32>,
    %shift_right_logical3A_543 = arith.constant 1 : i32
    %shift_right_logical3A_544 = vector.broadcast %shift_right_logical3A_543 : i32 to vector<16xi32>
    %shift_right_logical3A_545 = arith.shrui %get3A_542, %shift_right_logical3A_544 : vector<16xi32>
    %swap3A_546 = arith.constant 2 : i32
    %swap3A_547 = arith.index_cast %swap3A_546 : i32 to index
    %swap3A_548 = arith.constant 48 : index
    %swap3A_549 = tpu.vector_load %arg6[%swap3A_547, %swap3A_548] {strides = array<i32>} : memref<4x128xi32, #tpu.memory_space<vmem>>, vector<16xi32>,
    tpu.vector_store %arg6[%swap3A_547, %swap3A_548], %shift_right_logical3A_545 {strides = array<i32>} : memref<4x128xi32, #tpu.memory_space<vmem>>, vector<16xi32>,
    %and3A_550 = arith.constant 1 : i32
    %and3A_551 = vector.broadcast %and3A_550 : i32 to vector<16xi32>
    %and3A_552 = arith.andi %get3A_542, %and3A_551 : vector<16xi32>
    %mul3A_553 = arith.constant 64 : i32
    %mul3A_554 = vector.broadcast %mul3A_553 : i32 to vector<16xi32>
    %mul3A_555 = arith.muli %and3A_552, %mul3A_554 : vector<16xi32>
    %swap3A_556 = arith.constant 2 : i32
    %swap3A_557 = arith.index_cast %swap3A_556 : i32 to index
    %swap3A_558 = arith.constant 48 : index
    %swap3A_559 = tpu.vector_load %arg7[%swap3A_557, %swap3A_558] {strides = array<i32>} : memref<4x128xi32, #tpu.memory_space<vmem>>, vector<16xi32>,
    tpu.vector_store %arg7[%swap3A_557, %swap3A_558], %mul3A_555 {strides = array<i32>} : memref<4x128xi32, #tpu.memory_space<vmem>>, vector<16xi32>,
    %get3A_560 = arith.constant 2 : i32
    %get3A_561 = arith.index_cast %get3A_560 : i32 to index
    %get3A_562 = arith.constant 64 : index
    %get3A_563 = tpu.vector_load %arg5[%get3A_561, %get3A_562] {strides = array<i32>} : memref<4x128xi32, #tpu.memory_space<vmem>>, vector<16xi32>,
    %shift_right_logical3A_564 = arith.constant 1 : i32
    %shift_right_logical3A_565 = vector.broadcast %shift_right_logical3A_564 : i32 to vector<16xi32>
    %shift_right_logical3A_566 = arith.shrui %get3A_563, %shift_right_logical3A_565 : vector<16xi32>
    %swap3A_567 = arith.constant 2 : i32
    %swap3A_568 = arith.index_cast %swap3A_567 : i32 to index
    %swap3A_569 = arith.constant 64 : index
    %swap3A_570 = tpu.vector_load %arg6[%swap3A_568, %swap3A_569] {strides = array<i32>} : memref<4x128xi32, #tpu.memory_space<vmem>>, vector<16xi32>,
    tpu.vector_store %arg6[%swap3A_568, %swap3A_569], %shift_right_logical3A_566 {strides = array<i32>} : memref<4x128xi32, #tpu.memory_space<vmem>>, vector<16xi32>,
    %and3A_571 = arith.constant 1 : i32
    %and3A_572 = vector.broadcast %and3A_571 : i32 to vector<16xi32>
    %and3A_573 = arith.andi %get3A_563, %and3A_572 : vector<16xi32>
    %mul3A_574 = arith.constant 64 : i32
    %mul3A_575 = vector.broadcast %mul3A_574 : i32 to vector<16xi32>
    %mul3A_576 = arith.muli %and3A_573, %mul3A_575 : vector<16xi32>
    %swap3A_577 = arith.constant 2 : i32
    %swap3A_578 = arith.index_cast %swap3A_577 : i32 to index
    %swap3A_579 = arith.constant 64 : index
    %swap3A_580 = tpu.vector_load %arg7[%swap3A_578, %swap3A_579] {strides = array<i32>} : memref<4x128xi32, #tpu.memory_space<vmem>>, vector<16xi32>,
    tpu.vector_store %arg7[%swap3A_578, %swap3A_579], %mul3A_576 {strides = array<i32>} : memref<4x128xi32, #tpu.memory_space<vmem>>, vector<16xi32>,
    %get3A_581 = arith.constant 2 : i32
    %get3A_582 = arith.index_cast %get3A_581 : i32 to index
    %get3A_583 = arith.constant 80 : index
    %get3A_584 = tpu.vector_load %arg5[%get3A_582, %get3A_583] {strides = array<i32>} : memref<4x128xi32, #tpu.memory_space<vmem>>, vector<16xi32>,
    %shift_right_logical3A_585 = arith.constant 1 : i32
    %shift_right_logical3A_586 = vector.broadcast %shift_right_logical3A_585 : i32 to vector<16xi32>
    %shift_right_logical3A_587 = arith.shrui %get3A_584, %shift_right_logical3A_586 : vector<16xi32>
    %swap3A_588 = arith.constant 2 : i32
    %swap3A_589 = arith.index_cast %swap3A_588 : i32 to index
    %swap3A_590 = arith.constant 80 : index
    %swap3A_591 = tpu.vector_load %arg6[%swap3A_589, %swap3A_590] {strides = array<i32>} : memref<4x128xi32, #tpu.memory_space<vmem>>, vector<16xi32>,
    tpu.vector_store %arg6[%swap3A_589, %swap3A_590], %shift_right_logical3A_587 {strides = array<i32>} : memref<4x128xi32, #tpu.memory_space<vmem>>, vector<16xi32>,
    %and3A_592 = arith.constant 1 : i32
    %and3A_593 = vector.broadcast %and3A_592 : i32 to vector<16xi32>
    %and3A_594 = arith.andi %get3A_584, %and3A_593 : vector<16xi32>
    %mul3A_595 = arith.constant 64 : i32
    %mul3A_596 = vector.broadcast %mul3A_595 : i32 to vector<16xi32>
    %mul3A_597 = arith.muli %and3A_594, %mul3A_596 : vector<16xi32>
    %swap3A_598 = arith.constant 2 : i32
    %swap3A_599 = arith.index_cast %swap3A_598 : i32 to index
    %swap3A_600 = arith.constant 80 : index
    %swap3A_601 = tpu.vector_load %arg7[%swap3A_599, %swap3A_600] {strides = array<i32>} : memref<4x128xi32, #tpu.memory_space<vmem>>, vector<16xi32>,
    tpu.vector_store %arg7[%swap3A_599, %swap3A_600], %mul3A_597 {strides = array<i32>} : memref<4x128xi32, #tpu.memory_space<vmem>>, vector<16xi32>,
    %get3A_602 = arith.constant 2 : i32
    %get3A_603 = arith.index_cast %get3A_602 : i32 to index
    %get3A_604 = arith.constant 96 : index
    %get3A_605 = tpu.vector_load %arg5[%get3A_603, %get3A_604] {strides = array<i32>} : memref<4x128xi32, #tpu.memory_space<vmem>>, vector<16xi32>,
    %shift_right_logical3A_606 = arith.constant 1 : i32
    %shift_right_logical3A_607 = vector.broadcast %shift_right_logical3A_606 : i32 to vector<16xi32>
    %shift_right_logical3A_608 = arith.shrui %get3A_605, %shift_right_logical3A_607 : vector<16xi32>
    %swap3A_609 = arith.constant 2 : i32
    %swap3A_610 = arith.index_cast %swap3A_609 : i32 to index
    %swap3A_611 = arith.constant 96 : index
    %swap3A_612 = tpu.vector_load %arg6[%swap3A_610, %swap3A_611] {strides = array<i32>} : memref<4x128xi32, #tpu.memory_space<vmem>>, vector<16xi32>,
    tpu.vector_store %arg6[%swap3A_610, %swap3A_611], %shift_right_logical3A_608 {strides = array<i32>} : memref<4x128xi32, #tpu.memory_space<vmem>>, vector<16xi32>,
    %and3A_613 = arith.constant 1 : i32
    %and3A_614 = vector.broadcast %and3A_613 : i32 to vector<16xi32>
    %and3A_615 = arith.andi %get3A_605, %and3A_614 : vector<16xi32>
    %mul3A_616 = arith.constant 64 : i32
    %mul3A_617 = vector.broadcast %mul3A_616 : i32 to vector<16xi32>
    %mul3A_618 = arith.muli %and3A_615, %mul3A_617 : vector<16xi32>
    %swap3A_619 = arith.constant 2 : i32
    %swap3A_620 = arith.index_cast %swap3A_619 : i32 to index
    %swap3A_621 = arith.constant 96 : index
    %swap3A_622 = tpu.vector_load %arg7[%swap3A_620, %swap3A_621] {strides = array<i32>} : memref<4x128xi32, #tpu.memory_space<vmem>>, vector<16xi32>,
    tpu.vector_store %arg7[%swap3A_620, %swap3A_621], %mul3A_618 {strides = array<i32>} : memref<4x128xi32, #tpu.memory_space<vmem>>, vector<16xi32>,
    %get3A_623 = arith.constant 2 : i32
    %get3A_624 = arith.index_cast %get3A_623 : i32 to index
    %get3A_625 = arith.constant 112 : index
    %get3A_626 = tpu.vector_load %arg5[%get3A_624, %get3A_625] {strides = array<i32>} : memref<4x128xi32, #tpu.memory_space<vmem>>, vector<16xi32>,
    %shift_right_logical3A_627 = arith.constant 1 : i32
    %shift_right_logical3A_628 = vector.broadcast %shift_right_logical3A_627 : i32 to vector<16xi32>
    %shift_right_logical3A_629 = arith.shrui %get3A_626, %shift_right_logical3A_628 : vector<16xi32>
    %swap3A_630 = arith.constant 2 : i32
    %swap3A_631 = arith.index_cast %swap3A_630 : i32 to index
    %swap3A_632 = arith.constant 112 : index
    %swap3A_633 = tpu.vector_load %arg6[%swap3A_631, %swap3A_632] {strides = array<i32>} : memref<4x128xi32, #tpu.memory_space<vmem>>, vector<16xi32>,
    tpu.vector_store %arg6[%swap3A_631, %swap3A_632], %shift_right_logical3A_629 {strides = array<i32>} : memref<4x128xi32, #tpu.memory_space<vmem>>, vector<16xi32>,
    %and3A_634 = arith.constant 1 : i32
    %and3A_635 = vector.broadcast %and3A_634 : i32 to vector<16xi32>
    %and3A_636 = arith.andi %get3A_626, %and3A_635 : vector<16xi32>
    %mul3A_637 = arith.constant 64 : i32
    %mul3A_638 = vector.broadcast %mul3A_637 : i32 to vector<16xi32>
    %mul3A_639 = arith.muli %and3A_636, %mul3A_638 : vector<16xi32>
    %swap3A_640 = arith.constant 2 : i32
    %swap3A_641 = arith.index_cast %swap3A_640 : i32 to index
    %swap3A_642 = arith.constant 112 : index
    %swap3A_643 = tpu.vector_load %arg7[%swap3A_641, %swap3A_642] {strides = array<i32>} : memref<4x128xi32, #tpu.memory_space<vmem>>, vector<16xi32>,
    tpu.vector_store %arg7[%swap3A_641, %swap3A_642], %mul3A_639 {strides = array<i32>} : memref<4x128xi32, #tpu.memory_space<vmem>>, vector<16xi32>,
    %dma_start3A_644 = arith.constant 2 : i32
    %dma_start3A_645 = arith.constant 2 : i32
    %dma_start3A_646 = arith.constant 2 : i32
    %dma_start3A_647 = arith.constant 0 : i32
    %dma_start3A_648 = arith.constant 0 : i32
    %dma_start3A_649 = tpu.memref_slice %arg8[%dma_start3A_645, %dma_start3A_647, %dma_start3A_648] : memref<4x128x128xf32, #tpu.memory_space<vmem>> -> memref<1x128x128xf32, #tpu.memory_space<vmem>>
    %dma_start3A_650 = tpu.memref_squeeze %dma_start3A_649 : memref<1x128x128xf32, #tpu.memory_space<vmem>> -> memref<128x128xf32, #tpu.memory_space<vmem>>
    %dma_start3A_651 = arith.constant 0 : i32
    %dma_start3A_652 = tpu.memref_slice %arg6[%dma_start3A_644, %dma_start3A_651] : memref<4x128xi32, #tpu.memory_space<vmem>> -> memref<1x128xi32, #tpu.memory_space<vmem>>
    %dma_start3A_653 = tpu.memref_squeeze %dma_start3A_652 : memref<1x128xi32, #tpu.memory_space<vmem>> -> memref<128xi32, #tpu.memory_space<vmem>>
    %dma_start3A_654 = arith.constant 0 : i32
    %dma_start3A_655 = arith.constant 0 : i32
    %dma_start3A_656 = tpu.memref_slice %arg3[%dma_start3A_654, %dma_start3A_655] : memref<500000x128xf32, #tpu.memory_space<hbm>> -> memref<500000x128xf32, #tpu.memory_space<hbm>>
    %dma_start3A_657 = tpu.memref_slice %arg10[%dma_start3A_646] : memref<4x!tpu.dma_semaphore, #tpu.memory_space<semaphore_mem>> -> memref<1x!tpu.dma_semaphore, #tpu.memory_space<semaphore_mem>>
    %dma_start3A_658 = tpu.memref_squeeze %dma_start3A_657 : memref<1x!tpu.dma_semaphore, #tpu.memory_space<semaphore_mem>> -> memref<!tpu.dma_semaphore, #tpu.memory_space<semaphore_mem>>
    tpu.enqueue_indirect_dma source(%dma_start3A_656 : memref<500000x128xf32, #tpu.memory_space<hbm>>) target(%dma_start3A_650 : memref<128x128xf32, #tpu.memory_space<vmem>>) offsets(%dma_start3A_653 : memref<128xi32, #tpu.memory_space<vmem>>) semaphore(%dma_start3A_658 : memref<!tpu.dma_semaphore, #tpu.memory_space<semaphore_mem>>)
    %add3A_659 = arith.constant 0 : i32
    %add3A_660 = arith.addi %mul3A_2, %add3A_659 : i32
    %mul3A_661 = arith.constant 128 : i32
    %mul3A_662 = arith.muli %add3A_660, %mul3A_661 : i32
    %add3A_663 = arith.constant 49152 : i32
    %add3A_664 = arith.addi %add3A_663, %mul3A_662 : i32
    %multiple_of3A_665 = tpu.assume_multiple %add3A_664, 128 : i32
    %dma_start3A_666 = arith.constant 3 : i32
    %dma_start3A_667 = arith.constant 3 : i32
    %dma_start3A_668 = arith.constant 0 : i32
    %dma_start3A_669 = tpu.memref_slice %arg5[%dma_start3A_666, %dma_start3A_668] : memref<4x128xi32, #tpu.memory_space<vmem>> -> memref<1x128xi32, #tpu.memory_space<vmem>>
    %dma_start3A_670 = tpu.memref_squeeze %dma_start3A_669 : memref<1x128xi32, #tpu.memory_space<vmem>> -> memref<128xi32, #tpu.memory_space<vmem>>
    %dma_start3A_671 = tpu.memref_slice %arg2[%multiple_of3A_665] : memref<819200xi32, #tpu.memory_space<hbm>> -> memref<128xi32, #tpu.memory_space<hbm>>
    %dma_start3A_672 = tpu.memref_slice %arg11[%dma_start3A_667] : memref<4x!tpu.dma_semaphore, #tpu.memory_space<semaphore_mem>> -> memref<1x!tpu.dma_semaphore, #tpu.memory_space<semaphore_mem>>
    %dma_start3A_673 = tpu.memref_squeeze %dma_start3A_672 : memref<1x!tpu.dma_semaphore, #tpu.memory_space<semaphore_mem>> -> memref<!tpu.dma_semaphore, #tpu.memory_space<semaphore_mem>>
    %dma_start3A_674 = arith.constant 0 : i32
    %dma_start3A_675 = tpu.memref_slice %arg5[%dma_start3A_666, %dma_start3A_674] : memref<4x128xi32, #tpu.memory_space<vmem>> -> memref<1x128xi32, #tpu.memory_space<vmem>>
    %dma_start3A_676 = tpu.memref_squeeze %dma_start3A_675 : memref<1x128xi32, #tpu.memory_space<vmem>> -> memref<128xi32, #tpu.memory_space<vmem>>
    %dma_start3A_677 = tpu.memref_slice %arg2[%multiple_of3A_665] : memref<819200xi32, #tpu.memory_space<hbm>> -> memref<128xi32, #tpu.memory_space<hbm>>
    tpu.enqueue_dma source(%dma_start3A_677 : memref<128xi32, #tpu.memory_space<hbm>>) target(%dma_start3A_676 : memref<128xi32, #tpu.memory_space<vmem>>) target_semaphore(%dma_start3A_673 : memref<!tpu.dma_semaphore, #tpu.memory_space<semaphore_mem>>)
    %scan3A = arith.constant 0 : i32
    %scan3A_678 = arith.constant 0 : i32
    %scan3A_679 = arith.constant 200 : i32
    %scan3A_680 = arith.addi %scan3A_678, %scan3A_679 : i32
    %scan3A_681 = arith.constant 1 : i32
    scf.for %scan3A_740 = %scan3A_678 to %scan3A_680 step %scan3A_681  : i32 {
      %rem3A = arith.constant 4 : i32
      %rem3A_741 = arith.remsi %scan3A_740, %rem3A : i32
      %rem3A_742 = arith.constant 2 : i32
      %rem3A_743 = arith.remsi %scan3A_740, %rem3A_742 : i32
      %dma_wait3A_744 = arith.constant 0 : i32
      %dma_wait3A_745 = arith.constant 0 : i32
      %dma_wait3A_746 = tpu.memref_slice %arg8[%rem3A_741, %dma_wait3A_744, %dma_wait3A_745] : memref<4x128x128xf32, #tpu.memory_space<vmem>> -> memref<1x128x128xf32, #tpu.memory_space<vmem>>
      %dma_wait3A_747 = tpu.memref_squeeze %dma_wait3A_746 : memref<1x128x128xf32, #tpu.memory_space<vmem>> -> memref<128x128xf32, #tpu.memory_space<vmem>>
      %dma_wait3A_748 = arith.constant 0 : i32
      %dma_wait3A_749 = tpu.memref_slice %arg6[%rem3A_741, %dma_wait3A_748] : memref<4x128xi32, #tpu.memory_space<vmem>> -> memref<1x128xi32, #tpu.memory_space<vmem>>
      %dma_wait3A_750 = tpu.memref_squeeze %dma_wait3A_749 : memref<1x128xi32, #tpu.memory_space<vmem>> -> memref<128xi32, #tpu.memory_space<vmem>>
      %dma_wait3A_751 = arith.constant 0 : i32
      %dma_wait3A_752 = arith.constant 0 : i32
      %dma_wait3A_753 = tpu.memref_slice %arg3[%dma_wait3A_751, %dma_wait3A_752] : memref<500000x128xf32, #tpu.memory_space<hbm>> -> memref<500000x128xf32, #tpu.memory_space<hbm>>
      %dma_wait3A_754 = tpu.memref_slice %arg10[%rem3A_741] : memref<4x!tpu.dma_semaphore, #tpu.memory_space<semaphore_mem>> -> memref<1x!tpu.dma_semaphore, #tpu.memory_space<semaphore_mem>>
      %dma_wait3A_755 = tpu.memref_squeeze %dma_wait3A_754 : memref<1x!tpu.dma_semaphore, #tpu.memory_space<semaphore_mem>> -> memref<!tpu.dma_semaphore, #tpu.memory_space<semaphore_mem>>
      tpu.wait_indirect_dma semaphore(%dma_wait3A_755 : memref<!tpu.dma_semaphore, #tpu.memory_space<semaphore_mem>>) src(%dma_wait3A_753 : memref<500000x128xf32, #tpu.memory_space<hbm>>) dst(%dma_wait3A_747 : memref<128x128xf32, #tpu.memory_space<vmem>>)
      %add3A_756 = arith.constant 3 : i32
      %add3A_757 = arith.addi %scan3A_740, %add3A_756 : i32
      %lt3A = arith.constant 200 : i32
      %lt3A_758 = arith.cmpi slt, %add3A_757, %lt3A : i32
      %convert_element_type3A = arith.extui %lt3A_758 : i1 to i32
      %cond3A = arith.constant 0 : i32
      %cond3A_759 = arith.cmpi ne, %convert_element_type3A, %cond3A : i32
      scf.if %cond3A_759 {
        %add3A_826 = arith.constant 3 : i32
        %add3A_827 = arith.addi %scan3A_740, %add3A_826 : i32
        %rem3A_828 = arith.constant 4 : i32
        %rem3A_829 = arith.remsi %add3A_827, %rem3A_828 : i32
        %add3A_830 = arith.constant 3 : i32
        %add3A_831 = arith.addi %scan3A_740, %add3A_830 : i32
        %jit3A_832 = arith.constant 50 : i32
        %div3A_833 = arith.divsi %add3A_831, %jit3A_832 : i32
        %sign3A_834 = arith.constant 0 : i32
        %sign3A_835 = arith.cmpi sgt, %add3A_831, %sign3A_834 : i32
        %sign3A_836 = arith.extui %sign3A_835 : i1 to i32
        %sign3A_837 = arith.constant 0 : i32
        %sign3A_838 = arith.cmpi slt, %add3A_831, %sign3A_837 : i32
        %sign3A_839 = arith.extui %sign3A_838 : i1 to i32
        %sign3A_840 = arith.subi %sign3A_836, %sign3A_839 : i32
        %sign3A_841 = arith.constant 0 : i32
        %sign3A_842 = arith.cmpi sgt, %jit3A_832, %sign3A_841 : i32
        %sign3A_843 = arith.extui %sign3A_842 : i1 to i32
        %sign3A_844 = arith.constant 0 : i32
        %sign3A_845 = arith.cmpi slt, %jit3A_832, %sign3A_844 : i32
        %sign3A_846 = arith.extui %sign3A_845 : i1 to i32
        %sign3A_847 = arith.subi %sign3A_843, %sign3A_846 : i32
        %ne3A_848 = arith.cmpi ne, %sign3A_840, %sign3A_847 : i32
        %rem3A_849 = arith.remsi %add3A_831, %jit3A_832 : i32
        %ne3A_850 = arith.constant 0 : i32
        %ne3A_851 = arith.cmpi ne, %rem3A_849, %ne3A_850 : i32
        %and3A_852 = arith.andi %ne3A_848, %ne3A_851 : i1
        %sub3A_853 = arith.constant 1 : i32
        %sub3A_854 = arith.subi %div3A_833, %sub3A_853 : i32
        %select_n3A_855 = arith.select %and3A_852, %sub3A_854, %div3A_833 : i32
        %mul3A_856 = arith.constant 50 : i32
        %mul3A_857 = arith.muli %select_n3A_855, %mul3A_856 : i32
        %sub3A_858 = arith.subi %add3A_831, %mul3A_857 : i32
        %mul3A_859 = arith.constant 16384 : i32
        %mul3A_860 = arith.muli %sub3A_858, %mul3A_859 : i32
        %add3A_861 = arith.addi %mul3A_2, %select_n3A_855 : i32
        %mul3A_862 = arith.constant 128 : i32
        %mul3A_863 = arith.muli %add3A_861, %mul3A_862 : i32
        %add3A_864 = arith.addi %mul3A_860, %mul3A_863 : i32
        %multiple_of3A_865 = tpu.assume_multiple %add3A_864, 128 : i32
        %dma_wait3A_866 = arith.constant 0 : i32
        %dma_wait3A_867 = tpu.memref_slice %arg5[%rem3A_829, %dma_wait3A_866] : memref<4x128xi32, #tpu.memory_space<vmem>> -> memref<1x128xi32, #tpu.memory_space<vmem>>
        %dma_wait3A_868 = tpu.memref_squeeze %dma_wait3A_867 : memref<1x128xi32, #tpu.memory_space<vmem>> -> memref<128xi32, #tpu.memory_space<vmem>>
        %dma_wait3A_869 = tpu.memref_slice %arg2[%multiple_of3A_865] : memref<819200xi32, #tpu.memory_space<hbm>> -> memref<128xi32, #tpu.memory_space<hbm>>
        %dma_wait3A_870 = tpu.memref_slice %arg11[%rem3A_829] : memref<4x!tpu.dma_semaphore, #tpu.memory_space<semaphore_mem>> -> memref<1x!tpu.dma_semaphore, #tpu.memory_space<semaphore_mem>>
        %dma_wait3A_871 = tpu.memref_squeeze %dma_wait3A_870 : memref<1x!tpu.dma_semaphore, #tpu.memory_space<semaphore_mem>> -> memref<!tpu.dma_semaphore, #tpu.memory_space<semaphore_mem>>
        %dma_wait3A_872 = arith.constant 0 : i32
        %dma_wait3A_873 = tpu.memref_slice %arg5[%rem3A_829, %dma_wait3A_872] : memref<4x128xi32, #tpu.memory_space<vmem>> -> memref<1x128xi32, #tpu.memory_space<vmem>>
        %dma_wait3A_874 = tpu.memref_squeeze %dma_wait3A_873 : memref<1x128xi32, #tpu.memory_space<vmem>> -> memref<128xi32, #tpu.memory_space<vmem>>
        %dma_wait3A_875 = tpu.memref_slice %arg2[%multiple_of3A_865] : memref<819200xi32, #tpu.memory_space<hbm>> -> memref<128xi32, #tpu.memory_space<hbm>>
        tpu.wait_dma2 semaphore(%dma_wait3A_871 : memref<!tpu.dma_semaphore, #tpu.memory_space<semaphore_mem>>) src(%dma_wait3A_875 : memref<128xi32, #tpu.memory_space<hbm>>) dst(%dma_wait3A_874 : memref<128xi32, #tpu.memory_space<vmem>>)
        %get3A_876 = arith.index_cast %rem3A_829 : i32 to index
        %get3A_877 = arith.constant 0 : index
        %get3A_878 = tpu.vector_load %arg5[%get3A_876, %get3A_877] {strides = array<i32>} : memref<4x128xi32, #tpu.memory_space<vmem>>, vector<16xi32>,
        %shift_right_logical3A_879 = arith.constant 1 : i32
        %shift_right_logical3A_880 = vector.broadcast %shift_right_logical3A_879 : i32 to vector<16xi32>
        %shift_right_logical3A_881 = arith.shrui %get3A_878, %shift_right_logical3A_880 : vector<16xi32>
        %swap3A_882 = arith.index_cast %rem3A_829 : i32 to index
        %swap3A_883 = arith.constant 0 : index
        %swap3A_884 = tpu.vector_load %arg6[%swap3A_882, %swap3A_883] {strides = array<i32>} : memref<4x128xi32, #tpu.memory_space<vmem>>, vector<16xi32>,
        tpu.vector_store %arg6[%swap3A_882, %swap3A_883], %shift_right_logical3A_881 {strides = array<i32>} : memref<4x128xi32, #tpu.memory_space<vmem>>, vector<16xi32>,
        %and3A_885 = arith.constant 1 : i32
        %and3A_886 = vector.broadcast %and3A_885 : i32 to vector<16xi32>
        %and3A_887 = arith.andi %get3A_878, %and3A_886 : vector<16xi32>
        %mul3A_888 = arith.constant 64 : i32
        %mul3A_889 = vector.broadcast %mul3A_888 : i32 to vector<16xi32>
        %mul3A_890 = arith.muli %and3A_887, %mul3A_889 : vector<16xi32>
        %swap3A_891 = arith.index_cast %rem3A_829 : i32 to index
        %swap3A_892 = arith.constant 0 : index
        %swap3A_893 = tpu.vector_load %arg7[%swap3A_891, %swap3A_892] {strides = array<i32>} : memref<4x128xi32, #tpu.memory_space<vmem>>, vector<16xi32>,
        tpu.vector_store %arg7[%swap3A_891, %swap3A_892], %mul3A_890 {strides = array<i32>} : memref<4x128xi32, #tpu.memory_space<vmem>>, vector<16xi32>,
        %get3A_894 = arith.index_cast %rem3A_829 : i32 to index
        %get3A_895 = arith.constant 16 : index
        %get3A_896 = tpu.vector_load %arg5[%get3A_894, %get3A_895] {strides = array<i32>} : memref<4x128xi32, #tpu.memory_space<vmem>>, vector<16xi32>,
        %shift_right_logical3A_897 = arith.constant 1 : i32
        %shift_right_logical3A_898 = vector.broadcast %shift_right_logical3A_897 : i32 to vector<16xi32>
        %shift_right_logical3A_899 = arith.shrui %get3A_896, %shift_right_logical3A_898 : vector<16xi32>
        %swap3A_900 = arith.index_cast %rem3A_829 : i32 to index
        %swap3A_901 = arith.constant 16 : index
        %swap3A_902 = tpu.vector_load %arg6[%swap3A_900, %swap3A_901] {strides = array<i32>} : memref<4x128xi32, #tpu.memory_space<vmem>>, vector<16xi32>,
        tpu.vector_store %arg6[%swap3A_900, %swap3A_901], %shift_right_logical3A_899 {strides = array<i32>} : memref<4x128xi32, #tpu.memory_space<vmem>>, vector<16xi32>,
        %and3A_903 = arith.constant 1 : i32
        %and3A_904 = vector.broadcast %and3A_903 : i32 to vector<16xi32>
        %and3A_905 = arith.andi %get3A_896, %and3A_904 : vector<16xi32>
        %mul3A_906 = arith.constant 64 : i32
        %mul3A_907 = vector.broadcast %mul3A_906 : i32 to vector<16xi32>
        %mul3A_908 = arith.muli %and3A_905, %mul3A_907 : vector<16xi32>
        %swap3A_909 = arith.index_cast %rem3A_829 : i32 to index
        %swap3A_910 = arith.constant 16 : index
        %swap3A_911 = tpu.vector_load %arg7[%swap3A_909, %swap3A_910] {strides = array<i32>} : memref<4x128xi32, #tpu.memory_space<vmem>>, vector<16xi32>,
        tpu.vector_store %arg7[%swap3A_909, %swap3A_910], %mul3A_908 {strides = array<i32>} : memref<4x128xi32, #tpu.memory_space<vmem>>, vector<16xi32>,
        %get3A_912 = arith.index_cast %rem3A_829 : i32 to index
        %get3A_913 = arith.constant 32 : index
        %get3A_914 = tpu.vector_load %arg5[%get3A_912, %get3A_913] {strides = array<i32>} : memref<4x128xi32, #tpu.memory_space<vmem>>, vector<16xi32>,
        %shift_right_logical3A_915 = arith.constant 1 : i32
        %shift_right_logical3A_916 = vector.broadcast %shift_right_logical3A_915 : i32 to vector<16xi32>
        %shift_right_logical3A_917 = arith.shrui %get3A_914, %shift_right_logical3A_916 : vector<16xi32>
        %swap3A_918 = arith.index_cast %rem3A_829 : i32 to index
        %swap3A_919 = arith.constant 32 : index
        %swap3A_920 = tpu.vector_load %arg6[%swap3A_918, %swap3A_919] {strides = array<i32>} : memref<4x128xi32, #tpu.memory_space<vmem>>, vector<16xi32>,
        tpu.vector_store %arg6[%swap3A_918, %swap3A_919], %shift_right_logical3A_917 {strides = array<i32>} : memref<4x128xi32, #tpu.memory_space<vmem>>, vector<16xi32>,
        %and3A_921 = arith.constant 1 : i32
        %and3A_922 = vector.broadcast %and3A_921 : i32 to vector<16xi32>
        %and3A_923 = arith.andi %get3A_914, %and3A_922 : vector<16xi32>
        %mul3A_924 = arith.constant 64 : i32
        %mul3A_925 = vector.broadcast %mul3A_924 : i32 to vector<16xi32>
        %mul3A_926 = arith.muli %and3A_923, %mul3A_925 : vector<16xi32>
        %swap3A_927 = arith.index_cast %rem3A_829 : i32 to index
        %swap3A_928 = arith.constant 32 : index
        %swap3A_929 = tpu.vector_load %arg7[%swap3A_927, %swap3A_928] {strides = array<i32>} : memref<4x128xi32, #tpu.memory_space<vmem>>, vector<16xi32>,
        tpu.vector_store %arg7[%swap3A_927, %swap3A_928], %mul3A_926 {strides = array<i32>} : memref<4x128xi32, #tpu.memory_space<vmem>>, vector<16xi32>,
        %get3A_930 = arith.index_cast %rem3A_829 : i32 to index
        %get3A_931 = arith.constant 48 : index
        %get3A_932 = tpu.vector_load %arg5[%get3A_930, %get3A_931] {strides = array<i32>} : memref<4x128xi32, #tpu.memory_space<vmem>>, vector<16xi32>,
        %shift_right_logical3A_933 = arith.constant 1 : i32
        %shift_right_logical3A_934 = vector.broadcast %shift_right_logical3A_933 : i32 to vector<16xi32>
        %shift_right_logical3A_935 = arith.shrui %get3A_932, %shift_right_logical3A_934 : vector<16xi32>
        %swap3A_936 = arith.index_cast %rem3A_829 : i32 to index
        %swap3A_937 = arith.constant 48 : index
        %swap3A_938 = tpu.vector_load %arg6[%swap3A_936, %swap3A_937] {strides = array<i32>} : memref<4x128xi32, #tpu.memory_space<vmem>>, vector<16xi32>,
        tpu.vector_store %arg6[%swap3A_936, %swap3A_937], %shift_right_logical3A_935 {strides = array<i32>} : memref<4x128xi32, #tpu.memory_space<vmem>>, vector<16xi32>,
        %and3A_939 = arith.constant 1 : i32
        %and3A_940 = vector.broadcast %and3A_939 : i32 to vector<16xi32>
        %and3A_941 = arith.andi %get3A_932, %and3A_940 : vector<16xi32>
        %mul3A_942 = arith.constant 64 : i32
        %mul3A_943 = vector.broadcast %mul3A_942 : i32 to vector<16xi32>
        %mul3A_944 = arith.muli %and3A_941, %mul3A_943 : vector<16xi32>
        %swap3A_945 = arith.index_cast %rem3A_829 : i32 to index
        %swap3A_946 = arith.constant 48 : index
        %swap3A_947 = tpu.vector_load %arg7[%swap3A_945, %swap3A_946] {strides = array<i32>} : memref<4x128xi32, #tpu.memory_space<vmem>>, vector<16xi32>,
        tpu.vector_store %arg7[%swap3A_945, %swap3A_946], %mul3A_944 {strides = array<i32>} : memref<4x128xi32, #tpu.memory_space<vmem>>, vector<16xi32>,
        %get3A_948 = arith.index_cast %rem3A_829 : i32 to index
        %get3A_949 = arith.constant 64 : index
        %get3A_950 = tpu.vector_load %arg5[%get3A_948, %get3A_949] {strides = array<i32>} : memref<4x128xi32, #tpu.memory_space<vmem>>, vector<16xi32>,
        %shift_right_logical3A_951 = arith.constant 1 : i32
        %shift_right_logical3A_952 = vector.broadcast %shift_right_logical3A_951 : i32 to vector<16xi32>
        %shift_right_logical3A_953 = arith.shrui %get3A_950, %shift_right_logical3A_952 : vector<16xi32>
        %swap3A_954 = arith.index_cast %rem3A_829 : i32 to index
        %swap3A_955 = arith.constant 64 : index
        %swap3A_956 = tpu.vector_load %arg6[%swap3A_954, %swap3A_955] {strides = array<i32>} : memref<4x128xi32, #tpu.memory_space<vmem>>, vector<16xi32>,
        tpu.vector_store %arg6[%swap3A_954, %swap3A_955], %shift_right_logical3A_953 {strides = array<i32>} : memref<4x128xi32, #tpu.memory_space<vmem>>, vector<16xi32>,
        %and3A_957 = arith.constant 1 : i32
        %and3A_958 = vector.broadcast %and3A_957 : i32 to vector<16xi32>
        %and3A_959 = arith.andi %get3A_950, %and3A_958 : vector<16xi32>
        %mul3A_960 = arith.constant 64 : i32
        %mul3A_961 = vector.broadcast %mul3A_960 : i32 to vector<16xi32>
        %mul3A_962 = arith.muli %and3A_959, %mul3A_961 : vector<16xi32>
        %swap3A_963 = arith.index_cast %rem3A_829 : i32 to index
        %swap3A_964 = arith.constant 64 : index
        %swap3A_965 = tpu.vector_load %arg7[%swap3A_963, %swap3A_964] {strides = array<i32>} : memref<4x128xi32, #tpu.memory_space<vmem>>, vector<16xi32>,
        tpu.vector_store %arg7[%swap3A_963, %swap3A_964], %mul3A_962 {strides = array<i32>} : memref<4x128xi32, #tpu.memory_space<vmem>>, vector<16xi32>,
        %get3A_966 = arith.index_cast %rem3A_829 : i32 to index
        %get3A_967 = arith.constant 80 : index
        %get3A_968 = tpu.vector_load %arg5[%get3A_966, %get3A_967] {strides = array<i32>} : memref<4x128xi32, #tpu.memory_space<vmem>>, vector<16xi32>,
        %shift_right_logical3A_969 = arith.constant 1 : i32
        %shift_right_logical3A_970 = vector.broadcast %shift_right_logical3A_969 : i32 to vector<16xi32>
        %shift_right_logical3A_971 = arith.shrui %get3A_968, %shift_right_logical3A_970 : vector<16xi32>
        %swap3A_972 = arith.index_cast %rem3A_829 : i32 to index
        %swap3A_973 = arith.constant 80 : index
        %swap3A_974 = tpu.vector_load %arg6[%swap3A_972, %swap3A_973] {strides = array<i32>} : memref<4x128xi32, #tpu.memory_space<vmem>>, vector<16xi32>,
        tpu.vector_store %arg6[%swap3A_972, %swap3A_973], %shift_right_logical3A_971 {strides = array<i32>} : memref<4x128xi32, #tpu.memory_space<vmem>>, vector<16xi32>,
        %and3A_975 = arith.constant 1 : i32
        %and3A_976 = vector.broadcast %and3A_975 : i32 to vector<16xi32>
        %and3A_977 = arith.andi %get3A_968, %and3A_976 : vector<16xi32>
        %mul3A_978 = arith.constant 64 : i32
        %mul3A_979 = vector.broadcast %mul3A_978 : i32 to vector<16xi32>
        %mul3A_980 = arith.muli %and3A_977, %mul3A_979 : vector<16xi32>
        %swap3A_981 = arith.index_cast %rem3A_829 : i32 to index
        %swap3A_982 = arith.constant 80 : index
        %swap3A_983 = tpu.vector_load %arg7[%swap3A_981, %swap3A_982] {strides = array<i32>} : memref<4x128xi32, #tpu.memory_space<vmem>>, vector<16xi32>,
        tpu.vector_store %arg7[%swap3A_981, %swap3A_982], %mul3A_980 {strides = array<i32>} : memref<4x128xi32, #tpu.memory_space<vmem>>, vector<16xi32>,
        %get3A_984 = arith.index_cast %rem3A_829 : i32 to index
        %get3A_985 = arith.constant 96 : index
        %get3A_986 = tpu.vector_load %arg5[%get3A_984, %get3A_985] {strides = array<i32>} : memref<4x128xi32, #tpu.memory_space<vmem>>, vector<16xi32>,
        %shift_right_logical3A_987 = arith.constant 1 : i32
        %shift_right_logical3A_988 = vector.broadcast %shift_right_logical3A_987 : i32 to vector<16xi32>
        %shift_right_logical3A_989 = arith.shrui %get3A_986, %shift_right_logical3A_988 : vector<16xi32>
        %swap3A_990 = arith.index_cast %rem3A_829 : i32 to index
        %swap3A_991 = arith.constant 96 : index
        %swap3A_992 = tpu.vector_load %arg6[%swap3A_990, %swap3A_991] {strides = array<i32>} : memref<4x128xi32, #tpu.memory_space<vmem>>, vector<16xi32>,
        tpu.vector_store %arg6[%swap3A_990, %swap3A_991], %shift_right_logical3A_989 {strides = array<i32>} : memref<4x128xi32, #tpu.memory_space<vmem>>, vector<16xi32>,
        %and3A_993 = arith.constant 1 : i32
        %and3A_994 = vector.broadcast %and3A_993 : i32 to vector<16xi32>
        %and3A_995 = arith.andi %get3A_986, %and3A_994 : vector<16xi32>
        %mul3A_996 = arith.constant 64 : i32
        %mul3A_997 = vector.broadcast %mul3A_996 : i32 to vector<16xi32>
        %mul3A_998 = arith.muli %and3A_995, %mul3A_997 : vector<16xi32>
        %swap3A_999 = arith.index_cast %rem3A_829 : i32 to index
        %swap3A_1000 = arith.constant 96 : index
        %swap3A_1001 = tpu.vector_load %arg7[%swap3A_999, %swap3A_1000] {strides = array<i32>} : memref<4x128xi32, #tpu.memory_space<vmem>>, vector<16xi32>,
        tpu.vector_store %arg7[%swap3A_999, %swap3A_1000], %mul3A_998 {strides = array<i32>} : memref<4x128xi32, #tpu.memory_space<vmem>>, vector<16xi32>,
        %get3A_1002 = arith.index_cast %rem3A_829 : i32 to index
        %get3A_1003 = arith.constant 112 : index
        %get3A_1004 = tpu.vector_load %arg5[%get3A_1002, %get3A_1003] {strides = array<i32>} : memref<4x128xi32, #tpu.memory_space<vmem>>, vector<16xi32>,
        %shift_right_logical3A_1005 = arith.constant 1 : i32
        %shift_right_logical3A_1006 = vector.broadcast %shift_right_logical3A_1005 : i32 to vector<16xi32>
        %shift_right_logical3A_1007 = arith.shrui %get3A_1004, %shift_right_logical3A_1006 : vector<16xi32>
        %swap3A_1008 = arith.index_cast %rem3A_829 : i32 to index
        %swap3A_1009 = arith.constant 112 : index
        %swap3A_1010 = tpu.vector_load %arg6[%swap3A_1008, %swap3A_1009] {strides = array<i32>} : memref<4x128xi32, #tpu.memory_space<vmem>>, vector<16xi32>,
        tpu.vector_store %arg6[%swap3A_1008, %swap3A_1009], %shift_right_logical3A_1007 {strides = array<i32>} : memref<4x128xi32, #tpu.memory_space<vmem>>, vector<16xi32>,
        %and3A_1011 = arith.constant 1 : i32
        %and3A_1012 = vector.broadcast %and3A_1011 : i32 to vector<16xi32>
        %and3A_1013 = arith.andi %get3A_1004, %and3A_1012 : vector<16xi32>
        %mul3A_1014 = arith.constant 64 : i32
        %mul3A_1015 = vector.broadcast %mul3A_1014 : i32 to vector<16xi32>
        %mul3A_1016 = arith.muli %and3A_1013, %mul3A_1015 : vector<16xi32>
        %swap3A_1017 = arith.index_cast %rem3A_829 : i32 to index
        %swap3A_1018 = arith.constant 112 : index
        %swap3A_1019 = tpu.vector_load %arg7[%swap3A_1017, %swap3A_1018] {strides = array<i32>} : memref<4x128xi32, #tpu.memory_space<vmem>>, vector<16xi32>,
        tpu.vector_store %arg7[%swap3A_1017, %swap3A_1018], %mul3A_1016 {strides = array<i32>} : memref<4x128xi32, #tpu.memory_space<vmem>>, vector<16xi32>,
        %dma_start3A_1020 = arith.constant 0 : i32
        %dma_start3A_1021 = arith.constant 0 : i32
        %dma_start3A_1022 = tpu.memref_slice %arg8[%rem3A_829, %dma_start3A_1020, %dma_start3A_1021] : memref<4x128x128xf32, #tpu.memory_space<vmem>> -> memref<1x128x128xf32, #tpu.memory_space<vmem>>
        %dma_start3A_1023 = tpu.memref_squeeze %dma_start3A_1022 : memref<1x128x128xf32, #tpu.memory_space<vmem>> -> memref<128x128xf32, #tpu.memory_space<vmem>>
        %dma_start3A_1024 = arith.constant 0 : i32
        %dma_start3A_1025 = tpu.memref_slice %arg6[%rem3A_829, %dma_start3A_1024] : memref<4x128xi32, #tpu.memory_space<vmem>> -> memref<1x128xi32, #tpu.memory_space<vmem>>
        %dma_start3A_1026 = tpu.memref_squeeze %dma_start3A_1025 : memref<1x128xi32, #tpu.memory_space<vmem>> -> memref<128xi32, #tpu.memory_space<vmem>>
        %dma_start3A_1027 = arith.constant 0 : i32
        %dma_start3A_1028 = arith.constant 0 : i32
        %dma_start3A_1029 = tpu.memref_slice %arg3[%dma_start3A_1027, %dma_start3A_1028] : memref<500000x128xf32, #tpu.memory_space<hbm>> -> memref<500000x128xf32, #tpu.memory_space<hbm>>
        %dma_start3A_1030 = tpu.memref_slice %arg10[%rem3A_829] : memref<4x!tpu.dma_semaphore, #tpu.memory_space<semaphore_mem>> -> memref<1x!tpu.dma_semaphore, #tpu.memory_space<semaphore_mem>>
        %dma_start3A_1031 = tpu.memref_squeeze %dma_start3A_1030 : memref<1x!tpu.dma_semaphore, #tpu.memory_space<semaphore_mem>> -> memref<!tpu.dma_semaphore, #tpu.memory_space<semaphore_mem>>
        tpu.enqueue_indirect_dma source(%dma_start3A_1029 : memref<500000x128xf32, #tpu.memory_space<hbm>>) target(%dma_start3A_1023 : memref<128x128xf32, #tpu.memory_space<vmem>>) offsets(%dma_start3A_1026 : memref<128xi32, #tpu.memory_space<vmem>>) semaphore(%dma_start3A_1031 : memref<!tpu.dma_semaphore, #tpu.memory_space<semaphore_mem>>)
      } else {
      }
      %add3A_760 = arith.constant 4 : i32
      %add3A_761 = arith.addi %scan3A_740, %add3A_760 : i32
      %lt3A_762 = arith.constant 200 : i32
      %lt3A_763 = arith.cmpi slt, %add3A_761, %lt3A_762 : i32
      %convert_element_type3A_764 = arith.extui %lt3A_763 : i1 to i32
      %cond3A_765 = arith.constant 0 : i32
      %cond3A_766 = arith.cmpi ne, %convert_element_type3A_764, %cond3A_765 : i32
      scf.if %cond3A_766 {
        %add3A_826 = arith.constant 4 : i32
        %add3A_827 = arith.addi %scan3A_740, %add3A_826 : i32
        %jit3A_828 = arith.constant 50 : i32
        %div3A_829 = arith.divsi %add3A_827, %jit3A_828 : i32
        %sign3A_830 = arith.constant 0 : i32
        %sign3A_831 = arith.cmpi sgt, %add3A_827, %sign3A_830 : i32
        %sign3A_832 = arith.extui %sign3A_831 : i1 to i32
        %sign3A_833 = arith.constant 0 : i32
        %sign3A_834 = arith.cmpi slt, %add3A_827, %sign3A_833 : i32
        %sign3A_835 = arith.extui %sign3A_834 : i1 to i32
        %sign3A_836 = arith.subi %sign3A_832, %sign3A_835 : i32
        %sign3A_837 = arith.constant 0 : i32
        %sign3A_838 = arith.cmpi sgt, %jit3A_828, %sign3A_837 : i32
        %sign3A_839 = arith.extui %sign3A_838 : i1 to i32
        %sign3A_840 = arith.constant 0 : i32
        %sign3A_841 = arith.cmpi slt, %jit3A_828, %sign3A_840 : i32
        %sign3A_842 = arith.extui %sign3A_841 : i1 to i32
        %sign3A_843 = arith.subi %sign3A_839, %sign3A_842 : i32
        %ne3A_844 = arith.cmpi ne, %sign3A_836, %sign3A_843 : i32
        %rem3A_845 = arith.remsi %add3A_827, %jit3A_828 : i32
        %ne3A_846 = arith.constant 0 : i32
        %ne3A_847 = arith.cmpi ne, %rem3A_845, %ne3A_846 : i32
        %and3A_848 = arith.andi %ne3A_844, %ne3A_847 : i1
        %sub3A_849 = arith.constant 1 : i32
        %sub3A_850 = arith.subi %div3A_829, %sub3A_849 : i32
        %select_n3A_851 = arith.select %and3A_848, %sub3A_850, %div3A_829 : i32
        %mul3A_852 = arith.constant 50 : i32
        %mul3A_853 = arith.muli %select_n3A_851, %mul3A_852 : i32
        %sub3A_854 = arith.subi %add3A_827, %mul3A_853 : i32
        %mul3A_855 = arith.constant 16384 : i32
        %mul3A_856 = arith.muli %sub3A_854, %mul3A_855 : i32
        %add3A_857 = arith.addi %mul3A_2, %select_n3A_851 : i32
        %mul3A_858 = arith.constant 128 : i32
        %mul3A_859 = arith.muli %add3A_857, %mul3A_858 : i32
        %add3A_860 = arith.addi %mul3A_856, %mul3A_859 : i32
        %multiple_of3A_861 = tpu.assume_multiple %add3A_860, 128 : i32
        %dma_start3A_862 = arith.constant 0 : i32
        %dma_start3A_863 = tpu.memref_slice %arg5[%rem3A_741, %dma_start3A_862] : memref<4x128xi32, #tpu.memory_space<vmem>> -> memref<1x128xi32, #tpu.memory_space<vmem>>
        %dma_start3A_864 = tpu.memref_squeeze %dma_start3A_863 : memref<1x128xi32, #tpu.memory_space<vmem>> -> memref<128xi32, #tpu.memory_space<vmem>>
        %dma_start3A_865 = tpu.memref_slice %arg2[%multiple_of3A_861] : memref<819200xi32, #tpu.memory_space<hbm>> -> memref<128xi32, #tpu.memory_space<hbm>>
        %dma_start3A_866 = tpu.memref_slice %arg11[%rem3A_741] : memref<4x!tpu.dma_semaphore, #tpu.memory_space<semaphore_mem>> -> memref<1x!tpu.dma_semaphore, #tpu.memory_space<semaphore_mem>>
        %dma_start3A_867 = tpu.memref_squeeze %dma_start3A_866 : memref<1x!tpu.dma_semaphore, #tpu.memory_space<semaphore_mem>> -> memref<!tpu.dma_semaphore, #tpu.memory_space<semaphore_mem>>
        %dma_start3A_868 = arith.constant 0 : i32
        %dma_start3A_869 = tpu.memref_slice %arg5[%rem3A_741, %dma_start3A_868] : memref<4x128xi32, #tpu.memory_space<vmem>> -> memref<1x128xi32, #tpu.memory_space<vmem>>
        %dma_start3A_870 = tpu.memref_squeeze %dma_start3A_869 : memref<1x128xi32, #tpu.memory_space<vmem>> -> memref<128xi32, #tpu.memory_space<vmem>>
        %dma_start3A_871 = tpu.memref_slice %arg2[%multiple_of3A_861] : memref<819200xi32, #tpu.memory_space<hbm>> -> memref<128xi32, #tpu.memory_space<hbm>>
        tpu.enqueue_dma source(%dma_start3A_871 : memref<128xi32, #tpu.memory_space<hbm>>) target(%dma_start3A_870 : memref<128xi32, #tpu.memory_space<vmem>>) target_semaphore(%dma_start3A_867 : memref<!tpu.dma_semaphore, #tpu.memory_space<semaphore_mem>>)
      } else {
      }
      %ge3A = arith.constant 2 : i32
      %ge3A_767 = arith.cmpi sge, %scan3A_740, %ge3A : i32
      %convert_element_type3A_768 = arith.extui %ge3A_767 : i1 to i32
      %cond3A_769 = arith.constant 0 : i32
      %cond3A_770 = arith.cmpi ne, %convert_element_type3A_768, %cond3A_769 : i32
      scf.if %cond3A_770 {
        %sub3A_826 = arith.constant 2 : i32
        %sub3A_827 = arith.subi %scan3A_740, %sub3A_826 : i32
        %jit3A_828 = arith.constant 50 : i32
        %div3A_829 = arith.divsi %sub3A_827, %jit3A_828 : i32
        %sign3A_830 = arith.constant 0 : i32
        %sign3A_831 = arith.cmpi sgt, %sub3A_827, %sign3A_830 : i32
        %sign3A_832 = arith.extui %sign3A_831 : i1 to i32
        %sign3A_833 = arith.constant 0 : i32
        %sign3A_834 = arith.cmpi slt, %sub3A_827, %sign3A_833 : i32
        %sign3A_835 = arith.extui %sign3A_834 : i1 to i32
        %sign3A_836 = arith.subi %sign3A_832, %sign3A_835 : i32
        %sign3A_837 = arith.constant 0 : i32
        %sign3A_838 = arith.cmpi sgt, %jit3A_828, %sign3A_837 : i32
        %sign3A_839 = arith.extui %sign3A_838 : i1 to i32
        %sign3A_840 = arith.constant 0 : i32
        %sign3A_841 = arith.cmpi slt, %jit3A_828, %sign3A_840 : i32
        %sign3A_842 = arith.extui %sign3A_841 : i1 to i32
        %sign3A_843 = arith.subi %sign3A_839, %sign3A_842 : i32
        %ne3A_844 = arith.cmpi ne, %sign3A_836, %sign3A_843 : i32
        %rem3A_845 = arith.remsi %sub3A_827, %jit3A_828 : i32
        %ne3A_846 = arith.constant 0 : i32
        %ne3A_847 = arith.cmpi ne, %rem3A_845, %ne3A_846 : i32
        %and3A_848 = arith.andi %ne3A_844, %ne3A_847 : i1
        %sub3A_849 = arith.constant 1 : i32
        %sub3A_850 = arith.subi %div3A_829, %sub3A_849 : i32
        %select_n3A_851 = arith.select %and3A_848, %sub3A_850, %div3A_829 : i32
        %mul3A_852 = arith.constant 50 : i32
        %mul3A_853 = arith.muli %select_n3A_851, %mul3A_852 : i32
        %sub3A_854 = arith.subi %sub3A_827, %mul3A_853 : i32
        %mul3A_855 = arith.constant 16384 : i32
        %mul3A_856 = arith.muli %sub3A_854, %mul3A_855 : i32
        %add3A_857 = arith.addi %mul3A_2, %select_n3A_851 : i32
        %mul3A_858 = arith.constant 128 : i32
        %mul3A_859 = arith.muli %add3A_857, %mul3A_858 : i32
        %add3A_860 = arith.addi %mul3A_856, %mul3A_859 : i32
        %multiple_of3A_861 = tpu.assume_multiple %add3A_860, 128 : i32
        %mul3A_862 = arith.constant 16384 : i32
        %mul3A_863 = arith.muli %sub3A_854, %mul3A_862 : i32
        %sub3A_864 = arith.subi %multiple_of3A_861, %mul3A_863 : i32
        %multiple_of3A_865 = tpu.assume_multiple %sub3A_864, 128 : i32
        %dma_wait3A_866 = arith.constant 0 : i32
        %dma_wait3A_867 = arith.constant 0 : i32
        %dma_wait3A_868 = tpu.memref_slice %arg9[%rem3A_743, %dma_wait3A_866, %dma_wait3A_867] : memref<2x64x128xf32, #tpu.memory_space<vmem>> -> memref<1x64x128xf32, #tpu.memory_space<vmem>>
        %dma_wait3A_869 = tpu.memref_squeeze %dma_wait3A_868 : memref<1x64x128xf32, #tpu.memory_space<vmem>> -> memref<64x128xf32, #tpu.memory_space<vmem>>
        %dma_wait3A_870 = arith.constant 0 : i32
        %dma_wait3A_871 = tpu.memref_slice %arg4[%sub3A_854, %dma_wait3A_870, %multiple_of3A_865] : memref<50x64x16384xf32, #tpu.memory_space<hbm>> -> memref<1x64x128xf32, #tpu.memory_space<hbm>>
        %dma_wait3A_872 = tpu.memref_squeeze %dma_wait3A_871 : memref<1x64x128xf32, #tpu.memory_space<hbm>> -> memref<64x128xf32, #tpu.memory_space<hbm>>
        %dma_wait3A_873 = tpu.memref_slice %arg12[%rem3A_743] : memref<2x!tpu.dma_semaphore, #tpu.memory_space<semaphore_mem>> -> memref<1x!tpu.dma_semaphore, #tpu.memory_space<semaphore_mem>>
        %dma_wait3A_874 = tpu.memref_squeeze %dma_wait3A_873 : memref<1x!tpu.dma_semaphore, #tpu.memory_space<semaphore_mem>> -> memref<!tpu.dma_semaphore, #tpu.memory_space<semaphore_mem>>
        %dma_wait3A_875 = arith.constant 0 : i32
        %dma_wait3A_876 = tpu.memref_slice %arg4[%sub3A_854, %dma_wait3A_875, %multiple_of3A_865] : memref<50x64x16384xf32, #tpu.memory_space<hbm>> -> memref<1x64x128xf32, #tpu.memory_space<hbm>>
        %dma_wait3A_877 = tpu.memref_squeeze %dma_wait3A_876 : memref<1x64x128xf32, #tpu.memory_space<hbm>> -> memref<64x128xf32, #tpu.memory_space<hbm>>
        %dma_wait3A_878 = arith.constant 0 : i32
        %dma_wait3A_879 = arith.constant 0 : i32
        %dma_wait3A_880 = tpu.memref_slice %arg9[%rem3A_743, %dma_wait3A_878, %dma_wait3A_879] : memref<2x64x128xf32, #tpu.memory_space<vmem>> -> memref<1x64x128xf32, #tpu.memory_space<vmem>>
        %dma_wait3A_881 = tpu.memref_squeeze %dma_wait3A_880 : memref<1x64x128xf32, #tpu.memory_space<vmem>> -> memref<64x128xf32, #tpu.memory_space<vmem>>
        tpu.wait_dma2 semaphore(%dma_wait3A_874 : memref<!tpu.dma_semaphore, #tpu.memory_space<semaphore_mem>>) src(%dma_wait3A_881 : memref<64x128xf32, #tpu.memory_space<vmem>>) dst(%dma_wait3A_877 : memref<64x128xf32, #tpu.memory_space<hbm>>)
      } else {
      }
      %iota3A = tpu.iota {dimensions = array<i32: 0>} : vector<16xi32>
      %scan3A_771 = arith.constant 0 : i32
      %scan3A_772 = arith.constant 0 : i32
      %scan3A_773 = arith.constant 16 : i32
      %scan3A_774 = arith.addi %scan3A_772, %scan3A_773 : i32
      %scan3A_775 = arith.constant 1 : i32
      scf.for %scan3A_826 = %scan3A_772 to %scan3A_774 step %scan3A_775  : i32 {
        %add3A_827 = vector.broadcast %scan3A_826 : i32 to vector<16xi32>
        %add3A_828 = arith.addi %iota3A, %add3A_827 : vector<16xi32>
        %and3A_829 = arith.constant 15 : i32
        %and3A_830 = vector.broadcast %and3A_829 : i32 to vector<16xi32>
        %and3A_831 = arith.andi %add3A_828, %and3A_830 : vector<16xi32>
        %add3A_832 = arith.constant 0 : i32
        %add3A_833 = vector.broadcast %add3A_832 : i32 to vector<16xi32>
        %add3A_834 = arith.addi %and3A_831, %add3A_833 : vector<16xi32>
        %add3A_835 = arith.constant 16 : i32
        %add3A_836 = vector.broadcast %add3A_835 : i32 to vector<16xi32>
        %add3A_837 = arith.addi %and3A_831, %add3A_836 : vector<16xi32>
        %add3A_838 = arith.constant 32 : i32
        %add3A_839 = vector.broadcast %add3A_838 : i32 to vector<16xi32>
        %add3A_840 = arith.addi %and3A_831, %add3A_839 : vector<16xi32>
        %add3A_841 = arith.constant 48 : i32
        %add3A_842 = vector.broadcast %add3A_841 : i32 to vector<16xi32>
        %add3A_843 = arith.addi %and3A_831, %add3A_842 : vector<16xi32>
        %get3A_844 = arith.index_cast %rem3A_741 : i32 to index
        %get3A_845 = arith.constant 0 : index
        %get3A_846 = tpu.vector_load %arg7[%get3A_844, %get3A_845] {strides = array<i32>} : memref<4x128xi32, #tpu.memory_space<vmem>>, vector<16xi32>,
        %add3A_847 = arith.constant 0 : i32
        %add3A_848 = vector.broadcast %add3A_847 : i32 to vector<16xi32>
        %add3A_849 = arith.addi %iota3A, %add3A_848 : vector<16xi32>
        %add3A_850 = arith.addi %get3A_846, %add3A_834 : vector<16xi32>
        %gather3A = arith.constant 0 : i32
        %gather3A_851 = arith.constant 0 : i32
        %gather3A_852 = tpu.memref_slice %arg8[%rem3A_741, %gather3A, %gather3A_851] : memref<4x128x128xf32, #tpu.memory_space<vmem>> -> memref<1x128x128xf32, #tpu.memory_space<vmem>>
        %gather3A_853 = tpu.memref_squeeze %gather3A_852 : memref<1x128x128xf32, #tpu.memory_space<vmem>> -> memref<128x128xf32, #tpu.memory_space<vmem>>
        %gather3A_854 = tpu.vector_load_idx %gather3A_853[%add3A_849, %add3A_850] : memref<128x128xf32, #tpu.memory_space<vmem>>[vector<16xi32>, vector<16xi32>], vector<16xf32>,
        %scatter3A = arith.constant 0 : i32
        %scatter3A_855 = arith.constant 0 : i32
        %scatter3A_856 = tpu.memref_slice %arg9[%rem3A_743, %scatter3A, %scatter3A_855] : memref<2x64x128xf32, #tpu.memory_space<vmem>> -> memref<1x64x128xf32, #tpu.memory_space<vmem>>
        %scatter3A_857 = tpu.memref_squeeze %scatter3A_856 : memref<1x64x128xf32, #tpu.memory_space<vmem>> -> memref<64x128xf32, #tpu.memory_space<vmem>>
        tpu.vector_store_idx %scatter3A_857[%add3A_834, %add3A_849], %gather3A_854 : memref<64x128xf32, #tpu.memory_space<vmem>>[vector<16xi32>, vector<16xi32>], vector<16xf32>,
        %add3A_858 = arith.addi %get3A_846, %add3A_837 : vector<16xi32>
        %gather3A_859 = arith.constant 0 : i32
        %gather3A_860 = arith.constant 0 : i32
        %gather3A_861 = tpu.memref_slice %arg8[%rem3A_741, %gather3A_859, %gather3A_860] : memref<4x128x128xf32, #tpu.memory_space<vmem>> -> memref<1x128x128xf32, #tpu.memory_space<vmem>>
        %gather3A_862 = tpu.memref_squeeze %gather3A_861 : memref<1x128x128xf32, #tpu.memory_space<vmem>> -> memref<128x128xf32, #tpu.memory_space<vmem>>
        %gather3A_863 = tpu.vector_load_idx %gather3A_862[%add3A_849, %add3A_858] : memref<128x128xf32, #tpu.memory_space<vmem>>[vector<16xi32>, vector<16xi32>], vector<16xf32>,
        %scatter3A_864 = arith.constant 0 : i32
        %scatter3A_865 = arith.constant 0 : i32
        %scatter3A_866 = tpu.memref_slice %arg9[%rem3A_743, %scatter3A_864, %scatter3A_865] : memref<2x64x128xf32, #tpu.memory_space<vmem>> -> memref<1x64x128xf32, #tpu.memory_space<vmem>>
        %scatter3A_867 = tpu.memref_squeeze %scatter3A_866 : memref<1x64x128xf32, #tpu.memory_space<vmem>> -> memref<64x128xf32, #tpu.memory_space<vmem>>
        tpu.vector_store_idx %scatter3A_867[%add3A_837, %add3A_849], %gather3A_863 : memref<64x128xf32, #tpu.memory_space<vmem>>[vector<16xi32>, vector<16xi32>], vector<16xf32>,
        %add3A_868 = arith.addi %get3A_846, %add3A_840 : vector<16xi32>
        %gather3A_869 = arith.constant 0 : i32
        %gather3A_870 = arith.constant 0 : i32
        %gather3A_871 = tpu.memref_slice %arg8[%rem3A_741, %gather3A_869, %gather3A_870] : memref<4x128x128xf32, #tpu.memory_space<vmem>> -> memref<1x128x128xf32, #tpu.memory_space<vmem>>
        %gather3A_872 = tpu.memref_squeeze %gather3A_871 : memref<1x128x128xf32, #tpu.memory_space<vmem>> -> memref<128x128xf32, #tpu.memory_space<vmem>>
        %gather3A_873 = tpu.vector_load_idx %gather3A_872[%add3A_849, %add3A_868] : memref<128x128xf32, #tpu.memory_space<vmem>>[vector<16xi32>, vector<16xi32>], vector<16xf32>,
        %scatter3A_874 = arith.constant 0 : i32
        %scatter3A_875 = arith.constant 0 : i32
        %scatter3A_876 = tpu.memref_slice %arg9[%rem3A_743, %scatter3A_874, %scatter3A_875] : memref<2x64x128xf32, #tpu.memory_space<vmem>> -> memref<1x64x128xf32, #tpu.memory_space<vmem>>
        %scatter3A_877 = tpu.memref_squeeze %scatter3A_876 : memref<1x64x128xf32, #tpu.memory_space<vmem>> -> memref<64x128xf32, #tpu.memory_space<vmem>>
        tpu.vector_store_idx %scatter3A_877[%add3A_840, %add3A_849], %gather3A_873 : memref<64x128xf32, #tpu.memory_space<vmem>>[vector<16xi32>, vector<16xi32>], vector<16xf32>,
        %add3A_878 = arith.addi %get3A_846, %add3A_843 : vector<16xi32>
        %gather3A_879 = arith.constant 0 : i32
        %gather3A_880 = arith.constant 0 : i32
        %gather3A_881 = tpu.memref_slice %arg8[%rem3A_741, %gather3A_879, %gather3A_880] : memref<4x128x128xf32, #tpu.memory_space<vmem>> -> memref<1x128x128xf32, #tpu.memory_space<vmem>>
        %gather3A_882 = tpu.memref_squeeze %gather3A_881 : memref<1x128x128xf32, #tpu.memory_space<vmem>> -> memref<128x128xf32, #tpu.memory_space<vmem>>
        %gather3A_883 = tpu.vector_load_idx %gather3A_882[%add3A_849, %add3A_878] : memref<128x128xf32, #tpu.memory_space<vmem>>[vector<16xi32>, vector<16xi32>], vector<16xf32>,
        %scatter3A_884 = arith.constant 0 : i32
        %scatter3A_885 = arith.constant 0 : i32
        %scatter3A_886 = tpu.memref_slice %arg9[%rem3A_743, %scatter3A_884, %scatter3A_885] : memref<2x64x128xf32, #tpu.memory_space<vmem>> -> memref<1x64x128xf32, #tpu.memory_space<vmem>>
        %scatter3A_887 = tpu.memref_squeeze %scatter3A_886 : memref<1x64x128xf32, #tpu.memory_space<vmem>> -> memref<64x128xf32, #tpu.memory_space<vmem>>
        tpu.vector_store_idx %scatter3A_887[%add3A_843, %add3A_849], %gather3A_883 : memref<64x128xf32, #tpu.memory_space<vmem>>[vector<16xi32>, vector<16xi32>], vector<16xf32>,
        %get3A_888 = arith.index_cast %rem3A_741 : i32 to index
        %get3A_889 = arith.constant 16 : index
        %get3A_890 = tpu.vector_load %arg7[%get3A_888, %get3A_889] {strides = array<i32>} : memref<4x128xi32, #tpu.memory_space<vmem>>, vector<16xi32>,
        %add3A_891 = arith.constant 16 : i32
        %add3A_892 = vector.broadcast %add3A_891 : i32 to vector<16xi32>
        %add3A_893 = arith.addi %iota3A, %add3A_892 : vector<16xi32>
        %add3A_894 = arith.addi %get3A_890, %add3A_834 : vector<16xi32>
        %gather3A_895 = arith.constant 0 : i32
        %gather3A_896 = arith.constant 0 : i32
        %gather3A_897 = tpu.memref_slice %arg8[%rem3A_741, %gather3A_895, %gather3A_896] : memref<4x128x128xf32, #tpu.memory_space<vmem>> -> memref<1x128x128xf32, #tpu.memory_space<vmem>>
        %gather3A_898 = tpu.memref_squeeze %gather3A_897 : memref<1x128x128xf32, #tpu.memory_space<vmem>> -> memref<128x128xf32, #tpu.memory_space<vmem>>
        %gather3A_899 = tpu.vector_load_idx %gather3A_898[%add3A_893, %add3A_894] : memref<128x128xf32, #tpu.memory_space<vmem>>[vector<16xi32>, vector<16xi32>], vector<16xf32>,
        %scatter3A_900 = arith.constant 0 : i32
        %scatter3A_901 = arith.constant 0 : i32
        %scatter3A_902 = tpu.memref_slice %arg9[%rem3A_743, %scatter3A_900, %scatter3A_901] : memref<2x64x128xf32, #tpu.memory_space<vmem>> -> memref<1x64x128xf32, #tpu.memory_space<vmem>>
        %scatter3A_903 = tpu.memref_squeeze %scatter3A_902 : memref<1x64x128xf32, #tpu.memory_space<vmem>> -> memref<64x128xf32, #tpu.memory_space<vmem>>
        tpu.vector_store_idx %scatter3A_903[%add3A_834, %add3A_893], %gather3A_899 : memref<64x128xf32, #tpu.memory_space<vmem>>[vector<16xi32>, vector<16xi32>], vector<16xf32>,
        %add3A_904 = arith.addi %get3A_890, %add3A_837 : vector<16xi32>
        %gather3A_905 = arith.constant 0 : i32
        %gather3A_906 = arith.constant 0 : i32
        %gather3A_907 = tpu.memref_slice %arg8[%rem3A_741, %gather3A_905, %gather3A_906] : memref<4x128x128xf32, #tpu.memory_space<vmem>> -> memref<1x128x128xf32, #tpu.memory_space<vmem>>
        %gather3A_908 = tpu.memref_squeeze %gather3A_907 : memref<1x128x128xf32, #tpu.memory_space<vmem>> -> memref<128x128xf32, #tpu.memory_space<vmem>>
        %gather3A_909 = tpu.vector_load_idx %gather3A_908[%add3A_893, %add3A_904] : memref<128x128xf32, #tpu.memory_space<vmem>>[vector<16xi32>, vector<16xi32>], vector<16xf32>,
        %scatter3A_910 = arith.constant 0 : i32
        %scatter3A_911 = arith.constant 0 : i32
        %scatter3A_912 = tpu.memref_slice %arg9[%rem3A_743, %scatter3A_910, %scatter3A_911] : memref<2x64x128xf32, #tpu.memory_space<vmem>> -> memref<1x64x128xf32, #tpu.memory_space<vmem>>
        %scatter3A_913 = tpu.memref_squeeze %scatter3A_912 : memref<1x64x128xf32, #tpu.memory_space<vmem>> -> memref<64x128xf32, #tpu.memory_space<vmem>>
        tpu.vector_store_idx %scatter3A_913[%add3A_837, %add3A_893], %gather3A_909 : memref<64x128xf32, #tpu.memory_space<vmem>>[vector<16xi32>, vector<16xi32>], vector<16xf32>,
        %add3A_914 = arith.addi %get3A_890, %add3A_840 : vector<16xi32>
        %gather3A_915 = arith.constant 0 : i32
        %gather3A_916 = arith.constant 0 : i32
        %gather3A_917 = tpu.memref_slice %arg8[%rem3A_741, %gather3A_915, %gather3A_916] : memref<4x128x128xf32, #tpu.memory_space<vmem>> -> memref<1x128x128xf32, #tpu.memory_space<vmem>>
        %gather3A_918 = tpu.memref_squeeze %gather3A_917 : memref<1x128x128xf32, #tpu.memory_space<vmem>> -> memref<128x128xf32, #tpu.memory_space<vmem>>
        %gather3A_919 = tpu.vector_load_idx %gather3A_918[%add3A_893, %add3A_914] : memref<128x128xf32, #tpu.memory_space<vmem>>[vector<16xi32>, vector<16xi32>], vector<16xf32>,
        %scatter3A_920 = arith.constant 0 : i32
        %scatter3A_921 = arith.constant 0 : i32
        %scatter3A_922 = tpu.memref_slice %arg9[%rem3A_743, %scatter3A_920, %scatter3A_921] : memref<2x64x128xf32, #tpu.memory_space<vmem>> -> memref<1x64x128xf32, #tpu.memory_space<vmem>>
        %scatter3A_923 = tpu.memref_squeeze %scatter3A_922 : memref<1x64x128xf32, #tpu.memory_space<vmem>> -> memref<64x128xf32, #tpu.memory_space<vmem>>
        tpu.vector_store_idx %scatter3A_923[%add3A_840, %add3A_893], %gather3A_919 : memref<64x128xf32, #tpu.memory_space<vmem>>[vector<16xi32>, vector<16xi32>], vector<16xf32>,
        %add3A_924 = arith.addi %get3A_890, %add3A_843 : vector<16xi32>
        %gather3A_925 = arith.constant 0 : i32
        %gather3A_926 = arith.constant 0 : i32
        %gather3A_927 = tpu.memref_slice %arg8[%rem3A_741, %gather3A_925, %gather3A_926] : memref<4x128x128xf32, #tpu.memory_space<vmem>> -> memref<1x128x128xf32, #tpu.memory_space<vmem>>
        %gather3A_928 = tpu.memref_squeeze %gather3A_927 : memref<1x128x128xf32, #tpu.memory_space<vmem>> -> memref<128x128xf32, #tpu.memory_space<vmem>>
        %gather3A_929 = tpu.vector_load_idx %gather3A_928[%add3A_893, %add3A_924] : memref<128x128xf32, #tpu.memory_space<vmem>>[vector<16xi32>, vector<16xi32>], vector<16xf32>,
        %scatter3A_930 = arith.constant 0 : i32
        %scatter3A_931 = arith.constant 0 : i32
        %scatter3A_932 = tpu.memref_slice %arg9[%rem3A_743, %scatter3A_930, %scatter3A_931] : memref<2x64x128xf32, #tpu.memory_space<vmem>> -> memref<1x64x128xf32, #tpu.memory_space<vmem>>
        %scatter3A_933 = tpu.memref_squeeze %scatter3A_932 : memref<1x64x128xf32, #tpu.memory_space<vmem>> -> memref<64x128xf32, #tpu.memory_space<vmem>>
        tpu.vector_store_idx %scatter3A_933[%add3A_843, %add3A_893], %gather3A_929 : memref<64x128xf32, #tpu.memory_space<vmem>>[vector<16xi32>, vector<16xi32>], vector<16xf32>,
        %get3A_934 = arith.index_cast %rem3A_741 : i32 to index
        %get3A_935 = arith.constant 32 : index
        %get3A_936 = tpu.vector_load %arg7[%get3A_934, %get3A_935] {strides = array<i32>} : memref<4x128xi32, #tpu.memory_space<vmem>>, vector<16xi32>,
        %add3A_937 = arith.constant 32 : i32
        %add3A_938 = vector.broadcast %add3A_937 : i32 to vector<16xi32>
        %add3A_939 = arith.addi %iota3A, %add3A_938 : vector<16xi32>
        %add3A_940 = arith.addi %get3A_936, %add3A_834 : vector<16xi32>
        %gather3A_941 = arith.constant 0 : i32
        %gather3A_942 = arith.constant 0 : i32
        %gather3A_943 = tpu.memref_slice %arg8[%rem3A_741, %gather3A_941, %gather3A_942] : memref<4x128x128xf32, #tpu.memory_space<vmem>> -> memref<1x128x128xf32, #tpu.memory_space<vmem>>
        %gather3A_944 = tpu.memref_squeeze %gather3A_943 : memref<1x128x128xf32, #tpu.memory_space<vmem>> -> memref<128x128xf32, #tpu.memory_space<vmem>>
        %gather3A_945 = tpu.vector_load_idx %gather3A_944[%add3A_939, %add3A_940] : memref<128x128xf32, #tpu.memory_space<vmem>>[vector<16xi32>, vector<16xi32>], vector<16xf32>,
        %scatter3A_946 = arith.constant 0 : i32
        %scatter3A_947 = arith.constant 0 : i32
        %scatter3A_948 = tpu.memref_slice %arg9[%rem3A_743, %scatter3A_946, %scatter3A_947] : memref<2x64x128xf32, #tpu.memory_space<vmem>> -> memref<1x64x128xf32, #tpu.memory_space<vmem>>
        %scatter3A_949 = tpu.memref_squeeze %scatter3A_948 : memref<1x64x128xf32, #tpu.memory_space<vmem>> -> memref<64x128xf32, #tpu.memory_space<vmem>>
        tpu.vector_store_idx %scatter3A_949[%add3A_834, %add3A_939], %gather3A_945 : memref<64x128xf32, #tpu.memory_space<vmem>>[vector<16xi32>, vector<16xi32>], vector<16xf32>,
        %add3A_950 = arith.addi %get3A_936, %add3A_837 : vector<16xi32>
        %gather3A_951 = arith.constant 0 : i32
        %gather3A_952 = arith.constant 0 : i32
        %gather3A_953 = tpu.memref_slice %arg8[%rem3A_741, %gather3A_951, %gather3A_952] : memref<4x128x128xf32, #tpu.memory_space<vmem>> -> memref<1x128x128xf32, #tpu.memory_space<vmem>>
        %gather3A_954 = tpu.memref_squeeze %gather3A_953 : memref<1x128x128xf32, #tpu.memory_space<vmem>> -> memref<128x128xf32, #tpu.memory_space<vmem>>
        %gather3A_955 = tpu.vector_load_idx %gather3A_954[%add3A_939, %add3A_950] : memref<128x128xf32, #tpu.memory_space<vmem>>[vector<16xi32>, vector<16xi32>], vector<16xf32>,
        %scatter3A_956 = arith.constant 0 : i32
        %scatter3A_957 = arith.constant 0 : i32
        %scatter3A_958 = tpu.memref_slice %arg9[%rem3A_743, %scatter3A_956, %scatter3A_957] : memref<2x64x128xf32, #tpu.memory_space<vmem>> -> memref<1x64x128xf32, #tpu.memory_space<vmem>>
        %scatter3A_959 = tpu.memref_squeeze %scatter3A_958 : memref<1x64x128xf32, #tpu.memory_space<vmem>> -> memref<64x128xf32, #tpu.memory_space<vmem>>
        tpu.vector_store_idx %scatter3A_959[%add3A_837, %add3A_939], %gather3A_955 : memref<64x128xf32, #tpu.memory_space<vmem>>[vector<16xi32>, vector<16xi32>], vector<16xf32>,
        %add3A_960 = arith.addi %get3A_936, %add3A_840 : vector<16xi32>
        %gather3A_961 = arith.constant 0 : i32
        %gather3A_962 = arith.constant 0 : i32
        %gather3A_963 = tpu.memref_slice %arg8[%rem3A_741, %gather3A_961, %gather3A_962] : memref<4x128x128xf32, #tpu.memory_space<vmem>> -> memref<1x128x128xf32, #tpu.memory_space<vmem>>
        %gather3A_964 = tpu.memref_squeeze %gather3A_963 : memref<1x128x128xf32, #tpu.memory_space<vmem>> -> memref<128x128xf32, #tpu.memory_space<vmem>>
        %gather3A_965 = tpu.vector_load_idx %gather3A_964[%add3A_939, %add3A_960] : memref<128x128xf32, #tpu.memory_space<vmem>>[vector<16xi32>, vector<16xi32>], vector<16xf32>,
        %scatter3A_966 = arith.constant 0 : i32
        %scatter3A_967 = arith.constant 0 : i32
        %scatter3A_968 = tpu.memref_slice %arg9[%rem3A_743, %scatter3A_966, %scatter3A_967] : memref<2x64x128xf32, #tpu.memory_space<vmem>> -> memref<1x64x128xf32, #tpu.memory_space<vmem>>
        %scatter3A_969 = tpu.memref_squeeze %scatter3A_968 : memref<1x64x128xf32, #tpu.memory_space<vmem>> -> memref<64x128xf32, #tpu.memory_space<vmem>>
        tpu.vector_store_idx %scatter3A_969[%add3A_840, %add3A_939], %gather3A_965 : memref<64x128xf32, #tpu.memory_space<vmem>>[vector<16xi32>, vector<16xi32>], vector<16xf32>,
        %add3A_970 = arith.addi %get3A_936, %add3A_843 : vector<16xi32>
        %gather3A_971 = arith.constant 0 : i32
        %gather3A_972 = arith.constant 0 : i32
        %gather3A_973 = tpu.memref_slice %arg8[%rem3A_741, %gather3A_971, %gather3A_972] : memref<4x128x128xf32, #tpu.memory_space<vmem>> -> memref<1x128x128xf32, #tpu.memory_space<vmem>>
        %gather3A_974 = tpu.memref_squeeze %gather3A_973 : memref<1x128x128xf32, #tpu.memory_space<vmem>> -> memref<128x128xf32, #tpu.memory_space<vmem>>
        %gather3A_975 = tpu.vector_load_idx %gather3A_974[%add3A_939, %add3A_970] : memref<128x128xf32, #tpu.memory_space<vmem>>[vector<16xi32>, vector<16xi32>], vector<16xf32>,
        %scatter3A_976 = arith.constant 0 : i32
        %scatter3A_977 = arith.constant 0 : i32
        %scatter3A_978 = tpu.memref_slice %arg9[%rem3A_743, %scatter3A_976, %scatter3A_977] : memref<2x64x128xf32, #tpu.memory_space<vmem>> -> memref<1x64x128xf32, #tpu.memory_space<vmem>>
        %scatter3A_979 = tpu.memref_squeeze %scatter3A_978 : memref<1x64x128xf32, #tpu.memory_space<vmem>> -> memref<64x128xf32, #tpu.memory_space<vmem>>
        tpu.vector_store_idx %scatter3A_979[%add3A_843, %add3A_939], %gather3A_975 : memref<64x128xf32, #tpu.memory_space<vmem>>[vector<16xi32>, vector<16xi32>], vector<16xf32>,
        %get3A_980 = arith.index_cast %rem3A_741 : i32 to index
        %get3A_981 = arith.constant 48 : index
        %get3A_982 = tpu.vector_load %arg7[%get3A_980, %get3A_981] {strides = array<i32>} : memref<4x128xi32, #tpu.memory_space<vmem>>, vector<16xi32>,
        %add3A_983 = arith.constant 48 : i32
        %add3A_984 = vector.broadcast %add3A_983 : i32 to vector<16xi32>
        %add3A_985 = arith.addi %iota3A, %add3A_984 : vector<16xi32>
        %add3A_986 = arith.addi %get3A_982, %add3A_834 : vector<16xi32>
        %gather3A_987 = arith.constant 0 : i32
        %gather3A_988 = arith.constant 0 : i32
        %gather3A_989 = tpu.memref_slice %arg8[%rem3A_741, %gather3A_987, %gather3A_988] : memref<4x128x128xf32, #tpu.memory_space<vmem>> -> memref<1x128x128xf32, #tpu.memory_space<vmem>>
        %gather3A_990 = tpu.memref_squeeze %gather3A_989 : memref<1x128x128xf32, #tpu.memory_space<vmem>> -> memref<128x128xf32, #tpu.memory_space<vmem>>
        %gather3A_991 = tpu.vector_load_idx %gather3A_990[%add3A_985, %add3A_986] : memref<128x128xf32, #tpu.memory_space<vmem>>[vector<16xi32>, vector<16xi32>], vector<16xf32>,
        %scatter3A_992 = arith.constant 0 : i32
        %scatter3A_993 = arith.constant 0 : i32
        %scatter3A_994 = tpu.memref_slice %arg9[%rem3A_743, %scatter3A_992, %scatter3A_993] : memref<2x64x128xf32, #tpu.memory_space<vmem>> -> memref<1x64x128xf32, #tpu.memory_space<vmem>>
        %scatter3A_995 = tpu.memref_squeeze %scatter3A_994 : memref<1x64x128xf32, #tpu.memory_space<vmem>> -> memref<64x128xf32, #tpu.memory_space<vmem>>
        tpu.vector_store_idx %scatter3A_995[%add3A_834, %add3A_985], %gather3A_991 : memref<64x128xf32, #tpu.memory_space<vmem>>[vector<16xi32>, vector<16xi32>], vector<16xf32>,
        %add3A_996 = arith.addi %get3A_982, %add3A_837 : vector<16xi32>
        %gather3A_997 = arith.constant 0 : i32
        %gather3A_998 = arith.constant 0 : i32
        %gather3A_999 = tpu.memref_slice %arg8[%rem3A_741, %gather3A_997, %gather3A_998] : memref<4x128x128xf32, #tpu.memory_space<vmem>> -> memref<1x128x128xf32, #tpu.memory_space<vmem>>
        %gather3A_1000 = tpu.memref_squeeze %gather3A_999 : memref<1x128x128xf32, #tpu.memory_space<vmem>> -> memref<128x128xf32, #tpu.memory_space<vmem>>
        %gather3A_1001 = tpu.vector_load_idx %gather3A_1000[%add3A_985, %add3A_996] : memref<128x128xf32, #tpu.memory_space<vmem>>[vector<16xi32>, vector<16xi32>], vector<16xf32>,
        %scatter3A_1002 = arith.constant 0 : i32
        %scatter3A_1003 = arith.constant 0 : i32
        %scatter3A_1004 = tpu.memref_slice %arg9[%rem3A_743, %scatter3A_1002, %scatter3A_1003] : memref<2x64x128xf32, #tpu.memory_space<vmem>> -> memref<1x64x128xf32, #tpu.memory_space<vmem>>
        %scatter3A_1005 = tpu.memref_squeeze %scatter3A_1004 : memref<1x64x128xf32, #tpu.memory_space<vmem>> -> memref<64x128xf32, #tpu.memory_space<vmem>>
        tpu.vector_store_idx %scatter3A_1005[%add3A_837, %add3A_985], %gather3A_1001 : memref<64x128xf32, #tpu.memory_space<vmem>>[vector<16xi32>, vector<16xi32>], vector<16xf32>,
        %add3A_1006 = arith.addi %get3A_982, %add3A_840 : vector<16xi32>
        %gather3A_1007 = arith.constant 0 : i32
        %gather3A_1008 = arith.constant 0 : i32
        %gather3A_1009 = tpu.memref_slice %arg8[%rem3A_741, %gather3A_1007, %gather3A_1008] : memref<4x128x128xf32, #tpu.memory_space<vmem>> -> memref<1x128x128xf32, #tpu.memory_space<vmem>>
        %gather3A_1010 = tpu.memref_squeeze %gather3A_1009 : memref<1x128x128xf32, #tpu.memory_space<vmem>> -> memref<128x128xf32, #tpu.memory_space<vmem>>
        %gather3A_1011 = tpu.vector_load_idx %gather3A_1010[%add3A_985, %add3A_1006] : memref<128x128xf32, #tpu.memory_space<vmem>>[vector<16xi32>, vector<16xi32>], vector<16xf32>,
        %scatter3A_1012 = arith.constant 0 : i32
        %scatter3A_1013 = arith.constant 0 : i32
        %scatter3A_1014 = tpu.memref_slice %arg9[%rem3A_743, %scatter3A_1012, %scatter3A_1013] : memref<2x64x128xf32, #tpu.memory_space<vmem>> -> memref<1x64x128xf32, #tpu.memory_space<vmem>>
        %scatter3A_1015 = tpu.memref_squeeze %scatter3A_1014 : memref<1x64x128xf32, #tpu.memory_space<vmem>> -> memref<64x128xf32, #tpu.memory_space<vmem>>
        tpu.vector_store_idx %scatter3A_1015[%add3A_840, %add3A_985], %gather3A_1011 : memref<64x128xf32, #tpu.memory_space<vmem>>[vector<16xi32>, vector<16xi32>], vector<16xf32>,
        %add3A_1016 = arith.addi %get3A_982, %add3A_843 : vector<16xi32>
        %gather3A_1017 = arith.constant 0 : i32
        %gather3A_1018 = arith.constant 0 : i32
        %gather3A_1019 = tpu.memref_slice %arg8[%rem3A_741, %gather3A_1017, %gather3A_1018] : memref<4x128x128xf32, #tpu.memory_space<vmem>> -> memref<1x128x128xf32, #tpu.memory_space<vmem>>
        %gather3A_1020 = tpu.memref_squeeze %gather3A_1019 : memref<1x128x128xf32, #tpu.memory_space<vmem>> -> memref<128x128xf32, #tpu.memory_space<vmem>>
        %gather3A_1021 = tpu.vector_load_idx %gather3A_1020[%add3A_985, %add3A_1016] : memref<128x128xf32, #tpu.memory_space<vmem>>[vector<16xi32>, vector<16xi32>], vector<16xf32>,
        %scatter3A_1022 = arith.constant 0 : i32
        %scatter3A_1023 = arith.constant 0 : i32
        %scatter3A_1024 = tpu.memref_slice %arg9[%rem3A_743, %scatter3A_1022, %scatter3A_1023] : memref<2x64x128xf32, #tpu.memory_space<vmem>> -> memref<1x64x128xf32, #tpu.memory_space<vmem>>
        %scatter3A_1025 = tpu.memref_squeeze %scatter3A_1024 : memref<1x64x128xf32, #tpu.memory_space<vmem>> -> memref<64x128xf32, #tpu.memory_space<vmem>>
        tpu.vector_store_idx %scatter3A_1025[%add3A_843, %add3A_985], %gather3A_1021 : memref<64x128xf32, #tpu.memory_space<vmem>>[vector<16xi32>, vector<16xi32>], vector<16xf32>,
        %get3A_1026 = arith.index_cast %rem3A_741 : i32 to index
        %get3A_1027 = arith.constant 64 : index
        %get3A_1028 = tpu.vector_load %arg7[%get3A_1026, %get3A_1027] {strides = array<i32>} : memref<4x128xi32, #tpu.memory_space<vmem>>, vector<16xi32>,
        %add3A_1029 = arith.constant 64 : i32
        %add3A_1030 = vector.broadcast %add3A_1029 : i32 to vector<16xi32>
        %add3A_1031 = arith.addi %iota3A, %add3A_1030 : vector<16xi32>
        %add3A_1032 = arith.addi %get3A_1028, %add3A_834 : vector<16xi32>
        %gather3A_1033 = arith.constant 0 : i32
        %gather3A_1034 = arith.constant 0 : i32
        %gather3A_1035 = tpu.memref_slice %arg8[%rem3A_741, %gather3A_1033, %gather3A_1034] : memref<4x128x128xf32, #tpu.memory_space<vmem>> -> memref<1x128x128xf32, #tpu.memory_space<vmem>>
        %gather3A_1036 = tpu.memref_squeeze %gather3A_1035 : memref<1x128x128xf32, #tpu.memory_space<vmem>> -> memref<128x128xf32, #tpu.memory_space<vmem>>
        %gather3A_1037 = tpu.vector_load_idx %gather3A_1036[%add3A_1031, %add3A_1032] : memref<128x128xf32, #tpu.memory_space<vmem>>[vector<16xi32>, vector<16xi32>], vector<16xf32>,
        %scatter3A_1038 = arith.constant 0 : i32
        %scatter3A_1039 = arith.constant 0 : i32
        %scatter3A_1040 = tpu.memref_slice %arg9[%rem3A_743, %scatter3A_1038, %scatter3A_1039] : memref<2x64x128xf32, #tpu.memory_space<vmem>> -> memref<1x64x128xf32, #tpu.memory_space<vmem>>
        %scatter3A_1041 = tpu.memref_squeeze %scatter3A_1040 : memref<1x64x128xf32, #tpu.memory_space<vmem>> -> memref<64x128xf32, #tpu.memory_space<vmem>>
        tpu.vector_store_idx %scatter3A_1041[%add3A_834, %add3A_1031], %gather3A_1037 : memref<64x128xf32, #tpu.memory_space<vmem>>[vector<16xi32>, vector<16xi32>], vector<16xf32>,
        %add3A_1042 = arith.addi %get3A_1028, %add3A_837 : vector<16xi32>
        %gather3A_1043 = arith.constant 0 : i32
        %gather3A_1044 = arith.constant 0 : i32
        %gather3A_1045 = tpu.memref_slice %arg8[%rem3A_741, %gather3A_1043, %gather3A_1044] : memref<4x128x128xf32, #tpu.memory_space<vmem>> -> memref<1x128x128xf32, #tpu.memory_space<vmem>>
        %gather3A_1046 = tpu.memref_squeeze %gather3A_1045 : memref<1x128x128xf32, #tpu.memory_space<vmem>> -> memref<128x128xf32, #tpu.memory_space<vmem>>
        %gather3A_1047 = tpu.vector_load_idx %gather3A_1046[%add3A_1031, %add3A_1042] : memref<128x128xf32, #tpu.memory_space<vmem>>[vector<16xi32>, vector<16xi32>], vector<16xf32>,
        %scatter3A_1048 = arith.constant 0 : i32
        %scatter3A_1049 = arith.constant 0 : i32
        %scatter3A_1050 = tpu.memref_slice %arg9[%rem3A_743, %scatter3A_1048, %scatter3A_1049] : memref<2x64x128xf32, #tpu.memory_space<vmem>> -> memref<1x64x128xf32, #tpu.memory_space<vmem>>
        %scatter3A_1051 = tpu.memref_squeeze %scatter3A_1050 : memref<1x64x128xf32, #tpu.memory_space<vmem>> -> memref<64x128xf32, #tpu.memory_space<vmem>>
        tpu.vector_store_idx %scatter3A_1051[%add3A_837, %add3A_1031], %gather3A_1047 : memref<64x128xf32, #tpu.memory_space<vmem>>[vector<16xi32>, vector<16xi32>], vector<16xf32>,
        %add3A_1052 = arith.addi %get3A_1028, %add3A_840 : vector<16xi32>
        %gather3A_1053 = arith.constant 0 : i32
        %gather3A_1054 = arith.constant 0 : i32
        %gather3A_1055 = tpu.memref_slice %arg8[%rem3A_741, %gather3A_1053, %gather3A_1054] : memref<4x128x128xf32, #tpu.memory_space<vmem>> -> memref<1x128x128xf32, #tpu.memory_space<vmem>>
        %gather3A_1056 = tpu.memref_squeeze %gather3A_1055 : memref<1x128x128xf32, #tpu.memory_space<vmem>> -> memref<128x128xf32, #tpu.memory_space<vmem>>
        %gather3A_1057 = tpu.vector_load_idx %gather3A_1056[%add3A_1031, %add3A_1052] : memref<128x128xf32, #tpu.memory_space<vmem>>[vector<16xi32>, vector<16xi32>], vector<16xf32>,
        %scatter3A_1058 = arith.constant 0 : i32
        %scatter3A_1059 = arith.constant 0 : i32
        %scatter3A_1060 = tpu.memref_slice %arg9[%rem3A_743, %scatter3A_1058, %scatter3A_1059] : memref<2x64x128xf32, #tpu.memory_space<vmem>> -> memref<1x64x128xf32, #tpu.memory_space<vmem>>
        %scatter3A_1061 = tpu.memref_squeeze %scatter3A_1060 : memref<1x64x128xf32, #tpu.memory_space<vmem>> -> memref<64x128xf32, #tpu.memory_space<vmem>>
        tpu.vector_store_idx %scatter3A_1061[%add3A_840, %add3A_1031], %gather3A_1057 : memref<64x128xf32, #tpu.memory_space<vmem>>[vector<16xi32>, vector<16xi32>], vector<16xf32>,
        %add3A_1062 = arith.addi %get3A_1028, %add3A_843 : vector<16xi32>
        %gather3A_1063 = arith.constant 0 : i32
        %gather3A_1064 = arith.constant 0 : i32
        %gather3A_1065 = tpu.memref_slice %arg8[%rem3A_741, %gather3A_1063, %gather3A_1064] : memref<4x128x128xf32, #tpu.memory_space<vmem>> -> memref<1x128x128xf32, #tpu.memory_space<vmem>>
        %gather3A_1066 = tpu.memref_squeeze %gather3A_1065 : memref<1x128x128xf32, #tpu.memory_space<vmem>> -> memref<128x128xf32, #tpu.memory_space<vmem>>
        %gather3A_1067 = tpu.vector_load_idx %gather3A_1066[%add3A_1031, %add3A_1062] : memref<128x128xf32, #tpu.memory_space<vmem>>[vector<16xi32>, vector<16xi32>], vector<16xf32>,
        %scatter3A_1068 = arith.constant 0 : i32
        %scatter3A_1069 = arith.constant 0 : i32
        %scatter3A_1070 = tpu.memref_slice %arg9[%rem3A_743, %scatter3A_1068, %scatter3A_1069] : memref<2x64x128xf32, #tpu.memory_space<vmem>> -> memref<1x64x128xf32, #tpu.memory_space<vmem>>
        %scatter3A_1071 = tpu.memref_squeeze %scatter3A_1070 : memref<1x64x128xf32, #tpu.memory_space<vmem>> -> memref<64x128xf32, #tpu.memory_space<vmem>>
        tpu.vector_store_idx %scatter3A_1071[%add3A_843, %add3A_1031], %gather3A_1067 : memref<64x128xf32, #tpu.memory_space<vmem>>[vector<16xi32>, vector<16xi32>], vector<16xf32>,
        %get3A_1072 = arith.index_cast %rem3A_741 : i32 to index
        %get3A_1073 = arith.constant 80 : index
        %get3A_1074 = tpu.vector_load %arg7[%get3A_1072, %get3A_1073] {strides = array<i32>} : memref<4x128xi32, #tpu.memory_space<vmem>>, vector<16xi32>,
        %add3A_1075 = arith.constant 80 : i32
        %add3A_1076 = vector.broadcast %add3A_1075 : i32 to vector<16xi32>
        %add3A_1077 = arith.addi %iota3A, %add3A_1076 : vector<16xi32>
        %add3A_1078 = arith.addi %get3A_1074, %add3A_834 : vector<16xi32>
        %gather3A_1079 = arith.constant 0 : i32
        %gather3A_1080 = arith.constant 0 : i32
        %gather3A_1081 = tpu.memref_slice %arg8[%rem3A_741, %gather3A_1079, %gather3A_1080] : memref<4x128x128xf32, #tpu.memory_space<vmem>> -> memref<1x128x128xf32, #tpu.memory_space<vmem>>
        %gather3A_1082 = tpu.memref_squeeze %gather3A_1081 : memref<1x128x128xf32, #tpu.memory_space<vmem>> -> memref<128x128xf32, #tpu.memory_space<vmem>>
        %gather3A_1083 = tpu.vector_load_idx %gather3A_1082[%add3A_1077, %add3A_1078] : memref<128x128xf32, #tpu.memory_space<vmem>>[vector<16xi32>, vector<16xi32>], vector<16xf32>,
        %scatter3A_1084 = arith.constant 0 : i32
        %scatter3A_1085 = arith.constant 0 : i32
        %scatter3A_1086 = tpu.memref_slice %arg9[%rem3A_743, %scatter3A_1084, %scatter3A_1085] : memref<2x64x128xf32, #tpu.memory_space<vmem>> -> memref<1x64x128xf32, #tpu.memory_space<vmem>>
        %scatter3A_1087 = tpu.memref_squeeze %scatter3A_1086 : memref<1x64x128xf32, #tpu.memory_space<vmem>> -> memref<64x128xf32, #tpu.memory_space<vmem>>
        tpu.vector_store_idx %scatter3A_1087[%add3A_834, %add3A_1077], %gather3A_1083 : memref<64x128xf32, #tpu.memory_space<vmem>>[vector<16xi32>, vector<16xi32>], vector<16xf32>,
        %add3A_1088 = arith.addi %get3A_1074, %add3A_837 : vector<16xi32>
        %gather3A_1089 = arith.constant 0 : i32
        %gather3A_1090 = arith.constant 0 : i32
        %gather3A_1091 = tpu.memref_slice %arg8[%rem3A_741, %gather3A_1089, %gather3A_1090] : memref<4x128x128xf32, #tpu.memory_space<vmem>> -> memref<1x128x128xf32, #tpu.memory_space<vmem>>
        %gather3A_1092 = tpu.memref_squeeze %gather3A_1091 : memref<1x128x128xf32, #tpu.memory_space<vmem>> -> memref<128x128xf32, #tpu.memory_space<vmem>>
        %gather3A_1093 = tpu.vector_load_idx %gather3A_1092[%add3A_1077, %add3A_1088] : memref<128x128xf32, #tpu.memory_space<vmem>>[vector<16xi32>, vector<16xi32>], vector<16xf32>,
        %scatter3A_1094 = arith.constant 0 : i32
        %scatter3A_1095 = arith.constant 0 : i32
        %scatter3A_1096 = tpu.memref_slice %arg9[%rem3A_743, %scatter3A_1094, %scatter3A_1095] : memref<2x64x128xf32, #tpu.memory_space<vmem>> -> memref<1x64x128xf32, #tpu.memory_space<vmem>>
        %scatter3A_1097 = tpu.memref_squeeze %scatter3A_1096 : memref<1x64x128xf32, #tpu.memory_space<vmem>> -> memref<64x128xf32, #tpu.memory_space<vmem>>
        tpu.vector_store_idx %scatter3A_1097[%add3A_837, %add3A_1077], %gather3A_1093 : memref<64x128xf32, #tpu.memory_space<vmem>>[vector<16xi32>, vector<16xi32>], vector<16xf32>,
        %add3A_1098 = arith.addi %get3A_1074, %add3A_840 : vector<16xi32>
        %gather3A_1099 = arith.constant 0 : i32
        %gather3A_1100 = arith.constant 0 : i32
        %gather3A_1101 = tpu.memref_slice %arg8[%rem3A_741, %gather3A_1099, %gather3A_1100] : memref<4x128x128xf32, #tpu.memory_space<vmem>> -> memref<1x128x128xf32, #tpu.memory_space<vmem>>
        %gather3A_1102 = tpu.memref_squeeze %gather3A_1101 : memref<1x128x128xf32, #tpu.memory_space<vmem>> -> memref<128x128xf32, #tpu.memory_space<vmem>>
        %gather3A_1103 = tpu.vector_load_idx %gather3A_1102[%add3A_1077, %add3A_1098] : memref<128x128xf32, #tpu.memory_space<vmem>>[vector<16xi32>, vector<16xi32>], vector<16xf32>,
        %scatter3A_1104 = arith.constant 0 : i32
        %scatter3A_1105 = arith.constant 0 : i32
        %scatter3A_1106 = tpu.memref_slice %arg9[%rem3A_743, %scatter3A_1104, %scatter3A_1105] : memref<2x64x128xf32, #tpu.memory_space<vmem>> -> memref<1x64x128xf32, #tpu.memory_space<vmem>>
        %scatter3A_1107 = tpu.memref_squeeze %scatter3A_1106 : memref<1x64x128xf32, #tpu.memory_space<vmem>> -> memref<64x128xf32, #tpu.memory_space<vmem>>
        tpu.vector_store_idx %scatter3A_1107[%add3A_840, %add3A_1077], %gather3A_1103 : memref<64x128xf32, #tpu.memory_space<vmem>>[vector<16xi32>, vector<16xi32>], vector<16xf32>,
        %add3A_1108 = arith.addi %get3A_1074, %add3A_843 : vector<16xi32>
        %gather3A_1109 = arith.constant 0 : i32
        %gather3A_1110 = arith.constant 0 : i32
        %gather3A_1111 = tpu.memref_slice %arg8[%rem3A_741, %gather3A_1109, %gather3A_1110] : memref<4x128x128xf32, #tpu.memory_space<vmem>> -> memref<1x128x128xf32, #tpu.memory_space<vmem>>
        %gather3A_1112 = tpu.memref_squeeze %gather3A_1111 : memref<1x128x128xf32, #tpu.memory_space<vmem>> -> memref<128x128xf32, #tpu.memory_space<vmem>>
        %gather3A_1113 = tpu.vector_load_idx %gather3A_1112[%add3A_1077, %add3A_1108] : memref<128x128xf32, #tpu.memory_space<vmem>>[vector<16xi32>, vector<16xi32>], vector<16xf32>,
        %scatter3A_1114 = arith.constant 0 : i32
        %scatter3A_1115 = arith.constant 0 : i32
        %scatter3A_1116 = tpu.memref_slice %arg9[%rem3A_743, %scatter3A_1114, %scatter3A_1115] : memref<2x64x128xf32, #tpu.memory_space<vmem>> -> memref<1x64x128xf32, #tpu.memory_space<vmem>>
        %scatter3A_1117 = tpu.memref_squeeze %scatter3A_1116 : memref<1x64x128xf32, #tpu.memory_space<vmem>> -> memref<64x128xf32, #tpu.memory_space<vmem>>
        tpu.vector_store_idx %scatter3A_1117[%add3A_843, %add3A_1077], %gather3A_1113 : memref<64x128xf32, #tpu.memory_space<vmem>>[vector<16xi32>, vector<16xi32>], vector<16xf32>,
        %get3A_1118 = arith.index_cast %rem3A_741 : i32 to index
        %get3A_1119 = arith.constant 96 : index
        %get3A_1120 = tpu.vector_load %arg7[%get3A_1118, %get3A_1119] {strides = array<i32>} : memref<4x128xi32, #tpu.memory_space<vmem>>, vector<16xi32>,
        %add3A_1121 = arith.constant 96 : i32
        %add3A_1122 = vector.broadcast %add3A_1121 : i32 to vector<16xi32>
        %add3A_1123 = arith.addi %iota3A, %add3A_1122 : vector<16xi32>
        %add3A_1124 = arith.addi %get3A_1120, %add3A_834 : vector<16xi32>
        %gather3A_1125 = arith.constant 0 : i32
        %gather3A_1126 = arith.constant 0 : i32
        %gather3A_1127 = tpu.memref_slice %arg8[%rem3A_741, %gather3A_1125, %gather3A_1126] : memref<4x128x128xf32, #tpu.memory_space<vmem>> -> memref<1x128x128xf32, #tpu.memory_space<vmem>>
        %gather3A_1128 = tpu.memref_squeeze %gather3A_1127 : memref<1x128x128xf32, #tpu.memory_space<vmem>> -> memref<128x128xf32, #tpu.memory_space<vmem>>
        %gather3A_1129 = tpu.vector_load_idx %gather3A_1128[%add3A_1123, %add3A_1124] : memref<128x128xf32, #tpu.memory_space<vmem>>[vector<16xi32>, vector<16xi32>], vector<16xf32>,
        %scatter3A_1130 = arith.constant 0 : i32
        %scatter3A_1131 = arith.constant 0 : i32
        %scatter3A_1132 = tpu.memref_slice %arg9[%rem3A_743, %scatter3A_1130, %scatter3A_1131] : memref<2x64x128xf32, #tpu.memory_space<vmem>> -> memref<1x64x128xf32, #tpu.memory_space<vmem>>
        %scatter3A_1133 = tpu.memref_squeeze %scatter3A_1132 : memref<1x64x128xf32, #tpu.memory_space<vmem>> -> memref<64x128xf32, #tpu.memory_space<vmem>>
        tpu.vector_store_idx %scatter3A_1133[%add3A_834, %add3A_1123], %gather3A_1129 : memref<64x128xf32, #tpu.memory_space<vmem>>[vector<16xi32>, vector<16xi32>], vector<16xf32>,
        %add3A_1134 = arith.addi %get3A_1120, %add3A_837 : vector<16xi32>
        %gather3A_1135 = arith.constant 0 : i32
        %gather3A_1136 = arith.constant 0 : i32
        %gather3A_1137 = tpu.memref_slice %arg8[%rem3A_741, %gather3A_1135, %gather3A_1136] : memref<4x128x128xf32, #tpu.memory_space<vmem>> -> memref<1x128x128xf32, #tpu.memory_space<vmem>>
        %gather3A_1138 = tpu.memref_squeeze %gather3A_1137 : memref<1x128x128xf32, #tpu.memory_space<vmem>> -> memref<128x128xf32, #tpu.memory_space<vmem>>
        %gather3A_1139 = tpu.vector_load_idx %gather3A_1138[%add3A_1123, %add3A_1134] : memref<128x128xf32, #tpu.memory_space<vmem>>[vector<16xi32>, vector<16xi32>], vector<16xf32>,
        %scatter3A_1140 = arith.constant 0 : i32
        %scatter3A_1141 = arith.constant 0 : i32
        %scatter3A_1142 = tpu.memref_slice %arg9[%rem3A_743, %scatter3A_1140, %scatter3A_1141] : memref<2x64x128xf32, #tpu.memory_space<vmem>> -> memref<1x64x128xf32, #tpu.memory_space<vmem>>
        %scatter3A_1143 = tpu.memref_squeeze %scatter3A_1142 : memref<1x64x128xf32, #tpu.memory_space<vmem>> -> memref<64x128xf32, #tpu.memory_space<vmem>>
        tpu.vector_store_idx %scatter3A_1143[%add3A_837, %add3A_1123], %gather3A_1139 : memref<64x128xf32, #tpu.memory_space<vmem>>[vector<16xi32>, vector<16xi32>], vector<16xf32>,
        %add3A_1144 = arith.addi %get3A_1120, %add3A_840 : vector<16xi32>
        %gather3A_1145 = arith.constant 0 : i32
        %gather3A_1146 = arith.constant 0 : i32
        %gather3A_1147 = tpu.memref_slice %arg8[%rem3A_741, %gather3A_1145, %gather3A_1146] : memref<4x128x128xf32, #tpu.memory_space<vmem>> -> memref<1x128x128xf32, #tpu.memory_space<vmem>>
        %gather3A_1148 = tpu.memref_squeeze %gather3A_1147 : memref<1x128x128xf32, #tpu.memory_space<vmem>> -> memref<128x128xf32, #tpu.memory_space<vmem>>
        %gather3A_1149 = tpu.vector_load_idx %gather3A_1148[%add3A_1123, %add3A_1144] : memref<128x128xf32, #tpu.memory_space<vmem>>[vector<16xi32>, vector<16xi32>], vector<16xf32>,
        %scatter3A_1150 = arith.constant 0 : i32
        %scatter3A_1151 = arith.constant 0 : i32
        %scatter3A_1152 = tpu.memref_slice %arg9[%rem3A_743, %scatter3A_1150, %scatter3A_1151] : memref<2x64x128xf32, #tpu.memory_space<vmem>> -> memref<1x64x128xf32, #tpu.memory_space<vmem>>
        %scatter3A_1153 = tpu.memref_squeeze %scatter3A_1152 : memref<1x64x128xf32, #tpu.memory_space<vmem>> -> memref<64x128xf32, #tpu.memory_space<vmem>>
        tpu.vector_store_idx %scatter3A_1153[%add3A_840, %add3A_1123], %gather3A_1149 : memref<64x128xf32, #tpu.memory_space<vmem>>[vector<16xi32>, vector<16xi32>], vector<16xf32>,
        %add3A_1154 = arith.addi %get3A_1120, %add3A_843 : vector<16xi32>
        %gather3A_1155 = arith.constant 0 : i32
        %gather3A_1156 = arith.constant 0 : i32
        %gather3A_1157 = tpu.memref_slice %arg8[%rem3A_741, %gather3A_1155, %gather3A_1156] : memref<4x128x128xf32, #tpu.memory_space<vmem>> -> memref<1x128x128xf32, #tpu.memory_space<vmem>>
        %gather3A_1158 = tpu.memref_squeeze %gather3A_1157 : memref<1x128x128xf32, #tpu.memory_space<vmem>> -> memref<128x128xf32, #tpu.memory_space<vmem>>
        %gather3A_1159 = tpu.vector_load_idx %gather3A_1158[%add3A_1123, %add3A_1154] : memref<128x128xf32, #tpu.memory_space<vmem>>[vector<16xi32>, vector<16xi32>], vector<16xf32>,
        %scatter3A_1160 = arith.constant 0 : i32
        %scatter3A_1161 = arith.constant 0 : i32
        %scatter3A_1162 = tpu.memref_slice %arg9[%rem3A_743, %scatter3A_1160, %scatter3A_1161] : memref<2x64x128xf32, #tpu.memory_space<vmem>> -> memref<1x64x128xf32, #tpu.memory_space<vmem>>
        %scatter3A_1163 = tpu.memref_squeeze %scatter3A_1162 : memref<1x64x128xf32, #tpu.memory_space<vmem>> -> memref<64x128xf32, #tpu.memory_space<vmem>>
        tpu.vector_store_idx %scatter3A_1163[%add3A_843, %add3A_1123], %gather3A_1159 : memref<64x128xf32, #tpu.memory_space<vmem>>[vector<16xi32>, vector<16xi32>], vector<16xf32>,
        %get3A_1164 = arith.index_cast %rem3A_741 : i32 to index
        %get3A_1165 = arith.constant 112 : index
        %get3A_1166 = tpu.vector_load %arg7[%get3A_1164, %get3A_1165] {strides = array<i32>} : memref<4x128xi32, #tpu.memory_space<vmem>>, vector<16xi32>,
        %add3A_1167 = arith.constant 112 : i32
        %add3A_1168 = vector.broadcast %add3A_1167 : i32 to vector<16xi32>
        %add3A_1169 = arith.addi %iota3A, %add3A_1168 : vector<16xi32>
        %add3A_1170 = arith.addi %get3A_1166, %add3A_834 : vector<16xi32>
        %gather3A_1171 = arith.constant 0 : i32
        %gather3A_1172 = arith.constant 0 : i32
        %gather3A_1173 = tpu.memref_slice %arg8[%rem3A_741, %gather3A_1171, %gather3A_1172] : memref<4x128x128xf32, #tpu.memory_space<vmem>> -> memref<1x128x128xf32, #tpu.memory_space<vmem>>
        %gather3A_1174 = tpu.memref_squeeze %gather3A_1173 : memref<1x128x128xf32, #tpu.memory_space<vmem>> -> memref<128x128xf32, #tpu.memory_space<vmem>>
        %gather3A_1175 = tpu.vector_load_idx %gather3A_1174[%add3A_1169, %add3A_1170] : memref<128x128xf32, #tpu.memory_space<vmem>>[vector<16xi32>, vector<16xi32>], vector<16xf32>,
        %scatter3A_1176 = arith.constant 0 : i32
        %scatter3A_1177 = arith.constant 0 : i32
        %scatter3A_1178 = tpu.memref_slice %arg9[%rem3A_743, %scatter3A_1176, %scatter3A_1177] : memref<2x64x128xf32, #tpu.memory_space<vmem>> -> memref<1x64x128xf32, #tpu.memory_space<vmem>>
        %scatter3A_1179 = tpu.memref_squeeze %scatter3A_1178 : memref<1x64x128xf32, #tpu.memory_space<vmem>> -> memref<64x128xf32, #tpu.memory_space<vmem>>
        tpu.vector_store_idx %scatter3A_1179[%add3A_834, %add3A_1169], %gather3A_1175 : memref<64x128xf32, #tpu.memory_space<vmem>>[vector<16xi32>, vector<16xi32>], vector<16xf32>,
        %add3A_1180 = arith.addi %get3A_1166, %add3A_837 : vector<16xi32>
        %gather3A_1181 = arith.constant 0 : i32
        %gather3A_1182 = arith.constant 0 : i32
        %gather3A_1183 = tpu.memref_slice %arg8[%rem3A_741, %gather3A_1181, %gather3A_1182] : memref<4x128x128xf32, #tpu.memory_space<vmem>> -> memref<1x128x128xf32, #tpu.memory_space<vmem>>
        %gather3A_1184 = tpu.memref_squeeze %gather3A_1183 : memref<1x128x128xf32, #tpu.memory_space<vmem>> -> memref<128x128xf32, #tpu.memory_space<vmem>>
        %gather3A_1185 = tpu.vector_load_idx %gather3A_1184[%add3A_1169, %add3A_1180] : memref<128x128xf32, #tpu.memory_space<vmem>>[vector<16xi32>, vector<16xi32>], vector<16xf32>,
        %scatter3A_1186 = arith.constant 0 : i32
        %scatter3A_1187 = arith.constant 0 : i32
        %scatter3A_1188 = tpu.memref_slice %arg9[%rem3A_743, %scatter3A_1186, %scatter3A_1187] : memref<2x64x128xf32, #tpu.memory_space<vmem>> -> memref<1x64x128xf32, #tpu.memory_space<vmem>>
        %scatter3A_1189 = tpu.memref_squeeze %scatter3A_1188 : memref<1x64x128xf32, #tpu.memory_space<vmem>> -> memref<64x128xf32, #tpu.memory_space<vmem>>
        tpu.vector_store_idx %scatter3A_1189[%add3A_837, %add3A_1169], %gather3A_1185 : memref<64x128xf32, #tpu.memory_space<vmem>>[vector<16xi32>, vector<16xi32>], vector<16xf32>,
        %add3A_1190 = arith.addi %get3A_1166, %add3A_840 : vector<16xi32>
        %gather3A_1191 = arith.constant 0 : i32
        %gather3A_1192 = arith.constant 0 : i32
        %gather3A_1193 = tpu.memref_slice %arg8[%rem3A_741, %gather3A_1191, %gather3A_1192] : memref<4x128x128xf32, #tpu.memory_space<vmem>> -> memref<1x128x128xf32, #tpu.memory_space<vmem>>
        %gather3A_1194 = tpu.memref_squeeze %gather3A_1193 : memref<1x128x128xf32, #tpu.memory_space<vmem>> -> memref<128x128xf32, #tpu.memory_space<vmem>>
        %gather3A_1195 = tpu.vector_load_idx %gather3A_1194[%add3A_1169, %add3A_1190] : memref<128x128xf32, #tpu.memory_space<vmem>>[vector<16xi32>, vector<16xi32>], vector<16xf32>,
        %scatter3A_1196 = arith.constant 0 : i32
        %scatter3A_1197 = arith.constant 0 : i32
        %scatter3A_1198 = tpu.memref_slice %arg9[%rem3A_743, %scatter3A_1196, %scatter3A_1197] : memref<2x64x128xf32, #tpu.memory_space<vmem>> -> memref<1x64x128xf32, #tpu.memory_space<vmem>>
        %scatter3A_1199 = tpu.memref_squeeze %scatter3A_1198 : memref<1x64x128xf32, #tpu.memory_space<vmem>> -> memref<64x128xf32, #tpu.memory_space<vmem>>
        tpu.vector_store_idx %scatter3A_1199[%add3A_840, %add3A_1169], %gather3A_1195 : memref<64x128xf32, #tpu.memory_space<vmem>>[vector<16xi32>, vector<16xi32>], vector<16xf32>,
        %add3A_1200 = arith.addi %get3A_1166, %add3A_843 : vector<16xi32>
        %gather3A_1201 = arith.constant 0 : i32
        %gather3A_1202 = arith.constant 0 : i32
        %gather3A_1203 = tpu.memref_slice %arg8[%rem3A_741, %gather3A_1201, %gather3A_1202] : memref<4x128x128xf32, #tpu.memory_space<vmem>> -> memref<1x128x128xf32, #tpu.memory_space<vmem>>
        %gather3A_1204 = tpu.memref_squeeze %gather3A_1203 : memref<1x128x128xf32, #tpu.memory_space<vmem>> -> memref<128x128xf32, #tpu.memory_space<vmem>>
        %gather3A_1205 = tpu.vector_load_idx %gather3A_1204[%add3A_1169, %add3A_1200] : memref<128x128xf32, #tpu.memory_space<vmem>>[vector<16xi32>, vector<16xi32>], vector<16xf32>,
        %scatter3A_1206 = arith.constant 0 : i32
        %scatter3A_1207 = arith.constant 0 : i32
        %scatter3A_1208 = tpu.memref_slice %arg9[%rem3A_743, %scatter3A_1206, %scatter3A_1207] : memref<2x64x128xf32, #tpu.memory_space<vmem>> -> memref<1x64x128xf32, #tpu.memory_space<vmem>>
        %scatter3A_1209 = tpu.memref_squeeze %scatter3A_1208 : memref<1x64x128xf32, #tpu.memory_space<vmem>> -> memref<64x128xf32, #tpu.memory_space<vmem>>
        tpu.vector_store_idx %scatter3A_1209[%add3A_843, %add3A_1169], %gather3A_1205 : memref<64x128xf32, #tpu.memory_space<vmem>>[vector<16xi32>, vector<16xi32>], vector<16xf32>,
      }
      %scan3A_776 = arith.constant 16 : i32
      %jit3A = arith.constant 50 : i32
      %div3A = arith.divsi %scan3A_740, %jit3A : i32
      %sign3A = arith.constant 0 : i32
      %sign3A_777 = arith.cmpi sgt, %scan3A_740, %sign3A : i32
      %sign3A_778 = arith.extui %sign3A_777 : i1 to i32
      %sign3A_779 = arith.constant 0 : i32
      %sign3A_780 = arith.cmpi slt, %scan3A_740, %sign3A_779 : i32
      %sign3A_781 = arith.extui %sign3A_780 : i1 to i32
      %sign3A_782 = arith.subi %sign3A_778, %sign3A_781 : i32
      %sign3A_783 = arith.constant 0 : i32
      %sign3A_784 = arith.cmpi sgt, %jit3A, %sign3A_783 : i32
      %sign3A_785 = arith.extui %sign3A_784 : i1 to i32
      %sign3A_786 = arith.constant 0 : i32
      %sign3A_787 = arith.cmpi slt, %jit3A, %sign3A_786 : i32
      %sign3A_788 = arith.extui %sign3A_787 : i1 to i32
      %sign3A_789 = arith.subi %sign3A_785, %sign3A_788 : i32
      %ne3A = arith.cmpi ne, %sign3A_782, %sign3A_789 : i32
      %rem3A_790 = arith.remsi %scan3A_740, %jit3A : i32
      %ne3A_791 = arith.constant 0 : i32
      %ne3A_792 = arith.cmpi ne, %rem3A_790, %ne3A_791 : i32
      %and3A_793 = arith.andi %ne3A, %ne3A_792 : i1
      %sub3A_794 = arith.constant 1 : i32
      %sub3A_795 = arith.subi %div3A, %sub3A_794 : i32
      %select_n3A = arith.select %and3A_793, %sub3A_795, %div3A : i32
      %mul3A_796 = arith.constant 50 : i32
      %mul3A_797 = arith.muli %select_n3A, %mul3A_796 : i32
      %sub3A_798 = arith.subi %scan3A_740, %mul3A_797 : i32
      %mul3A_799 = arith.constant 16384 : i32
      %mul3A_800 = arith.muli %sub3A_798, %mul3A_799 : i32
      %add3A_801 = arith.addi %mul3A_2, %select_n3A : i32
      %mul3A_802 = arith.constant 128 : i32
      %mul3A_803 = arith.muli %add3A_801, %mul3A_802 : i32
      %add3A_804 = arith.addi %mul3A_800, %mul3A_803 : i32
      %multiple_of3A_805 = tpu.assume_multiple %add3A_804, 128 : i32
      %mul3A_806 = arith.constant 16384 : i32
      %mul3A_807 = arith.muli %sub3A_798, %mul3A_806 : i32
      %sub3A_808 = arith.subi %multiple_of3A_805, %mul3A_807 : i32
      %multiple_of3A_809 = tpu.assume_multiple %sub3A_808, 128 : i32
      %dma_start3A_810 = arith.constant 0 : i32
      %dma_start3A_811 = arith.constant 0 : i32
      %dma_start3A_812 = tpu.memref_slice %arg9[%rem3A_743, %dma_start3A_810, %dma_start3A_811] : memref<2x64x128xf32, #tpu.memory_space<vmem>> -> memref<1x64x128xf32, #tpu.memory_space<vmem>>
      %dma_start3A_813 = tpu.memref_squeeze %dma_start3A_812 : memref<1x64x128xf32, #tpu.memory_space<vmem>> -> memref<64x128xf32, #tpu.memory_space<vmem>>
      %dma_start3A_814 = arith.constant 0 : i32
      %dma_start3A_815 = tpu.memref_slice %arg4[%sub3A_798, %dma_start3A_814, %multiple_of3A_809] : memref<50x64x16384xf32, #tpu.memory_space<hbm>> -> memref<1x64x128xf32, #tpu.memory_space<hbm>>
      %dma_start3A_816 = tpu.memref_squeeze %dma_start3A_815 : memref<1x64x128xf32, #tpu.memory_space<hbm>> -> memref<64x128xf32, #tpu.memory_space<hbm>>
      %dma_start3A_817 = tpu.memref_slice %arg12[%rem3A_743] : memref<2x!tpu.dma_semaphore, #tpu.memory_space<semaphore_mem>> -> memref<1x!tpu.dma_semaphore, #tpu.memory_space<semaphore_mem>>
      %dma_start3A_818 = tpu.memref_squeeze %dma_start3A_817 : memref<1x!tpu.dma_semaphore, #tpu.memory_space<semaphore_mem>> -> memref<!tpu.dma_semaphore, #tpu.memory_space<semaphore_mem>>
      %dma_start3A_819 = arith.constant 0 : i32
      %dma_start3A_820 = tpu.memref_slice %arg4[%sub3A_798, %dma_start3A_819, %multiple_of3A_809] : memref<50x64x16384xf32, #tpu.memory_space<hbm>> -> memref<1x64x128xf32, #tpu.memory_space<hbm>>
      %dma_start3A_821 = tpu.memref_squeeze %dma_start3A_820 : memref<1x64x128xf32, #tpu.memory_space<hbm>> -> memref<64x128xf32, #tpu.memory_space<hbm>>
      %dma_start3A_822 = arith.constant 0 : i32
      %dma_start3A_823 = arith.constant 0 : i32
      %dma_start3A_824 = tpu.memref_slice %arg9[%rem3A_743, %dma_start3A_822, %dma_start3A_823] : memref<2x64x128xf32, #tpu.memory_space<vmem>> -> memref<1x64x128xf32, #tpu.memory_space<vmem>>
      %dma_start3A_825 = tpu.memref_squeeze %dma_start3A_824 : memref<1x64x128xf32, #tpu.memory_space<vmem>> -> memref<64x128xf32, #tpu.memory_space<vmem>>
      tpu.enqueue_dma source(%dma_start3A_825 : memref<64x128xf32, #tpu.memory_space<vmem>>) target(%dma_start3A_821 : memref<64x128xf32, #tpu.memory_space<hbm>>) target_semaphore(%dma_start3A_818 : memref<!tpu.dma_semaphore, #tpu.memory_space<semaphore_mem>>)
    }
    %scan3A_682 = arith.constant 200 : i32
    %add3A_683 = arith.constant 3 : i32
    %add3A_684 = arith.addi %mul3A_2, %add3A_683 : i32
    %mul3A_685 = arith.constant 128 : i32
    %mul3A_686 = arith.muli %add3A_684, %mul3A_685 : i32
    %add3A_687 = arith.constant 786432 : i32
    %add3A_688 = arith.addi %add3A_687, %mul3A_686 : i32
    %multiple_of3A_689 = tpu.assume_multiple %add3A_688, 128 : i32
    %sub3A = arith.constant 786432 : i32
    %sub3A_690 = arith.subi %multiple_of3A_689, %sub3A : i32
    %multiple_of3A_691 = tpu.assume_multiple %sub3A_690, 128 : i32
    %dma_wait3A_692 = arith.constant 0 : i32
    %dma_wait3A_693 = arith.constant 48 : i32
    %dma_wait3A_694 = arith.constant 0 : i32
    %dma_wait3A_695 = arith.constant 0 : i32
    %dma_wait3A_696 = arith.constant 0 : i32
    %dma_wait3A_697 = tpu.memref_slice %arg9[%dma_wait3A_692, %dma_wait3A_695, %dma_wait3A_696] : memref<2x64x128xf32, #tpu.memory_space<vmem>> -> memref<1x64x128xf32, #tpu.memory_space<vmem>>
    %dma_wait3A_698 = tpu.memref_squeeze %dma_wait3A_697 : memref<1x64x128xf32, #tpu.memory_space<vmem>> -> memref<64x128xf32, #tpu.memory_space<vmem>>
    %dma_wait3A_699 = arith.constant 0 : i32
    %dma_wait3A_700 = tpu.memref_slice %arg4[%dma_wait3A_693, %dma_wait3A_699, %multiple_of3A_691] : memref<50x64x16384xf32, #tpu.memory_space<hbm>> -> memref<1x64x128xf32, #tpu.memory_space<hbm>>
    %dma_wait3A_701 = tpu.memref_squeeze %dma_wait3A_700 : memref<1x64x128xf32, #tpu.memory_space<hbm>> -> memref<64x128xf32, #tpu.memory_space<hbm>>
    %dma_wait3A_702 = tpu.memref_slice %arg12[%dma_wait3A_694] : memref<2x!tpu.dma_semaphore, #tpu.memory_space<semaphore_mem>> -> memref<1x!tpu.dma_semaphore, #tpu.memory_space<semaphore_mem>>
    %dma_wait3A_703 = tpu.memref_squeeze %dma_wait3A_702 : memref<1x!tpu.dma_semaphore, #tpu.memory_space<semaphore_mem>> -> memref<!tpu.dma_semaphore, #tpu.memory_space<semaphore_mem>>
    %dma_wait3A_704 = arith.constant 0 : i32
    %dma_wait3A_705 = tpu.memref_slice %arg4[%dma_wait3A_693, %dma_wait3A_704, %multiple_of3A_691] : memref<50x64x16384xf32, #tpu.memory_space<hbm>> -> memref<1x64x128xf32, #tpu.memory_space<hbm>>
    %dma_wait3A_706 = tpu.memref_squeeze %dma_wait3A_705 : memref<1x64x128xf32, #tpu.memory_space<hbm>> -> memref<64x128xf32, #tpu.memory_space<hbm>>
    %dma_wait3A_707 = arith.constant 0 : i32
    %dma_wait3A_708 = arith.constant 0 : i32
    %dma_wait3A_709 = tpu.memref_slice %arg9[%dma_wait3A_692, %dma_wait3A_707, %dma_wait3A_708] : memref<2x64x128xf32, #tpu.memory_space<vmem>> -> memref<1x64x128xf32, #tpu.memory_space<vmem>>
    %dma_wait3A_710 = tpu.memref_squeeze %dma_wait3A_709 : memref<1x64x128xf32, #tpu.memory_space<vmem>> -> memref<64x128xf32, #tpu.memory_space<vmem>>
    tpu.wait_dma2 semaphore(%dma_wait3A_703 : memref<!tpu.dma_semaphore, #tpu.memory_space<semaphore_mem>>) src(%dma_wait3A_710 : memref<64x128xf32, #tpu.memory_space<vmem>>) dst(%dma_wait3A_706 : memref<64x128xf32, #tpu.memory_space<hbm>>)
    %add3A_711 = arith.constant 3 : i32
    %add3A_712 = arith.addi %mul3A_2, %add3A_711 : i32
    %mul3A_713 = arith.constant 128 : i32
    %mul3A_714 = arith.muli %add3A_712, %mul3A_713 : i32
    %add3A_715 = arith.constant 802816 : i32
    %add3A_716 = arith.addi %add3A_715, %mul3A_714 : i32
    %multiple_of3A_717 = tpu.assume_multiple %add3A_716, 128 : i32
    %sub3A_718 = arith.constant 802816 : i32
    %sub3A_719 = arith.subi %multiple_of3A_717, %sub3A_718 : i32
    %multiple_of3A_720 = tpu.assume_multiple %sub3A_719, 128 : i32
    %dma_wait3A_721 = arith.constant 1 : i32
    %dma_wait3A_722 = arith.constant 49 : i32
    %dma_wait3A_723 = arith.constant 1 : i32
    %dma_wait3A_724 = arith.constant 0 : i32
    %dma_wait3A_725 = arith.constant 0 : i32
    %dma_wait3A_726 = tpu.memref_slice %arg9[%dma_wait3A_721, %dma_wait3A_724, %dma_wait3A_725] : memref<2x64x128xf32, #tpu.memory_space<vmem>> -> memref<1x64x128xf32, #tpu.memory_space<vmem>>
    %dma_wait3A_727 = tpu.memref_squeeze %dma_wait3A_726 : memref<1x64x128xf32, #tpu.memory_space<vmem>> -> memref<64x128xf32, #tpu.memory_space<vmem>>
    %dma_wait3A_728 = arith.constant 0 : i32
    %dma_wait3A_729 = tpu.memref_slice %arg4[%dma_wait3A_722, %dma_wait3A_728, %multiple_of3A_720] : memref<50x64x16384xf32, #tpu.memory_space<hbm>> -> memref<1x64x128xf32, #tpu.memory_space<hbm>>
    %dma_wait3A_730 = tpu.memref_squeeze %dma_wait3A_729 : memref<1x64x128xf32, #tpu.memory_space<hbm>> -> memref<64x128xf32, #tpu.memory_space<hbm>>
    %dma_wait3A_731 = tpu.memref_slice %arg12[%dma_wait3A_723] : memref<2x!tpu.dma_semaphore, #tpu.memory_space<semaphore_mem>> -> memref<1x!tpu.dma_semaphore, #tpu.memory_space<semaphore_mem>>
    %dma_wait3A_732 = tpu.memref_squeeze %dma_wait3A_731 : memref<1x!tpu.dma_semaphore, #tpu.memory_space<semaphore_mem>> -> memref<!tpu.dma_semaphore, #tpu.memory_space<semaphore_mem>>
    %dma_wait3A_733 = arith.constant 0 : i32
    %dma_wait3A_734 = tpu.memref_slice %arg4[%dma_wait3A_722, %dma_wait3A_733, %multiple_of3A_720] : memref<50x64x16384xf32, #tpu.memory_space<hbm>> -> memref<1x64x128xf32, #tpu.memory_space<hbm>>
    %dma_wait3A_735 = tpu.memref_squeeze %dma_wait3A_734 : memref<1x64x128xf32, #tpu.memory_space<hbm>> -> memref<64x128xf32, #tpu.memory_space<hbm>>
    %dma_wait3A_736 = arith.constant 0 : i32
    %dma_wait3A_737 = arith.constant 0 : i32
    %dma_wait3A_738 = tpu.memref_slice %arg9[%dma_wait3A_721, %dma_wait3A_736, %dma_wait3A_737] : memref<2x64x128xf32, #tpu.memory_space<vmem>> -> memref<1x64x128xf32, #tpu.memory_space<vmem>>
    %dma_wait3A_739 = tpu.memref_squeeze %dma_wait3A_738 : memref<1x64x128xf32, #tpu.memory_space<vmem>> -> memref<64x128xf32, #tpu.memory_space<vmem>>
    tpu.wait_dma2 semaphore(%dma_wait3A_732 : memref<!tpu.dma_semaphore, #tpu.memory_space<semaphore_mem>>) src(%dma_wait3A_739 : memref<64x128xf32, #tpu.memory_space<vmem>>) dst(%dma_wait3A_735 : memref<64x128xf32, #tpu.memory_space<hbm>>)
    return
  }
}

</mosaic_0001>

<sc_bundles>
// kernel: kernel.4.cloned.1.call-start
scs
__scs_entry_jumppad:
0x0: {  	(pc) =	sbr.rel $0x88, $3  }
0x1: {  	(tag) =	ssettag $0x0;
	lr =	simm.s32 $0x1  }
0x2: {  	[smem:$0x3F9F] =	sst lr;
	_ =	strace $0xD0000000  }
0x3: {  	_ = 	snop  }
0x4: {  	_ = 	snop  }
0x5: {  	_ = 	snop  }
0x6: {  	_ = 	snop  }
0x7: {  	_ = 	snop  }
__scs_overlays_trampoline_lowered:
0x8: {  	[smem:$0x3FAE] =	sst s0  }
0x9: {  	[smem:$0x3FAF] =	sst s1  }
0xa: {  	[smem:$0x3FB0] =	sst s2  }
0xb: {  	[smem:$0x3FB1] =	sst s3  }
0xc: {  	[smem:$0x3FB2] =	sst s4  }
0xd: {  	[smem:$0x3FB3] =	sst s5  }
0xe: {  	[smem:$0x3FB4] =	sst s6  }
0xf: {  	[smem:$0x3FB5] =	sst s7  }
0x10: {  	[smem:$0x3FB6] =	sst s8  }
0x11: {  	[smem:$0x3FB7] =	sst s9;
	s0 =	simm.s32 @!p0 $0x0  }
0x12: {  	s1 =	sld [smem:$0x3F9D];
	s0 =	simm.s32 @p0 $0x1  }
0x13: {  	[smem:$0x3FB8] =	sst s0;
	s0 =	simm.s32 @!p1 $0x0  }
0x14: {  	s2 =	sld [smem:$0x3F9C];
	s0 =	simm.s32 @p1 $0x1  }
0x15: {  	[smem:$0x3FB9] =	sst s0;
	s0 =	simm.s32 @!p2 $0x0  }
0x16: {  	s3 =	sld [smem:$0x3FDB];
	s0 =	simm.s32 @p2 $0x1  }
0x17: {  	s4 =	simm.s32 $0x1BF5;
	[smem:$0x3FBB] =	sst s0  }
0x18: {  	s0 =	sld [smem:$0x3F9E];
	_ =	swait.ge [sflag:s4], $0x0  }
0x19: {  	s7 =	sld [smem:$0x3F9F]  }
0x1a: {  	s8 =	sadd.s32 $0xFFFFE003, lr  }
0x1b: {  	s9 =	sadd.s32 $0xFFFFFEF7, lr;
	s5 =	simm.s32 $0xFFFFFFFF;
	p2 =	slt.u32 s8, $0xFFFFF086  }
0x1c: {  	p1 =	slt.u32 s9, $0xF7A;
	s5 =	simm.s32 @!p2 $0x0  }
0x1d: {  	s5 =	simm.s32 @p1 $0x1;
	p0 =	seq.s32 s7, s2  }
0x1e: {  	s7 =	smul.u32 @!p0 $0xF7A, s2;
	p2 =	seq.s32 @!p0 s5, $0x0  }
0x1f: {  	s9 =	smul.u32 $0xF7A, s1;
	s8 =	simm.s32 @!p0 $0x1BF5;
	p2 =	por !p2, p0  }
0x20: {  	[sflag:s8] =	ssyncset.s32 @!p0 $0xFFFFF086;
	s6 =	sadd.s32 @!p0 s3, s7;
	s7 =	simm.s32 @!p0 $0x108  }
0x21: {  	s3 =	sadd.s32 s3, s9;
	s6 =	sadd.s32 @!p0 $0x88, s6;
	s7 =	simm.s32 @p2 $0x1082  }
0x22: {  	[simem:s7], [sflag:s8] =	dma.local @!p0 [hbm:s6], $0xF7A  }
0x23: {  	s9 =	sor.u32 $0xD0000000, s2;
	s6 =	simm.s32 $0x108;
	_ =	swait.ge @!p0 [sflag:s8], $0x0  }
0x24: {  	s3 =	sadd.s32 $0x88, s3;
	s6 =	simm.s32 @!p1 $0x1082;
	[sflag:s4] =	ssyncset.s32 $0xFFFFF086  }
0x25: {  	[simem:s6], [sflag:s4] =	dma.local [hbm:s3], $0xF7A  }
0x26: {  	[smem:$0x3F9F] =	sst s1;
	(tag) =	ssettag s2;
	_ =	strace s9  }
0x27: {  	s1 =	sld [smem:$0x3FAF]  }
0x28: {  	s2 =	sld [smem:$0x3FB0]  }
0x29: {  	s4 =	sld [smem:$0x3FB2]  }
0x2a: {  	p0 =	seq.s32 s5, $0x0;
	s5 =	sld [smem:$0x3FB3]  }
0x2b: {  	s6 =	sld [smem:$0x3FB4]  }
0x2c: {  	s7 =	sld [smem:$0x3FB5]  }
0x2d: {  	s3 =	simm.s32 $0x108;
	s8 =	sld [smem:$0x3FB6]  }
0x2e: {  	s3 =	simm.s32 @!p0 $0x1082;
	s9 =	sld [smem:$0x3FB7]  }
0x2f: {  	lr =	sadd.s32 s0, s3;
	s0 =	sld [smem:$0x3FAE]  }
0x30: {  	s3 =	sld [smem:$0x3FB1]  }
0x31: {  	[smem:$0x3FBA] =	sst s10  }
0x32: {  	s10 =	sld [smem:$0x3FB8];
	_ =	sdelay $0x3  }
0x33: {  	p0 =	seq.s32 s10, $0x1;
	s10 =	sld [smem:$0x3FBA];
	_ =	sdelay $0x3  }
0x34: {  	[smem:$0x3FBA] =	sst s10  }
0x35: {  	s10 =	sld [smem:$0x3FB9];
	_ =	sdelay $0x3  }
0x36: {  	p1 =	seq.s32 s10, $0x1;
	s10 =	sld [smem:$0x3FBA];
	_ =	sdelay $0x3  }
0x37: {  	[smem:$0x3FBA] =	sst s10  }
0x38: {  	s10 =	sld [smem:$0x3FBB]  }
0x39: {  	_ = 	snop;
	(pc) =	sbr.ind lr, $3  }
0x3a: {  	_ = 	snop  }
0x3b: {  	_ = 	snop  }
0x3c: {  	p2 =	seq.s32 s10, $0x1;
	s10 =	sld [smem:$0x3FBA]  }
0x3d: {  	_ =	shalt  }
0x3e: {  	_ =	shalt  }
0x3f: {  	_ =	shalt  }
0x40: {  	_ =	shalt  }
0x41: {  	_ =	shalt  }
0x42: {  	_ =	shalt  }
0x43: {  	_ =	shalt  }
0x44: {  	_ =	shalt  }
0x45: {  	_ =	shalt  }
0x46: {  	_ =	shalt  }
0x47: {  	_ =	shalt  }
0x48: {  	_ =	shalt  }
0x49: {  	_ =	shalt  }
0x4a: {  	_ =	shalt  }
0x4b: {  	_ =	shalt  }
0x4c: {  	_ =	shalt  }
0x4d: {  	_ =	shalt  }
0x4e: {  	_ =	shalt  }
0x4f: {  	_ =	shalt  }
0x50: {  	_ =	shalt  }
0x51: {  	_ =	shalt  }
0x52: {  	_ =	shalt  }
0x53: {  	_ =	shalt  }
0x54: {  	_ =	shalt  }
0x55: {  	_ =	shalt  }
0x56: {  	_ =	shalt  }
0x57: {  	_ =	shalt  }
0x58: {  	_ =	shalt  }
0x59: {  	_ =	shalt  }
0x5a: {  	_ =	shalt  }
0x5b: {  	_ =	shalt  }
0x5c: {  	_ =	shalt  }
0x5d: {  	_ =	shalt  }
0x5e: {  	_ =	shalt  }
0x5f: {  	_ =	shalt  }
0x60: {  	_ =	shalt  }
0x61: {  	_ =	shalt  }
0x62: {  	_ =	shalt  }
0x63: {  	_ =	shalt  }
0x64: {  	_ =	shalt  }
0x65: {  	_ =	shalt  }
0x66: {  	_ =	shalt  }
0x67: {  	_ =	shalt  }
0x68: {  	_ =	shalt  }
0x69: {  	_ =	shalt  }
0x6a: {  	_ =	shalt  }
0x6b: {  	_ =	shalt  }
0x6c: {  	_ =	shalt  }
0x6d: {  	_ =	shalt  }
0x6e: {  	_ =	shalt  }
0x6f: {  	_ =	shalt  }
0x70: {  	_ =	shalt  }
0x71: {  	_ =	shalt  }
0x72: {  	_ =	shalt  }
0x73: {  	_ =	shalt  }
0x74: {  	_ =	shalt  }
0x75: {  	_ =	shalt  }
0x76: {  	_ =	shalt  }
0x77: {  	_ =	shalt  }
0x78: {  	_ =	shalt  }
0x79: {  	_ =	shalt  }
0x7a: {  	_ =	shalt  }
0x7b: {  	_ =	shalt  }
0x7c: {  	_ =	shalt  }
0x7d: {  	_ =	shalt  }
0x7e: {  	_ =	shalt  }
0x7f: {  	_ =	shalt  }
0x80: {  	_ =	shalt  }
0x81: {  	_ =	shalt  }
0x82: {  	_ =	shalt  }
0x83: {  	_ =	shalt  }
0x84: {  	_ =	shalt  }
0x85: {  	_ =	shalt  }
0x86: {  	_ =	shalt  }
0x87: {  	_ =	shalt  }
.Lfunc_end0:
.L_simem_size_0:
called_computation_lowered:
.L_overlay_start_0:
0x88: {  	s2 =	sld [smem:$0x3FD9]  }
0x89: {  	s3 =	sld [smem:$0x3FFE];
	_ =	sdelay $0x1  }
0x8a: {  	s1 =	srdreg.scid  }
0x8b: {  	s0 =	sand.u32 $0x1, s1  }
0x8c: {  	s17 =	sshll.u32 s0, $0xA;
	s2 =	sadd.s32 s3, s2  }
0x8d: {  	s2 =	sadd.s32 s2, s17  }
0x8e: {  	[smem:$0x3FC6] =	sst s2  }
0x8f: {  	_ = 	snop  }
0x90: {  	s2 =	sld [smem:$0x3FC8]  }
0x91: {  	s18 =	sld [smem:$0x3FD0];
	(tm) =	ssettm $0x1  }
0x92: {  	s4 =	sld [smem:$0x3FFB];
	_ =	sdelay $0x3  }
0x93: {  	_ =	strace s4  }
0x94: {  	s4 =	sld [smem:$0x3FFC];
	_ =	sdelay $0x3  }
0x95: {  	_ =	strace s4  }
0x96: {  	s4 =	sld [smem:$0x3FFD];
	_ =	sdelay $0x3  }
0x97: {  	_ =	strace s4  }
0x98: {  	_ =	strace $0x8FFFFFFF  }
0x99: {  	s19 =	sld [smem:$0x3FDB];
	_ =	sdelay $0x1  }
0x9a: {  	s5 =	simm.s32 $_scs_section_size  }
0x9b: {  	s6 =	simm.s32 $_size__tile_overlayer_lowered;
	s7 =	simm.s32 $_tile_overlayer_lowered  }
0x9c: {  	s22 =	simm.s32 $0x1BFF;
	s21 =	sshll.u32 s7, $0x1;
	s4 =	sadd.s32 s5, s19  }
0x9d: {  	s8 =	simm.s32 $0x0;
	s20 =	sshll.u32 s6, $0x1;
	s6 =	sadd.s32 s21, s4  }
0x9e: {  	[timem:s8], [sflag:s22] =	dma.local [hbm:s6], s20  }
0x9f: {  	_ =	swait.ge [sflag:s22], s20  }
0xa0: {  	s5 =	ssub.s32 $0x0, s20;
	[sflag:s22] =	ssyncset.done $0x0  }
0xa1: {  	[sflag:s22] =	ssyncadd.s32 s5;
	_ =	sdelay $0x1  }
0xa2: {  	s23 =	simm.s32 $0x1B8B  }
0xa3: {  	_ =	swait.ge [sflag:s23], $0x1  }
0xa4: {  	[sflag:s23] =	ssyncset.done $0x0  }
0xa5: {  	s25 =	simm.s32 $0x1B8E;
	s24 =	sld [smem:$0x3FFE];
	[sflag:s23] =	ssyncadd.s32 $0xFFFFFFFF  }
0xa6: {  	s26 =	simm.s32 $execute0_lowered;
	[smem:$0x3FD2] =	sst s25  }
0xa7: {  	s6 =	sshll.u32 s26, $0x1;
	_ =	strace $0x80000046;
	[dreg:$0x1] =	wrdreg $0xFFFFFFFF  }
0xa8: {  	s28 =	simm.s32 $_size_execute0_lowered;
	s4 =	sadd.s32 s4, s6;
	[dreg:$0x0] =	wrdreg $0x0  }
0xa9: {  	s6 =	sshll.u32 s28, $0x1;
	[dreg:$0x2] =	wrdreg s4  }
0xaa: {  	[dreg:$0x3] =	wrdreg s6  }
0xab: {  	[dreg:$0x4] =	wrdreg $0xC0  }
0xac: {  	_ =	task [dreg:s8], $0x5FFFF  }
0xad: {  	[dreg:$0x1] =	wrdreg $0xFFFFFFFF  }
0xae: {  	[dreg:$0x0] =	wrdreg $0x60  }
0xaf: {  	[dreg:$0x2] =	wrdreg s2  }
0xb0: {  	[dreg:$0x3] =	wrdreg s18  }
0xb1: {  	[dreg:$0x4] =	wrdreg s24  }
0xb2: {  	[dreg:$0x5] =	wrdreg $0x9  }
0xb3: {  	_ =	task.clear_ibuf [dreg:s8], $0x6FFFF;
	_ =	strace $0x90000046  }
0xb4: {  	s29 =	simm.s32 $0x9;
	_ =	strace $0x80000048  }
0xb5: {  	_ =	swait.ge [sflag:s29], $0x1  }
0xb6: {  	[sflag:s29] =	ssyncadd.s32 $0xFFFFFFFF  }
0xb7: {  	_ =	strace $0x90000048  }
0xb8: {  	_ =	sfence  }
0xb9: {  	s30 =	sld [smem:$0x0];
	_ =	sdelay $0x2  }
0xba: {  	s31 =	sshll.u32 s1, $0xD;
	s1 =	sshrl.u32 s1, $0x2  }
0xbb: {  	s3 =	sand.u32 $0x4000, s31;
	s1 =	sadd.s32 s1, s30  }
0xbc: {  	s0 =	sor.u32 s3, s0;
	s1 =	sshll.u32 s1, $0x11  }
0xbd: {  	s0 =	sor.u32 s1, s0  }
0xbe: {  	s0 =	sadd.s32 $0x8F2B, s0  }
0xbf: {  	[sflag:s0] =	ssyncadd.remote.s32 $0x1  }
0xc0: {  	_ =	sfence.sel $0xFFFF  }
0xc1: {  	[dreg:$0x0] =	wrdreg $0xFFFFFFFF;
	(pc) =	sbr.abs _section_cstart, $3  }
0xc2: {  	[dreg:$0x1] =	wrdreg $0xFFFFFFFF  }
0xc3: {  	_ =	task.clear_ibuf [dreg:s8], $0x2FFFF;
	_ =	strace $0x9FFFFFFF  }
0xc4: {  	(tm) =	ssettm $0x7FFFFFFF  }
0xc5: {  	_ =	shalt  }
tec
execute0_lowered:
.L_overlay_start_1:
0x0: {  	(tag) =	ssettag $0x1  }
0x1: {  	v21 =	vlaneseq.u32  }
0x2: {  	v3 =	vmul.u32 $0x40, v21;
	v0 =	vor.u32 $0x800, v21  }
0x3: {  	[tilespmem:$0x1FE10] =	vst v0;
	v0 =	vor.u32 $0x1000, v21  }
0x4: {  	[tilespmem:$0x1FE20] =	vst v0;
	v0 =	vor.u32 $0x20, v3  }
0x5: {  	[tilespmem:$0x1FE30] =	vst v0;
	v0 =	vor.u32 $0x10, v21  }
0x6: {  	[tilespmem:$0x1FE40] =	vst v0;
	v0 =	vor.u32 $0x810, v21  }
0x7: {  	[tilespmem:$0x1FE50] =	vst v0;
	v0 =	vor.u32 $0x820, v21  }
0x8: {  	[tilespmem:$0x1FE60] =	vst v0;
	v0 =	vor.u32 $0xC10, v3  }
0x9: {  	v10 =	vor.u32 $0x870, v21;
	[tilespmem:$0x1FE70] =	vst v0;
	v0 =	vor.u32 $0x40, v21  }
0xa: {  	v6 =	vor.u32 $0x1070, v21;
	v2 =	vor.u32 $0x1870, v21;
	[tilespmem:$0x1FE80] =	vst v0;
	v0 =	vor.u32 $0x1000, v3  }
0xb: {  	v9 =	vor.u32 $0x10, v3;
	v12 =	vor.u32 $0x30, v3;
	[tilespmem:$0x1FE90] =	vst v0;
	v0 =	vor.u32 $0x840, v21  }
0xc: {  	s0 =	rddreg [dreg:$0x0];
	v13 =	vor.u32 $0x400, v3;
	v14 =	vor.u32 $0x410, v3;
	[tilespmem:$0x1FEA0] =	vst v0;
	v0 =	vor.u32 $0x1010, v3  }
0xd: {  	s1 =	rddreg [dreg:$0x1];
	v15 =	vor.u32 $0x420, v3;
	v17 =	vor.u32 $0x430, v3;
	[tilespmem:$0x1FEB0] =	vst v0;
	v0 =	vor.u32 $0x1040, v21  }
0xe: {  	s9 =	rddreg [dreg:$0x2];
	s4 =	simm.s32 $0x0;
	v19 =	vor.u32 $0x800, v3;
	v37 =	vor.u32 $0x810, v3;
	[tilespmem:$0x1FEC0] =	vst v0;
	v0 =	vor.u32 $0x1020, v3  }
0xf: {  	s3 =	srdreg.scid;
	[smem:$0x7FF] =	sst s4;
	v23 =	vor.u32 $0x820, v3;
	v25 =	vor.u32 $0x830, v3;
	v40 =	vor.u32 $0xC00, v3;
	[tilespmem:$0x1FED0] =	vst v0  }
0x10: {  	s6 =	sand.u32 $0x1, s3;
	s3 =	rddreg [dreg:$0x3];
	v42 =	vor.u32 $0xC20, v3;
	v47 =	vor.u32 $0xC30, v3;
	v7 =	vor.u32 $0x1C10, v3;
	_ =	strace $0x80000047;
	[tilespmem:$0x1FEE0] =	vst v10  }
0x11: {  	v45 =	vor.u32 $0x1030, v3;
	v46 =	vor.u32 $0x1400, v3;
	v49 =	vor.u32 $0x1410, v3;
	[tilespmem:$0x1FEF0] =	vst v7  }
0x12: {  	v51 =	vor.u32 $0x1420, v3;
	v53 =	vor.u32 $0x1430, v3;
	v1 =	vor.u32 $0x1C20, v3;
	[tilespmem:$0x1FF00] =	vst v6  }
0x13: {  	v55 =	vor.u32 $0x1800, v3;
	v57 =	vor.u32 $0x1810, v3;
	v59 =	vor.u32 $0x1820, v3;
	[tilespmem:$0x1FF10] =	vst v1  }
0x14: {  	v61 =	vor.u32 $0x1830, v3;
	v63 =	vor.u32 $0x1C00, v3;
	v4 =	vmovc v3;
	v3 =	vor.u32 $0x1C30, v3;
	[tilespmem:$0x1FF20] =	vst v2  }
0x15: {  	[tilespmem:$0x1FF30] =	vst v3  }
0x16: {  	[tilespmem:$0x1FF40] =	vst v46  }
0x17: {  	[tilespmem:$0x1FF50] =	vst v4  }
0x18: {  	[tilespmem:$0x1FF60] =	vst v47  }
0x19: {  	v52 =	vor.u32 $0x1850, v21;
	[tilespmem:$0x1FF70] =	vst v49  }
0x1a: {  	s2 =	stileid.u32;
	s11 =	simm.s32 $0x400;
	[tilespmem:$0x1FF80] =	vst v52  }
0x1b: {  	s12 =	simm.s32 $0x7A1400;
	s13 =	simm.s32 $0x2000;
	s14 =	simm.s32 $0x5;
	v56 =	vor.u32 $0x860, v21;
	[tilespmem:$0x1FF90] =	vst v55  }
0x1c: {  	s15 =	simm.s32 $0xA000;
	s16 =	simm.s32 $0x6;
	s17 =	simm.s32 $0xC000;
	v11 =	vor.u32 $0x1800, v21;
	v36 =	vor.u32 $0x1010, v21;
	v58 =	vor.u32 $0x1060, v21;
	[tilespmem:$0x1FFA0] =	vst v56  }
.Ltmp0:
0x1d: {  	s18 =	simm.s32 $0x0;
	v16 =	vor.u32 $0x1810, v21;
	v18 =	vor.u32 $0x20, v21;
	v38 =	vor.u32 $0x1020, v21;
	s5 =	sshll.u32 s2, $0x1;
	[tilespmem:$0x1FFB0] =	vst v58;
	(pc) =	sbr.rel .LBB2_1-.Ltmp0, $4  }
0x1e: {  	v24 =	vor.u32 $0x1820, v21;
	v39 =	vor.u32 $0x30, v21;
	s7 =	sadd.s32 $0xA00, s9;
	v60 =	vor.u32 $0x1860, v21;
	s5 =	sor.u32 s6, s5;
	s8 =	ssub.s32 $0x2, s6;
	[tilespmem:$0x1FFC0] =	vst v59  }
0x1f: {  	v41 =	vor.u32 $0x830, v21;
	v30 =	vor.u32 $0x1030, v21;
	v44 =	vor.u32 $0x1830, v21;
	s9 =	sadd.s32 $0x7A1A00, s9;
	s31 =	sshll.u32 s5, $0x7;
	s10 =	sshrl.u32 s8, $0x1;
	[tilespmem:$0x1FFD0] =	vst v60  }
0x20: {  	v43 =	vor.u32 $0x1840, v21;
	v26 =	vor.u32 $0x50, v21;
	v62 =	vor.u32 $0x70, v21;
	p0 =	sgt.u32 s2, $0x1;
	s6 =	sadd.s32 s0, s31;
	s10 =	ssub.s32 s8, s10;
	[tilespmem:$0x1FFE0] =	vst v61  }
0x21: {  	v48 =	vor.u32 $0x850, v21;
	v50 =	vor.u32 $0x1050, v21;
	v54 =	vor.u32 $0x60, v21;
	p1 =	sne.s32 s5, $0x0;
	s8 =	sadd.s32 $0x1000, s6;
	s10 =	smax.u32 s10, $0x1;
	[tilespmem:$0x1FFF0] =	vst v62  }
.LBB2_7:
0x22: {  	_ =	swait.ge [sflag:s14], $0x2000  }
.Ltmp1:
0x23: {  	[sflag:s14] =	ssyncset.done $0x0;
	(pc) =	sbr.rel @!p1 .LBB2_8-.Ltmp1, $4  }
0x24: {  	s19 =	simm.s32 @!p0 $0x4;
	[sflag:s14] =	ssyncadd.s32 $0xFFFFE000  }
0x25: {  	_ =	swait.ge @!p0 [sflag:s19], $0x2000  }
0x26: {  	[sflag:s19] =	ssyncset.done @!p0 $0x0  }
0x27: {  	[sflag:s19] =	ssyncadd.s32 @!p0 $0xFFFFE000  }
.LBB2_11:
0x28: {  	s18 =	sadd.s32 $0x1, s18  }
0x29: {  	p2 =	sne.s32 s18, s10  }
.Ltmp2:
0x2a: {  	_ = 	snop;
	(pc) =	sbr.rel @!p2 .LBB2_12-.Ltmp2, $1  }
0x2b: {  	_ =	sdelay $0x3  }
.LBB2_1:
.Ltmp3:
0x2c: {  	(pc) =	sbr.rel .LBB2_2-.Ltmp3, $4  }
0x2d: {  	_ = 	snop  }
0x2e: {  	[tilespmem:s4], [sflag:$0x1] =	stream.strided.gather [hbm4b:s6+s11], $0x2000, s12, s11, $0x38;
	[tilespmem:$0xD000] =	vst v63  }
0x2f: {  	s19 =	simm.s32 $0x0  }
0x30: {  	[tilespmem:s13], [sflag:$0x2] =	stream.strided.gather [hbm4b:s8+s11], $0x2000, s12, s11, $0x38;
	[tilespmem:$0xD000] =	vst v63  }
.LBB2_6:
0x31: {  	s19 =	sadd.s32 $0x1, s19  }
0x32: {  	p2 =	sne.s32 s19, $0xF5  }
.Ltmp4:
0x33: {  	_ = 	snop;
	(pc) =	sbr.rel @!p2 .LBB2_7-.Ltmp4, $1  }
0x34: {  	_ =	sdelay $0x3  }
.LBB2_2:
0x35: {  	s20 =	sshll.u32 s19, $0x5  }
0x36: {  	s20 =	sor.u32 s5, s20  }
0x37: {  	p2 =	sgt.u32 s20, $0x1E83  }
.Ltmp5:
0x38: {  	_ = 	snop;
	(pc) =	sbr.rel @p2 .LBB2_6-.Ltmp5, $1  }
0x39: {  	_ =	sdelay $0x3  }
0x3a: {  	s21 =	smul.u32 $0xAB, s19;
	s22 =	sadd.s32 $0x2, s19  }
0x3b: {  	s23 =	sshll.u32 s22, $0x5  }
0x3c: {  	s21 =	sshrl.u32 s21, $0x9;
	s23 =	sor.u32 s5, s23  }
0x3d: {  	s21 =	sand.u32 $0x7F, s21;
	p2 =	sgt.u32 s23, $0x1E83  }
0x3e: {  	s21 =	smul.u32 $0x3, s21;
	s24 =	sand.u32 @!p2 $0xFF, s22  }
0x3f: {  	s24 =	smul.u32 @!p2 $0xAB, s24  }
0x40: {  	s21 =	ssub.s32 s19, s21  }
0x41: {  	s25 =	sand.u32 $0xFF, s21;
	s21 =	sshrl.u32 @!p2 s24, $0x9  }
0x42: {  	s28 =	sadd.s32 $0x1, s25;
	s21 =	smul.u32 @!p2 $0x3, s21  }
0x43: {  	s29 =	simm.s32 $0x0;
	s23 =	sshll.u32 @!p2 s23, $0x7;
	_ =	swait.ge [sflag:s28], $0x2000  }
0x44: {  	s26 =	simm.s32 @!p2 $0x7A1400;
	[sflag:s28] =	ssyncset.done $0x0;
	s21 =	ssub.s32 @!p2 s22, s21  }
0x45: {  	s22 =	sadd.s32 @!p2 s0, s23;
	s23 =	simm.s32 @!p2 $0x400;
	s21 =	sand.u32 @!p2 $0xFF, s21  }
0x46: {  	[sflag:s28] =	ssyncadd.s32 $0xFFFFE000;
	s24 =	sshll.u32 @!p2 s21, $0xD;
	s21 =	sadd.s32 @!p2 $0x1, s21  }
0x47: {  	v0 =	vadd.s32 s29, v21;
	[tilespmem:s24], [sflag:s21] =	stream.strided.gather @!p2 [hbm4b:s22+s23], $0x2000, s26, s23, $0x38;
	[tilespmem:$0xD000] =	vst v63  }
0x48: {  	v2 =	vand.u32 $0xF, v0;
	s21 =	sand.u32 $0x1, s19;
	p2 =	slt.u32 s19, $0x2  }
0x49: {  	v28 =	vmov v1;
	v1 =	vshll.u32 v2, $0x7;
	s23 =	sor.u32 @!p2 $0x4, s21  }
0x4a: {  	v3 =	vor.u32 v21, v1;
	_ =	swait.ge @!p2 [sflag:s23], $0x2000  }
0x4b: {  	v31 =	vld [tilespmem:$0x1FE10];
	_ =	sdelay $0x1  }
0x4c: {  	[sflag:s23] =	ssyncset.done @!p2 $0x0  }
0x4d: {  	s22 =	sshll.u32 s25, $0xD;
	[sflag:s23] =	ssyncadd.s32 @!p2 $0xFFFFE000  }
0x4e: {  	v5 =	vld.idx.msk [tilespmem:v3+s22+$0x0], $0xffff;
	v3 =	vor.u32 v4, v2  }
0x4f: {  	v8 =	vmov v4;
	v4 =	vor.u32 v31, v1  }
0x50: {  	v32 =	vld [tilespmem:$0x1FE20]  }
0x51: {  	s30 =	sshll.u32 s21, $0xD  }
0x52: {  	s23 =	sadd.s32 $0x6000, s30  }
0x53: {  	[tilespmem:v3+s23+$0x0] =	vst.idx.msk $0xffff, v5  }
0x54: {  	v3 =	vor.u32 v9, v0;
	v4 =	vld.idx.msk [tilespmem:v4+s22+$0x0], $0xffff  }
0x55: {  	v10 =	vld [tilespmem:$0x1FE30];
	v5 =	vor.u32 v32, v1;
	_ =	sdelay $0x3  }
0x56: {  	[tilespmem:v3+s23+$0x0] =	vst.idx.msk $0xffff, v4  }
0x57: {  	v3 =	vor.u32 v10, v2;
	v5 =	vld.idx.msk [tilespmem:v5+s22+$0x0], $0xffff  }
0x58: {  	v4 =	vor.u32 v11, v1  }
0x59: {  	v33 =	vld [tilespmem:$0x1FE40];
	_ =	sdelay $0x2  }
0x5a: {  	[tilespmem:v3+s23+$0x0] =	vst.idx.msk $0xffff, v5  }
0x5b: {  	v3 =	vor.u32 v12, v0;
	v5 =	vld.idx.msk [tilespmem:v4+s22+$0x0], $0xffff  }
0x5c: {  	v4 =	vor.u32 v33, v1  }
0x5d: {  	v34 =	vld [tilespmem:$0x1FE50];
	_ =	sdelay $0x2  }
0x5e: {  	[tilespmem:v3+s23+$0x0] =	vst.idx.msk $0xffff, v5  }
0x5f: {  	v3 =	vor.u32 v13, v2;
	v5 =	vld.idx.msk [tilespmem:v4+s22+$0x0], $0xffff  }
0x60: {  	v4 =	vor.u32 v34, v1;
	_ =	sdelay $0x3  }
0x61: {  	[tilespmem:v3+s23+$0x0] =	vst.idx.msk $0xffff, v5  }
0x62: {  	v3 =	vor.u32 v14, v0;
	v5 =	vld.idx.msk [tilespmem:v4+s22+$0x0], $0xffff  }
0x63: {  	v4 =	vor.u32 v36, v1;
	_ =	sdelay $0x3  }
0x64: {  	[tilespmem:v3+s23+$0x0] =	vst.idx.msk $0xffff, v5  }
0x65: {  	v3 =	vor.u32 v15, v2;
	v5 =	vld.idx.msk [tilespmem:v4+s22+$0x0], $0xffff  }
0x66: {  	v4 =	vor.u32 v16, v1;
	_ =	sdelay $0x3  }
0x67: {  	[tilespmem:v3+s23+$0x0] =	vst.idx.msk $0xffff, v5  }
0x68: {  	v3 =	vor.u32 v17, v0;
	v5 =	vld.idx.msk [tilespmem:v4+s22+$0x0], $0xffff  }
0x69: {  	v4 =	vor.u32 v18, v1  }
0x6a: {  	v35 =	vmov v36;
	v36 =	vld [tilespmem:$0x1FE60];
	_ =	sdelay $0x2  }
0x6b: {  	[tilespmem:v3+s23+$0x0] =	vst.idx.msk $0xffff, v5  }
0x6c: {  	v3 =	vor.u32 v19, v2;
	v5 =	vld.idx.msk [tilespmem:v4+s22+$0x0], $0xffff  }
0x6d: {  	v4 =	vor.u32 v36, v1;
	_ =	sdelay $0x3  }
0x6e: {  	[tilespmem:v3+s23+$0x0] =	vst.idx.msk $0xffff, v5  }
0x6f: {  	v3 =	vor.u32 v37, v0;
	v5 =	vld.idx.msk [tilespmem:v4+s22+$0x0], $0xffff  }
0x70: {  	v4 =	vor.u32 v38, v1;
	_ =	sdelay $0x3  }
0x71: {  	[tilespmem:v3+s23+$0x0] =	vst.idx.msk $0xffff, v5  }
0x72: {  	v3 =	vor.u32 v23, v2;
	v5 =	vld.idx.msk [tilespmem:v4+s22+$0x0], $0xffff  }
0x73: {  	v4 =	vor.u32 v24, v1;
	_ =	sdelay $0x3  }
0x74: {  	[tilespmem:v3+s23+$0x0] =	vst.idx.msk $0xffff, v5  }
0x75: {  	v3 =	vor.u32 v25, v0;
	v5 =	vld.idx.msk [tilespmem:v4+s22+$0x0], $0xffff  }
0x76: {  	v4 =	vor.u32 v39, v1;
	_ =	sdelay $0x3  }
0x77: {  	[tilespmem:v3+s23+$0x0] =	vst.idx.msk $0xffff, v5  }
0x78: {  	v3 =	vor.u32 v40, v2;
	v5 =	vld.idx.msk [tilespmem:v4+s22+$0x0], $0xffff  }
0x79: {  	v29 =	vld [tilespmem:$0x1FE70];
	v4 =	vor.u32 v41, v1;
	_ =	sdelay $0x3  }
0x7a: {  	[tilespmem:v3+s23+$0x0] =	vst.idx.msk $0xffff, v5  }
0x7b: {  	v3 =	vor.u32 v29, v0;
	v5 =	vld.idx.msk [tilespmem:v4+s22+$0x0], $0xffff  }
0x7c: {  	v4 =	vor.u32 v30, v1;
	_ =	sdelay $0x3  }
0x7d: {  	[tilespmem:v3+s23+$0x0] =	vst.idx.msk $0xffff, v5  }
0x7e: {  	v3 =	vor.u32 v42, v2;
	v5 =	vld.idx.msk [tilespmem:v4+s22+$0x0], $0xffff  }
0x7f: {  	v4 =	vor.u32 v44, v1  }
0x80: {  	v20 =	vld [tilespmem:$0x1FE80];
	_ =	sdelay $0x2  }
0x81: {  	[tilespmem:v3+s23+$0x0] =	vst.idx.msk $0xffff, v5  }
0x82: {  	v3 =	vor.u32 v47, v0;
	v5 =	vld.idx.msk [tilespmem:v4+s22+$0x0], $0xffff  }
0x83: {  	v21 =	vld [tilespmem:$0x1FE90];
	v4 =	vor.u32 v20, v1  }
0x84: {  	v22 =	vld [tilespmem:$0x1FEA0];
	_ =	sdelay $0x2  }
0x85: {  	[tilespmem:v3+s23+$0x0] =	vst.idx.msk $0xffff, v5  }
0x86: {  	v3 =	vor.u32 v21, v2;
	v6 =	vld.idx.msk [tilespmem:v4+s22+$0x0], $0xffff  }
0x87: {  	v47 =	vmov v26;
	v26 =	vld [tilespmem:$0x1FEB0];
	v4 =	vor.u32 v22, v1  }
0x88: {  	v27 =	vld [tilespmem:$0x1FEC0];
	_ =	sdelay $0x2  }
0x89: {  	[tilespmem:v3+s23+$0x0] =	vst.idx.msk $0xffff, v6  }
0x8a: {  	v3 =	vor.u32 v26, v0;
	v6 =	vld.idx.msk [tilespmem:v4+s22+$0x0], $0xffff  }
0x8b: {  	v4 =	vor.u32 v27, v1;
	_ =	sdelay $0x3  }
0x8c: {  	[tilespmem:v3+s23+$0x0] =	vst.idx.msk $0xffff, v6  }
0x8d: {  	v6 =	vmov v60;
	v3 =	vld.idx.msk [tilespmem:v4+s22+$0x0], $0xffff  }
0x8e: {  	v60 =	vmovc v57;
	v57 =	vmovc v54;
	v54 =	vmov v51;
	v51 =	vmov v48;
	v48 =	vmov v45;
	v45 =	vld [tilespmem:$0x1FED0];
	_ =	sdelay $0x3  }
0x8f: {  	v4 =	vor.u32 v43, v1;
	[tilespmem:$0x1FDE0] =	vst v3  }
0x90: {  	[tilespmem:$0x1FDF0] =	vst v4;
	v3 =	vor.u32 v45, v2;
	v4 =	vld [tilespmem:$0x1FDE0];
	_ =	sdelay $0x4  }
0x91: {  	[tilespmem:v3+s23+$0x0] =	vst.idx.msk $0xffff, v4;
	v3 =	vld [tilespmem:$0x1FDF0];
	_ =	sdelay $0x7  }
0x92: {  	v4 =	vld.idx.msk [tilespmem:v3+s22+$0x0], $0xffff;
	v3 =	vor.u32 v48, v0;
	_ =	sdelay $0x1  }
0x93: {  	v5 =	vmov v55  }
0x94: {  	v55 =	vmovc v53;
	v53 =	vmovc v50;
	v50 =	vmov v46;
	v46 =	vmov v43;
	v43 =	vor.u32 v47, v1  }
0x95: {  	[tilespmem:$0x1FE00] =	vst v43  }
0x96: {  	[tilespmem:v3+s23+$0x0] =	vst.idx.msk $0xffff, v4;
	v3 =	vld [tilespmem:$0x1FE00];
	_ =	sdelay $0x7  }
0x97: {  	v4 =	vld.idx.msk [tilespmem:v3+s22+$0x0], $0xffff;
	v3 =	vor.u32 v50, v2  }
0x98: {  	v43 =	vor.u32 v51, v1;
	_ =	sdelay $0x3  }
0x99: {  	[tilespmem:v3+s23+$0x0] =	vst.idx.msk $0xffff, v4  }
0x9a: {  	v3 =	vor.u32 v49, v0;
	v4 =	vld.idx.msk [tilespmem:v43+s22+$0x0], $0xffff  }
0x9b: {  	v49 =	vor.u32 v53, v1;
	_ =	sdelay $0x3  }
0x9c: {  	[tilespmem:v3+s23+$0x0] =	vst.idx.msk $0xffff, v4  }
0x9d: {  	v3 =	vor.u32 v54, v2;
	v4 =	vld.idx.msk [tilespmem:v49+s22+$0x0], $0xffff  }
0x9e: {  	v49 =	vor.u32 v52, v1;
	_ =	sdelay $0x3  }
0x9f: {  	[tilespmem:v3+s23+$0x0] =	vst.idx.msk $0xffff, v4  }
0xa0: {  	v3 =	vor.u32 v55, v0;
	v4 =	vld.idx.msk [tilespmem:v49+s22+$0x0], $0xffff  }
0xa1: {  	v52 =	vor.u32 v57, v1;
	_ =	sdelay $0x3  }
0xa2: {  	[tilespmem:v3+s23+$0x0] =	vst.idx.msk $0xffff, v4  }
0xa3: {  	v3 =	vor.u32 v5, v2;
	v4 =	vld.idx.msk [tilespmem:v52+s22+$0x0], $0xffff  }
0xa4: {  	v5 =	vor.u32 v56, v1;
	_ =	sdelay $0x3  }
0xa5: {  	[tilespmem:v3+s23+$0x0] =	vst.idx.msk $0xffff, v4  }
0xa6: {  	v3 =	vor.u32 v60, v0;
	v4 =	vld.idx.msk [tilespmem:v5+s22+$0x0], $0xffff  }
0xa7: {  	v5 =	vor.u32 v58, v1;
	_ =	sdelay $0x3  }
0xa8: {  	[tilespmem:v3+s23+$0x0] =	vst.idx.msk $0xffff, v4  }
0xa9: {  	v3 =	vor.u32 v59, v2;
	v4 =	vld.idx.msk [tilespmem:v5+s22+$0x0], $0xffff  }
0xaa: {  	v5 =	vor.u32 v6, v1;
	_ =	sdelay $0x3  }
0xab: {  	[tilespmem:v3+s23+$0x0] =	vst.idx.msk $0xffff, v4  }
0xac: {  	v3 =	vor.u32 v61, v0;
	v4 =	vld.idx.msk [tilespmem:v5+s22+$0x0], $0xffff  }
0xad: {  	v5 =	vor.u32 v62, v1;
	_ =	sdelay $0x3  }
0xae: {  	[tilespmem:v3+s23+$0x0] =	vst.idx.msk $0xffff, v4;
	v4 =	vld [tilespmem:$0x1FEE0]  }
0xaf: {  	v3 =	vor.u32 v63, v2;
	v5 =	vld.idx.msk [tilespmem:v5+s22+$0x0], $0xffff;
	_ =	sdelay $0x3  }
0xb0: {  	v62 =	vor.u32 v4, v1  }
0xb1: {  	[tilespmem:v3+s23+$0x0] =	vst.idx.msk $0xffff, v5;
	v3 =	vor.u32 v7, v0;
	v7 =	vld [tilespmem:$0x1FF00];
	_ =	sdelay $0x3  }
0xb2: {  	v6 =	vmov v63;
	v63 =	vld.idx.msk [tilespmem:v62+s22+$0x0], $0xffff  }
0xb3: {  	v7 =	vor.u32 v7, v1;
	_ =	sdelay $0x3  }
0xb4: {  	[tilespmem:v3+s23+$0x0] =	vst.idx.msk $0xffff, v63  }
0xb5: {  	v2 =	vor.u32 v28, v2;
	v3 =	vld.idx.msk [tilespmem:v7+s22+$0x0], $0xffff  }
0xb6: {  	v43 =	vmov v46;
	v46 =	vmov v47;
	v47 =	vld [tilespmem:$0x1FF60]  }
0xb7: {  	v49 =	vmov v51;
	v51 =	vmov v53;
	v53 =	vld [tilespmem:$0x1FF80]  }
0xb8: {  	v56 =	vld [tilespmem:$0x1FF90]  }
0xb9: {  	v52 =	vmov v54;
	v54 =	vmov v55;
	v55 =	vmov v57;
	v57 =	vld [tilespmem:$0x1FFA0]  }
0xba: {  	[tilespmem:v2+s23+$0x0] =	vst.idx.msk $0xffff, v3;
	v2 =	vld [tilespmem:$0x1FF20]  }
0xbb: {  	v58 =	vmov v60;
	v60 =	vld [tilespmem:$0x1FFC0]  }
0xbc: {  	v59 =	vld [tilespmem:$0x1FFB0]  }
0xbd: {  	v61 =	vld [tilespmem:$0x1FFD0]  }
0xbe: {  	v28 =	vmov v45;
	v45 =	vmov v48;
	v48 =	vmov v50;
	v50 =	vld [tilespmem:$0x1FF70]  }
0xbf: {  	s31 =	simm.s32 $0x1;
	v62 =	vld [tilespmem:$0x1FFE0];
	v2 =	vor.u32 v2, v1;
	v1 =	vlaneseq.u32  }
0xc0: {  	s24 =	simm.s32 $0x2;
	v63 =	vld [tilespmem:$0x1FFF0];
	v7 =	vmov v6;
	v6 =	vlaneseq.u32;
	v3 =	vadd.s32 s31, v1  }
.LBB2_4:
0xc1: {  	v5 =	vld [tilespmem:$0x1FF30];
	_ =	sdelay $0x3  }
0xc2: {  	v1 =	vand.u32 $0xF, v3  }
0xc3: {  	v4 =	vld.idx.msk [tilespmem:v2+s22+$0x0], $0xffff;
	v2 =	vshll.u32 v1, $0x7;
	v5 =	vor.u32 v5, v0  }
0xc4: {  	v0 =	vmov v3;
	v3 =	vor.u32 v6, v2;
	_ =	sdelay $0x3  }
0xc5: {  	[tilespmem:v5+s23+$0x0] =	vst.idx.msk $0xffff, v4  }
0xc6: {  	v4 =	vor.u32 v8, v1;
	v3 =	vld.idx.msk [tilespmem:v3+s22+$0x0], $0xffff  }
0xc7: {  	v5 =	vor.u32 v31, v2;
	_ =	sdelay $0x3  }
0xc8: {  	[tilespmem:v4+s23+$0x0] =	vst.idx.msk $0xffff, v3  }
0xc9: {  	v4 =	vor.u32 v9, v0;
	v3 =	vld.idx.msk [tilespmem:v5+s22+$0x0], $0xffff  }
0xca: {  	v5 =	vor.u32 v32, v2;
	_ =	sdelay $0x3  }
0xcb: {  	[tilespmem:v4+s23+$0x0] =	vst.idx.msk $0xffff, v3  }
0xcc: {  	v4 =	vor.u32 v10, v1;
	v3 =	vld.idx.msk [tilespmem:v5+s22+$0x0], $0xffff  }
0xcd: {  	v5 =	vor.u32 v11, v2;
	_ =	sdelay $0x3  }
0xce: {  	[tilespmem:v4+s23+$0x0] =	vst.idx.msk $0xffff, v3  }
0xcf: {  	v4 =	vor.u32 v12, v0;
	v3 =	vld.idx.msk [tilespmem:v5+s22+$0x0], $0xffff  }
0xd0: {  	v5 =	vor.u32 v33, v2;
	_ =	sdelay $0x3  }
0xd1: {  	[tilespmem:v4+s23+$0x0] =	vst.idx.msk $0xffff, v3  }
0xd2: {  	v4 =	vor.u32 v13, v1;
	v3 =	vld.idx.msk [tilespmem:v5+s22+$0x0], $0xffff  }
0xd3: {  	v5 =	vor.u32 v34, v2;
	_ =	sdelay $0x3  }
0xd4: {  	[tilespmem:v4+s23+$0x0] =	vst.idx.msk $0xffff, v3  }
0xd5: {  	v4 =	vor.u32 v14, v0;
	v3 =	vld.idx.msk [tilespmem:v5+s22+$0x0], $0xffff  }
0xd6: {  	v5 =	vor.u32 v35, v2;
	_ =	sdelay $0x3  }
0xd7: {  	[tilespmem:v4+s23+$0x0] =	vst.idx.msk $0xffff, v3  }
0xd8: {  	v4 =	vor.u32 v15, v1;
	v3 =	vld.idx.msk [tilespmem:v5+s22+$0x0], $0xffff  }
0xd9: {  	v5 =	vor.u32 v16, v2;
	_ =	sdelay $0x3  }
0xda: {  	[tilespmem:v4+s23+$0x0] =	vst.idx.msk $0xffff, v3  }
0xdb: {  	v4 =	vor.u32 v17, v0;
	v3 =	vld.idx.msk [tilespmem:v5+s22+$0x0], $0xffff  }
0xdc: {  	v5 =	vor.u32 v18, v2;
	_ =	sdelay $0x3  }
0xdd: {  	[tilespmem:v4+s23+$0x0] =	vst.idx.msk $0xffff, v3  }
0xde: {  	v4 =	vor.u32 v19, v1;
	v3 =	vld.idx.msk [tilespmem:v5+s22+$0x0], $0xffff  }
0xdf: {  	v5 =	vor.u32 v36, v2;
	_ =	sdelay $0x3  }
0xe0: {  	[tilespmem:v4+s23+$0x0] =	vst.idx.msk $0xffff, v3  }
0xe1: {  	v4 =	vor.u32 v37, v0;
	v3 =	vld.idx.msk [tilespmem:v5+s22+$0x0], $0xffff  }
0xe2: {  	v5 =	vor.u32 v38, v2;
	_ =	sdelay $0x3  }
0xe3: {  	[tilespmem:v4+s23+$0x0] =	vst.idx.msk $0xffff, v3  }
0xe4: {  	v4 =	vor.u32 v23, v1;
	v3 =	vld.idx.msk [tilespmem:v5+s22+$0x0], $0xffff  }
0xe5: {  	v5 =	vor.u32 v24, v2;
	_ =	sdelay $0x3  }
0xe6: {  	[tilespmem:v4+s23+$0x0] =	vst.idx.msk $0xffff, v3  }
0xe7: {  	v4 =	vor.u32 v25, v0;
	v3 =	vld.idx.msk [tilespmem:v5+s22+$0x0], $0xffff  }
0xe8: {  	v5 =	vor.u32 v39, v2;
	_ =	sdelay $0x3  }
0xe9: {  	[tilespmem:v4+s23+$0x0] =	vst.idx.msk $0xffff, v3  }
0xea: {  	v4 =	vor.u32 v40, v1;
	v3 =	vld.idx.msk [tilespmem:v5+s22+$0x0], $0xffff  }
0xeb: {  	v5 =	vor.u32 v41, v2;
	_ =	sdelay $0x3  }
0xec: {  	[tilespmem:v4+s23+$0x0] =	vst.idx.msk $0xffff, v3  }
0xed: {  	v4 =	vor.u32 v29, v0;
	v3 =	vld.idx.msk [tilespmem:v5+s22+$0x0], $0xffff  }
0xee: {  	v5 =	vor.u32 v30, v2;
	_ =	sdelay $0x3  }
0xef: {  	[tilespmem:v4+s23+$0x0] =	vst.idx.msk $0xffff, v3  }
0xf0: {  	v4 =	vor.u32 v42, v1;
	v3 =	vld.idx.msk [tilespmem:v5+s22+$0x0], $0xffff  }
0xf1: {  	v5 =	vor.u32 v44, v2;
	_ =	sdelay $0x3  }
0xf2: {  	[tilespmem:v4+s23+$0x0] =	vst.idx.msk $0xffff, v3  }
0xf3: {  	v4 =	vor.u32 v47, v0;
	v3 =	vld.idx.msk [tilespmem:v5+s22+$0x0], $0xffff  }
0xf4: {  	v5 =	vor.u32 v20, v2;
	_ =	sdelay $0x3  }
0xf5: {  	[tilespmem:v4+s23+$0x0] =	vst.idx.msk $0xffff, v3  }
0xf6: {  	v4 =	vor.u32 v21, v1;
	v3 =	vld.idx.msk [tilespmem:v5+s22+$0x0], $0xffff  }
0xf7: {  	v5 =	vor.u32 v22, v2;
	_ =	sdelay $0x3  }
0xf8: {  	[tilespmem:v4+s23+$0x0] =	vst.idx.msk $0xffff, v3  }
0xf9: {  	v4 =	vor.u32 v26, v0;
	v3 =	vld.idx.msk [tilespmem:v5+s22+$0x0], $0xffff  }
0xfa: {  	v5 =	vor.u32 v27, v2;
	_ =	sdelay $0x3  }
0xfb: {  	[tilespmem:v4+s23+$0x0] =	vst.idx.msk $0xffff, v3  }
0xfc: {  	v4 =	vor.u32 v28, v1;
	v3 =	vld.idx.msk [tilespmem:v5+s22+$0x0], $0xffff  }
0xfd: {  	v5 =	vor.u32 v43, v2;
	_ =	sdelay $0x3  }
0xfe: {  	[tilespmem:v4+s23+$0x0] =	vst.idx.msk $0xffff, v3  }
0xff: {  	v4 =	vor.u32 v45, v0;
	v3 =	vld.idx.msk [tilespmem:v5+s22+$0x0], $0xffff  }
0x100: {  	v5 =	vor.u32 v46, v2;
	_ =	sdelay $0x3  }
0x101: {  	[tilespmem:v4+s23+$0x0] =	vst.idx.msk $0xffff, v3  }
0x102: {  	v4 =	vor.u32 v48, v1;
	v3 =	vld.idx.msk [tilespmem:v5+s22+$0x0], $0xffff  }
0x103: {  	v5 =	vor.u32 v49, v2;
	_ =	sdelay $0x3  }
0x104: {  	[tilespmem:v4+s23+$0x0] =	vst.idx.msk $0xffff, v3  }
0x105: {  	v4 =	vor.u32 v50, v0;
	v3 =	vld.idx.msk [tilespmem:v5+s22+$0x0], $0xffff  }
0x106: {  	v5 =	vor.u32 v51, v2;
	_ =	sdelay $0x3  }
0x107: {  	[tilespmem:v4+s23+$0x0] =	vst.idx.msk $0xffff, v3  }
0x108: {  	v4 =	vor.u32 v52, v1;
	v3 =	vld.idx.msk [tilespmem:v5+s22+$0x0], $0xffff  }
0x109: {  	v5 =	vor.u32 v53, v2;
	_ =	sdelay $0x3  }
0x10a: {  	[tilespmem:v4+s23+$0x0] =	vst.idx.msk $0xffff, v3  }
0x10b: {  	v4 =	vor.u32 v54, v0;
	v3 =	vld.idx.msk [tilespmem:v5+s22+$0x0], $0xffff  }
0x10c: {  	v5 =	vor.u32 v55, v2;
	_ =	sdelay $0x3  }
0x10d: {  	[tilespmem:v4+s23+$0x0] =	vst.idx.msk $0xffff, v3  }
0x10e: {  	v4 =	vor.u32 v56, v1;
	v3 =	vld.idx.msk [tilespmem:v5+s22+$0x0], $0xffff  }
0x10f: {  	v5 =	vor.u32 v57, v2;
	_ =	sdelay $0x3  }
0x110: {  	[tilespmem:v4+s23+$0x0] =	vst.idx.msk $0xffff, v3  }
0x111: {  	v4 =	vor.u32 v58, v0;
	v3 =	vld.idx.msk [tilespmem:v5+s22+$0x0], $0xffff  }
0x112: {  	v5 =	vor.u32 v59, v2;
	_ =	sdelay $0x3  }
0x113: {  	[tilespmem:v4+s23+$0x0] =	vst.idx.msk $0xffff, v3  }
0x114: {  	v4 =	vor.u32 v60, v1;
	v3 =	vld.idx.msk [tilespmem:v5+s22+$0x0], $0xffff  }
0x115: {  	v5 =	vor.u32 v61, v2;
	_ =	sdelay $0x3  }
0x116: {  	[tilespmem:v4+s23+$0x0] =	vst.idx.msk $0xffff, v3  }
0x117: {  	v4 =	vor.u32 v62, v0;
	v3 =	vld.idx.msk [tilespmem:v5+s22+$0x0], $0xffff  }
0x118: {  	v5 =	vor.u32 v63, v2;
	_ =	sdelay $0x3  }
0x119: {  	[tilespmem:v4+s23+$0x0] =	vst.idx.msk $0xffff, v3  }
0x11a: {  	v3 =	vld.idx.msk [tilespmem:v5+s22+$0x0], $0xffff  }
0x11b: {  	v5 =	vld [tilespmem:$0x1FEE0];
	_ =	sdelay $0x1  }
0x11c: {  	v4 =	vor.u32 v7, v1;
	_ =	sdelay $0x2  }
0x11d: {  	v5 =	vor.u32 v5, v2;
	_ =	sdelay $0x1  }
0x11e: {  	[tilespmem:v4+s23+$0x0] =	vst.idx.msk $0xffff, v3;
	v4 =	vld [tilespmem:$0x1FEF0];
	_ =	sdelay $0x2  }
0x11f: {  	v3 =	vld.idx.msk [tilespmem:v5+s22+$0x0], $0xffff  }
0x120: {  	v5 =	vld [tilespmem:$0x1FF00]  }
0x121: {  	v4 =	vor.u32 v4, v0;
	_ =	sdelay $0x3  }
0x122: {  	v5 =	vor.u32 v5, v2  }
0x123: {  	[tilespmem:v4+s23+$0x0] =	vst.idx.msk $0xffff, v3;
	v3 =	vld [tilespmem:$0x1FF10];
	_ =	sdelay $0x3  }
0x124: {  	v4 =	vld.idx.msk [tilespmem:v5+s22+$0x0], $0xffff  }
0x125: {  	p2 =	sne.s32 s24, $0xF;
	v1 =	vor.u32 v3, v1;
	v3 =	vld [tilespmem:$0x1FF20]  }
.Ltmp6:
0x126: {  	_ = 	snop;
	(pc) =	sbr.rel @p2 .LBB2_4-.Ltmp6, $2  }
0x127: {  	_ =	sdelay $0x2  }
0x128: {  	v2 =	vor.u32 v3, v2;
	v3 =	vadd.s32 s24, v6;
	s24 =	sadd.s32 $0x1, s24;
	[tilespmem:v1+s23+$0x0] =	vst.idx.msk $0xffff, v4  }
0x129: {  	v5 =	vld [tilespmem:$0x1FF30];
	_ =	sdelay $0x3  }
0x12a: {  	v1 =	vand.u32 $0xF, v3  }
0x12b: {  	v2 =	vld.idx.msk [tilespmem:v2+s22+$0x0], $0xffff;
	v4 =	vshll.u32 v1, $0x7;
	v0 =	vor.u32 v5, v0  }
0x12c: {  	v5 =	vor.u32 v6, v4;
	_ =	sdelay $0x3  }
0x12d: {  	[tilespmem:v0+s23+$0x0] =	vst.idx.msk $0xffff, v2  }
0x12e: {  	v2 =	vor.u32 v8, v1;
	v0 =	vld.idx.msk [tilespmem:v5+s22+$0x0], $0xffff  }
0x12f: {  	v5 =	vor.u32 v31, v4;
	_ =	sdelay $0x3  }
0x130: {  	[tilespmem:v2+s23+$0x0] =	vst.idx.msk $0xffff, v0  }
0x131: {  	v2 =	vor.u32 v9, v3;
	v0 =	vld.idx.msk [tilespmem:v5+s22+$0x0], $0xffff  }
0x132: {  	v5 =	vor.u32 v32, v4;
	_ =	sdelay $0x3  }
0x133: {  	[tilespmem:v2+s23+$0x0] =	vst.idx.msk $0xffff, v0  }
0x134: {  	v2 =	vor.u32 v10, v1;
	v0 =	vld.idx.msk [tilespmem:v5+s22+$0x0], $0xffff  }
0x135: {  	v5 =	vor.u32 v11, v4;
	_ =	sdelay $0x3  }
0x136: {  	[tilespmem:v2+s23+$0x0] =	vst.idx.msk $0xffff, v0  }
0x137: {  	v2 =	vor.u32 v12, v3;
	v0 =	vld.idx.msk [tilespmem:v5+s22+$0x0], $0xffff  }
0x138: {  	v5 =	vor.u32 v33, v4;
	_ =	sdelay $0x3  }
0x139: {  	[tilespmem:v2+s23+$0x0] =	vst.idx.msk $0xffff, v0  }
0x13a: {  	v2 =	vor.u32 v13, v1;
	v0 =	vld.idx.msk [tilespmem:v5+s22+$0x0], $0xffff  }
0x13b: {  	v5 =	vor.u32 v34, v4;
	_ =	sdelay $0x3  }
0x13c: {  	[tilespmem:v2+s23+$0x0] =	vst.idx.msk $0xffff, v0  }
0x13d: {  	v2 =	vor.u32 v14, v3;
	v0 =	vld.idx.msk [tilespmem:v5+s22+$0x0], $0xffff  }
0x13e: {  	v5 =	vor.u32 v35, v4;
	_ =	sdelay $0x3  }
0x13f: {  	[tilespmem:v2+s23+$0x0] =	vst.idx.msk $0xffff, v0  }
0x140: {  	v2 =	vor.u32 v15, v1;
	v0 =	vld.idx.msk [tilespmem:v5+s22+$0x0], $0xffff  }
0x141: {  	v5 =	vor.u32 v16, v4;
	_ =	sdelay $0x3  }
0x142: {  	[tilespmem:v2+s23+$0x0] =	vst.idx.msk $0xffff, v0  }
0x143: {  	v2 =	vor.u32 v17, v3;
	v0 =	vld.idx.msk [tilespmem:v5+s22+$0x0], $0xffff  }
0x144: {  	v5 =	vor.u32 v18, v4;
	_ =	sdelay $0x3  }
0x145: {  	[tilespmem:v2+s23+$0x0] =	vst.idx.msk $0xffff, v0  }
0x146: {  	v2 =	vor.u32 v19, v1;
	v0 =	vld.idx.msk [tilespmem:v5+s22+$0x0], $0xffff  }
0x147: {  	v5 =	vor.u32 v36, v4;
	_ =	sdelay $0x3  }
0x148: {  	[tilespmem:v2+s23+$0x0] =	vst.idx.msk $0xffff, v0  }
0x149: {  	v2 =	vor.u32 v37, v3;
	v0 =	vld.idx.msk [tilespmem:v5+s22+$0x0], $0xffff  }
0x14a: {  	v5 =	vor.u32 v38, v4;
	_ =	sdelay $0x3  }
0x14b: {  	[tilespmem:v2+s23+$0x0] =	vst.idx.msk $0xffff, v0  }
0x14c: {  	v2 =	vor.u32 v23, v1;
	v0 =	vld.idx.msk [tilespmem:v5+s22+$0x0], $0xffff  }
0x14d: {  	v5 =	vor.u32 v24, v4;
	_ =	sdelay $0x3  }
0x14e: {  	[tilespmem:v2+s23+$0x0] =	vst.idx.msk $0xffff, v0  }
0x14f: {  	v2 =	vor.u32 v25, v3;
	v0 =	vld.idx.msk [tilespmem:v5+s22+$0x0], $0xffff  }
0x150: {  	v5 =	vor.u32 v39, v4;
	_ =	sdelay $0x3  }
0x151: {  	[tilespmem:v2+s23+$0x0] =	vst.idx.msk $0xffff, v0  }
0x152: {  	v2 =	vor.u32 v40, v1;
	v0 =	vld.idx.msk [tilespmem:v5+s22+$0x0], $0xffff  }
0x153: {  	v5 =	vor.u32 v41, v4;
	_ =	sdelay $0x3  }
0x154: {  	[tilespmem:v2+s23+$0x0] =	vst.idx.msk $0xffff, v0  }
0x155: {  	v2 =	vor.u32 v29, v3;
	v0 =	vld.idx.msk [tilespmem:v5+s22+$0x0], $0xffff  }
0x156: {  	v5 =	vor.u32 v30, v4;
	_ =	sdelay $0x3  }
0x157: {  	[tilespmem:v2+s23+$0x0] =	vst.idx.msk $0xffff, v0  }
0x158: {  	v2 =	vor.u32 v42, v1;
	v0 =	vld.idx.msk [tilespmem:v5+s22+$0x0], $0xffff  }
0x159: {  	v5 =	vor.u32 v44, v4;
	_ =	sdelay $0x3  }
0x15a: {  	[tilespmem:v2+s23+$0x0] =	vst.idx.msk $0xffff, v0  }
0x15b: {  	v2 =	vor.u32 v47, v3;
	v0 =	vld.idx.msk [tilespmem:v5+s22+$0x0], $0xffff  }
0x15c: {  	v5 =	vor.u32 v20, v4;
	_ =	sdelay $0x3  }
0x15d: {  	[tilespmem:v2+s23+$0x0] =	vst.idx.msk $0xffff, v0  }
0x15e: {  	v2 =	vor.u32 v21, v1;
	v0 =	vld.idx.msk [tilespmem:v5+s22+$0x0], $0xffff  }
0x15f: {  	v5 =	vor.u32 v22, v4;
	_ =	sdelay $0x3  }
0x160: {  	[tilespmem:v2+s23+$0x0] =	vst.idx.msk $0xffff, v0  }
0x161: {  	v2 =	vor.u32 v26, v3;
	v0 =	vld.idx.msk [tilespmem:v5+s22+$0x0], $0xffff  }
0x162: {  	v5 =	vor.u32 v27, v4;
	_ =	sdelay $0x3  }
0x163: {  	[tilespmem:v2+s23+$0x0] =	vst.idx.msk $0xffff, v0  }
0x164: {  	v2 =	vor.u32 v28, v1;
	v0 =	vld.idx.msk [tilespmem:v5+s22+$0x0], $0xffff  }
0x165: {  	v5 =	vor.u32 v43, v4;
	_ =	sdelay $0x3  }
0x166: {  	[tilespmem:v2+s23+$0x0] =	vst.idx.msk $0xffff, v0  }
0x167: {  	v2 =	vor.u32 v45, v3;
	v0 =	vld.idx.msk [tilespmem:v5+s22+$0x0], $0xffff  }
0x168: {  	v5 =	vor.u32 v46, v4;
	_ =	sdelay $0x3  }
0x169: {  	[tilespmem:v2+s23+$0x0] =	vst.idx.msk $0xffff, v0  }
0x16a: {  	v2 =	vor.u32 v48, v1;
	v0 =	vld.idx.msk [tilespmem:v5+s22+$0x0], $0xffff  }
0x16b: {  	v5 =	vor.u32 v49, v4;
	_ =	sdelay $0x3  }
0x16c: {  	[tilespmem:v2+s23+$0x0] =	vst.idx.msk $0xffff, v0  }
0x16d: {  	v2 =	vor.u32 v50, v3;
	v0 =	vld.idx.msk [tilespmem:v5+s22+$0x0], $0xffff  }
0x16e: {  	v5 =	vor.u32 v51, v4;
	_ =	sdelay $0x3  }
0x16f: {  	[tilespmem:v2+s23+$0x0] =	vst.idx.msk $0xffff, v0  }
0x170: {  	v2 =	vor.u32 v52, v1;
	v0 =	vld.idx.msk [tilespmem:v5+s22+$0x0], $0xffff  }
0x171: {  	v5 =	vor.u32 v53, v4;
	_ =	sdelay $0x3  }
0x172: {  	[tilespmem:v2+s23+$0x0] =	vst.idx.msk $0xffff, v0  }
0x173: {  	v2 =	vor.u32 v54, v3;
	v0 =	vld.idx.msk [tilespmem:v5+s22+$0x0], $0xffff  }
0x174: {  	v5 =	vor.u32 v55, v4;
	_ =	sdelay $0x3  }
0x175: {  	[tilespmem:v2+s23+$0x0] =	vst.idx.msk $0xffff, v0  }
0x176: {  	v2 =	vor.u32 v56, v1;
	v0 =	vld.idx.msk [tilespmem:v5+s22+$0x0], $0xffff  }
0x177: {  	v5 =	vor.u32 v57, v4;
	_ =	sdelay $0x3  }
0x178: {  	[tilespmem:v2+s23+$0x0] =	vst.idx.msk $0xffff, v0  }
0x179: {  	v2 =	vor.u32 v58, v3;
	v0 =	vld.idx.msk [tilespmem:v5+s22+$0x0], $0xffff  }
0x17a: {  	v5 =	vor.u32 v59, v4;
	_ =	sdelay $0x3  }
0x17b: {  	[tilespmem:v2+s23+$0x0] =	vst.idx.msk $0xffff, v0  }
0x17c: {  	v2 =	vor.u32 v60, v1;
	v0 =	vld.idx.msk [tilespmem:v5+s22+$0x0], $0xffff  }
0x17d: {  	v5 =	vor.u32 v61, v4;
	_ =	sdelay $0x3  }
0x17e: {  	[tilespmem:v2+s23+$0x0] =	vst.idx.msk $0xffff, v0  }
0x17f: {  	v2 =	vor.u32 v62, v3;
	v0 =	vld.idx.msk [tilespmem:v5+s22+$0x0], $0xffff  }
0x180: {  	v5 =	vor.u32 v63, v4  }
0x181: {  	v31 =	vmov v9;
	v9 =	vld [tilespmem:$0x1FEE0];
	_ =	sdelay $0x2  }
0x182: {  	[tilespmem:v2+s23+$0x0] =	vst.idx.msk $0xffff, v0  }
0x183: {  	v2 =	vor.u32 v7, v1;
	v0 =	vld.idx.msk [tilespmem:v5+s22+$0x0], $0xffff  }
0x184: {  	v10 =	vmov v7;
	v7 =	vld [tilespmem:$0x1FEF0];
	v5 =	vor.u32 v9, v4  }
0x185: {  	v6 =	vld [tilespmem:$0x1FF00];
	_ =	sdelay $0x2  }
0x186: {  	[tilespmem:v2+s23+$0x0] =	vst.idx.msk $0xffff, v0  }
0x187: {  	v2 =	vor.u32 v7, v3;
	v0 =	vld.idx.msk [tilespmem:v5+s22+$0x0], $0xffff  }
0x188: {  	v5 =	vor.u32 v6, v4;
	_ =	sdelay $0x3  }
0x189: {  	v8 =	vld [tilespmem:$0x1FF10];
	[tilespmem:v2+s23+$0x0] =	vst.idx.msk $0xffff, v0  }
0x18a: {  	v0 =	vld.idx.msk [tilespmem:v5+s22+$0x0], $0xffff  }
0x18b: {  	v5 =	vld [tilespmem:$0x1FF20];
	_ =	sdelay $0x3  }
0x18c: {  	v1 =	vor.u32 v8, v1  }
0x18d: {  	v28 =	vld [tilespmem:$0x1FF30];
	v2 =	vor.u32 v5, v4;
	_ =	sdelay $0x3  }
0x18e: {  	[tilespmem:v1+s23+$0x0] =	vst.idx.msk $0xffff, v0  }
0x18f: {  	v1 =	vor.u32 v28, v3;
	v0 =	vld.idx.msk [tilespmem:v2+s22+$0x0], $0xffff;
	_ =	sdelay $0x1  }
.Ltmp7:
0x190: {  	v36 =	vmov v35;
	v21 =	vlaneseq.u32;
	(pc) =	sbr.rel .LBB2_6-.Ltmp7, $4  }
0x191: {  	v26 =	vmovc v46;
	v46 =	vmovc v48;
	v48 =	vmov v49;
	v49 =	vmov v50;
	v50 =	vmov v51  }
0x192: {  	s20 =	sshll.u32 s20, $0xA;
	v51 =	vmovc v52;
	v52 =	vmovc v53;
	v53 =	vmov v54;
	v54 =	vmov v55;
	v55 =	vmov v56  }
0x193: {  	s21 =	sor.u32 $0x4, s21;
	s20 =	sadd.s32 s7, s20;
	v56 =	vmovc v57;
	v57 =	vmovc v58;
	v58 =	vmov v59;
	v59 =	vmov v60;
	v60 =	vmov v61;
	[tilespmem:v1+s23+$0x0] =	vst.idx.msk $0xffff, v0  }
0x194: {  	v61 =	vmovc v62;
	v62 =	vmovc v63;
	v63 =	vmov v10;
	v9 =	vmov v31;
	v4 =	vld [tilespmem:$0x1FF50];
	v1 =	vmov v8;
	[hbm4b:s20+s4] =	stream.linear.scatter [tilespmem:s23], [sflag:s21], $0x2000, $0x38  }
.LBB2_8:
0x195: {  	s19 =	simm.s32 $0x0  }
0x196: {  	v0 =	vadd.s32 s19, v21  }
0x197: {  	v1 =	vand.u32 $0xF, v0  }
0x198: {  	[tilespmem:s15], [sflag:$0x6] =	stream.linear.gather [hbm4b:s1+s19], $0x2000, $0x38;
	v2 =	vshll.u32 v1, $0x7;
	[tilespmem:$0xD000] =	vst v63  }
0x199: {  	_ =	swait.ge [sflag:s16], $0x2000;
	v3 =	vor.u32 v21, v2  }
0x19a: {  	v32 =	vld [tilespmem:$0x1FE10];
	_ =	sdelay $0x1  }
0x19b: {  	[sflag:s16] =	ssyncset.done $0x0  }
0x19c: {  	[sflag:s16] =	ssyncadd.s32 $0xFFFFE000  }
0x19d: {  	v7 =	vmov v4;
	v4 =	vor.u32 v4, v1;
	v3 =	vld.idx.msk [tilespmem:v3+s15+$0x0], $0xffff  }
0x19e: {  	v5 =	vor.u32 v32, v2  }
0x19f: {  	v33 =	vld [tilespmem:$0x1FE20];
	_ =	sdelay $0x2  }
0x1a0: {  	v8 =	vmov v9;
	[tilespmem:v4+s17+$0x0] =	vst.idx.msk $0xffff, v3  }
0x1a1: {  	v4 =	vor.u32 v8, v0;
	v3 =	vld.idx.msk [tilespmem:v5+s15+$0x0], $0xffff  }
0x1a2: {  	v9 =	vld [tilespmem:$0x1FE30];
	v5 =	vor.u32 v33, v2;
	_ =	sdelay $0x3  }
0x1a3: {  	[tilespmem:v4+s17+$0x0] =	vst.idx.msk $0xffff, v3  }
0x1a4: {  	v10 =	vmov v11;
	v4 =	vor.u32 v9, v1;
	v3 =	vld.idx.msk [tilespmem:v5+s15+$0x0], $0xffff  }
0x1a5: {  	v5 =	vor.u32 v10, v2  }
0x1a6: {  	v34 =	vld [tilespmem:$0x1FE40];
	_ =	sdelay $0x2  }
0x1a7: {  	v11 =	vmov v12;
	[tilespmem:v4+s17+$0x0] =	vst.idx.msk $0xffff, v3  }
0x1a8: {  	v4 =	vor.u32 v11, v0;
	v3 =	vld.idx.msk [tilespmem:v5+s15+$0x0], $0xffff  }
0x1a9: {  	v5 =	vor.u32 v34, v2  }
0x1aa: {  	v35 =	vld [tilespmem:$0x1FE50];
	_ =	sdelay $0x2  }
0x1ab: {  	v12 =	vmov v13;
	[tilespmem:v4+s17+$0x0] =	vst.idx.msk $0xffff, v3  }
0x1ac: {  	v4 =	vor.u32 v12, v1;
	v3 =	vld.idx.msk [tilespmem:v5+s15+$0x0], $0xffff  }
0x1ad: {  	v5 =	vor.u32 v35, v2;
	_ =	sdelay $0x3  }
0x1ae: {  	v13 =	vmov v14;
	[tilespmem:v4+s17+$0x0] =	vst.idx.msk $0xffff, v3  }
0x1af: {  	v4 =	vor.u32 v13, v0;
	v3 =	vld.idx.msk [tilespmem:v5+s15+$0x0], $0xffff  }
0x1b0: {  	v5 =	vor.u32 v36, v2;
	_ =	sdelay $0x3  }
0x1b1: {  	v14 =	vmov v15;
	[tilespmem:v4+s17+$0x0] =	vst.idx.msk $0xffff, v3  }
0x1b2: {  	v15 =	vmov v16;
	v4 =	vor.u32 v14, v1;
	v3 =	vld.idx.msk [tilespmem:v5+s15+$0x0], $0xffff  }
0x1b3: {  	v5 =	vor.u32 v15, v2;
	_ =	sdelay $0x3  }
0x1b4: {  	v16 =	vmov v17;
	[tilespmem:v4+s17+$0x0] =	vst.idx.msk $0xffff, v3  }
0x1b5: {  	v17 =	vmov v18;
	v4 =	vor.u32 v16, v0;
	v3 =	vld.idx.msk [tilespmem:v5+s15+$0x0], $0xffff  }
0x1b6: {  	v46 =	vmov v44;
	v44 =	vmov v42;
	v5 =	vor.u32 v17, v2  }
0x1b7: {  	v42 =	vmovc v41;
	v41 =	vmovc v40;
	v40 =	vmov v39;
	v39 =	vmov v38;
	v38 =	vmov v37;
	v37 =	vld [tilespmem:$0x1FE60];
	_ =	sdelay $0x2  }
0x1b8: {  	[tilespmem:v4+s17+$0x0] =	vst.idx.msk $0xffff, v3  }
0x1b9: {  	v4 =	vor.u32 v19, v1;
	v3 =	vld.idx.msk [tilespmem:v5+s15+$0x0], $0xffff  }
0x1ba: {  	v5 =	vor.u32 v37, v2;
	_ =	sdelay $0x3  }
0x1bb: {  	[tilespmem:v4+s17+$0x0] =	vst.idx.msk $0xffff, v3  }
0x1bc: {  	v4 =	vor.u32 v38, v0;
	v3 =	vld.idx.msk [tilespmem:v5+s15+$0x0], $0xffff  }
0x1bd: {  	v5 =	vor.u32 v39, v2;
	_ =	sdelay $0x3  }
0x1be: {  	v22 =	vmov v23;
	[tilespmem:v4+s17+$0x0] =	vst.idx.msk $0xffff, v3  }
0x1bf: {  	v23 =	vmov v24;
	v4 =	vor.u32 v22, v1;
	v3 =	vld.idx.msk [tilespmem:v5+s15+$0x0], $0xffff  }
0x1c0: {  	v5 =	vor.u32 v23, v2;
	_ =	sdelay $0x3  }
0x1c1: {  	[tilespmem:v4+s17+$0x0] =	vst.idx.msk $0xffff, v3  }
0x1c2: {  	v4 =	vor.u32 v25, v0;
	v3 =	vld.idx.msk [tilespmem:v5+s15+$0x0], $0xffff  }
0x1c3: {  	v5 =	vor.u32 v40, v2;
	_ =	sdelay $0x3  }
0x1c4: {  	[tilespmem:v4+s17+$0x0] =	vst.idx.msk $0xffff, v3  }
0x1c5: {  	v4 =	vor.u32 v41, v1;
	v3 =	vld.idx.msk [tilespmem:v5+s15+$0x0], $0xffff  }
0x1c6: {  	v28 =	vld [tilespmem:$0x1FE70];
	v5 =	vor.u32 v42, v2;
	_ =	sdelay $0x3  }
0x1c7: {  	[tilespmem:v4+s17+$0x0] =	vst.idx.msk $0xffff, v3  }
0x1c8: {  	v4 =	vor.u32 v28, v0;
	v3 =	vld.idx.msk [tilespmem:v5+s15+$0x0], $0xffff  }
0x1c9: {  	v5 =	vor.u32 v30, v2;
	_ =	sdelay $0x3  }
0x1ca: {  	v20 =	vmov v43;
	v43 =	vmov v44;
	[tilespmem:v4+s17+$0x0] =	vst.idx.msk $0xffff, v3  }
0x1cb: {  	v1 =	vor.u32 v43, v1;
	v4 =	vld.idx.msk [tilespmem:v5+s15+$0x0], $0xffff  }
0x1cc: {  	v2 =	vor.u32 v46, v2;
	_ =	sdelay $0x2  }
0x1cd: {  	v31 =	vmov v26;
	v6 =	vlaneseq.u32;
	s31 =	simm.s32 $0x1  }
0x1ce: {  	v18 =	vmovc v19;
	v24 =	vmovc v25;
	v29 =	vmov v30;
	s19 =	simm.s32 $0x2;
	v44 =	vmov v46;
	v3 =	vadd.s32 s31, v6;
	[tilespmem:v1+s17+$0x0] =	vst.idx.msk $0xffff, v4  }
.LBB2_9:
0x1cf: {  	p2 =	sne.s32 s19, $0xF;
	v1 =	vand.u32 $0xF, v3;
	v4 =	vld.idx.msk [tilespmem:v2+s15+$0x0], $0xffff  }
0x1d0: {  	v5 =	vor.u32 v47, v0;
	v0 =	vmov v3;
	v2 =	vshll.u32 v1, $0x7  }
0x1d1: {  	v3 =	vor.u32 v6, v2;
	_ =	sdelay $0x3  }
0x1d2: {  	[tilespmem:v5+s17+$0x0] =	vst.idx.msk $0xffff, v4  }
0x1d3: {  	v3 =	vld.idx.msk [tilespmem:v3+s15+$0x0], $0xffff  }
0x1d4: {  	v4 =	vor.u32 v7, v1  }
0x1d5: {  	v5 =	vor.u32 v32, v2;
	_ =	sdelay $0x3  }
0x1d6: {  	[tilespmem:v4+s17+$0x0] =	vst.idx.msk $0xffff, v3  }
0x1d7: {  	v3 =	vld.idx.msk [tilespmem:v5+s15+$0x0], $0xffff  }
0x1d8: {  	v4 =	vor.u32 v8, v0  }
0x1d9: {  	v5 =	vor.u32 v33, v2;
	_ =	sdelay $0x3  }
0x1da: {  	[tilespmem:v4+s17+$0x0] =	vst.idx.msk $0xffff, v3  }
0x1db: {  	v3 =	vld.idx.msk [tilespmem:v5+s15+$0x0], $0xffff  }
0x1dc: {  	v4 =	vor.u32 v9, v1  }
0x1dd: {  	v5 =	vor.u32 v10, v2;
	_ =	sdelay $0x3  }
0x1de: {  	[tilespmem:v4+s17+$0x0] =	vst.idx.msk $0xffff, v3  }
0x1df: {  	v3 =	vld.idx.msk [tilespmem:v5+s15+$0x0], $0xffff  }
0x1e0: {  	v4 =	vor.u32 v11, v0  }
0x1e1: {  	v5 =	vor.u32 v34, v2;
	_ =	sdelay $0x3  }
0x1e2: {  	[tilespmem:v4+s17+$0x0] =	vst.idx.msk $0xffff, v3  }
0x1e3: {  	v3 =	vld.idx.msk [tilespmem:v5+s15+$0x0], $0xffff  }
0x1e4: {  	v4 =	vor.u32 v12, v1  }
0x1e5: {  	v5 =	vor.u32 v35, v2;
	_ =	sdelay $0x3  }
0x1e6: {  	[tilespmem:v4+s17+$0x0] =	vst.idx.msk $0xffff, v3  }
0x1e7: {  	v3 =	vld.idx.msk [tilespmem:v5+s15+$0x0], $0xffff  }
0x1e8: {  	v4 =	vor.u32 v13, v0  }
0x1e9: {  	v5 =	vor.u32 v36, v2;
	_ =	sdelay $0x3  }
0x1ea: {  	[tilespmem:v4+s17+$0x0] =	vst.idx.msk $0xffff, v3  }
0x1eb: {  	v3 =	vld.idx.msk [tilespmem:v5+s15+$0x0], $0xffff  }
0x1ec: {  	v4 =	vor.u32 v14, v1  }
0x1ed: {  	v5 =	vor.u32 v15, v2;
	_ =	sdelay $0x3  }
0x1ee: {  	[tilespmem:v4+s17+$0x0] =	vst.idx.msk $0xffff, v3  }
0x1ef: {  	v3 =	vld.idx.msk [tilespmem:v5+s15+$0x0], $0xffff  }
0x1f0: {  	v4 =	vor.u32 v16, v0  }
0x1f1: {  	v5 =	vor.u32 v17, v2;
	_ =	sdelay $0x3  }
0x1f2: {  	[tilespmem:v4+s17+$0x0] =	vst.idx.msk $0xffff, v3  }
0x1f3: {  	v3 =	vld.idx.msk [tilespmem:v5+s15+$0x0], $0xffff  }
0x1f4: {  	v4 =	vor.u32 v18, v1  }
0x1f5: {  	v5 =	vor.u32 v37, v2;
	_ =	sdelay $0x3  }
0x1f6: {  	[tilespmem:v4+s17+$0x0] =	vst.idx.msk $0xffff, v3  }
0x1f7: {  	v3 =	vld.idx.msk [tilespmem:v5+s15+$0x0], $0xffff  }
0x1f8: {  	v4 =	vor.u32 v38, v0  }
0x1f9: {  	v5 =	vor.u32 v39, v2;
	_ =	sdelay $0x3  }
0x1fa: {  	[tilespmem:v4+s17+$0x0] =	vst.idx.msk $0xffff, v3  }
0x1fb: {  	v3 =	vld.idx.msk [tilespmem:v5+s15+$0x0], $0xffff  }
0x1fc: {  	v4 =	vor.u32 v22, v1  }
0x1fd: {  	v5 =	vor.u32 v23, v2;
	_ =	sdelay $0x3  }
0x1fe: {  	[tilespmem:v4+s17+$0x0] =	vst.idx.msk $0xffff, v3  }
0x1ff: {  	v3 =	vld.idx.msk [tilespmem:v5+s15+$0x0], $0xffff  }
0x200: {  	v4 =	vor.u32 v24, v0  }
0x201: {  	v5 =	vor.u32 v40, v2;
	_ =	sdelay $0x3  }
0x202: {  	[tilespmem:v4+s17+$0x0] =	vst.idx.msk $0xffff, v3  }
0x203: {  	v3 =	vld.idx.msk [tilespmem:v5+s15+$0x0], $0xffff  }
0x204: {  	v4 =	vor.u32 v41, v1  }
0x205: {  	v5 =	vor.u32 v42, v2;
	_ =	sdelay $0x3  }
0x206: {  	[tilespmem:v4+s17+$0x0] =	vst.idx.msk $0xffff, v3  }
0x207: {  	v3 =	vld.idx.msk [tilespmem:v5+s15+$0x0], $0xffff  }
0x208: {  	v4 =	vor.u32 v28, v0  }
0x209: {  	v5 =	vor.u32 v29, v2;
	_ =	sdelay $0x3  }
0x20a: {  	[tilespmem:v4+s17+$0x0] =	vst.idx.msk $0xffff, v3  }
0x20b: {  	v4 =	vld.idx.msk [tilespmem:v5+s15+$0x0], $0xffff  }
0x20c: {  	v1 =	vor.u32 v43, v1  }
.Ltmp8:
0x20d: {  	v2 =	vor.u32 v44, v2;
	(pc) =	sbr.rel @p2 .LBB2_9-.Ltmp8, $2  }
0x20e: {  	_ =	sdelay $0x2  }
0x20f: {  	v3 =	vadd.s32 s19, v6;
	s19 =	sadd.s32 $0x1, s19;
	[tilespmem:v1+s17+$0x0] =	vst.idx.msk $0xffff, v4  }
0x210: {  	_ =	sdelay $0x2  }
0x211: {  	v1 =	vand.u32 $0xF, v3  }
0x212: {  	v2 =	vld.idx.msk [tilespmem:v2+s15+$0x0], $0xffff;
	v0 =	vor.u32 v47, v0;
	v4 =	vshll.u32 v1, $0x7  }
0x213: {  	v5 =	vor.u32 v6, v4;
	_ =	sdelay $0x3  }
0x214: {  	[tilespmem:v0+s17+$0x0] =	vst.idx.msk $0xffff, v2  }
0x215: {  	v2 =	vor.u32 v7, v1;
	v0 =	vld.idx.msk [tilespmem:v5+s15+$0x0], $0xffff  }
0x216: {  	v5 =	vor.u32 v32, v4;
	_ =	sdelay $0x3  }
0x217: {  	[tilespmem:v2+s17+$0x0] =	vst.idx.msk $0xffff, v0  }
0x218: {  	v2 =	vor.u32 v8, v3;
	v0 =	vld.idx.msk [tilespmem:v5+s15+$0x0], $0xffff  }
0x219: {  	v5 =	vor.u32 v33, v4;
	_ =	sdelay $0x3  }
0x21a: {  	[tilespmem:v2+s17+$0x0] =	vst.idx.msk $0xffff, v0  }
0x21b: {  	v2 =	vor.u32 v9, v1;
	v0 =	vld.idx.msk [tilespmem:v5+s15+$0x0], $0xffff  }
0x21c: {  	v5 =	vor.u32 v10, v4;
	_ =	sdelay $0x3  }
0x21d: {  	[tilespmem:v2+s17+$0x0] =	vst.idx.msk $0xffff, v0  }
0x21e: {  	v2 =	vor.u32 v11, v3;
	v0 =	vld.idx.msk [tilespmem:v5+s15+$0x0], $0xffff  }
0x21f: {  	v5 =	vor.u32 v34, v4;
	_ =	sdelay $0x3  }
0x220: {  	[tilespmem:v2+s17+$0x0] =	vst.idx.msk $0xffff, v0  }
0x221: {  	v2 =	vor.u32 v12, v1;
	v0 =	vld.idx.msk [tilespmem:v5+s15+$0x0], $0xffff  }
0x222: {  	v5 =	vor.u32 v35, v4;
	_ =	sdelay $0x3  }
0x223: {  	[tilespmem:v2+s17+$0x0] =	vst.idx.msk $0xffff, v0  }
0x224: {  	v2 =	vor.u32 v13, v3;
	v0 =	vld.idx.msk [tilespmem:v5+s15+$0x0], $0xffff  }
0x225: {  	v5 =	vor.u32 v36, v4;
	_ =	sdelay $0x3  }
0x226: {  	[tilespmem:v2+s17+$0x0] =	vst.idx.msk $0xffff, v0  }
0x227: {  	v2 =	vor.u32 v14, v1;
	v0 =	vld.idx.msk [tilespmem:v5+s15+$0x0], $0xffff  }
0x228: {  	v5 =	vor.u32 v15, v4;
	_ =	sdelay $0x3  }
0x229: {  	[tilespmem:v2+s17+$0x0] =	vst.idx.msk $0xffff, v0  }
0x22a: {  	v2 =	vor.u32 v16, v3;
	v0 =	vld.idx.msk [tilespmem:v5+s15+$0x0], $0xffff  }
0x22b: {  	v5 =	vor.u32 v17, v4;
	_ =	sdelay $0x3  }
0x22c: {  	[tilespmem:v2+s17+$0x0] =	vst.idx.msk $0xffff, v0  }
0x22d: {  	v2 =	vor.u32 v18, v1;
	v0 =	vld.idx.msk [tilespmem:v5+s15+$0x0], $0xffff  }
0x22e: {  	v5 =	vor.u32 v37, v4;
	_ =	sdelay $0x3  }
0x22f: {  	[tilespmem:v2+s17+$0x0] =	vst.idx.msk $0xffff, v0  }
0x230: {  	v2 =	vor.u32 v38, v3;
	v0 =	vld.idx.msk [tilespmem:v5+s15+$0x0], $0xffff  }
0x231: {  	v5 =	vor.u32 v39, v4;
	_ =	sdelay $0x3  }
0x232: {  	[tilespmem:v2+s17+$0x0] =	vst.idx.msk $0xffff, v0  }
0x233: {  	v2 =	vor.u32 v22, v1;
	v0 =	vld.idx.msk [tilespmem:v5+s15+$0x0], $0xffff  }
0x234: {  	v5 =	vor.u32 v23, v4;
	_ =	sdelay $0x3  }
0x235: {  	[tilespmem:v2+s17+$0x0] =	vst.idx.msk $0xffff, v0  }
0x236: {  	v2 =	vor.u32 v24, v3;
	v0 =	vld.idx.msk [tilespmem:v5+s15+$0x0], $0xffff  }
0x237: {  	v5 =	vor.u32 v40, v4;
	_ =	sdelay $0x3  }
0x238: {  	[tilespmem:v2+s17+$0x0] =	vst.idx.msk $0xffff, v0  }
0x239: {  	v2 =	vor.u32 v41, v1;
	v0 =	vld.idx.msk [tilespmem:v5+s15+$0x0], $0xffff  }
0x23a: {  	v5 =	vor.u32 v42, v4;
	_ =	sdelay $0x3  }
0x23b: {  	[tilespmem:v2+s17+$0x0] =	vst.idx.msk $0xffff, v0  }
0x23c: {  	v2 =	vor.u32 v28, v3;
	v0 =	vld.idx.msk [tilespmem:v5+s15+$0x0], $0xffff  }
0x23d: {  	v5 =	vor.u32 v29, v4;
	_ =	sdelay $0x3  }
0x23e: {  	[tilespmem:v2+s17+$0x0] =	vst.idx.msk $0xffff, v0  }
0x23f: {  	v1 =	vor.u32 v43, v1;
	v0 =	vld.idx.msk [tilespmem:v5+s15+$0x0], $0xffff  }
0x240: {  	v2 =	vor.u32 v44, v4;
	_ =	sdelay $0x3  }
0x241: {  	[tilespmem:v1+s17+$0x0] =	vst.idx.msk $0xffff, v0  }
0x242: {  	v1 =	vor.u32 v47, v3;
	v0 =	vld.idx.msk [tilespmem:v2+s15+$0x0], $0xffff;
	_ =	sdelay $0x4  }
0x243: {  	v2 =	vmov v12;
	[tilespmem:v1+s17+$0x0] =	vst.idx.msk $0xffff, v0;
	v1 =	vmov v11;
	_ =	sdelay $0x2  }
0x244: {  	v12 =	vmovc v1;
	v1 =	vmov v13;
	v13 =	vmov v2;
	v2 =	vmov v14;
	_ =	sdelay $0x2  }
0x245: {  	v14 =	vmovc v1;
	v1 =	vmov v15;
	v15 =	vmov v2;
	v2 =	vmov v16;
	_ =	sdelay $0x1  }
0x246: {  	[hbm4b:s9+s4] =	stream.linear.scatter [tilespmem:s17], [sflag:$0x6], $0x1000, $0x38;
	[tilespmem:$0xD000] =	vst v63  }
.Ltmp9:
0x247: {  	v16 =	vmovc v1;
	v1 =	vmov v17;
	v17 =	vmov v2;
	v2 =	vmov v18;
	(pc) =	sbr.rel .LBB2_11-.Ltmp9, $4  }
0x248: {  	v21 =	vlaneseq.u32;
	v30 =	vmovc v29;
	v26 =	vmovc v31;
	v9 =	vmov v8;
	v37 =	vmov v38;
	_ =	swait.ge [sflag:s16], $0x1000  }
0x249: {  	v38 =	vmovc v39;
	v39 =	vmovc v40;
	v40 =	vmov v41;
	v41 =	vmov v42;
	v42 =	vmov v43;
	v46 =	vld [tilespmem:$0x1FF40]  }
0x24a: {  	v4 =	vmovc v7;
	[sflag:s16] =	ssyncset.done $0x0;
	v7 =	vld [tilespmem:$0x1FEF0];
	v18 =	vmovc v1;
	v19 =	vmov v2;
	v1 =	vmov v23;
	v2 =	vmov v24  }
0x24b: {  	v43 =	vmovc v20;
	v11 =	vmovc v10;
	[sflag:s16] =	ssyncadd.s32 $0xFFFFF000;
	v23 =	vmov v22;
	v24 =	vmov v1;
	v25 =	vmov v2;
	v1 =	vld [tilespmem:$0x1FF10]  }
.LBB2_12:
0x24c: {  	_ =	sfence.sel $0x180000  }
0x24d: {  	[bflag:$0x0] =	sbarrier.arrive $0xFFFF  }
0x24e: {  	p0 =	sne.s32 s2, $0x0;
	_ =	strace $0x90000047  }
0x24f: {  	s0 =	sadd.s32 @!p0 $0x100000, s3;
	[bflag:$0x2] =	sbarrier.arrive $0xFFFF  }
0x250: {  	[sflag:s0] =	ssyncadd.tile.s32 @!p0 $0x1;
	_ =	shalt  }
.Lfunc_end2:
_tile_overlayer_lowered:
.L_overlay_start_2:
0x251: {  	(tag) =	ssettag $0x2  }
0x252: {  	s0 =	rddreg [dreg:$0x0];
	s2 =	stileid.u32  }
0x253: {  	s1 =	rddreg [dreg:$0x1];
	p0 =	sne.s32 s2, $0x0  }
0x254: {  	s3 =	rddreg [dreg:$0x2];
	[bflag:$0x3] =	sbarrier.arrive $0xFFFF;
	s2 =	simm.s32 @!p0 $0x1C06  }
0x255: {  	[timem:s3], [sflag:s2] =	dma.local @!p0 [hbm:s0], s1  }
0x256: {  	s0 =	simm.s32 @!p0 $0x6  }
0x257: {  	_ =	swait.ge @!p0 [sflag:s0], s1  }
0x258: {  	s1 =	ssub.s32 @!p0 $0x0, s1;
	[sflag:s0] =	ssyncset.done @!p0 $0x0  }
0x259: {  	[sflag:s0] =	ssyncadd.s32 @!p0 s1  }
0x25a: {  	[bflag:$0x3] =	sbarrier.arrive $0xFFFF  }
0x25b: {  	_ =	shalt  }

// kernel: kernel.7.cloned.1.call-start
scs
__scs_entry_jumppad:
0x0: {  	(pc) =	sbr.rel $0x88, $3  }
0x1: {  	(tag) =	ssettag $0x0;
	lr =	simm.s32 $0x1  }
0x2: {  	[smem:$0x3F9F] =	sst lr;
	_ =	strace $0xD0000000  }
0x3: {  	_ = 	snop  }
0x4: {  	_ = 	snop  }
0x5: {  	_ = 	snop  }
0x6: {  	_ = 	snop  }
0x7: {  	_ = 	snop  }
__scs_overlays_trampoline_lowered:
0x8: {  	[smem:$0x3FAE] =	sst s0  }
0x9: {  	[smem:$0x3FAF] =	sst s1  }
0xa: {  	[smem:$0x3FB0] =	sst s2  }
0xb: {  	[smem:$0x3FB1] =	sst s3  }
0xc: {  	[smem:$0x3FB2] =	sst s4  }
0xd: {  	[smem:$0x3FB3] =	sst s5  }
0xe: {  	[smem:$0x3FB4] =	sst s6  }
0xf: {  	[smem:$0x3FB5] =	sst s7  }
0x10: {  	[smem:$0x3FB6] =	sst s8  }
0x11: {  	[smem:$0x3FB7] =	sst s9;
	s0 =	simm.s32 @!p0 $0x0  }
0x12: {  	s1 =	sld [smem:$0x3F9D];
	s0 =	simm.s32 @p0 $0x1  }
0x13: {  	[smem:$0x3FB8] =	sst s0;
	s0 =	simm.s32 @!p1 $0x0  }
0x14: {  	s2 =	sld [smem:$0x3F9C];
	s0 =	simm.s32 @p1 $0x1  }
0x15: {  	[smem:$0x3FB9] =	sst s0;
	s0 =	simm.s32 @!p2 $0x0  }
0x16: {  	s3 =	sld [smem:$0x3FDB];
	s0 =	simm.s32 @p2 $0x1  }
0x17: {  	s4 =	simm.s32 $0x1BF5;
	[smem:$0x3FBB] =	sst s0  }
0x18: {  	s0 =	sld [smem:$0x3F9E];
	_ =	swait.ge [sflag:s4], $0x0  }
0x19: {  	s7 =	sld [smem:$0x3F9F]  }
0x1a: {  	s8 =	sadd.s32 $0xFFFFE003, lr  }
0x1b: {  	s9 =	sadd.s32 $0xFFFFFEF7, lr;
	s5 =	simm.s32 $0xFFFFFFFF;
	p2 =	slt.u32 s8, $0xFFFFF086  }
0x1c: {  	p1 =	slt.u32 s9, $0xF7A;
	s5 =	simm.s32 @!p2 $0x0  }
0x1d: {  	s5 =	simm.s32 @p1 $0x1;
	p0 =	seq.s32 s7, s2  }
0x1e: {  	s7 =	smul.u32 @!p0 $0xF7A, s2;
	p2 =	seq.s32 @!p0 s5, $0x0  }
0x1f: {  	s9 =	smul.u32 $0xF7A, s1;
	s8 =	simm.s32 @!p0 $0x1BF5;
	p2 =	por !p2, p0  }
0x20: {  	[sflag:s8] =	ssyncset.s32 @!p0 $0xFFFFF086;
	s6 =	sadd.s32 @!p0 s3, s7;
	s7 =	simm.s32 @!p0 $0x108  }
0x21: {  	s3 =	sadd.s32 s3, s9;
	s6 =	sadd.s32 @!p0 $0x88, s6;
	s7 =	simm.s32 @p2 $0x1082  }
0x22: {  	[simem:s7], [sflag:s8] =	dma.local @!p0 [hbm:s6], $0xF7A  }
0x23: {  	s9 =	sor.u32 $0xD0000000, s2;
	s6 =	simm.s32 $0x108;
	_ =	swait.ge @!p0 [sflag:s8], $0x0  }
0x24: {  	s3 =	sadd.s32 $0x88, s3;
	s6 =	simm.s32 @!p1 $0x1082;
	[sflag:s4] =	ssyncset.s32 $0xFFFFF086  }
0x25: {  	[simem:s6], [sflag:s4] =	dma.local [hbm:s3], $0xF7A  }
0x26: {  	[smem:$0x3F9F] =	sst s1;
	(tag) =	ssettag s2;
	_ =	strace s9  }
0x27: {  	s1 =	sld [smem:$0x3FAF]  }
0x28: {  	s2 =	sld [smem:$0x3FB0]  }
0x29: {  	s4 =	sld [smem:$0x3FB2]  }
0x2a: {  	p0 =	seq.s32 s5, $0x0;
	s5 =	sld [smem:$0x3FB3]  }
0x2b: {  	s6 =	sld [smem:$0x3FB4]  }
0x2c: {  	s7 =	sld [smem:$0x3FB5]  }
0x2d: {  	s3 =	simm.s32 $0x108;
	s8 =	sld [smem:$0x3FB6]  }
0x2e: {  	s3 =	simm.s32 @!p0 $0x1082;
	s9 =	sld [smem:$0x3FB7]  }
0x2f: {  	lr =	sadd.s32 s0, s3;
	s0 =	sld [smem:$0x3FAE]  }
0x30: {  	s3 =	sld [smem:$0x3FB1]  }
0x31: {  	[smem:$0x3FBA] =	sst s10  }
0x32: {  	s10 =	sld [smem:$0x3FB8];
	_ =	sdelay $0x3  }
0x33: {  	p0 =	seq.s32 s10, $0x1;
	s10 =	sld [smem:$0x3FBA];
	_ =	sdelay $0x3  }
0x34: {  	[smem:$0x3FBA] =	sst s10  }
0x35: {  	s10 =	sld [smem:$0x3FB9];
	_ =	sdelay $0x3  }
0x36: {  	p1 =	seq.s32 s10, $0x1;
	s10 =	sld [smem:$0x3FBA];
	_ =	sdelay $0x3  }
0x37: {  	[smem:$0x3FBA] =	sst s10  }
0x38: {  	s10 =	sld [smem:$0x3FBB]  }
0x39: {  	_ = 	snop;
	(pc) =	sbr.ind lr, $3  }
0x3a: {  	_ = 	snop  }
0x3b: {  	_ = 	snop  }
0x3c: {  	p2 =	seq.s32 s10, $0x1;
	s10 =	sld [smem:$0x3FBA]  }
0x3d: {  	_ =	shalt  }
0x3e: {  	_ =	shalt  }
0x3f: {  	_ =	shalt  }
0x40: {  	_ =	shalt  }
0x41: {  	_ =	shalt  }
0x42: {  	_ =	shalt  }
0x43: {  	_ =	shalt  }
0x44: {  	_ =	shalt  }
0x45: {  	_ =	shalt  }
0x46: {  	_ =	shalt  }
0x47: {  	_ =	shalt  }
0x48: {  	_ =	shalt  }
0x49: {  	_ =	shalt  }
0x4a: {  	_ =	shalt  }
0x4b: {  	_ =	shalt  }
0x4c: {  	_ =	shalt  }
0x4d: {  	_ =	shalt  }
0x4e: {  	_ =	shalt  }
0x4f: {  	_ =	shalt  }
0x50: {  	_ =	shalt  }
0x51: {  	_ =	shalt  }
0x52: {  	_ =	shalt  }
0x53: {  	_ =	shalt  }
0x54: {  	_ =	shalt  }
0x55: {  	_ =	shalt  }
0x56: {  	_ =	shalt  }
0x57: {  	_ =	shalt  }
0x58: {  	_ =	shalt  }
0x59: {  	_ =	shalt  }
0x5a: {  	_ =	shalt  }
0x5b: {  	_ =	shalt  }
0x5c: {  	_ =	shalt  }
0x5d: {  	_ =	shalt  }
0x5e: {  	_ =	shalt  }
0x5f: {  	_ =	shalt  }
0x60: {  	_ =	shalt  }
0x61: {  	_ =	shalt  }
0x62: {  	_ =	shalt  }
0x63: {  	_ =	shalt  }
0x64: {  	_ =	shalt  }
0x65: {  	_ =	shalt  }
0x66: {  	_ =	shalt  }
0x67: {  	_ =	shalt  }
0x68: {  	_ =	shalt  }
0x69: {  	_ =	shalt  }
0x6a: {  	_ =	shalt  }
0x6b: {  	_ =	shalt  }
0x6c: {  	_ =	shalt  }
0x6d: {  	_ =	shalt  }
0x6e: {  	_ =	shalt  }
0x6f: {  	_ =	shalt  }
0x70: {  	_ =	shalt  }
0x71: {  	_ =	shalt  }
0x72: {  	_ =	shalt  }
0x73: {  	_ =	shalt  }
0x74: {  	_ =	shalt  }
0x75: {  	_ =	shalt  }
0x76: {  	_ =	shalt  }
0x77: {  	_ =	shalt  }
0x78: {  	_ =	shalt  }
0x79: {  	_ =	shalt  }
0x7a: {  	_ =	shalt  }
0x7b: {  	_ =	shalt  }
0x7c: {  	_ =	shalt  }
0x7d: {  	_ =	shalt  }
0x7e: {  	_ =	shalt  }
0x7f: {  	_ =	shalt  }
0x80: {  	_ =	shalt  }
0x81: {  	_ =	shalt  }
0x82: {  	_ =	shalt  }
0x83: {  	_ =	shalt  }
0x84: {  	_ =	shalt  }
0x85: {  	_ =	shalt  }
0x86: {  	_ =	shalt  }
0x87: {  	_ =	shalt  }
.Lfunc_end0:
.L_simem_size_0:
called_computation.1_lowered:
.L_overlay_start_0:
0x88: {  	s2 =	sld [smem:$0x3FD9]  }
0x89: {  	s3 =	sld [smem:$0x3FFE];
	_ =	sdelay $0x1  }
0x8a: {  	s1 =	srdreg.scid  }
0x8b: {  	s0 =	sand.u32 $0x1, s1  }
0x8c: {  	s17 =	sshll.u32 s0, $0xA;
	s2 =	sadd.s32 s3, s2  }
0x8d: {  	s2 =	sadd.s32 s2, s17  }
0x8e: {  	[smem:$0x3FC6] =	sst s2  }
0x8f: {  	_ = 	snop  }
0x90: {  	s2 =	sld [smem:$0x3FD0];
	(tm) =	ssettm $0x1  }
0x91: {  	s18 =	sld [smem:$0x3FFB];
	_ =	sdelay $0x3  }
0x92: {  	_ =	strace s18  }
0x93: {  	s3 =	sld [smem:$0x3FFC];
	_ =	sdelay $0x3  }
0x94: {  	_ =	strace s3  }
0x95: {  	s3 =	sld [smem:$0x3FFD];
	_ =	sdelay $0x3  }
0x96: {  	_ =	strace s3  }
0x97: {  	_ =	strace $0x8FFFFFFF  }
0x98: {  	s19 =	sld [smem:$0x3FDB];
	_ =	sdelay $0x1  }
0x99: {  	s4 =	simm.s32 $_scs_section_size  }
0x9a: {  	s5 =	simm.s32 $_size__tile_overlayer_lowered;
	s6 =	simm.s32 $_tile_overlayer_lowered  }
0x9b: {  	s22 =	simm.s32 $0x1BFF;
	s21 =	sshll.u32 s6, $0x1;
	s3 =	sadd.s32 s4, s19  }
0x9c: {  	s7 =	simm.s32 $0x0;
	s20 =	sshll.u32 s5, $0x1;
	s5 =	sadd.s32 s21, s3  }
0x9d: {  	[timem:s7], [sflag:s22] =	dma.local [hbm:s5], s20  }
0x9e: {  	_ =	swait.ge [sflag:s22], s20  }
0x9f: {  	s4 =	ssub.s32 $0x0, s20;
	[sflag:s22] =	ssyncset.done $0x0  }
0xa0: {  	[sflag:s22] =	ssyncadd.s32 s4;
	_ =	sdelay $0x1  }
0xa1: {  	s23 =	simm.s32 $0x1B8B  }
0xa2: {  	_ =	swait.ge [sflag:s23], $0x1  }
0xa3: {  	[sflag:s23] =	ssyncset.done $0x0  }
0xa4: {  	s25 =	simm.s32 $0x1B8E;
	s24 =	sld [smem:$0x3FFE];
	[sflag:s23] =	ssyncadd.s32 $0xFFFFFFFF  }
0xa5: {  	s26 =	simm.s32 $execute0_lowered;
	[smem:$0x3FD2] =	sst s25  }
0xa6: {  	s5 =	sshll.u32 s26, $0x1;
	_ =	strace $0x80000049;
	[dreg:$0x1] =	wrdreg $0xFFFFFFFF  }
0xa7: {  	s28 =	simm.s32 $_size_execute0_lowered;
	s3 =	sadd.s32 s3, s5;
	[dreg:$0x0] =	wrdreg $0x0  }
0xa8: {  	s5 =	sshll.u32 s28, $0x1;
	[dreg:$0x2] =	wrdreg s3  }
0xa9: {  	[dreg:$0x3] =	wrdreg s5  }
0xaa: {  	[dreg:$0x4] =	wrdreg $0xC0  }
0xab: {  	_ =	task [dreg:s7], $0x5FFFF  }
0xac: {  	[dreg:$0x1] =	wrdreg $0xFFFFFFFF  }
0xad: {  	[dreg:$0x0] =	wrdreg $0x60  }
0xae: {  	[dreg:$0x2] =	wrdreg s24  }
0xaf: {  	[dreg:$0x3] =	wrdreg s2  }
0xb0: {  	[dreg:$0x4] =	wrdreg $0x9  }
0xb1: {  	_ =	task.clear_ibuf [dreg:s7], $0x5FFFF;
	_ =	strace $0x90000049  }
0xb2: {  	s29 =	simm.s32 $0x9;
	_ =	strace $0x8000004B  }
0xb3: {  	_ =	swait.ge [sflag:s29], $0x1  }
0xb4: {  	[sflag:s29] =	ssyncadd.s32 $0xFFFFFFFF  }
0xb5: {  	_ =	strace $0x9000004B  }
0xb6: {  	_ =	sfence  }
0xb7: {  	s30 =	sld [smem:$0x0];
	_ =	sdelay $0x2  }
0xb8: {  	s31 =	sshll.u32 s1, $0xD;
	s1 =	sshrl.u32 s1, $0x2  }
0xb9: {  	s3 =	sand.u32 $0x4000, s31;
	s1 =	sadd.s32 s1, s30  }
0xba: {  	s0 =	sor.u32 s3, s0;
	s1 =	sshll.u32 s1, $0x11  }
0xbb: {  	s0 =	sor.u32 s1, s0  }
0xbc: {  	s0 =	sadd.s32 $0x8F2B, s0  }
0xbd: {  	[sflag:s0] =	ssyncadd.remote.s32 $0x1  }
0xbe: {  	_ =	sfence.sel $0xFFFF  }
0xbf: {  	[dreg:$0x0] =	wrdreg $0xFFFFFFFF;
	(pc) =	sbr.abs _section_cstart, $3  }
0xc0: {  	[dreg:$0x1] =	wrdreg $0xFFFFFFFF  }
0xc1: {  	_ =	task.clear_ibuf [dreg:s7], $0x2FFFF;
	_ =	strace $0x9FFFFFFF  }
0xc2: {  	(tm) =	ssettm $0x7FFFFFFF  }
0xc3: {  	_ =	shalt  }
tec
execute0_lowered:
.L_overlay_start_1:
0x0: {  	(tag) =	ssettag $0x1  }
0x1: {  	s0 =	rddreg [dreg:$0x0]  }
0x2: {  	s1 =	rddreg [dreg:$0x1];
	s3 =	simm.s32 $0x0;
	s2 =	srdreg.scid  }
0x3: {  	s4 =	stileid.u32;
	s12 =	simm.s32 $0x80;
	s14 =	simm.s32 $0x5  }
0x4: {  	s17 =	simm.s32 $0x6;
	s20 =	simm.s32 $0x7;
	s21 =	simm.s32 $0x300  }
0x5: {  	s22 =	simm.s32 $0x8600;
	s23 =	simm.s32 $0x180;
	s24 =	simm.s32 $0x400  }
0x6: {  	s25 =	simm.s32 $0x20000;
	s26 =	simm.s32 $0x9;
	s28 =	simm.s32 $0xA  }
0x7: {  	v0 =	vlaneseq.u32;
	[smem:$0x7FF] =	sst s3;
	s2 =	sand.u32 $0x1, s2;
	s5 =	sshll.u32 s4, $0x1  }
0x8: {  	s4 =	sadd.s32 $0x7A1C00, s0;
	v1 =	vmul.u32 $0x80, v0;
	v3 =	vor.u32 $0x10, v0;
	v5 =	vor.u32 $0x20, v0;
	s6 =	ssub.s32 $0x2, s2;
	s2 =	sor.u32 s2, s5  }
0x9: {  	s29 =	simm.s32 $0x0;
	v7 =	vor.u32 $0x30, v0;
	v9 =	vor.u32 $0x40, v0;
	v11 =	vor.u32 $0x50, v0;
	_ =	strace $0x8000004A;
	s7 =	sshll.u32 s2, $0x6  }
0xa: {  	v13 =	vor.u32 $0x60, v0;
	v15 =	vor.u32 $0x70, v0;
	s5 =	sadd.s32 $0xA00, s0;
	s31 =	sshrl.u32 s6, $0x1;
	v2 =	vor.u32 $0x800, v1;
	s7 =	sadd.s32 s4, s7  }
0xb: {  	v4 =	vor.u32 $0x1000, v1;
	v6 =	vor.u32 $0x1800, v1;
	v8 =	vor.u32 $0x2000, v1;
	s0 =	ssub.s32 s6, s31;
	s6 =	sshll.u32 s2, $0x2;
	s8 =	sadd.s32 $0x800, s7  }
0xc: {  	v10 =	vor.u32 $0x2800, v1;
	v12 =	vor.u32 $0x3000, v1;
	v14 =	vor.u32 $0x3800, v1;
	s9 =	sadd.s32 $0x1000, s7;
	s10 =	sadd.s32 $0x1800, s7;
	s11 =	smax.u32 s0, $0x1  }
.LBB2_1:
0xd: {  	[tilespmem:s3], [sflag:$0x5] =	stream.linear.gather [hbm4b:s7+s3], $0x80, $0x38;
	[tilespmem:$0x14600] =	vst v63  }
0xe: {  	_ = 	snop  }
0xf: {  	[tilespmem:s12], [sflag:$0x6] =	stream.linear.gather [hbm4b:s8+s3], $0x80, $0x38;
	[tilespmem:$0x14600] =	vst v63  }
0x10: {  	s0 =	simm.s32 $0x100  }
0x11: {  	[tilespmem:s0], [sflag:$0x7] =	stream.linear.gather [hbm4b:s9+s3], $0x80, $0x38;
	[tilespmem:$0x14600] =	vst v63  }
0x12: {  	_ =	swait.ge [sflag:s14], $0x80  }
0x13: {  	[sflag:s14] =	ssyncset.done $0x0  }
0x14: {  	[sflag:s14] =	ssyncadd.s32 $0xFFFFFF80  }
0x15: {  	v16 =	vld [tilespmem:$0x0];
	_ =	sdelay $0x1  }
0x16: {  	v17 =	vld [tilespmem:$0x10];
	_ =	sdelay $0x1  }
0x17: {  	v18 =	vld [tilespmem:$0x20]  }
0x18: {  	v19 =	vshrl.u32 v16, $0x1;
	v16 =	vshll.u32 v16, $0x6  }
0x19: {  	v48 =	vld [tilespmem:$0x30];
	[tilespmem:$0x200] =	vst v19;
	v16 =	vand.u32 $0x40, v16  }
0x1a: {  	[tilespmem:$0x400] =	vst v16;
	v16 =	vshrl.u32 v17, $0x1;
	v17 =	vshll.u32 v17, $0x6  }
0x1b: {  	[tilespmem:$0x210] =	vst v16;
	v16 =	vand.u32 $0x40, v17;
	v17 =	vld [tilespmem:$0x40]  }
0x1c: {  	[tilespmem:$0x410] =	vst v16;
	v16 =	vshrl.u32 v18, $0x1;
	v18 =	vshll.u32 v18, $0x6  }
0x1d: {  	v49 =	vld [tilespmem:$0x50];
	[tilespmem:$0x220] =	vst v16;
	v16 =	vand.u32 $0x40, v18  }
0x1e: {  	v19 =	vshll.u32 v48, $0x6;
	[tilespmem:$0x420] =	vst v16;
	v16 =	vshrl.u32 v48, $0x1  }
0x1f: {  	v50 =	vld [tilespmem:$0x60];
	[tilespmem:$0x230] =	vst v16;
	v16 =	vand.u32 $0x40, v19  }
0x20: {  	[tilespmem:$0x430] =	vst v16;
	v16 =	vshrl.u32 v17, $0x1;
	v17 =	vshll.u32 v17, $0x6  }
0x21: {  	[tilespmem:$0x240] =	vst v16;
	v16 =	vand.u32 $0x40, v17;
	v17 =	vld [tilespmem:$0x70]  }
0x22: {  	v18 =	vshll.u32 v49, $0x6;
	[tilespmem:$0x440] =	vst v16;
	v16 =	vshrl.u32 v49, $0x1  }
0x23: {  	[tilespmem:$0x250] =	vst v16;
	v16 =	vand.u32 $0x40, v18  }
0x24: {  	v51 =	vshll.u32 v50, $0x6;
	[tilespmem:$0x450] =	vst v16;
	v16 =	vshrl.u32 v50, $0x1  }
0x25: {  	[tilespmem:$0x260] =	vst v16;
	v16 =	vand.u32 $0x40, v51  }
0x26: {  	[tilespmem:$0x460] =	vst v16;
	v16 =	vshrl.u32 v17, $0x1;
	v17 =	vshll.u32 v17, $0x6  }
0x27: {  	[tilespmem:$0x270] =	vst v16;
	v16 =	vand.u32 $0x40, v17  }
0x28: {  	s18 =	simm.s32 $0x200;
	s2 =	simm.s32 $0x600;
	[tilespmem:$0x470] =	vst v16  }
0x29: {  	[tilespmem:s2], [sflag:$0x1] =	stream.indirect.gather [hbm4b:s5+s12], $0x80, s18, s12, $0xb8;
	[tilespmem:$0x14600] =	vst v63  }
0x2a: {  	_ =	swait.ge [sflag:s17], $0x80  }
0x2b: {  	[sflag:s17] =	ssyncset.done $0x0  }
0x2c: {  	[sflag:s17] =	ssyncadd.s32 $0xFFFFFF80  }
0x2d: {  	v16 =	vld [tilespmem:$0x80];
	_ =	sdelay $0x1  }
0x2e: {  	v17 =	vld [tilespmem:$0x90];
	_ =	sdelay $0x1  }
0x2f: {  	v52 =	vld [tilespmem:$0xA0]  }
0x30: {  	v53 =	vshrl.u32 v16, $0x1;
	v16 =	vshll.u32 v16, $0x6  }
0x31: {  	v54 =	vld [tilespmem:$0xB0];
	[tilespmem:$0x280] =	vst v53;
	v16 =	vand.u32 $0x40, v16  }
0x32: {  	[tilespmem:$0x480] =	vst v16;
	v16 =	vshrl.u32 v17, $0x1;
	v17 =	vshll.u32 v17, $0x6  }
0x33: {  	[tilespmem:$0x290] =	vst v16;
	v16 =	vand.u32 $0x40, v17;
	v17 =	vld [tilespmem:$0xC0]  }
0x34: {  	v18 =	vshll.u32 v52, $0x6;
	[tilespmem:$0x490] =	vst v16;
	v16 =	vshrl.u32 v52, $0x1  }
0x35: {  	v55 =	vld [tilespmem:$0xD0];
	[tilespmem:$0x2A0] =	vst v16;
	v16 =	vand.u32 $0x40, v18  }
0x36: {  	v19 =	vshll.u32 v54, $0x6;
	[tilespmem:$0x4A0] =	vst v16;
	v16 =	vshrl.u32 v54, $0x1  }
0x37: {  	v56 =	vld [tilespmem:$0xE0];
	[tilespmem:$0x2B0] =	vst v16;
	v16 =	vand.u32 $0x40, v19  }
0x38: {  	[tilespmem:$0x4B0] =	vst v16;
	v16 =	vshrl.u32 v17, $0x1;
	v17 =	vshll.u32 v17, $0x6  }
0x39: {  	[tilespmem:$0x2C0] =	vst v16;
	v16 =	vand.u32 $0x40, v17;
	v17 =	vld [tilespmem:$0xF0]  }
0x3a: {  	v18 =	vshll.u32 v55, $0x6;
	[tilespmem:$0x4C0] =	vst v16;
	v16 =	vshrl.u32 v55, $0x1  }
0x3b: {  	[tilespmem:$0x2D0] =	vst v16;
	v16 =	vand.u32 $0x40, v18  }
0x3c: {  	v57 =	vshll.u32 v56, $0x6;
	[tilespmem:$0x4D0] =	vst v16;
	v16 =	vshrl.u32 v56, $0x1  }
0x3d: {  	[tilespmem:$0x2E0] =	vst v16;
	v16 =	vand.u32 $0x40, v57  }
0x3e: {  	[tilespmem:$0x4E0] =	vst v16;
	v16 =	vshrl.u32 v17, $0x1;
	v17 =	vshll.u32 v17, $0x6  }
0x3f: {  	[tilespmem:$0x2F0] =	vst v16;
	v16 =	vand.u32 $0x40, v17  }
0x40: {  	s19 =	simm.s32 $0x280;
	s31 =	simm.s32 $0x4600;
	[tilespmem:$0x4F0] =	vst v16  }
0x41: {  	[tilespmem:s31], [sflag:$0x2] =	stream.indirect.gather [hbm4b:s5+s12], $0x80, s19, s12, $0xb8;
	[tilespmem:$0x14600] =	vst v63  }
0x42: {  	_ =	swait.ge [sflag:s20], $0x80  }
0x43: {  	[sflag:s20] =	ssyncset.done $0x0  }
0x44: {  	[sflag:s20] =	ssyncadd.s32 $0xFFFFFF80  }
0x45: {  	v16 =	vld [tilespmem:$0x100];
	_ =	sdelay $0x1  }
0x46: {  	v17 =	vld [tilespmem:$0x110];
	_ =	sdelay $0x1  }
0x47: {  	v58 =	vld [tilespmem:$0x120]  }
0x48: {  	v59 =	vshrl.u32 v16, $0x1;
	v16 =	vshll.u32 v16, $0x6  }
0x49: {  	v60 =	vld [tilespmem:$0x130];
	[tilespmem:$0x300] =	vst v59;
	v16 =	vand.u32 $0x40, v16  }
0x4a: {  	[tilespmem:$0x500] =	vst v16;
	v16 =	vshrl.u32 v17, $0x1;
	v17 =	vshll.u32 v17, $0x6  }
0x4b: {  	[tilespmem:$0x310] =	vst v16;
	v16 =	vand.u32 $0x40, v17;
	v17 =	vld [tilespmem:$0x140]  }
0x4c: {  	v18 =	vshll.u32 v58, $0x6;
	[tilespmem:$0x510] =	vst v16;
	v16 =	vshrl.u32 v58, $0x1  }
0x4d: {  	v61 =	vld [tilespmem:$0x150];
	[tilespmem:$0x320] =	vst v16;
	v16 =	vand.u32 $0x40, v18  }
0x4e: {  	v19 =	vshll.u32 v60, $0x6;
	[tilespmem:$0x520] =	vst v16;
	v16 =	vshrl.u32 v60, $0x1  }
0x4f: {  	v62 =	vld [tilespmem:$0x160];
	[tilespmem:$0x330] =	vst v16;
	v16 =	vand.u32 $0x40, v19  }
0x50: {  	[tilespmem:$0x530] =	vst v16;
	v16 =	vshrl.u32 v17, $0x1;
	v17 =	vshll.u32 v17, $0x6  }
0x51: {  	[tilespmem:$0x340] =	vst v16;
	v16 =	vand.u32 $0x40, v17;
	v17 =	vld [tilespmem:$0x170]  }
0x52: {  	v18 =	vshll.u32 v61, $0x6;
	[tilespmem:$0x540] =	vst v16;
	v16 =	vshrl.u32 v61, $0x1  }
0x53: {  	[tilespmem:$0x350] =	vst v16;
	v16 =	vand.u32 $0x40, v18  }
0x54: {  	v63 =	vshll.u32 v62, $0x6;
	[tilespmem:$0x550] =	vst v16;
	v16 =	vshrl.u32 v62, $0x1  }
0x55: {  	[tilespmem:$0x360] =	vst v16;
	v16 =	vand.u32 $0x40, v63  }
0x56: {  	[tilespmem:$0x560] =	vst v16;
	v16 =	vshrl.u32 v17, $0x1;
	v17 =	vshll.u32 v17, $0x6  }
0x57: {  	[tilespmem:$0x370] =	vst v16;
	v16 =	vand.u32 $0x40, v17  }
0x58: {  	[tilespmem:$0x570] =	vst v16  }
0x59: {  	[tilespmem:s22], [sflag:$0x3] =	stream.indirect.gather [hbm4b:s5+s12], $0x80, s21, s12, $0xb8;
	[tilespmem:$0x14600] =	vst v63  }
0x5a: {  	s30 =	simm.s32 $0x0  }
0x5b: {  	[tilespmem:s23], [sflag:$0x8] =	stream.linear.gather [hbm4b:s10+s3], $0x80, $0x38;
	[tilespmem:$0x14600] =	vst v63  }
.LBB2_2:
0x5c: {  	s0 =	sand.u32 $0x3, s30  }
0x5d: {  	p0 =	sgt.u32 s30, $0xC4;
	s13 =	sadd.s32 $0x1, s0  }
0x5e: {  	s2 =	sadd.s32 @!p0 $0xFFFFFFFF, s30;
	_ =	swait.ge [sflag:s13], $0x4000  }
0x5f: {  	s2 =	sand.u32 @!p0 $0x3, s2;
	[sflag:s13] =	ssyncset.done $0x0  }
0x60: {  	[sflag:s13] =	ssyncadd.s32 $0xFFFFC000;
	s13 =	sadd.s32 @!p0 $0x5, s2  }
0x61: {  	_ =	swait.ge @!p0 [sflag:s13], $0x80  }
0x62: {  	[sflag:s13] =	ssyncset.done @!p0 $0x0  }
0x63: {  	[sflag:s13] =	ssyncadd.s32 @!p0 $0xFFFFFF80;
	s13 =	sshll.u32 @!p0 s2, $0x7  }
0x64: {  	v16 =	vld @!p0 [tilespmem:s13+$0x0];
	_ =	sdelay $0x1  }
0x65: {  	v17 =	vld @!p0 [tilespmem:s13+$0x10];
	_ =	sdelay $0x1  }
0x66: {  	v18 =	vld @!p0 [tilespmem:s13+$0x20]  }
0x67: {  	v19 =	vshrl.u32 @!p0 v16, $0x1;
	v16 =	vshll.u32 @!p0 v16, $0x6  }
0x68: {  	[tilespmem:s13+$0x200] =	vst @!p0 v19;
	v16 =	vand.u32 @!p0 $0x40, v16;
	v19 =	vld @!p0 [tilespmem:s13+$0x30]  }
0x69: {  	[tilespmem:s13+$0x400] =	vst @!p0 v16;
	v16 =	vshrl.u32 @!p0 v17, $0x1;
	v17 =	vshll.u32 @!p0 v17, $0x6  }
0x6a: {  	[tilespmem:s13+$0x210] =	vst @!p0 v16;
	v16 =	vand.u32 @!p0 $0x40, v17;
	v17 =	vld @!p0 [tilespmem:s13+$0x40]  }
0x6b: {  	[tilespmem:s13+$0x410] =	vst @!p0 v16;
	v16 =	vshrl.u32 @!p0 v18, $0x1;
	v18 =	vshll.u32 @!p0 v18, $0x6  }
0x6c: {  	[tilespmem:s13+$0x220] =	vst @!p0 v16;
	v16 =	vand.u32 @!p0 $0x40, v18;
	v18 =	vld @!p0 [tilespmem:s13+$0x50]  }
0x6d: {  	[tilespmem:s13+$0x420] =	vst @!p0 v16;
	v16 =	vshrl.u32 @!p0 v19, $0x1;
	v19 =	vshll.u32 @!p0 v19, $0x6  }
0x6e: {  	[tilespmem:s13+$0x230] =	vst @!p0 v16;
	v16 =	vand.u32 @!p0 $0x40, v19;
	v19 =	vld @!p0 [tilespmem:s13+$0x60]  }
0x6f: {  	[tilespmem:s13+$0x430] =	vst @!p0 v16;
	v16 =	vshrl.u32 @!p0 v17, $0x1;
	v17 =	vshll.u32 @!p0 v17, $0x6  }
0x70: {  	p1 =	seq.s32 @!p0 s30, $0xC4;
	[tilespmem:s13+$0x240] =	vst @!p0 v16;
	v16 =	vand.u32 @!p0 $0x40, v17;
	v17 =	vld @!p0 [tilespmem:s13+$0x70]  }
0x71: {  	p1 =	por p0, p1;
	[tilespmem:s13+$0x440] =	vst @!p0 v16;
	v16 =	vshrl.u32 @!p0 v18, $0x1;
	v18 =	vshll.u32 @!p0 v18, $0x6  }
0x72: {  	s15 =	sadd.s32 @!p1 $0x4, s30;
	[tilespmem:s13+$0x250] =	vst @!p0 v16;
	v16 =	vand.u32 @!p0 $0x40, v18  }
0x73: {  	s16 =	smul.u32 @!p1 $0x29, s15;
	[tilespmem:s13+$0x450] =	vst @!p0 v16;
	v16 =	vshrl.u32 @!p0 v19, $0x1;
	v18 =	vshll.u32 @!p0 v19, $0x6  }
0x74: {  	[tilespmem:s13+$0x260] =	vst @!p0 v16;
	v16 =	vand.u32 @!p0 $0x40, v18  }
0x75: {  	s31 =	sshll.u32 @!p0 s2, $0xE;
	s16 =	sshrl.u32 @!p1 s16, $0xB;
	[tilespmem:s13+$0x460] =	vst @!p0 v16;
	v16 =	vshrl.u32 @!p0 v17, $0x1;
	v17 =	vshll.u32 @!p0 v17, $0x6  }
0x76: {  	s31 =	sor.u32 @!p0 $0x600, s31;
	s16 =	sand.u32 @!p1 $0x1F, s16;
	s2 =	sadd.s32 @!p0 $0x1, s2;
	[tilespmem:s13+$0x270] =	vst @!p0 v16;
	v16 =	vand.u32 @!p0 $0x40, v17  }
0x77: {  	s18 =	sor.u32 @!p0 $0x200, s13;
	s19 =	smul.u32 @!p1 $0x3FFCE, s16;
	[tilespmem:s13+$0x470] =	vst @!p0 v16;
	s13 =	simm.s32 @!p0 $0x80  }
0x78: {  	[tilespmem:s31], [sflag:s2] =	stream.indirect.gather @!p0 [hbm4b:s5+s13], $0x80, s18, s13, $0xb8;
	[tilespmem:$0x14600] =	vst v63  }
0x79: {  	s2 =	sadd.s32 @!p1 s15, s19;
	s13 =	sadd.s32 @!p1 s16, s6  }
0x7a: {  	s2 =	sshll.u32 @!p1 s2, $0xE;
	s13 =	sshll.u32 @!p1 s13, $0x7  }
0x7b: {  	s16 =	sadd.s32 @!p1 $0x5, s0;
	s18 =	simm.s32 @!p1 $0x0;
	s13 =	sadd.s32 @!p1 s13, s2  }
0x7c: {  	p0 =	slt.u32 @!p1 s30, $0x2;
	s2 =	sshll.u32 @!p1 s0, $0x9;
	s13 =	sshrl.u32 @!p1 s13, $0x3  }
0x7d: {  	p0 =	por p1, !p0;
	s15 =	sshrl.u32 @!p1 s2, $0x2;
	s13 =	sadd.s32 @!p1 s4, s13  }
0x7e: {  	[tilespmem:s15], [sflag:s16] =	stream.linear.gather @!p1 [hbm4b:s13+s18], $0x80, $0x38;
	[tilespmem:$0x14600] =	vst v63  }
0x7f: {  	s2 =	sshll.u32 @p0 s0, $0x9;
	s18 =	sand.u32 $0x1, s30  }
0x80: {  	s2 =	sshrl.u32 s2, $0x2;
	s31 =	sadd.s32 $0x9, s18  }
0x81: {  	s0 =	sshll.u32 s0, $0xE;
	s13 =	sor.u32 $0x400, s2;
	_ =	swait.ge @p0 [sflag:s31], $0x2000  }
0x82: {  	s15 =	sor.u32 $0x600, s0;
	s19 =	sshll.u32 s18, $0xD;
	[sflag:s31] =	ssyncset.done @p0 $0x0  }
0x83: {  	s16 =	simm.s32 $0x0;
	s0 =	sor.u32 $0x10600, s19;
	[sflag:s31] =	ssyncadd.s32 @p0 $0xFFFFE000  }
.LBB2_3:
0x84: {  	v23 =	vld [tilespmem:s13+$0x0];
	_ =	sdelay $0x2  }
0x85: {  	v20 =	vadd.s32 s16, v0  }
0x86: {  	v17 =	vand.u32 $0xF, v20  }
0x87: {  	v16 =	vadd.s32 v17, v23  }
0x88: {  	v18 =	vadd.s32 v1, v16;
	_ =	sdelay $0x3  }
0x89: {  	v19 =	vshll.u32 v17, $0x7;
	v16 =	vor.u32 $0x10, v20  }
0x8a: {  	v22 =	vor.u32 v0, v19;
	v52 =	vadd.s32 v16, v23;
	v21 =	vld.idx.msk [tilespmem:v18+s15+$0x0], $0xffff  }
0x8b: {  	v24 =	vadd.s32 v1, v52;
	_ =	sdelay $0x3  }
0x8c: {  	v18 =	vor.u32 $0x20, v17;
	[tilespmem:v22+s0+$0x0] =	vst.idx.msk $0xffff, v21;
	v21 =	vshll.u32 v16, $0x7  }
0x8d: {  	v25 =	vadd.s32 v18, v23;
	v22 =	vld.idx.msk [tilespmem:v24+s15+$0x0], $0xffff;
	v53 =	vor.u32 v0, v21  }
0x8e: {  	v25 =	vadd.s32 v1, v25;
	_ =	sdelay $0x3  }
0x8f: {  	v20 =	vor.u32 $0x30, v20;
	[tilespmem:v53+s0+$0x0] =	vst.idx.msk $0xffff, v22;
	v22 =	vshll.u32 v18, $0x7  }
0x90: {  	v23 =	vadd.s32 v20, v23;
	v24 =	vld.idx.msk [tilespmem:v25+s15+$0x0], $0xffff;
	v54 =	vor.u32 v0, v22  }
0x91: {  	v26 =	vadd.s32 v1, v23;
	_ =	sdelay $0x3  }
0x92: {  	v23 =	vshll.u32 v20, $0x7;
	[tilespmem:v54+s0+$0x0] =	vst.idx.msk $0xffff, v24  }
0x93: {  	v55 =	vor.u32 v0, v23;
	v24 =	vld.idx.msk [tilespmem:v26+s15+$0x0], $0xffff;
	_ =	sdelay $0x4  }
0x94: {  	[tilespmem:v55+s0+$0x0] =	vst.idx.msk $0xffff, v24  }
0x95: {  	v24 =	vld [tilespmem:s2+$0x410];
	_ =	sdelay $0x4  }
0x96: {  	v56 =	vadd.s32 v17, v24  }
0x97: {  	v25 =	vadd.s32 v2, v56;
	_ =	sdelay $0x4  }
0x98: {  	v57 =	vor.u32 v3, v19;
	v27 =	vadd.s32 v16, v24;
	v25 =	vld.idx.msk [tilespmem:v25+s15+$0x0], $0xffff  }
0x99: {  	v27 =	vadd.s32 v2, v27;
	_ =	sdelay $0x3  }
0x9a: {  	[tilespmem:v57+s0+$0x0] =	vst.idx.msk $0xffff, v25  }
0x9b: {  	v58 =	vor.u32 v3, v21;
	v59 =	vadd.s32 v18, v24;
	v25 =	vld.idx.msk [tilespmem:v27+s15+$0x0], $0xffff  }
0x9c: {  	v27 =	vadd.s32 v2, v59;
	_ =	sdelay $0x3  }
0x9d: {  	[tilespmem:v58+s0+$0x0] =	vst.idx.msk $0xffff, v25  }
0x9e: {  	v60 =	vor.u32 v3, v22;
	v24 =	vadd.s32 v20, v24;
	v25 =	vld.idx.msk [tilespmem:v27+s15+$0x0], $0xffff  }
0x9f: {  	v24 =	vadd.s32 v2, v24;
	_ =	sdelay $0x3  }
0xa0: {  	[tilespmem:v60+s0+$0x0] =	vst.idx.msk $0xffff, v25  }
0xa1: {  	v61 =	vor.u32 v3, v23;
	v24 =	vld.idx.msk [tilespmem:v24+s15+$0x0], $0xffff;
	_ =	sdelay $0x4  }
0xa2: {  	[tilespmem:v61+s0+$0x0] =	vst.idx.msk $0xffff, v24  }
0xa3: {  	v24 =	vld [tilespmem:s2+$0x420];
	_ =	sdelay $0x4  }
0xa4: {  	v62 =	vadd.s32 v17, v24  }
0xa5: {  	v25 =	vadd.s32 v4, v62;
	_ =	sdelay $0x4  }
0xa6: {  	v63 =	vor.u32 v5, v19;
	v30 =	vadd.s32 v16, v24;
	v25 =	vld.idx.msk [tilespmem:v25+s15+$0x0], $0xffff  }
0xa7: {  	v27 =	vadd.s32 v4, v30;
	_ =	sdelay $0x3  }
0xa8: {  	[tilespmem:v63+s0+$0x0] =	vst.idx.msk $0xffff, v25  }
0xa9: {  	v31 =	vor.u32 v5, v21;
	v32 =	vadd.s32 v18, v24;
	v25 =	vld.idx.msk [tilespmem:v27+s15+$0x0], $0xffff  }
0xaa: {  	v27 =	vadd.s32 v4, v32;
	_ =	sdelay $0x3  }
0xab: {  	[tilespmem:v31+s0+$0x0] =	vst.idx.msk $0xffff, v25  }
0xac: {  	v33 =	vor.u32 v5, v22;
	v24 =	vadd.s32 v20, v24;
	v25 =	vld.idx.msk [tilespmem:v27+s15+$0x0], $0xffff  }
0xad: {  	v24 =	vadd.s32 v4, v24;
	_ =	sdelay $0x3  }
0xae: {  	[tilespmem:v33+s0+$0x0] =	vst.idx.msk $0xffff, v25  }
0xaf: {  	v34 =	vor.u32 v5, v23;
	v24 =	vld.idx.msk [tilespmem:v24+s15+$0x0], $0xffff;
	_ =	sdelay $0x4  }
0xb0: {  	[tilespmem:v34+s0+$0x0] =	vst.idx.msk $0xffff, v24  }
0xb1: {  	v24 =	vld [tilespmem:s2+$0x430];
	_ =	sdelay $0x4  }
0xb2: {  	v35 =	vadd.s32 v17, v24  }
0xb3: {  	v25 =	vadd.s32 v6, v35;
	_ =	sdelay $0x4  }
0xb4: {  	v36 =	vor.u32 v7, v19;
	v37 =	vadd.s32 v16, v24;
	v25 =	vld.idx.msk [tilespmem:v25+s15+$0x0], $0xffff  }
0xb5: {  	v27 =	vadd.s32 v6, v37;
	_ =	sdelay $0x3  }
0xb6: {  	[tilespmem:v36+s0+$0x0] =	vst.idx.msk $0xffff, v25  }
0xb7: {  	v38 =	vor.u32 v7, v21;
	v39 =	vadd.s32 v18, v24;
	v25 =	vld.idx.msk [tilespmem:v27+s15+$0x0], $0xffff  }
0xb8: {  	v27 =	vadd.s32 v6, v39;
	_ =	sdelay $0x3  }
0xb9: {  	[tilespmem:v38+s0+$0x0] =	vst.idx.msk $0xffff, v25  }
0xba: {  	v40 =	vor.u32 v7, v22;
	v24 =	vadd.s32 v20, v24;
	v25 =	vld.idx.msk [tilespmem:v27+s15+$0x0], $0xffff  }
0xbb: {  	v24 =	vadd.s32 v6, v24;
	_ =	sdelay $0x3  }
0xbc: {  	[tilespmem:v40+s0+$0x0] =	vst.idx.msk $0xffff, v25  }
0xbd: {  	v41 =	vor.u32 v7, v23;
	v24 =	vld.idx.msk [tilespmem:v24+s15+$0x0], $0xffff;
	_ =	sdelay $0x4  }
0xbe: {  	[tilespmem:v41+s0+$0x0] =	vst.idx.msk $0xffff, v24  }
0xbf: {  	v24 =	vld [tilespmem:s2+$0x440];
	_ =	sdelay $0x4  }
0xc0: {  	v42 =	vadd.s32 v17, v24  }
0xc1: {  	v25 =	vadd.s32 v8, v42;
	_ =	sdelay $0x4  }
0xc2: {  	v43 =	vor.u32 v9, v19;
	v44 =	vadd.s32 v16, v24;
	v25 =	vld.idx.msk [tilespmem:v25+s15+$0x0], $0xffff  }
0xc3: {  	v27 =	vadd.s32 v8, v44;
	_ =	sdelay $0x3  }
0xc4: {  	[tilespmem:v43+s0+$0x0] =	vst.idx.msk $0xffff, v25  }
0xc5: {  	v45 =	vor.u32 v9, v21;
	v46 =	vadd.s32 v18, v24;
	v25 =	vld.idx.msk [tilespmem:v27+s15+$0x0], $0xffff  }
0xc6: {  	v27 =	vadd.s32 v8, v46;
	_ =	sdelay $0x3  }
0xc7: {  	[tilespmem:v45+s0+$0x0] =	vst.idx.msk $0xffff, v25  }
0xc8: {  	v47 =	vor.u32 v9, v22;
	v24 =	vadd.s32 v20, v24;
	v25 =	vld.idx.msk [tilespmem:v27+s15+$0x0], $0xffff  }
0xc9: {  	v24 =	vadd.s32 v8, v24;
	_ =	sdelay $0x3  }
0xca: {  	[tilespmem:v47+s0+$0x0] =	vst.idx.msk $0xffff, v25  }
0xcb: {  	v48 =	vor.u32 v9, v23;
	v24 =	vld.idx.msk [tilespmem:v24+s15+$0x0], $0xffff;
	_ =	sdelay $0x4  }
0xcc: {  	[tilespmem:v48+s0+$0x0] =	vst.idx.msk $0xffff, v24  }
0xcd: {  	v24 =	vld [tilespmem:s2+$0x450];
	_ =	sdelay $0x4  }
0xce: {  	v49 =	vadd.s32 v17, v24  }
0xcf: {  	v25 =	vadd.s32 v10, v49;
	_ =	sdelay $0x4  }
0xd0: {  	v50 =	vor.u32 v11, v19;
	v51 =	vadd.s32 v16, v24;
	v25 =	vld.idx.msk [tilespmem:v25+s15+$0x0], $0xffff  }
0xd1: {  	v27 =	vadd.s32 v10, v51;
	_ =	sdelay $0x3  }
0xd2: {  	[tilespmem:v50+s0+$0x0] =	vst.idx.msk $0xffff, v25  }
0xd3: {  	v52 =	vor.u32 v11, v21;
	v53 =	vadd.s32 v18, v24;
	v25 =	vld.idx.msk [tilespmem:v27+s15+$0x0], $0xffff  }
0xd4: {  	v27 =	vadd.s32 v10, v53;
	_ =	sdelay $0x3  }
0xd5: {  	[tilespmem:v52+s0+$0x0] =	vst.idx.msk $0xffff, v25  }
0xd6: {  	v54 =	vor.u32 v11, v22;
	v24 =	vadd.s32 v20, v24;
	v25 =	vld.idx.msk [tilespmem:v27+s15+$0x0], $0xffff  }
0xd7: {  	v24 =	vadd.s32 v10, v24;
	_ =	sdelay $0x3  }
0xd8: {  	[tilespmem:v54+s0+$0x0] =	vst.idx.msk $0xffff, v25  }
0xd9: {  	v55 =	vor.u32 v11, v23;
	v24 =	vld.idx.msk [tilespmem:v24+s15+$0x0], $0xffff;
	_ =	sdelay $0x4  }
0xda: {  	[tilespmem:v55+s0+$0x0] =	vst.idx.msk $0xffff, v24  }
0xdb: {  	v24 =	vld [tilespmem:s2+$0x460];
	_ =	sdelay $0x4  }
0xdc: {  	v56 =	vadd.s32 v17, v24  }
0xdd: {  	v25 =	vadd.s32 v12, v56;
	_ =	sdelay $0x4  }
0xde: {  	v57 =	vor.u32 v13, v19;
	v58 =	vadd.s32 v16, v24;
	v25 =	vld.idx.msk [tilespmem:v25+s15+$0x0], $0xffff  }
0xdf: {  	v27 =	vadd.s32 v12, v58;
	_ =	sdelay $0x3  }
0xe0: {  	[tilespmem:v57+s0+$0x0] =	vst.idx.msk $0xffff, v25  }
0xe1: {  	v59 =	vor.u32 v13, v21;
	v60 =	vadd.s32 v18, v24;
	v25 =	vld.idx.msk [tilespmem:v27+s15+$0x0], $0xffff  }
0xe2: {  	v27 =	vadd.s32 v12, v60;
	_ =	sdelay $0x3  }
0xe3: {  	[tilespmem:v59+s0+$0x0] =	vst.idx.msk $0xffff, v25  }
0xe4: {  	v61 =	vor.u32 v13, v22;
	v24 =	vadd.s32 v20, v24;
	v25 =	vld.idx.msk [tilespmem:v27+s15+$0x0], $0xffff  }
0xe5: {  	v24 =	vadd.s32 v12, v24;
	_ =	sdelay $0x3  }
0xe6: {  	[tilespmem:v61+s0+$0x0] =	vst.idx.msk $0xffff, v25  }
0xe7: {  	v62 =	vor.u32 v13, v23;
	v24 =	vld.idx.msk [tilespmem:v24+s15+$0x0], $0xffff;
	_ =	sdelay $0x4  }
0xe8: {  	[tilespmem:v62+s0+$0x0] =	vst.idx.msk $0xffff, v24  }
0xe9: {  	v24 =	vld [tilespmem:s2+$0x470];
	_ =	sdelay $0x4  }
0xea: {  	v17 =	vadd.s32 v17, v24  }
0xeb: {  	v17 =	vadd.s32 v14, v17;
	_ =	sdelay $0x4  }
0xec: {  	v19 =	vor.u32 v15, v19;
	v16 =	vadd.s32 v16, v24;
	v17 =	vld.idx.msk [tilespmem:v17+s15+$0x0], $0xffff  }
0xed: {  	v16 =	vadd.s32 v14, v16;
	_ =	sdelay $0x3  }
0xee: {  	[tilespmem:v19+s0+$0x0] =	vst.idx.msk $0xffff, v17  }
0xef: {  	v18 =	vadd.s32 v18, v24;
	v17 =	vor.u32 v15, v21;
	v16 =	vld.idx.msk [tilespmem:v16+s15+$0x0], $0xffff  }
0xf0: {  	v18 =	vadd.s32 v14, v18;
	_ =	sdelay $0x3  }
0xf1: {  	[tilespmem:v17+s0+$0x0] =	vst.idx.msk $0xffff, v16  }
0xf2: {  	v63 =	vadd.s32 v20, v24;
	v17 =	vor.u32 v15, v22;
	v16 =	vld.idx.msk [tilespmem:v18+s15+$0x0], $0xffff  }
0xf3: {  	v18 =	vadd.s32 v14, v63;
	_ =	sdelay $0x3  }
0xf4: {  	[tilespmem:v17+s0+$0x0] =	vst.idx.msk $0xffff, v16  }
0xf5: {  	p0 =	sne.s32 s16, $0xF;
	v17 =	vor.u32 v15, v23;
	v16 =	vld.idx.msk [tilespmem:v18+s15+$0x0], $0xffff  }
.Ltmp0:
0xf6: {  	_ = 	snop;
	(pc) =	sbr.rel @p0 .LBB2_3-.Ltmp0, $2  }
0xf7: {  	_ =	sdelay $0x2  }
0xf8: {  	s16 =	sadd.s32 $0x1, s16;
	[tilespmem:v17+s0+$0x0] =	vst.idx.msk $0xffff, v16  }
0xf9: {  	s2 =	smulhi.u32 $0x51EB851F, s30;
	_ =	sdelay $0x1  }
0xfa: {  	s2 =	sshrl.u32 s2, $0x4  }
0xfb: {  	s13 =	smul.u32 $0xFFFFFFCE, s2;
	_ =	sdelay $0x1  }
0xfc: {  	s13 =	sadd.s32 s30, s13;
	s30 =	sadd.s32 $0x1, s30  }
0xfd: {  	s2 =	sadd.s32 s6, s2;
	p0 =	sne.s32 s30, $0xC8  }
.Ltmp1:
0xfe: {  	s2 =	sshll.u32 s2, $0xA;
	s13 =	sshll.u32 s13, $0x14;
	(pc) =	sbr.rel @p0 .LBB2_2-.Ltmp1, $4  }
0xff: {  	s2 =	sadd.s32 s2, s13  }
0x100: {  	s2 =	sshrl.u32 s2, $0x3  }
0x101: {  	s2 =	sadd.s32 s1, s2  }
0x102: {  	[hbm4b:s2+s24] =	stream.strided.scatter [tilespmem:s0], [sflag:s31], $0x2000, s25, s24, $0x38;
	[tilespmem:$0x14600] =	vst v63  }
0x103: {  	s29 =	sadd.s32 $0x1, s29  }
0x104: {  	_ =	swait.ge [sflag:s26], $0x2000;
	p0 =	sne.s32 s29, s11  }
.Ltmp2:
0x105: {  	[sflag:s26] =	ssyncset.done $0x0;
	(pc) =	sbr.rel @p0 .LBB2_1-.Ltmp2, $4  }
0x106: {  	[sflag:s26] =	ssyncadd.s32 $0xFFFFE000  }
0x107: {  	_ =	swait.ge [sflag:s28], $0x2000  }
0x108: {  	[sflag:s28] =	ssyncset.done $0x0  }
0x109: {  	[sflag:s28] =	ssyncadd.s32 $0xFFFFE000  }
0x10a: {  	_ =	sfence.sel $0x180000  }
0x10b: {  	[bflag:$0x0] =	sbarrier.arrive $0xFFFF  }
0x10c: {  	_ =	strace $0x9000004A  }
0x10d: {  	s0 =	stileid.u32;
	[bflag:$0x2] =	sbarrier.arrive $0xFFFF  }
0x10e: {  	p0 =	sne.s32 s0, $0x0;
	s0 =	rddreg [dreg:$0x2]  }
0x10f: {  	s0 =	sadd.s32 @!p0 $0x100000, s0  }
0x110: {  	[sflag:s0] =	ssyncadd.tile.s32 @!p0 $0x1;
	_ =	shalt  }
.Lfunc_end2:
_tile_overlayer_lowered:
.L_overlay_start_2:
0x111: {  	(tag) =	ssettag $0x2  }
0x112: {  	s0 =	rddreg [dreg:$0x0];
	s2 =	stileid.u32  }
0x113: {  	s1 =	rddreg [dreg:$0x1];
	p0 =	sne.s32 s2, $0x0  }
0x114: {  	s3 =	rddreg [dreg:$0x2];
	[bflag:$0x3] =	sbarrier.arrive $0xFFFF;
	s2 =	simm.s32 @!p0 $0x1C0B  }
0x115: {  	[timem:s3], [sflag:s2] =	dma.local @!p0 [hbm:s0], s1  }
0x116: {  	s0 =	simm.s32 @!p0 $0xB  }
0x117: {  	_ =	swait.ge @!p0 [sflag:s0], s1  }
0x118: {  	s1 =	ssub.s32 @!p0 $0x0, s1;
	[sflag:s0] =	ssyncset.done @!p0 $0x0  }
0x119: {  	[sflag:s0] =	ssyncadd.s32 @!p0 s1  }
0x11a: {  	[bflag:$0x3] =	sbarrier.arrive $0xFFFF  }
0x11b: {  	_ =	shalt  }

</sc_bundles>
